<compile_context>
chip_gen: v7x
topology: tpu7x:2x2x1
jax: 0.10.2.dev20260603
libtpu: 0.0.44.dev20260713+nightly
codegen_flags: <defaults>
</compile_context>

<pallas_src>
import dataclasses
import functools

import jax
import jax.numpy as jnp
import numpy as np
from jax import lax
from jax.experimental import pallas as pl
from jax.experimental.pallas import tpu as pltpu
from jax.experimental.pallas import tpu_sc as plsc

N_NODES = 10000
N_EDGES = 320000
D_FEAT = 128
HID = 128
N_CLASSES = 16

NC = 2
NS = 16
NW = NC * NS
LANES = 16
CH = 128
K_CHUNKS = -(-(-(-N_EDGES // (NW * CH))) // 4) * 4
KH = K_CHUNKS // 2
E_PER_TILE = K_CHUNKS * CH
E_PAD = NW * E_PER_TILE
ROWS_MAIN = (N_NODES // NS) // 8 * 8
ROWS_TAIL = N_NODES - ROWS_MAIN * NS

_PERM = np.arange(HID).reshape(HID // 32, 2, 16).transpose(0, 2, 1).reshape(-1)


def _seg_sum_sc(y, src, dst, w, d, g):
    bf16_in = y.dtype == jnp.bfloat16
    kb = K_CHUNKS // g
    kh = kb // 2
    rows = g * CH
    src = src.reshape(NW, kb, rows)
    dst = dst.reshape(NW, kb, g, CH)
    w = w.reshape(NW, kb, rows)
    mesh = plsc.VectorSubcoreMesh(core_axis_name="c", subcore_axis_name="s")
    cp = pltpu.CompilerParams()
    if "needs_layout_passes" in pltpu.CompilerParams.__dataclass_fields__:
        cp = dataclasses.replace(cp, needs_layout_passes=False)
    cp = dataclasses.replace(cp, use_tc_tiling_on_sc=False)

    scratch = [
        pltpu.VMEM((kh, rows), jnp.int32),
        pltpu.VMEM((kh, g, CH), jnp.int32),
        pltpu.VMEM((kh, rows), jnp.float32),
        pltpu.VMEM((rows, d), y.dtype),
        pltpu.VMEM((rows, d), y.dtype),
        pltpu.VMEM((rows, d), jnp.float32),
        pltpu.VMEM_SHARED((N_NODES, d), jnp.float32),
        pltpu.SemaphoreType.DMA,
        pltpu.SemaphoreType.DMA,
    ]

    @functools.partial(
        pl.kernel,
        mesh=mesh,
        compiler_params=cp,
        out_type=jax.ShapeDtypeStruct((NC, N_NODES, d), jnp.float32),
        scratch_types=scratch,
    )
    def seg_kernel(y_hbm, src_hbm, dst_hbm, w_hbm, out_hbm,
                   src_v, dst_v, w_v, rows0_v, rows1_v,
                   rowsf_v, acc_sh, gs0, gs1):
        c = lax.axis_index("c")
        s = lax.axis_index("s")
        wid = c * NS + s
        base = s * ROWS_MAIN

        def stage_half(h0):
            pltpu.sync_copy(src_hbm.at[wid, pl.ds(h0, kh)], src_v)
            pltpu.sync_copy(dst_hbm.at[wid, pl.ds(h0, kh)], dst_v)
            pltpu.sync_copy(w_hbm.at[wid, pl.ds(h0, kh)], w_v)

        stage_half(0)
        pltpu.async_copy(y_hbm.at[src_v.at[0]], rows0_v, gs0)
        pltpu.async_copy(y_hbm.at[src_v.at[1]], rows1_v, gs1)

        @pl.loop(0, rows)
        def _(r):
            for j in range(d // LANES):
                rowsf_v[r, pl.ds(j * LANES, LANES)] = jnp.zeros(
                    (LANES,), jnp.float32)

        for off in range(0, ROWS_MAIN, rows):
            n = min(rows, ROWS_MAIN - off)
            pltpu.sync_copy(rowsf_v.at[pl.ds(0, n)],
                            acc_sh.at[pl.ds(base + off, n)])

        @pl.when(s == NS - 1)
        def _():
            pltpu.sync_copy(rowsf_v.at[pl.ds(0, ROWS_TAIL)],
                            acc_sh.at[pl.ds(NS * ROWS_MAIN, ROWS_TAIL)])

        plsc.subcore_barrier()

        def scale_rows(buf, k):
            @plsc.parallel_loop(0, rows, unroll=4)
            def _(e):
                wspl = plsc.load_gather(
                    w_v,
                    [jnp.full((LANES,), k, jnp.int32),
                     jnp.full((LANES,), e, jnp.int32)])
                if bf16_in:
                    for j in range(d // 32):
                        lo, hi = plsc.unpack(
                            buf[e, pl.ds(j * 32, 32)],
                            format=plsc.PackFormat.INTERLEAVED)
                        rowsf_v[e, pl.ds(j * 32, LANES)] = lo * wspl
                        rowsf_v[e, pl.ds(j * 32 + LANES, LANES)] = hi * wspl
                else:
                    for j in range(d // LANES):
                        sl = pl.ds(j * LANES, LANES)
                        buf[e, sl] = buf[e, sl] * wspl

        for h in range(2):
            if h:
                stage_half(h * kh)
                pltpu.async_copy(y_hbm.at[src_v.at[0]], rows0_v, gs0)
                pltpu.async_copy(y_hbm.at[src_v.at[1]], rows1_v, gs1)

            @pl.loop(0, kh, step=2)
            def _(k):
                for b, (buf, gs) in enumerate(((rows0_v, gs0),
                                               (rows1_v, gs1))):
                    kk = k + b
                    pltpu.make_async_copy(
                        y_hbm.at[src_v.at[kk]], buf, gs).wait()
                    scale_rows(buf, kk)
                    sbuf = rowsf_v if bf16_in else buf
                    for j in range(g):
                        pltpu.sync_copy(sbuf.at[pl.ds(j * CH, CH)],
                                        acc_sh.at[dst_v.at[kk, j]],
                                        add=True)

                    @pl.when(kk + 2 < kh)
                    def _():
                        pltpu.async_copy(y_hbm.at[src_v.at[kk + 2]], buf, gs)

        plsc.subcore_barrier()

        pltpu.sync_copy(
            acc_sh.at[pl.ds(base, ROWS_MAIN)],
            out_hbm.at[c, pl.ds(base, ROWS_MAIN)])

        @pl.when(s == NS - 1)
        def _():
            pltpu.sync_copy(
                acc_sh.at[pl.ds(NS * ROWS_MAIN, ROWS_TAIL)],
                out_hbm.at[c, pl.ds(NS * ROWS_MAIN, ROWS_TAIL)])

    return seg_kernel(y, src, dst, w)


def _dot(a, b):
    return lax.dot_general(a, b, (((1,), (0,)), ((), ())),
                           precision=lax.Precision.HIGHEST,
                           preferred_element_type=jnp.float32)


_BR = 2000


def _proj1(x, w_rel, w_root):
    def body(x_ref, wa_ref, wb_ref, y_ref, r_ref):
        xv = x_ref[...]
        y_ref[...] = _dot(xv, wa_ref[...]).astype(jnp.bfloat16)
        r_ref[...] = _dot(xv, wb_ref[...])

    return pl.pallas_call(
        body,
        grid=(N_NODES // _BR,),
        in_specs=[
            pl.BlockSpec((_BR, D_FEAT), lambda i: (i, 0)),
            pl.BlockSpec((D_FEAT, HID), lambda i: (0, 0)),
            pl.BlockSpec((D_FEAT, HID), lambda i: (0, 0)),
        ],
        out_specs=[
            pl.BlockSpec((_BR, HID), lambda i: (i, 0)),
            pl.BlockSpec((_BR, HID), lambda i: (i, 0)),
        ],
        out_shape=[
            jax.ShapeDtypeStruct((N_NODES, HID), jnp.bfloat16),
            jax.ShapeDtypeStruct((N_NODES, HID), jnp.float32),
        ],
    )(x, w_rel, w_root)


def _layer2_proj(agg_p, r1, b1, w2_rel, w2_root, b2):
    def body(agg_ref, r1_ref, b1_ref, wa_ref, wb_ref, b2_ref, y2_ref, r2_ref):
        h = agg_ref[0] + agg_ref[1] + r1_ref[...] + b1_ref[...]
        h = jnp.maximum(h, 0.0)
        y2_ref[...] = _dot(h, wa_ref[...])
        r2_ref[...] = _dot(h, wb_ref[...]) + b2_ref[...]

    return pl.pallas_call(
        body,
        grid=(N_NODES // _BR,),
        in_specs=[
            pl.BlockSpec((NC, _BR, HID), lambda i: (0, i, 0)),
            pl.BlockSpec((_BR, HID), lambda i: (i, 0)),
            pl.BlockSpec((1, HID), lambda i: (0, 0)),
            pl.BlockSpec((HID, N_CLASSES), lambda i: (0, 0)),
            pl.BlockSpec((HID, N_CLASSES), lambda i: (0, 0)),
            pl.BlockSpec((1, N_CLASSES), lambda i: (0, 0)),
        ],
        out_specs=[
            pl.BlockSpec((_BR, N_CLASSES), lambda i: (i, 0)),
            pl.BlockSpec((_BR, N_CLASSES), lambda i: (i, 0)),
        ],
        out_shape=[
            jax.ShapeDtypeStruct((N_NODES, N_CLASSES), jnp.float32),
            jax.ShapeDtypeStruct((N_NODES, N_CLASSES), jnp.float32),
        ],
    )(agg_p, r1, b1, w2_rel, w2_root, b2)


def _final_sum(agg_p, r2b2):
    def body(agg_ref, r_ref, o_ref):
        o_ref[...] = agg_ref[0] + agg_ref[1] + r_ref[...]

    return pl.pallas_call(
        body,
        grid=(N_NODES // _BR,),
        in_specs=[
            pl.BlockSpec((NC, _BR, N_CLASSES), lambda i: (0, i, 0)),
            pl.BlockSpec((_BR, N_CLASSES), lambda i: (i, 0)),
        ],
        out_specs=pl.BlockSpec((_BR, N_CLASSES), lambda i: (i, 0)),
        out_shape=jax.ShapeDtypeStruct((N_NODES, N_CLASSES), jnp.float32),
    )(agg_p, r2b2)


def kernel(x, edge_index, edge_attr, W1_rel, b1_rel, W1_root,
           W2_rel, b2_rel, W2_root):
    src = edge_index[0].astype(jnp.int32)
    dst = edge_index[1].astype(jnp.int32)
    pad = E_PAD - N_EDGES
    src = jnp.pad(src, (0, pad)).reshape(NW, K_CHUNKS, CH)
    dst = jnp.pad(dst, (0, pad)).reshape(NW, K_CHUNKS, CH)
    w = jnp.pad(edge_attr, (0, pad)).reshape(NW, K_CHUNKS, CH)

    y1, r1 = _proj1(x, W1_rel[:, _PERM], W1_root)
    agg1 = _seg_sum_sc(y1, src, dst, w, HID, 1)
    y2, r2b2 = _layer2_proj(agg1, r1, b1_rel.reshape(1, HID),
                            W2_rel, W2_root, b2_rel.reshape(1, N_CLASSES))
    agg2 = _seg_sum_sc(y2, src, dst, w, N_CLASSES, 4)
    return _final_sum(agg2, r2b2)

# --- scband reference (transcript-rebuilt; emitter-appended) ---
"""Pipeline reference for scband-net-47991964565824 (READ-ONLY COPY).

The authoritative reference and input builder live on the scoring server;
editing this copy changes nothing except your own understanding.
"""

import jax, jax.numpy as jnp
import numpy as np

N_NODES = 10000
N_EDGES = 320000
D_FEAT = 128
HID = 128
N_CLASSES = 16


def setup_inputs(seed: int = 0) -> dict:
    key = jax.random.key(seed)
    ks = jax.random.split(key, 10)
    x = jax.random.normal(ks[0], (N_NODES, D_FEAT), dtype=jnp.float32)
    edge_index = jax.random.randint(ks[1], (2, N_EDGES), 0, N_NODES, dtype=jnp.int64)
    edge_attr = jax.random.uniform(ks[2], (N_EDGES,), dtype=jnp.float32)
    # GraphConv layer 1 params (lin_rel has bias, lin_root bias-free, per PyG GraphConv)
    s1 = 1.0 / np.sqrt(D_FEAT)
    W1_rel = jax.random.uniform(ks[3], (D_FEAT, HID), dtype=jnp.float32, minval=-s1, maxval=s1)
    b1_rel = jax.random.uniform(ks[4], (HID,), dtype=jnp.float32, minval=-s1, maxval=s1)
    W1_root = jax.random.uniform(ks[5], (D_FEAT, HID), dtype=jnp.float32, minval=-s1, maxval=s1)
    # GraphConv layer 2 params
    s2 = 1.0 / np.sqrt(HID)
    W2_rel = jax.random.uniform(ks[6], (HID, N_CLASSES), dtype=jnp.float32, minval=-s2, maxval=s2)
    b2_rel = jax.random.uniform(ks[7], (N_CLASSES,), dtype=jnp.float32, minval=-s2, maxval=s2)
    W2_root = jax.random.uniform(ks[8], (HID, N_CLASSES), dtype=jnp.float32, minval=-s2, maxval=s2)
    return {
        "x": x,
        "edge_index": edge_index,
        "edge_attr": edge_attr,
        "W1_rel": W1_rel,
        "b1_rel": b1_rel,
        "W1_root": W1_root,
        "W2_rel": W2_rel,
        "b2_rel": b2_rel,
        "W2_root": W2_root,
    }


def _graph_conv(x, edge_index, edge_weight, W_rel, b_rel, W_root):
    # PyG GraphConv with aggr='add':
    #   out = lin_rel( sum_{j in N(i)} edge_weight_ji * x_j ) + lin_root(x_i)
    src = edge_index[0]
    dst = edge_index[1]
    msg = edge_weight[:, None] * jnp.take(x, src, axis=0)   # gather
    agg = jax.ops.segment_sum(msg, dst, num_segments=x.shape[0])  # scatter-add
    return agg @ W_rel + b_rel + x @ W_root


def reference(x, edge_index, edge_attr, W1_rel, b1_rel, W1_root, W2_rel, b2_rel, W2_root):
    h = _graph_conv(x, edge_index, edge_attr, W1_rel, b1_rel, W1_root)
    h = jax.nn.relu(h)
    out = _graph_conv(h, edge_index, edge_attr, W2_rel, b2_rel, W2_root)
    return out

if __name__ == "__main__":
    import jax
    _d = setup_inputs()
    print(jax.jit(kernel)(*tuple(_d.values())))

</pallas_src>

<mosaic_0001>
#map = affine_map<(d0, d1) -> (0, 0)>
#map1 = affine_map<(d0, d1) -> (0, 0, 0)>
#map2 = affine_map<(d0, d1) -> (0, 0, 0, 0)>
module attributes {stable_mosaic.version = 14 : i64} {
  func.func @seg_kernel(%arg0: i32, %arg1: i32, %arg2: memref<10000x128xbf16, #tpu.memory_space<hbm>>, %arg3: memref<32x80x128xi32, #tpu.memory_space<hbm>>, %arg4: memref<32x80x1x128xi32, #tpu.memory_space<hbm>>, %arg5: memref<32x80x128xf32, #tpu.memory_space<hbm>>, %arg6: memref<2x10000x128xf32, #tpu.memory_space<hbm>>, %arg7: memref<40x128xi32, #tpu.memory_space<vmem>>, %arg8: memref<40x1x128xi32, #tpu.memory_space<vmem>>, %arg9: memref<40x128xf32, #tpu.memory_space<vmem>>, %arg10: memref<128x128xbf16, #tpu.memory_space<vmem>>, %arg11: memref<128x128xbf16, #tpu.memory_space<vmem>>, %arg12: memref<128x128xf32, #tpu.memory_space<vmem>>, %arg13: memref<10000x128xf32, #tpu.memory_space<vmem_shared>>, %arg14: memref<!tpu.dma_semaphore, #tpu.memory_space<semaphore_mem>>, %arg15: memref<!tpu.dma_semaphore, #tpu.memory_space<semaphore_mem>>) attributes {dimension_semantics = [#tpu.dimension_semantics<core_parallel>, #tpu.dimension_semantics<subcore_parallel>], iteration_bounds = array<i64: 2, 16>, scalar_prefetch = 0 : i64, scratch_operands = 9 : i64, tpu.core_type = #tpu.core_type<sc_vector_subcore>, window_params = [{transform_indices = #map}, {transform_indices = #map1}, {transform_indices = #map2}, {transform_indices = #map1}, {transform_indices = #map1}]} {
    %mul3A = arith.constant 16 : i32
    %mul3A_0 = arith.muli %arg0, %mul3A : i32
    %add3A = arith.addi %mul3A_0, %arg1 : i32
    %mul3A_1 = arith.constant 624 : i32
    %mul3A_2 = arith.muli %arg1, %mul3A_1 : i32
    "tpu.region"() ({
      %run_scoped3A = tpu.sem_alloc : memref<!tpu.dma_semaphore, #tpu.memory_space<semaphore_mem>>
      %dma_start3A_62 = arith.constant 0 : i32
      %dma_start3A_63 = arith.constant 0 : i32
      %dma_start3A_64 = tpu.memref_slice %arg3[%add3A, %dma_start3A_62, %dma_start3A_63] : memref<32x80x128xi32, #tpu.memory_space<hbm>> -> memref<1x40x128xi32, #tpu.memory_space<hbm>>
      %dma_start3A_65 = tpu.memref_squeeze %dma_start3A_64 : memref<1x40x128xi32, #tpu.memory_space<hbm>> -> memref<40x128xi32, #tpu.memory_space<hbm>>
      %dma_start3A_66 = arith.constant 0 : i32
      %dma_start3A_67 = arith.constant 0 : i32
      %dma_start3A_68 = tpu.memref_slice %arg3[%add3A, %dma_start3A_66, %dma_start3A_67] : memref<32x80x128xi32, #tpu.memory_space<hbm>> -> memref<1x40x128xi32, #tpu.memory_space<hbm>>
      %dma_start3A_69 = tpu.memref_squeeze %dma_start3A_68 : memref<1x40x128xi32, #tpu.memory_space<hbm>> -> memref<40x128xi32, #tpu.memory_space<hbm>>
      tpu.enqueue_dma source(%dma_start3A_69 : memref<40x128xi32, #tpu.memory_space<hbm>>) target(%arg7 : memref<40x128xi32, #tpu.memory_space<vmem>>) target_semaphore(%run_scoped3A : memref<!tpu.dma_semaphore, #tpu.memory_space<semaphore_mem>>)
      %dma_wait3A = arith.constant 0 : i32
      %dma_wait3A_70 = arith.constant 0 : i32
      %dma_wait3A_71 = tpu.memref_slice %arg3[%add3A, %dma_wait3A, %dma_wait3A_70] : memref<32x80x128xi32, #tpu.memory_space<hbm>> -> memref<1x40x128xi32, #tpu.memory_space<hbm>>
      %dma_wait3A_72 = tpu.memref_squeeze %dma_wait3A_71 : memref<1x40x128xi32, #tpu.memory_space<hbm>> -> memref<40x128xi32, #tpu.memory_space<hbm>>
      %dma_wait3A_73 = arith.constant 0 : i32
      %dma_wait3A_74 = arith.constant 0 : i32
      %dma_wait3A_75 = tpu.memref_slice %arg3[%add3A, %dma_wait3A_73, %dma_wait3A_74] : memref<32x80x128xi32, #tpu.memory_space<hbm>> -> memref<1x40x128xi32, #tpu.memory_space<hbm>>
      %dma_wait3A_76 = tpu.memref_squeeze %dma_wait3A_75 : memref<1x40x128xi32, #tpu.memory_space<hbm>> -> memref<40x128xi32, #tpu.memory_space<hbm>>
      tpu.wait_dma2 semaphore(%run_scoped3A : memref<!tpu.dma_semaphore, #tpu.memory_space<semaphore_mem>>) src(%dma_wait3A_76 : memref<40x128xi32, #tpu.memory_space<hbm>>) dst(%arg7 : memref<40x128xi32, #tpu.memory_space<vmem>>)
      tpu.yield
    }) : () -> ()
    "tpu.region"() ({
      %run_scoped3A = tpu.sem_alloc : memref<!tpu.dma_semaphore, #tpu.memory_space<semaphore_mem>>
      %dma_start3A_62 = arith.constant 0 : i32
      %dma_start3A_63 = arith.constant 0 : i32
      %dma_start3A_64 = arith.constant 0 : i32
      %dma_start3A_65 = tpu.memref_slice %arg4[%add3A, %dma_start3A_62, %dma_start3A_63, %dma_start3A_64] : memref<32x80x1x128xi32, #tpu.memory_space<hbm>> -> memref<1x40x1x128xi32, #tpu.memory_space<hbm>>
      %dma_start3A_66 = tpu.memref_squeeze %dma_start3A_65 : memref<1x40x1x128xi32, #tpu.memory_space<hbm>> -> memref<40x1x128xi32, #tpu.memory_space<hbm>>
      %dma_start3A_67 = arith.constant 0 : i32
      %dma_start3A_68 = arith.constant 0 : i32
      %dma_start3A_69 = arith.constant 0 : i32
      %dma_start3A_70 = tpu.memref_slice %arg4[%add3A, %dma_start3A_67, %dma_start3A_68, %dma_start3A_69] : memref<32x80x1x128xi32, #tpu.memory_space<hbm>> -> memref<1x40x1x128xi32, #tpu.memory_space<hbm>>
      %dma_start3A_71 = tpu.memref_squeeze %dma_start3A_70 : memref<1x40x1x128xi32, #tpu.memory_space<hbm>> -> memref<40x1x128xi32, #tpu.memory_space<hbm>>
      tpu.enqueue_dma source(%dma_start3A_71 : memref<40x1x128xi32, #tpu.memory_space<hbm>>) target(%arg8 : memref<40x1x128xi32, #tpu.memory_space<vmem>>) target_semaphore(%run_scoped3A : memref<!tpu.dma_semaphore, #tpu.memory_space<semaphore_mem>>)
      %dma_wait3A = arith.constant 0 : i32
      %dma_wait3A_72 = arith.constant 0 : i32
      %dma_wait3A_73 = arith.constant 0 : i32
      %dma_wait3A_74 = tpu.memref_slice %arg4[%add3A, %dma_wait3A, %dma_wait3A_72, %dma_wait3A_73] : memref<32x80x1x128xi32, #tpu.memory_space<hbm>> -> memref<1x40x1x128xi32, #tpu.memory_space<hbm>>
      %dma_wait3A_75 = tpu.memref_squeeze %dma_wait3A_74 : memref<1x40x1x128xi32, #tpu.memory_space<hbm>> -> memref<40x1x128xi32, #tpu.memory_space<hbm>>
      %dma_wait3A_76 = arith.constant 0 : i32
      %dma_wait3A_77 = arith.constant 0 : i32
      %dma_wait3A_78 = arith.constant 0 : i32
      %dma_wait3A_79 = tpu.memref_slice %arg4[%add3A, %dma_wait3A_76, %dma_wait3A_77, %dma_wait3A_78] : memref<32x80x1x128xi32, #tpu.memory_space<hbm>> -> memref<1x40x1x128xi32, #tpu.memory_space<hbm>>
      %dma_wait3A_80 = tpu.memref_squeeze %dma_wait3A_79 : memref<1x40x1x128xi32, #tpu.memory_space<hbm>> -> memref<40x1x128xi32, #tpu.memory_space<hbm>>
      tpu.wait_dma2 semaphore(%run_scoped3A : memref<!tpu.dma_semaphore, #tpu.memory_space<semaphore_mem>>) src(%dma_wait3A_80 : memref<40x1x128xi32, #tpu.memory_space<hbm>>) dst(%arg8 : memref<40x1x128xi32, #tpu.memory_space<vmem>>)
      tpu.yield
    }) : () -> ()
    "tpu.region"() ({
      %run_scoped3A = tpu.sem_alloc : memref<!tpu.dma_semaphore, #tpu.memory_space<semaphore_mem>>
      %dma_start3A_62 = arith.constant 0 : i32
      %dma_start3A_63 = arith.constant 0 : i32
      %dma_start3A_64 = tpu.memref_slice %arg5[%add3A, %dma_start3A_62, %dma_start3A_63] : memref<32x80x128xf32, #tpu.memory_space<hbm>> -> memref<1x40x128xf32, #tpu.memory_space<hbm>>
      %dma_start3A_65 = tpu.memref_squeeze %dma_start3A_64 : memref<1x40x128xf32, #tpu.memory_space<hbm>> -> memref<40x128xf32, #tpu.memory_space<hbm>>
      %dma_start3A_66 = arith.constant 0 : i32
      %dma_start3A_67 = arith.constant 0 : i32
      %dma_start3A_68 = tpu.memref_slice %arg5[%add3A, %dma_start3A_66, %dma_start3A_67] : memref<32x80x128xf32, #tpu.memory_space<hbm>> -> memref<1x40x128xf32, #tpu.memory_space<hbm>>
      %dma_start3A_69 = tpu.memref_squeeze %dma_start3A_68 : memref<1x40x128xf32, #tpu.memory_space<hbm>> -> memref<40x128xf32, #tpu.memory_space<hbm>>
      tpu.enqueue_dma source(%dma_start3A_69 : memref<40x128xf32, #tpu.memory_space<hbm>>) target(%arg9 : memref<40x128xf32, #tpu.memory_space<vmem>>) target_semaphore(%run_scoped3A : memref<!tpu.dma_semaphore, #tpu.memory_space<semaphore_mem>>)
      %dma_wait3A = arith.constant 0 : i32
      %dma_wait3A_70 = arith.constant 0 : i32
      %dma_wait3A_71 = tpu.memref_slice %arg5[%add3A, %dma_wait3A, %dma_wait3A_70] : memref<32x80x128xf32, #tpu.memory_space<hbm>> -> memref<1x40x128xf32, #tpu.memory_space<hbm>>
      %dma_wait3A_72 = tpu.memref_squeeze %dma_wait3A_71 : memref<1x40x128xf32, #tpu.memory_space<hbm>> -> memref<40x128xf32, #tpu.memory_space<hbm>>
      %dma_wait3A_73 = arith.constant 0 : i32
      %dma_wait3A_74 = arith.constant 0 : i32
      %dma_wait3A_75 = tpu.memref_slice %arg5[%add3A, %dma_wait3A_73, %dma_wait3A_74] : memref<32x80x128xf32, #tpu.memory_space<hbm>> -> memref<1x40x128xf32, #tpu.memory_space<hbm>>
      %dma_wait3A_76 = tpu.memref_squeeze %dma_wait3A_75 : memref<1x40x128xf32, #tpu.memory_space<hbm>> -> memref<40x128xf32, #tpu.memory_space<hbm>>
      tpu.wait_dma2 semaphore(%run_scoped3A : memref<!tpu.dma_semaphore, #tpu.memory_space<semaphore_mem>>) src(%dma_wait3A_76 : memref<40x128xf32, #tpu.memory_space<hbm>>) dst(%arg9 : memref<40x128xf32, #tpu.memory_space<vmem>>)
      tpu.yield
    }) : () -> ()
    %dma_start3A = arith.constant 0 : i32
    %dma_start3A_3 = arith.constant 0 : i32
    %dma_start3A_4 = tpu.memref_slice %arg7[%dma_start3A, %dma_start3A_3] : memref<40x128xi32, #tpu.memory_space<vmem>> -> memref<1x128xi32, #tpu.memory_space<vmem>>
    %dma_start3A_5 = tpu.memref_squeeze %dma_start3A_4 : memref<1x128xi32, #tpu.memory_space<vmem>> -> memref<128xi32, #tpu.memory_space<vmem>>
    %dma_start3A_6 = arith.constant 0 : i32
    %dma_start3A_7 = arith.constant 0 : i32
    %dma_start3A_8 = tpu.memref_slice %arg2[%dma_start3A_6, %dma_start3A_7] : memref<10000x128xbf16, #tpu.memory_space<hbm>> -> memref<10000x128xbf16, #tpu.memory_space<hbm>>
    tpu.enqueue_indirect_dma source(%dma_start3A_8 : memref<10000x128xbf16, #tpu.memory_space<hbm>>) target(%arg10 : memref<128x128xbf16, #tpu.memory_space<vmem>>) offsets(%dma_start3A_5 : memref<128xi32, #tpu.memory_space<vmem>>) semaphore(%arg14 : memref<!tpu.dma_semaphore, #tpu.memory_space<semaphore_mem>>)
    %dma_start3A_9 = arith.constant 1 : i32
    %dma_start3A_10 = arith.constant 0 : i32
    %dma_start3A_11 = tpu.memref_slice %arg7[%dma_start3A_9, %dma_start3A_10] : memref<40x128xi32, #tpu.memory_space<vmem>> -> memref<1x128xi32, #tpu.memory_space<vmem>>
    %dma_start3A_12 = tpu.memref_squeeze %dma_start3A_11 : memref<1x128xi32, #tpu.memory_space<vmem>> -> memref<128xi32, #tpu.memory_space<vmem>>
    %dma_start3A_13 = arith.constant 0 : i32
    %dma_start3A_14 = arith.constant 0 : i32
    %dma_start3A_15 = tpu.memref_slice %arg2[%dma_start3A_13, %dma_start3A_14] : memref<10000x128xbf16, #tpu.memory_space<hbm>> -> memref<10000x128xbf16, #tpu.memory_space<hbm>>
    tpu.enqueue_indirect_dma source(%dma_start3A_15 : memref<10000x128xbf16, #tpu.memory_space<hbm>>) target(%arg11 : memref<128x128xbf16, #tpu.memory_space<vmem>>) offsets(%dma_start3A_12 : memref<128xi32, #tpu.memory_space<vmem>>) semaphore(%arg15 : memref<!tpu.dma_semaphore, #tpu.memory_space<semaphore_mem>>)
    %scan3A = arith.constant 0 : i32
    %scan3A_16 = arith.constant 128 : i32
    %scan3A_17 = arith.addi %scan3A, %scan3A_16 : i32
    %scan3A_18 = arith.constant 1 : i32
    scf.for %scan3A_62 = %scan3A to %scan3A_17 step %scan3A_18  : i32 {
      %mul3A_63 = arith.constant 1 : i32
      %mul3A_64 = arith.muli %scan3A_62, %mul3A_63 : i32
      %add3A_65 = arith.constant 0 : i32
      %add3A_66 = arith.addi %add3A_65, %mul3A_64 : i32
      %broadcast_in_dim3A = arith.constant 0.000000e+00 : f32
      %broadcast_in_dim3A_67 = vector.broadcast %broadcast_in_dim3A : f32 to vector<16xf32>
      %swap3A = arith.index_cast %add3A_66 : i32 to index
      %swap3A_68 = arith.constant 0 : index
      %swap3A_69 = tpu.vector_load %arg12[%swap3A, %swap3A_68] {strides = array<i32>} : memref<128x128xf32, #tpu.memory_space<vmem>>, vector<16xf32>,
      tpu.vector_store %arg12[%swap3A, %swap3A_68], %broadcast_in_dim3A_67 {strides = array<i32>} : memref<128x128xf32, #tpu.memory_space<vmem>>, vector<16xf32>,
      %broadcast_in_dim3A_70 = arith.constant 0.000000e+00 : f32
      %broadcast_in_dim3A_71 = vector.broadcast %broadcast_in_dim3A_70 : f32 to vector<16xf32>
      %swap3A_72 = arith.index_cast %add3A_66 : i32 to index
      %swap3A_73 = arith.constant 16 : index
      %swap3A_74 = tpu.vector_load %arg12[%swap3A_72, %swap3A_73] {strides = array<i32>} : memref<128x128xf32, #tpu.memory_space<vmem>>, vector<16xf32>,
      tpu.vector_store %arg12[%swap3A_72, %swap3A_73], %broadcast_in_dim3A_71 {strides = array<i32>} : memref<128x128xf32, #tpu.memory_space<vmem>>, vector<16xf32>,
      %broadcast_in_dim3A_75 = arith.constant 0.000000e+00 : f32
      %broadcast_in_dim3A_76 = vector.broadcast %broadcast_in_dim3A_75 : f32 to vector<16xf32>
      %swap3A_77 = arith.index_cast %add3A_66 : i32 to index
      %swap3A_78 = arith.constant 32 : index
      %swap3A_79 = tpu.vector_load %arg12[%swap3A_77, %swap3A_78] {strides = array<i32>} : memref<128x128xf32, #tpu.memory_space<vmem>>, vector<16xf32>,
      tpu.vector_store %arg12[%swap3A_77, %swap3A_78], %broadcast_in_dim3A_76 {strides = array<i32>} : memref<128x128xf32, #tpu.memory_space<vmem>>, vector<16xf32>,
      %broadcast_in_dim3A_80 = arith.constant 0.000000e+00 : f32
      %broadcast_in_dim3A_81 = vector.broadcast %broadcast_in_dim3A_80 : f32 to vector<16xf32>
      %swap3A_82 = arith.index_cast %add3A_66 : i32 to index
      %swap3A_83 = arith.constant 48 : index
      %swap3A_84 = tpu.vector_load %arg12[%swap3A_82, %swap3A_83] {strides = array<i32>} : memref<128x128xf32, #tpu.memory_space<vmem>>, vector<16xf32>,
      tpu.vector_store %arg12[%swap3A_82, %swap3A_83], %broadcast_in_dim3A_81 {strides = array<i32>} : memref<128x128xf32, #tpu.memory_space<vmem>>, vector<16xf32>,
      %broadcast_in_dim3A_85 = arith.constant 0.000000e+00 : f32
      %broadcast_in_dim3A_86 = vector.broadcast %broadcast_in_dim3A_85 : f32 to vector<16xf32>
      %swap3A_87 = arith.index_cast %add3A_66 : i32 to index
      %swap3A_88 = arith.constant 64 : index
      %swap3A_89 = tpu.vector_load %arg12[%swap3A_87, %swap3A_88] {strides = array<i32>} : memref<128x128xf32, #tpu.memory_space<vmem>>, vector<16xf32>,
      tpu.vector_store %arg12[%swap3A_87, %swap3A_88], %broadcast_in_dim3A_86 {strides = array<i32>} : memref<128x128xf32, #tpu.memory_space<vmem>>, vector<16xf32>,
      %broadcast_in_dim3A_90 = arith.constant 0.000000e+00 : f32
      %broadcast_in_dim3A_91 = vector.broadcast %broadcast_in_dim3A_90 : f32 to vector<16xf32>
      %swap3A_92 = arith.index_cast %add3A_66 : i32 to index
      %swap3A_93 = arith.constant 80 : index
      %swap3A_94 = tpu.vector_load %arg12[%swap3A_92, %swap3A_93] {strides = array<i32>} : memref<128x128xf32, #tpu.memory_space<vmem>>, vector<16xf32>,
      tpu.vector_store %arg12[%swap3A_92, %swap3A_93], %broadcast_in_dim3A_91 {strides = array<i32>} : memref<128x128xf32, #tpu.memory_space<vmem>>, vector<16xf32>,
      %broadcast_in_dim3A_95 = arith.constant 0.000000e+00 : f32
      %broadcast_in_dim3A_96 = vector.broadcast %broadcast_in_dim3A_95 : f32 to vector<16xf32>
      %swap3A_97 = arith.index_cast %add3A_66 : i32 to index
      %swap3A_98 = arith.constant 96 : index
      %swap3A_99 = tpu.vector_load %arg12[%swap3A_97, %swap3A_98] {strides = array<i32>} : memref<128x128xf32, #tpu.memory_space<vmem>>, vector<16xf32>,
      tpu.vector_store %arg12[%swap3A_97, %swap3A_98], %broadcast_in_dim3A_96 {strides = array<i32>} : memref<128x128xf32, #tpu.memory_space<vmem>>, vector<16xf32>,
      %broadcast_in_dim3A_100 = arith.constant 0.000000e+00 : f32
      %broadcast_in_dim3A_101 = vector.broadcast %broadcast_in_dim3A_100 : f32 to vector<16xf32>
      %swap3A_102 = arith.index_cast %add3A_66 : i32 to index
      %swap3A_103 = arith.constant 112 : index
      %swap3A_104 = tpu.vector_load %arg12[%swap3A_102, %swap3A_103] {strides = array<i32>} : memref<128x128xf32, #tpu.memory_space<vmem>>, vector<16xf32>,
      tpu.vector_store %arg12[%swap3A_102, %swap3A_103], %broadcast_in_dim3A_101 {strides = array<i32>} : memref<128x128xf32, #tpu.memory_space<vmem>>, vector<16xf32>,
    }
    %scan3A_19 = arith.constant 128 : i32
    %add3A_20 = arith.constant 0 : i32
    %add3A_21 = arith.addi %mul3A_2, %add3A_20 : i32
    "tpu.region"() ({
      %run_scoped3A = tpu.sem_alloc : memref<!tpu.dma_semaphore, #tpu.memory_space<semaphore_mem>>
      %dma_start3A_62 = arith.constant 0 : i32
      %dma_start3A_63 = arith.constant 0 : i32
      %dma_start3A_64 = tpu.memref_slice %arg12[%dma_start3A_62, %dma_start3A_63] : memref<128x128xf32, #tpu.memory_space<vmem>> -> memref<128x128xf32, #tpu.memory_space<vmem>>
      %dma_start3A_65 = arith.constant 0 : i32
      %dma_start3A_66 = tpu.memref_slice %arg13[%add3A_21, %dma_start3A_65] : memref<10000x128xf32, #tpu.memory_space<vmem_shared>> -> memref<128x128xf32, #tpu.memory_space<vmem_shared>>
      %dma_start3A_67 = arith.constant 0 : i32
      %dma_start3A_68 = tpu.memref_slice %arg13[%add3A_21, %dma_start3A_67] : memref<10000x128xf32, #tpu.memory_space<vmem_shared>> -> memref<128x128xf32, #tpu.memory_space<vmem_shared>>
      %dma_start3A_69 = arith.constant 0 : i32
      %dma_start3A_70 = arith.constant 0 : i32
      %dma_start3A_71 = tpu.memref_slice %arg12[%dma_start3A_69, %dma_start3A_70] : memref<128x128xf32, #tpu.memory_space<vmem>> -> memref<128x128xf32, #tpu.memory_space<vmem>>
      tpu.enqueue_dma source(%dma_start3A_71 : memref<128x128xf32, #tpu.memory_space<vmem>>) target(%dma_start3A_68 : memref<128x128xf32, #tpu.memory_space<vmem_shared>>) target_semaphore(%run_scoped3A : memref<!tpu.dma_semaphore, #tpu.memory_space<semaphore_mem>>)
      %dma_wait3A = arith.constant 0 : i32
      %dma_wait3A_72 = arith.constant 0 : i32
      %dma_wait3A_73 = tpu.memref_slice %arg12[%dma_wait3A, %dma_wait3A_72] : memref<128x128xf32, #tpu.memory_space<vmem>> -> memref<128x128xf32, #tpu.memory_space<vmem>>
      %dma_wait3A_74 = arith.constant 0 : i32
      %dma_wait3A_75 = tpu.memref_slice %arg13[%add3A_21, %dma_wait3A_74] : memref<10000x128xf32, #tpu.memory_space<vmem_shared>> -> memref<128x128xf32, #tpu.memory_space<vmem_shared>>
      %dma_wait3A_76 = arith.constant 0 : i32
      %dma_wait3A_77 = tpu.memref_slice %arg13[%add3A_21, %dma_wait3A_76] : memref<10000x128xf32, #tpu.memory_space<vmem_shared>> -> memref<128x128xf32, #tpu.memory_space<vmem_shared>>
      %dma_wait3A_78 = arith.constant 0 : i32
      %dma_wait3A_79 = arith.constant 0 : i32
      %dma_wait3A_80 = tpu.memref_slice %arg12[%dma_wait3A_78, %dma_wait3A_79] : memref<128x128xf32, #tpu.memory_space<vmem>> -> memref<128x128xf32, #tpu.memory_space<vmem>>
      tpu.wait_dma2 semaphore(%run_scoped3A : memref<!tpu.dma_semaphore, #tpu.memory_space<semaphore_mem>>) src(%dma_wait3A_80 : memref<128x128xf32, #tpu.memory_space<vmem>>) dst(%dma_wait3A_77 : memref<128x128xf32, #tpu.memory_space<vmem_shared>>)
      tpu.yield
    }) : () -> ()
    %add3A_22 = arith.constant 128 : i32
    %add3A_23 = arith.addi %mul3A_2, %add3A_22 : i32
    "tpu.region"() ({
      %run_scoped3A = tpu.sem_alloc : memref<!tpu.dma_semaphore, #tpu.memory_space<semaphore_mem>>
      %dma_start3A_62 = arith.constant 0 : i32
      %dma_start3A_63 = arith.constant 0 : i32
      %dma_start3A_64 = tpu.memref_slice %arg12[%dma_start3A_62, %dma_start3A_63] : memref<128x128xf32, #tpu.memory_space<vmem>> -> memref<128x128xf32, #tpu.memory_space<vmem>>
      %dma_start3A_65 = arith.constant 0 : i32
      %dma_start3A_66 = tpu.memref_slice %arg13[%add3A_23, %dma_start3A_65] : memref<10000x128xf32, #tpu.memory_space<vmem_shared>> -> memref<128x128xf32, #tpu.memory_space<vmem_shared>>
      %dma_start3A_67 = arith.constant 0 : i32
      %dma_start3A_68 = tpu.memref_slice %arg13[%add3A_23, %dma_start3A_67] : memref<10000x128xf32, #tpu.memory_space<vmem_shared>> -> memref<128x128xf32, #tpu.memory_space<vmem_shared>>
      %dma_start3A_69 = arith.constant 0 : i32
      %dma_start3A_70 = arith.constant 0 : i32
      %dma_start3A_71 = tpu.memref_slice %arg12[%dma_start3A_69, %dma_start3A_70] : memref<128x128xf32, #tpu.memory_space<vmem>> -> memref<128x128xf32, #tpu.memory_space<vmem>>
      tpu.enqueue_dma source(%dma_start3A_71 : memref<128x128xf32, #tpu.memory_space<vmem>>) target(%dma_start3A_68 : memref<128x128xf32, #tpu.memory_space<vmem_shared>>) target_semaphore(%run_scoped3A : memref<!tpu.dma_semaphore, #tpu.memory_space<semaphore_mem>>)
      %dma_wait3A = arith.constant 0 : i32
      %dma_wait3A_72 = arith.constant 0 : i32
      %dma_wait3A_73 = tpu.memref_slice %arg12[%dma_wait3A, %dma_wait3A_72] : memref<128x128xf32, #tpu.memory_space<vmem>> -> memref<128x128xf32, #tpu.memory_space<vmem>>
      %dma_wait3A_74 = arith.constant 0 : i32
      %dma_wait3A_75 = tpu.memref_slice %arg13[%add3A_23, %dma_wait3A_74] : memref<10000x128xf32, #tpu.memory_space<vmem_shared>> -> memref<128x128xf32, #tpu.memory_space<vmem_shared>>
      %dma_wait3A_76 = arith.constant 0 : i32
      %dma_wait3A_77 = tpu.memref_slice %arg13[%add3A_23, %dma_wait3A_76] : memref<10000x128xf32, #tpu.memory_space<vmem_shared>> -> memref<128x128xf32, #tpu.memory_space<vmem_shared>>
      %dma_wait3A_78 = arith.constant 0 : i32
      %dma_wait3A_79 = arith.constant 0 : i32
      %dma_wait3A_80 = tpu.memref_slice %arg12[%dma_wait3A_78, %dma_wait3A_79] : memref<128x128xf32, #tpu.memory_space<vmem>> -> memref<128x128xf32, #tpu.memory_space<vmem>>
      tpu.wait_dma2 semaphore(%run_scoped3A : memref<!tpu.dma_semaphore, #tpu.memory_space<semaphore_mem>>) src(%dma_wait3A_80 : memref<128x128xf32, #tpu.memory_space<vmem>>) dst(%dma_wait3A_77 : memref<128x128xf32, #tpu.memory_space<vmem_shared>>)
      tpu.yield
    }) : () -> ()
    %add3A_24 = arith.constant 256 : i32
    %add3A_25 = arith.addi %mul3A_2, %add3A_24 : i32
    "tpu.region"() ({
      %run_scoped3A = tpu.sem_alloc : memref<!tpu.dma_semaphore, #tpu.memory_space<semaphore_mem>>
      %dma_start3A_62 = arith.constant 0 : i32
      %dma_start3A_63 = arith.constant 0 : i32
      %dma_start3A_64 = tpu.memref_slice %arg12[%dma_start3A_62, %dma_start3A_63] : memref<128x128xf32, #tpu.memory_space<vmem>> -> memref<128x128xf32, #tpu.memory_space<vmem>>
      %dma_start3A_65 = arith.constant 0 : i32
      %dma_start3A_66 = tpu.memref_slice %arg13[%add3A_25, %dma_start3A_65] : memref<10000x128xf32, #tpu.memory_space<vmem_shared>> -> memref<128x128xf32, #tpu.memory_space<vmem_shared>>
      %dma_start3A_67 = arith.constant 0 : i32
      %dma_start3A_68 = tpu.memref_slice %arg13[%add3A_25, %dma_start3A_67] : memref<10000x128xf32, #tpu.memory_space<vmem_shared>> -> memref<128x128xf32, #tpu.memory_space<vmem_shared>>
      %dma_start3A_69 = arith.constant 0 : i32
      %dma_start3A_70 = arith.constant 0 : i32
      %dma_start3A_71 = tpu.memref_slice %arg12[%dma_start3A_69, %dma_start3A_70] : memref<128x128xf32, #tpu.memory_space<vmem>> -> memref<128x128xf32, #tpu.memory_space<vmem>>
      tpu.enqueue_dma source(%dma_start3A_71 : memref<128x128xf32, #tpu.memory_space<vmem>>) target(%dma_start3A_68 : memref<128x128xf32, #tpu.memory_space<vmem_shared>>) target_semaphore(%run_scoped3A : memref<!tpu.dma_semaphore, #tpu.memory_space<semaphore_mem>>)
      %dma_wait3A = arith.constant 0 : i32
      %dma_wait3A_72 = arith.constant 0 : i32
      %dma_wait3A_73 = tpu.memref_slice %arg12[%dma_wait3A, %dma_wait3A_72] : memref<128x128xf32, #tpu.memory_space<vmem>> -> memref<128x128xf32, #tpu.memory_space<vmem>>
      %dma_wait3A_74 = arith.constant 0 : i32
      %dma_wait3A_75 = tpu.memref_slice %arg13[%add3A_25, %dma_wait3A_74] : memref<10000x128xf32, #tpu.memory_space<vmem_shared>> -> memref<128x128xf32, #tpu.memory_space<vmem_shared>>
      %dma_wait3A_76 = arith.constant 0 : i32
      %dma_wait3A_77 = tpu.memref_slice %arg13[%add3A_25, %dma_wait3A_76] : memref<10000x128xf32, #tpu.memory_space<vmem_shared>> -> memref<128x128xf32, #tpu.memory_space<vmem_shared>>
      %dma_wait3A_78 = arith.constant 0 : i32
      %dma_wait3A_79 = arith.constant 0 : i32
      %dma_wait3A_80 = tpu.memref_slice %arg12[%dma_wait3A_78, %dma_wait3A_79] : memref<128x128xf32, #tpu.memory_space<vmem>> -> memref<128x128xf32, #tpu.memory_space<vmem>>
      tpu.wait_dma2 semaphore(%run_scoped3A : memref<!tpu.dma_semaphore, #tpu.memory_space<semaphore_mem>>) src(%dma_wait3A_80 : memref<128x128xf32, #tpu.memory_space<vmem>>) dst(%dma_wait3A_77 : memref<128x128xf32, #tpu.memory_space<vmem_shared>>)
      tpu.yield
    }) : () -> ()
    %add3A_26 = arith.constant 384 : i32
    %add3A_27 = arith.addi %mul3A_2, %add3A_26 : i32
    "tpu.region"() ({
      %run_scoped3A = tpu.sem_alloc : memref<!tpu.dma_semaphore, #tpu.memory_space<semaphore_mem>>
      %dma_start3A_62 = arith.constant 0 : i32
      %dma_start3A_63 = arith.constant 0 : i32
      %dma_start3A_64 = tpu.memref_slice %arg12[%dma_start3A_62, %dma_start3A_63] : memref<128x128xf32, #tpu.memory_space<vmem>> -> memref<128x128xf32, #tpu.memory_space<vmem>>
      %dma_start3A_65 = arith.constant 0 : i32
      %dma_start3A_66 = tpu.memref_slice %arg13[%add3A_27, %dma_start3A_65] : memref<10000x128xf32, #tpu.memory_space<vmem_shared>> -> memref<128x128xf32, #tpu.memory_space<vmem_shared>>
      %dma_start3A_67 = arith.constant 0 : i32
      %dma_start3A_68 = tpu.memref_slice %arg13[%add3A_27, %dma_start3A_67] : memref<10000x128xf32, #tpu.memory_space<vmem_shared>> -> memref<128x128xf32, #tpu.memory_space<vmem_shared>>
      %dma_start3A_69 = arith.constant 0 : i32
      %dma_start3A_70 = arith.constant 0 : i32
      %dma_start3A_71 = tpu.memref_slice %arg12[%dma_start3A_69, %dma_start3A_70] : memref<128x128xf32, #tpu.memory_space<vmem>> -> memref<128x128xf32, #tpu.memory_space<vmem>>
      tpu.enqueue_dma source(%dma_start3A_71 : memref<128x128xf32, #tpu.memory_space<vmem>>) target(%dma_start3A_68 : memref<128x128xf32, #tpu.memory_space<vmem_shared>>) target_semaphore(%run_scoped3A : memref<!tpu.dma_semaphore, #tpu.memory_space<semaphore_mem>>)
      %dma_wait3A = arith.constant 0 : i32
      %dma_wait3A_72 = arith.constant 0 : i32
      %dma_wait3A_73 = tpu.memref_slice %arg12[%dma_wait3A, %dma_wait3A_72] : memref<128x128xf32, #tpu.memory_space<vmem>> -> memref<128x128xf32, #tpu.memory_space<vmem>>
      %dma_wait3A_74 = arith.constant 0 : i32
      %dma_wait3A_75 = tpu.memref_slice %arg13[%add3A_27, %dma_wait3A_74] : memref<10000x128xf32, #tpu.memory_space<vmem_shared>> -> memref<128x128xf32, #tpu.memory_space<vmem_shared>>
      %dma_wait3A_76 = arith.constant 0 : i32
      %dma_wait3A_77 = tpu.memref_slice %arg13[%add3A_27, %dma_wait3A_76] : memref<10000x128xf32, #tpu.memory_space<vmem_shared>> -> memref<128x128xf32, #tpu.memory_space<vmem_shared>>
      %dma_wait3A_78 = arith.constant 0 : i32
      %dma_wait3A_79 = arith.constant 0 : i32
      %dma_wait3A_80 = tpu.memref_slice %arg12[%dma_wait3A_78, %dma_wait3A_79] : memref<128x128xf32, #tpu.memory_space<vmem>> -> memref<128x128xf32, #tpu.memory_space<vmem>>
      tpu.wait_dma2 semaphore(%run_scoped3A : memref<!tpu.dma_semaphore, #tpu.memory_space<semaphore_mem>>) src(%dma_wait3A_80 : memref<128x128xf32, #tpu.memory_space<vmem>>) dst(%dma_wait3A_77 : memref<128x128xf32, #tpu.memory_space<vmem_shared>>)
      tpu.yield
    }) : () -> ()
    %add3A_28 = arith.constant 512 : i32
    %add3A_29 = arith.addi %mul3A_2, %add3A_28 : i32
    "tpu.region"() ({
      %run_scoped3A = tpu.sem_alloc : memref<!tpu.dma_semaphore, #tpu.memory_space<semaphore_mem>>
      %dma_start3A_62 = arith.constant 0 : i32
      %dma_start3A_63 = arith.constant 0 : i32
      %dma_start3A_64 = tpu.memref_slice %arg12[%dma_start3A_62, %dma_start3A_63] : memref<128x128xf32, #tpu.memory_space<vmem>> -> memref<112x128xf32, #tpu.memory_space<vmem>>
      %dma_start3A_65 = arith.constant 0 : i32
      %dma_start3A_66 = tpu.memref_slice %arg13[%add3A_29, %dma_start3A_65] : memref<10000x128xf32, #tpu.memory_space<vmem_shared>> -> memref<112x128xf32, #tpu.memory_space<vmem_shared>>
      %dma_start3A_67 = arith.constant 0 : i32
      %dma_start3A_68 = tpu.memref_slice %arg13[%add3A_29, %dma_start3A_67] : memref<10000x128xf32, #tpu.memory_space<vmem_shared>> -> memref<112x128xf32, #tpu.memory_space<vmem_shared>>
      %dma_start3A_69 = arith.constant 0 : i32
      %dma_start3A_70 = arith.constant 0 : i32
      %dma_start3A_71 = tpu.memref_slice %arg12[%dma_start3A_69, %dma_start3A_70] : memref<128x128xf32, #tpu.memory_space<vmem>> -> memref<112x128xf32, #tpu.memory_space<vmem>>
      tpu.enqueue_dma source(%dma_start3A_71 : memref<112x128xf32, #tpu.memory_space<vmem>>) target(%dma_start3A_68 : memref<112x128xf32, #tpu.memory_space<vmem_shared>>) target_semaphore(%run_scoped3A : memref<!tpu.dma_semaphore, #tpu.memory_space<semaphore_mem>>)
      %dma_wait3A = arith.constant 0 : i32
      %dma_wait3A_72 = arith.constant 0 : i32
      %dma_wait3A_73 = tpu.memref_slice %arg12[%dma_wait3A, %dma_wait3A_72] : memref<128x128xf32, #tpu.memory_space<vmem>> -> memref<112x128xf32, #tpu.memory_space<vmem>>
      %dma_wait3A_74 = arith.constant 0 : i32
      %dma_wait3A_75 = tpu.memref_slice %arg13[%add3A_29, %dma_wait3A_74] : memref<10000x128xf32, #tpu.memory_space<vmem_shared>> -> memref<112x128xf32, #tpu.memory_space<vmem_shared>>
      %dma_wait3A_76 = arith.constant 0 : i32
      %dma_wait3A_77 = tpu.memref_slice %arg13[%add3A_29, %dma_wait3A_76] : memref<10000x128xf32, #tpu.memory_space<vmem_shared>> -> memref<112x128xf32, #tpu.memory_space<vmem_shared>>
      %dma_wait3A_78 = arith.constant 0 : i32
      %dma_wait3A_79 = arith.constant 0 : i32
      %dma_wait3A_80 = tpu.memref_slice %arg12[%dma_wait3A_78, %dma_wait3A_79] : memref<128x128xf32, #tpu.memory_space<vmem>> -> memref<112x128xf32, #tpu.memory_space<vmem>>
      tpu.wait_dma2 semaphore(%run_scoped3A : memref<!tpu.dma_semaphore, #tpu.memory_space<semaphore_mem>>) src(%dma_wait3A_80 : memref<112x128xf32, #tpu.memory_space<vmem>>) dst(%dma_wait3A_77 : memref<112x128xf32, #tpu.memory_space<vmem_shared>>)
      tpu.yield
    }) : () -> ()
    %eq3A = arith.constant 15 : i32
    %eq3A_30 = arith.cmpi eq, %arg1, %eq3A : i32
    %convert_element_type3A = arith.extui %eq3A_30 : i1 to i32
    %cond3A = arith.constant 0 : i32
    %cond3A_31 = arith.cmpi ne, %convert_element_type3A, %cond3A : i32
    scf.if %cond3A_31 {
      "tpu.region"() ({
        %run_scoped3A = tpu.sem_alloc : memref<!tpu.dma_semaphore, #tpu.memory_space<semaphore_mem>>
        %dma_start3A_62 = arith.constant 0 : i32
        %dma_start3A_63 = arith.constant 0 : i32
        %dma_start3A_64 = tpu.memref_slice %arg12[%dma_start3A_62, %dma_start3A_63] : memref<128x128xf32, #tpu.memory_space<vmem>> -> memref<16x128xf32, #tpu.memory_space<vmem>>
        %dma_start3A_65 = arith.constant 9984 : i32
        %dma_start3A_66 = arith.constant 0 : i32
        %dma_start3A_67 = tpu.memref_slice %arg13[%dma_start3A_65, %dma_start3A_66] : memref<10000x128xf32, #tpu.memory_space<vmem_shared>> -> memref<16x128xf32, #tpu.memory_space<vmem_shared>>
        %dma_start3A_68 = arith.constant 9984 : i32
        %dma_start3A_69 = arith.constant 0 : i32
        %dma_start3A_70 = tpu.memref_slice %arg13[%dma_start3A_68, %dma_start3A_69] : memref<10000x128xf32, #tpu.memory_space<vmem_shared>> -> memref<16x128xf32, #tpu.memory_space<vmem_shared>>
        %dma_start3A_71 = arith.constant 0 : i32
        %dma_start3A_72 = arith.constant 0 : i32
        %dma_start3A_73 = tpu.memref_slice %arg12[%dma_start3A_71, %dma_start3A_72] : memref<128x128xf32, #tpu.memory_space<vmem>> -> memref<16x128xf32, #tpu.memory_space<vmem>>
        tpu.enqueue_dma source(%dma_start3A_73 : memref<16x128xf32, #tpu.memory_space<vmem>>) target(%dma_start3A_70 : memref<16x128xf32, #tpu.memory_space<vmem_shared>>) target_semaphore(%run_scoped3A : memref<!tpu.dma_semaphore, #tpu.memory_space<semaphore_mem>>)
        %dma_wait3A = arith.constant 0 : i32
        %dma_wait3A_74 = arith.constant 0 : i32
        %dma_wait3A_75 = tpu.memref_slice %arg12[%dma_wait3A, %dma_wait3A_74] : memref<128x128xf32, #tpu.memory_space<vmem>> -> memref<16x128xf32, #tpu.memory_space<vmem>>
        %dma_wait3A_76 = arith.constant 9984 : i32
        %dma_wait3A_77 = arith.constant 0 : i32
        %dma_wait3A_78 = tpu.memref_slice %arg13[%dma_wait3A_76, %dma_wait3A_77] : memref<10000x128xf32, #tpu.memory_space<vmem_shared>> -> memref<16x128xf32, #tpu.memory_space<vmem_shared>>
        %dma_wait3A_79 = arith.constant 9984 : i32
        %dma_wait3A_80 = arith.constant 0 : i32
        %dma_wait3A_81 = tpu.memref_slice %arg13[%dma_wait3A_79, %dma_wait3A_80] : memref<10000x128xf32, #tpu.memory_space<vmem_shared>> -> memref<16x128xf32, #tpu.memory_space<vmem_shared>>
        %dma_wait3A_82 = arith.constant 0 : i32
        %dma_wait3A_83 = arith.constant 0 : i32
        %dma_wait3A_84 = tpu.memref_slice %arg12[%dma_wait3A_82, %dma_wait3A_83] : memref<128x128xf32, #tpu.memory_space<vmem>> -> memref<16x128xf32, #tpu.memory_space<vmem>>
        tpu.wait_dma2 semaphore(%run_scoped3A : memref<!tpu.dma_semaphore, #tpu.memory_space<semaphore_mem>>) src(%dma_wait3A_84 : memref<16x128xf32, #tpu.memory_space<vmem>>) dst(%dma_wait3A_81 : memref<16x128xf32, #tpu.memory_space<vmem_shared>>)
        tpu.yield
      }) : () -> ()
    } else {
    }
    %barrier3A = arith.constant 0 : index
    tpu.barrier barrier_id(%barrier3A)
    %scan3A_32 = arith.constant 0 : i32
    %scan3A_33 = arith.constant 20 : i32
    %scan3A_34 = arith.addi %scan3A_32, %scan3A_33 : i32
    %scan3A_35 = arith.constant 1 : i32
    scf.for %scan3A_62 = %scan3A_32 to %scan3A_34 step %scan3A_35  : i32 {
      %mul3A_63 = arith.constant 2 : i32
      %mul3A_64 = arith.muli %scan3A_62, %mul3A_63 : i32
      %add3A_65 = arith.constant 0 : i32
      %add3A_66 = arith.addi %add3A_65, %mul3A_64 : i32
      %add3A_67 = arith.constant 0 : i32
      %add3A_68 = arith.addi %add3A_66, %add3A_67 : i32
      %dma_wait3A = arith.constant 0 : i32
      %dma_wait3A_69 = tpu.memref_slice %arg7[%add3A_68, %dma_wait3A] : memref<40x128xi32, #tpu.memory_space<vmem>> -> memref<1x128xi32, #tpu.memory_space<vmem>>
      %dma_wait3A_70 = tpu.memref_squeeze %dma_wait3A_69 : memref<1x128xi32, #tpu.memory_space<vmem>> -> memref<128xi32, #tpu.memory_space<vmem>>
      %dma_wait3A_71 = arith.constant 0 : i32
      %dma_wait3A_72 = arith.constant 0 : i32
      %dma_wait3A_73 = tpu.memref_slice %arg2[%dma_wait3A_71, %dma_wait3A_72] : memref<10000x128xbf16, #tpu.memory_space<hbm>> -> memref<10000x128xbf16, #tpu.memory_space<hbm>>
      tpu.wait_indirect_dma semaphore(%arg14 : memref<!tpu.dma_semaphore, #tpu.memory_space<semaphore_mem>>) src(%dma_wait3A_73 : memref<10000x128xbf16, #tpu.memory_space<hbm>>) dst(%arg10 : memref<128x128xbf16, #tpu.memory_space<vmem>>)
      %parallel_loop3A = arith.constant 0 : i32
      %parallel_loop3A_74 = arith.constant 128 : i32
      %parallel_loop3A_75 = arith.constant 1 : i32
      scf.for %parallel_loop3A_101 = %parallel_loop3A to %parallel_loop3A_74 step %parallel_loop3A_75  : i32 {
        %parallel_loop3A_102 = vector.broadcast %add3A_68 : i32 to vector<16xi32>
        %parallel_loop3A_103 = vector.broadcast %parallel_loop3A_101 : i32 to vector<16xi32>
        %parallel_loop3A_104 = tpu.vector_load_idx %arg9[%parallel_loop3A_102, %parallel_loop3A_103] : memref<40x128xf32, #tpu.memory_space<vmem>>[vector<16xi32>, vector<16xi32>], vector<16xf32>,
        %parallel_loop3A_105 = arith.index_cast %parallel_loop3A_101 : i32 to index
        %parallel_loop3A_106 = arith.constant 0 : index
        %parallel_loop3A_107 = tpu.vector_load %arg10[%parallel_loop3A_105, %parallel_loop3A_106] {strides = array<i32>} : memref<128x128xbf16, #tpu.memory_space<vmem>>, vector<32xbf16>,
        %parallel_loop3A_108 = tpu.unpack_subelements %parallel_loop3A_107, 0 {pack_format = #tpu.pack_format<interleaved>} : vector<32xbf16> -> vector<16xf32>
        %parallel_loop3A_109 = tpu.unpack_subelements %parallel_loop3A_107, 1 {pack_format = #tpu.pack_format<interleaved>} : vector<32xbf16> -> vector<16xf32>
        %parallel_loop3A_110 = arith.mulf %parallel_loop3A_108, %parallel_loop3A_104 : vector<16xf32>
        %parallel_loop3A_111 = arith.index_cast %parallel_loop3A_101 : i32 to index
        %parallel_loop3A_112 = arith.constant 0 : index
        %parallel_loop3A_113 = tpu.vector_load %arg12[%parallel_loop3A_111, %parallel_loop3A_112] {strides = array<i32>} : memref<128x128xf32, #tpu.memory_space<vmem>>, vector<16xf32>,
        tpu.vector_store %arg12[%parallel_loop3A_111, %parallel_loop3A_112], %parallel_loop3A_110 {strides = array<i32>} : memref<128x128xf32, #tpu.memory_space<vmem>>, vector<16xf32>,
        %parallel_loop3A_114 = arith.mulf %parallel_loop3A_109, %parallel_loop3A_104 : vector<16xf32>
        %parallel_loop3A_115 = arith.index_cast %parallel_loop3A_101 : i32 to index
        %parallel_loop3A_116 = arith.constant 16 : index
        %parallel_loop3A_117 = tpu.vector_load %arg12[%parallel_loop3A_115, %parallel_loop3A_116] {strides = array<i32>} : memref<128x128xf32, #tpu.memory_space<vmem>>, vector<16xf32>,
        tpu.vector_store %arg12[%parallel_loop3A_115, %parallel_loop3A_116], %parallel_loop3A_114 {strides = array<i32>} : memref<128x128xf32, #tpu.memory_space<vmem>>, vector<16xf32>,
        %parallel_loop3A_118 = arith.index_cast %parallel_loop3A_101 : i32 to index
        %parallel_loop3A_119 = arith.constant 32 : index
        %parallel_loop3A_120 = tpu.vector_load %arg10[%parallel_loop3A_118, %parallel_loop3A_119] {strides = array<i32>} : memref<128x128xbf16, #tpu.memory_space<vmem>>, vector<32xbf16>,
        %parallel_loop3A_121 = tpu.unpack_subelements %parallel_loop3A_120, 0 {pack_format = #tpu.pack_format<interleaved>} : vector<32xbf16> -> vector<16xf32>
        %parallel_loop3A_122 = tpu.unpack_subelements %parallel_loop3A_120, 1 {pack_format = #tpu.pack_format<interleaved>} : vector<32xbf16> -> vector<16xf32>
        %parallel_loop3A_123 = arith.mulf %parallel_loop3A_121, %parallel_loop3A_104 : vector<16xf32>
        %parallel_loop3A_124 = arith.index_cast %parallel_loop3A_101 : i32 to index
        %parallel_loop3A_125 = arith.constant 32 : index
        %parallel_loop3A_126 = tpu.vector_load %arg12[%parallel_loop3A_124, %parallel_loop3A_125] {strides = array<i32>} : memref<128x128xf32, #tpu.memory_space<vmem>>, vector<16xf32>,
        tpu.vector_store %arg12[%parallel_loop3A_124, %parallel_loop3A_125], %parallel_loop3A_123 {strides = array<i32>} : memref<128x128xf32, #tpu.memory_space<vmem>>, vector<16xf32>,
        %parallel_loop3A_127 = arith.mulf %parallel_loop3A_122, %parallel_loop3A_104 : vector<16xf32>
        %parallel_loop3A_128 = arith.index_cast %parallel_loop3A_101 : i32 to index
        %parallel_loop3A_129 = arith.constant 48 : index
        %parallel_loop3A_130 = tpu.vector_load %arg12[%parallel_loop3A_128, %parallel_loop3A_129] {strides = array<i32>} : memref<128x128xf32, #tpu.memory_space<vmem>>, vector<16xf32>,
        tpu.vector_store %arg12[%parallel_loop3A_128, %parallel_loop3A_129], %parallel_loop3A_127 {strides = array<i32>} : memref<128x128xf32, #tpu.memory_space<vmem>>, vector<16xf32>,
        %parallel_loop3A_131 = arith.index_cast %parallel_loop3A_101 : i32 to index
        %parallel_loop3A_132 = arith.constant 64 : index
        %parallel_loop3A_133 = tpu.vector_load %arg10[%parallel_loop3A_131, %parallel_loop3A_132] {strides = array<i32>} : memref<128x128xbf16, #tpu.memory_space<vmem>>, vector<32xbf16>,
        %parallel_loop3A_134 = tpu.unpack_subelements %parallel_loop3A_133, 0 {pack_format = #tpu.pack_format<interleaved>} : vector<32xbf16> -> vector<16xf32>
        %parallel_loop3A_135 = tpu.unpack_subelements %parallel_loop3A_133, 1 {pack_format = #tpu.pack_format<interleaved>} : vector<32xbf16> -> vector<16xf32>
        %parallel_loop3A_136 = arith.mulf %parallel_loop3A_134, %parallel_loop3A_104 : vector<16xf32>
        %parallel_loop3A_137 = arith.index_cast %parallel_loop3A_101 : i32 to index
        %parallel_loop3A_138 = arith.constant 64 : index
        %parallel_loop3A_139 = tpu.vector_load %arg12[%parallel_loop3A_137, %parallel_loop3A_138] {strides = array<i32>} : memref<128x128xf32, #tpu.memory_space<vmem>>, vector<16xf32>,
        tpu.vector_store %arg12[%parallel_loop3A_137, %parallel_loop3A_138], %parallel_loop3A_136 {strides = array<i32>} : memref<128x128xf32, #tpu.memory_space<vmem>>, vector<16xf32>,
        %parallel_loop3A_140 = arith.mulf %parallel_loop3A_135, %parallel_loop3A_104 : vector<16xf32>
        %parallel_loop3A_141 = arith.index_cast %parallel_loop3A_101 : i32 to index
        %parallel_loop3A_142 = arith.constant 80 : index
        %parallel_loop3A_143 = tpu.vector_load %arg12[%parallel_loop3A_141, %parallel_loop3A_142] {strides = array<i32>} : memref<128x128xf32, #tpu.memory_space<vmem>>, vector<16xf32>,
        tpu.vector_store %arg12[%parallel_loop3A_141, %parallel_loop3A_142], %parallel_loop3A_140 {strides = array<i32>} : memref<128x128xf32, #tpu.memory_space<vmem>>, vector<16xf32>,
        %parallel_loop3A_144 = arith.index_cast %parallel_loop3A_101 : i32 to index
        %parallel_loop3A_145 = arith.constant 96 : index
        %parallel_loop3A_146 = tpu.vector_load %arg10[%parallel_loop3A_144, %parallel_loop3A_145] {strides = array<i32>} : memref<128x128xbf16, #tpu.memory_space<vmem>>, vector<32xbf16>,
        %parallel_loop3A_147 = tpu.unpack_subelements %parallel_loop3A_146, 0 {pack_format = #tpu.pack_format<interleaved>} : vector<32xbf16> -> vector<16xf32>
        %parallel_loop3A_148 = tpu.unpack_subelements %parallel_loop3A_146, 1 {pack_format = #tpu.pack_format<interleaved>} : vector<32xbf16> -> vector<16xf32>
        %parallel_loop3A_149 = arith.mulf %parallel_loop3A_147, %parallel_loop3A_104 : vector<16xf32>
        %parallel_loop3A_150 = arith.index_cast %parallel_loop3A_101 : i32 to index
        %parallel_loop3A_151 = arith.constant 96 : index
        %parallel_loop3A_152 = tpu.vector_load %arg12[%parallel_loop3A_150, %parallel_loop3A_151] {strides = array<i32>} : memref<128x128xf32, #tpu.memory_space<vmem>>, vector<16xf32>,
        tpu.vector_store %arg12[%parallel_loop3A_150, %parallel_loop3A_151], %parallel_loop3A_149 {strides = array<i32>} : memref<128x128xf32, #tpu.memory_space<vmem>>, vector<16xf32>,
        %parallel_loop3A_153 = arith.mulf %parallel_loop3A_148, %parallel_loop3A_104 : vector<16xf32>
        %parallel_loop3A_154 = arith.index_cast %parallel_loop3A_101 : i32 to index
        %parallel_loop3A_155 = arith.constant 112 : index
        %parallel_loop3A_156 = tpu.vector_load %arg12[%parallel_loop3A_154, %parallel_loop3A_155] {strides = array<i32>} : memref<128x128xf32, #tpu.memory_space<vmem>>, vector<16xf32>,
        tpu.vector_store %arg12[%parallel_loop3A_154, %parallel_loop3A_155], %parallel_loop3A_153 {strides = array<i32>} : memref<128x128xf32, #tpu.memory_space<vmem>>, vector<16xf32>,
      } {sc.loop_unroll_factor = 4 : i64, sc.parallel_access}
      %run_scoped3A = arith.constant 0 : i32
      "tpu.region"() ({
        %run_scoped3A_101 = tpu.sem_alloc : memref<!tpu.dma_semaphore, #tpu.memory_space<semaphore_mem>>
        %dma_start3A_102 = arith.constant 0 : i32
        %dma_start3A_103 = arith.constant 0 : i32
        %dma_start3A_104 = tpu.memref_slice %arg12[%dma_start3A_102, %dma_start3A_103] : memref<128x128xf32, #tpu.memory_space<vmem>> -> memref<128x128xf32, #tpu.memory_space<vmem>>
        %dma_start3A_105 = arith.constant 0 : i32
        %dma_start3A_106 = tpu.memref_slice %arg8[%add3A_68, %run_scoped3A, %dma_start3A_105] : memref<40x1x128xi32, #tpu.memory_space<vmem>> -> memref<1x1x128xi32, #tpu.memory_space<vmem>>
        %dma_start3A_107 = tpu.memref_squeeze %dma_start3A_106 : memref<1x1x128xi32, #tpu.memory_space<vmem>> -> memref<128xi32, #tpu.memory_space<vmem>>
        %dma_start3A_108 = arith.constant 0 : i32
        %dma_start3A_109 = arith.constant 0 : i32
        %dma_start3A_110 = tpu.memref_slice %arg13[%dma_start3A_108, %dma_start3A_109] : memref<10000x128xf32, #tpu.memory_space<vmem_shared>> -> memref<10000x128xf32, #tpu.memory_space<vmem_shared>>
        tpu.enqueue_indirect_dma source(%dma_start3A_104 : memref<128x128xf32, #tpu.memory_space<vmem>>) target(%dma_start3A_110 : memref<10000x128xf32, #tpu.memory_space<vmem_shared>>) offsets(%dma_start3A_107 : memref<128xi32, #tpu.memory_space<vmem>>) semaphore(%run_scoped3A_101 : memref<!tpu.dma_semaphore, #tpu.memory_space<semaphore_mem>>) {add = true}
        %dma_wait3A_111 = arith.constant 0 : i32
        %dma_wait3A_112 = arith.constant 0 : i32
        %dma_wait3A_113 = tpu.memref_slice %arg12[%dma_wait3A_111, %dma_wait3A_112] : memref<128x128xf32, #tpu.memory_space<vmem>> -> memref<128x128xf32, #tpu.memory_space<vmem>>
        %dma_wait3A_114 = arith.constant 0 : i32
        %dma_wait3A_115 = tpu.memref_slice %arg8[%add3A_68, %run_scoped3A, %dma_wait3A_114] : memref<40x1x128xi32, #tpu.memory_space<vmem>> -> memref<1x1x128xi32, #tpu.memory_space<vmem>>
        %dma_wait3A_116 = tpu.memref_squeeze %dma_wait3A_115 : memref<1x1x128xi32, #tpu.memory_space<vmem>> -> memref<128xi32, #tpu.memory_space<vmem>>
        %dma_wait3A_117 = arith.constant 0 : i32
        %dma_wait3A_118 = arith.constant 0 : i32
        %dma_wait3A_119 = tpu.memref_slice %arg13[%dma_wait3A_117, %dma_wait3A_118] : memref<10000x128xf32, #tpu.memory_space<vmem_shared>> -> memref<10000x128xf32, #tpu.memory_space<vmem_shared>>
        tpu.wait_indirect_dma semaphore(%run_scoped3A_101 : memref<!tpu.dma_semaphore, #tpu.memory_space<semaphore_mem>>) src(%dma_wait3A_113 : memref<128x128xf32, #tpu.memory_space<vmem>>) dst(%dma_wait3A_119 : memref<10000x128xf32, #tpu.memory_space<vmem_shared>>)
        tpu.yield
      }) : () -> ()
      %add3A_76 = arith.constant 2 : i32
      %add3A_77 = arith.addi %add3A_68, %add3A_76 : i32
      %lt3A = arith.constant 40 : i32
      %lt3A_78 = arith.cmpi slt, %add3A_77, %lt3A : i32
      %convert_element_type3A_79 = arith.extui %lt3A_78 : i1 to i32
      %cond3A_80 = arith.constant 0 : i32
      %cond3A_81 = arith.cmpi ne, %convert_element_type3A_79, %cond3A_80 : i32
      scf.if %cond3A_81 {
        %add3A_101 = arith.constant 2 : i32
        %add3A_102 = arith.addi %add3A_68, %add3A_101 : i32
        %dma_start3A_103 = arith.constant 0 : i32
        %dma_start3A_104 = tpu.memref_slice %arg7[%add3A_102, %dma_start3A_103] : memref<40x128xi32, #tpu.memory_space<vmem>> -> memref<1x128xi32, #tpu.memory_space<vmem>>
        %dma_start3A_105 = tpu.memref_squeeze %dma_start3A_104 : memref<1x128xi32, #tpu.memory_space<vmem>> -> memref<128xi32, #tpu.memory_space<vmem>>
        %dma_start3A_106 = arith.constant 0 : i32
        %dma_start3A_107 = arith.constant 0 : i32
        %dma_start3A_108 = tpu.memref_slice %arg2[%dma_start3A_106, %dma_start3A_107] : memref<10000x128xbf16, #tpu.memory_space<hbm>> -> memref<10000x128xbf16, #tpu.memory_space<hbm>>
        tpu.enqueue_indirect_dma source(%dma_start3A_108 : memref<10000x128xbf16, #tpu.memory_space<hbm>>) target(%arg10 : memref<128x128xbf16, #tpu.memory_space<vmem>>) offsets(%dma_start3A_105 : memref<128xi32, #tpu.memory_space<vmem>>) semaphore(%arg14 : memref<!tpu.dma_semaphore, #tpu.memory_space<semaphore_mem>>)
      } else {
      }
      %add3A_82 = arith.constant 1 : i32
      %add3A_83 = arith.addi %add3A_66, %add3A_82 : i32
      %dma_wait3A_84 = arith.constant 0 : i32
      %dma_wait3A_85 = tpu.memref_slice %arg7[%add3A_83, %dma_wait3A_84] : memref<40x128xi32, #tpu.memory_space<vmem>> -> memref<1x128xi32, #tpu.memory_space<vmem>>
      %dma_wait3A_86 = tpu.memref_squeeze %dma_wait3A_85 : memref<1x128xi32, #tpu.memory_space<vmem>> -> memref<128xi32, #tpu.memory_space<vmem>>
      %dma_wait3A_87 = arith.constant 0 : i32
      %dma_wait3A_88 = arith.constant 0 : i32
      %dma_wait3A_89 = tpu.memref_slice %arg2[%dma_wait3A_87, %dma_wait3A_88] : memref<10000x128xbf16, #tpu.memory_space<hbm>> -> memref<10000x128xbf16, #tpu.memory_space<hbm>>
      tpu.wait_indirect_dma semaphore(%arg15 : memref<!tpu.dma_semaphore, #tpu.memory_space<semaphore_mem>>) src(%dma_wait3A_89 : memref<10000x128xbf16, #tpu.memory_space<hbm>>) dst(%arg11 : memref<128x128xbf16, #tpu.memory_space<vmem>>)
      %parallel_loop3A_90 = arith.constant 0 : i32
      %parallel_loop3A_91 = arith.constant 128 : i32
      %parallel_loop3A_92 = arith.constant 1 : i32
      scf.for %parallel_loop3A_101 = %parallel_loop3A_90 to %parallel_loop3A_91 step %parallel_loop3A_92  : i32 {
        %parallel_loop3A_102 = vector.broadcast %add3A_83 : i32 to vector<16xi32>
        %parallel_loop3A_103 = vector.broadcast %parallel_loop3A_101 : i32 to vector<16xi32>
        %parallel_loop3A_104 = tpu.vector_load_idx %arg9[%parallel_loop3A_102, %parallel_loop3A_103] : memref<40x128xf32, #tpu.memory_space<vmem>>[vector<16xi32>, vector<16xi32>], vector<16xf32>,
        %parallel_loop3A_105 = arith.index_cast %parallel_loop3A_101 : i32 to index
        %parallel_loop3A_106 = arith.constant 0 : index
        %parallel_loop3A_107 = tpu.vector_load %arg11[%parallel_loop3A_105, %parallel_loop3A_106] {strides = array<i32>} : memref<128x128xbf16, #tpu.memory_space<vmem>>, vector<32xbf16>,
        %parallel_loop3A_108 = tpu.unpack_subelements %parallel_loop3A_107, 0 {pack_format = #tpu.pack_format<interleaved>} : vector<32xbf16> -> vector<16xf32>
        %parallel_loop3A_109 = tpu.unpack_subelements %parallel_loop3A_107, 1 {pack_format = #tpu.pack_format<interleaved>} : vector<32xbf16> -> vector<16xf32>
        %parallel_loop3A_110 = arith.mulf %parallel_loop3A_108, %parallel_loop3A_104 : vector<16xf32>
        %parallel_loop3A_111 = arith.index_cast %parallel_loop3A_101 : i32 to index
        %parallel_loop3A_112 = arith.constant 0 : index
        %parallel_loop3A_113 = tpu.vector_load %arg12[%parallel_loop3A_111, %parallel_loop3A_112] {strides = array<i32>} : memref<128x128xf32, #tpu.memory_space<vmem>>, vector<16xf32>,
        tpu.vector_store %arg12[%parallel_loop3A_111, %parallel_loop3A_112], %parallel_loop3A_110 {strides = array<i32>} : memref<128x128xf32, #tpu.memory_space<vmem>>, vector<16xf32>,
        %parallel_loop3A_114 = arith.mulf %parallel_loop3A_109, %parallel_loop3A_104 : vector<16xf32>
        %parallel_loop3A_115 = arith.index_cast %parallel_loop3A_101 : i32 to index
        %parallel_loop3A_116 = arith.constant 16 : index
        %parallel_loop3A_117 = tpu.vector_load %arg12[%parallel_loop3A_115, %parallel_loop3A_116] {strides = array<i32>} : memref<128x128xf32, #tpu.memory_space<vmem>>, vector<16xf32>,
        tpu.vector_store %arg12[%parallel_loop3A_115, %parallel_loop3A_116], %parallel_loop3A_114 {strides = array<i32>} : memref<128x128xf32, #tpu.memory_space<vmem>>, vector<16xf32>,
        %parallel_loop3A_118 = arith.index_cast %parallel_loop3A_101 : i32 to index
        %parallel_loop3A_119 = arith.constant 32 : index
        %parallel_loop3A_120 = tpu.vector_load %arg11[%parallel_loop3A_118, %parallel_loop3A_119] {strides = array<i32>} : memref<128x128xbf16, #tpu.memory_space<vmem>>, vector<32xbf16>,
        %parallel_loop3A_121 = tpu.unpack_subelements %parallel_loop3A_120, 0 {pack_format = #tpu.pack_format<interleaved>} : vector<32xbf16> -> vector<16xf32>
        %parallel_loop3A_122 = tpu.unpack_subelements %parallel_loop3A_120, 1 {pack_format = #tpu.pack_format<interleaved>} : vector<32xbf16> -> vector<16xf32>
        %parallel_loop3A_123 = arith.mulf %parallel_loop3A_121, %parallel_loop3A_104 : vector<16xf32>
        %parallel_loop3A_124 = arith.index_cast %parallel_loop3A_101 : i32 to index
        %parallel_loop3A_125 = arith.constant 32 : index
        %parallel_loop3A_126 = tpu.vector_load %arg12[%parallel_loop3A_124, %parallel_loop3A_125] {strides = array<i32>} : memref<128x128xf32, #tpu.memory_space<vmem>>, vector<16xf32>,
        tpu.vector_store %arg12[%parallel_loop3A_124, %parallel_loop3A_125], %parallel_loop3A_123 {strides = array<i32>} : memref<128x128xf32, #tpu.memory_space<vmem>>, vector<16xf32>,
        %parallel_loop3A_127 = arith.mulf %parallel_loop3A_122, %parallel_loop3A_104 : vector<16xf32>
        %parallel_loop3A_128 = arith.index_cast %parallel_loop3A_101 : i32 to index
        %parallel_loop3A_129 = arith.constant 48 : index
        %parallel_loop3A_130 = tpu.vector_load %arg12[%parallel_loop3A_128, %parallel_loop3A_129] {strides = array<i32>} : memref<128x128xf32, #tpu.memory_space<vmem>>, vector<16xf32>,
        tpu.vector_store %arg12[%parallel_loop3A_128, %parallel_loop3A_129], %parallel_loop3A_127 {strides = array<i32>} : memref<128x128xf32, #tpu.memory_space<vmem>>, vector<16xf32>,
        %parallel_loop3A_131 = arith.index_cast %parallel_loop3A_101 : i32 to index
        %parallel_loop3A_132 = arith.constant 64 : index
        %parallel_loop3A_133 = tpu.vector_load %arg11[%parallel_loop3A_131, %parallel_loop3A_132] {strides = array<i32>} : memref<128x128xbf16, #tpu.memory_space<vmem>>, vector<32xbf16>,
        %parallel_loop3A_134 = tpu.unpack_subelements %parallel_loop3A_133, 0 {pack_format = #tpu.pack_format<interleaved>} : vector<32xbf16> -> vector<16xf32>
        %parallel_loop3A_135 = tpu.unpack_subelements %parallel_loop3A_133, 1 {pack_format = #tpu.pack_format<interleaved>} : vector<32xbf16> -> vector<16xf32>
        %parallel_loop3A_136 = arith.mulf %parallel_loop3A_134, %parallel_loop3A_104 : vector<16xf32>
        %parallel_loop3A_137 = arith.index_cast %parallel_loop3A_101 : i32 to index
        %parallel_loop3A_138 = arith.constant 64 : index
        %parallel_loop3A_139 = tpu.vector_load %arg12[%parallel_loop3A_137, %parallel_loop3A_138] {strides = array<i32>} : memref<128x128xf32, #tpu.memory_space<vmem>>, vector<16xf32>,
        tpu.vector_store %arg12[%parallel_loop3A_137, %parallel_loop3A_138], %parallel_loop3A_136 {strides = array<i32>} : memref<128x128xf32, #tpu.memory_space<vmem>>, vector<16xf32>,
        %parallel_loop3A_140 = arith.mulf %parallel_loop3A_135, %parallel_loop3A_104 : vector<16xf32>
        %parallel_loop3A_141 = arith.index_cast %parallel_loop3A_101 : i32 to index
        %parallel_loop3A_142 = arith.constant 80 : index
        %parallel_loop3A_143 = tpu.vector_load %arg12[%parallel_loop3A_141, %parallel_loop3A_142] {strides = array<i32>} : memref<128x128xf32, #tpu.memory_space<vmem>>, vector<16xf32>,
        tpu.vector_store %arg12[%parallel_loop3A_141, %parallel_loop3A_142], %parallel_loop3A_140 {strides = array<i32>} : memref<128x128xf32, #tpu.memory_space<vmem>>, vector<16xf32>,
        %parallel_loop3A_144 = arith.index_cast %parallel_loop3A_101 : i32 to index
        %parallel_loop3A_145 = arith.constant 96 : index
        %parallel_loop3A_146 = tpu.vector_load %arg11[%parallel_loop3A_144, %parallel_loop3A_145] {strides = array<i32>} : memref<128x128xbf16, #tpu.memory_space<vmem>>, vector<32xbf16>,
        %parallel_loop3A_147 = tpu.unpack_subelements %parallel_loop3A_146, 0 {pack_format = #tpu.pack_format<interleaved>} : vector<32xbf16> -> vector<16xf32>
        %parallel_loop3A_148 = tpu.unpack_subelements %parallel_loop3A_146, 1 {pack_format = #tpu.pack_format<interleaved>} : vector<32xbf16> -> vector<16xf32>
        %parallel_loop3A_149 = arith.mulf %parallel_loop3A_147, %parallel_loop3A_104 : vector<16xf32>
        %parallel_loop3A_150 = arith.index_cast %parallel_loop3A_101 : i32 to index
        %parallel_loop3A_151 = arith.constant 96 : index
        %parallel_loop3A_152 = tpu.vector_load %arg12[%parallel_loop3A_150, %parallel_loop3A_151] {strides = array<i32>} : memref<128x128xf32, #tpu.memory_space<vmem>>, vector<16xf32>,
        tpu.vector_store %arg12[%parallel_loop3A_150, %parallel_loop3A_151], %parallel_loop3A_149 {strides = array<i32>} : memref<128x128xf32, #tpu.memory_space<vmem>>, vector<16xf32>,
        %parallel_loop3A_153 = arith.mulf %parallel_loop3A_148, %parallel_loop3A_104 : vector<16xf32>
        %parallel_loop3A_154 = arith.index_cast %parallel_loop3A_101 : i32 to index
        %parallel_loop3A_155 = arith.constant 112 : index
        %parallel_loop3A_156 = tpu.vector_load %arg12[%parallel_loop3A_154, %parallel_loop3A_155] {strides = array<i32>} : memref<128x128xf32, #tpu.memory_space<vmem>>, vector<16xf32>,
        tpu.vector_store %arg12[%parallel_loop3A_154, %parallel_loop3A_155], %parallel_loop3A_153 {strides = array<i32>} : memref<128x128xf32, #tpu.memory_space<vmem>>, vector<16xf32>,
      } {sc.loop_unroll_factor = 4 : i64, sc.parallel_access}
      %run_scoped3A_93 = arith.constant 0 : i32
      "tpu.region"() ({
        %run_scoped3A_101 = tpu.sem_alloc : memref<!tpu.dma_semaphore, #tpu.memory_space<semaphore_mem>>
        %dma_start3A_102 = arith.constant 0 : i32
        %dma_start3A_103 = arith.constant 0 : i32
        %dma_start3A_104 = tpu.memref_slice %arg12[%dma_start3A_102, %dma_start3A_103] : memref<128x128xf32, #tpu.memory_space<vmem>> -> memref<128x128xf32, #tpu.memory_space<vmem>>
        %dma_start3A_105 = arith.constant 0 : i32
        %dma_start3A_106 = tpu.memref_slice %arg8[%add3A_83, %run_scoped3A_93, %dma_start3A_105] : memref<40x1x128xi32, #tpu.memory_space<vmem>> -> memref<1x1x128xi32, #tpu.memory_space<vmem>>
        %dma_start3A_107 = tpu.memref_squeeze %dma_start3A_106 : memref<1x1x128xi32, #tpu.memory_space<vmem>> -> memref<128xi32, #tpu.memory_space<vmem>>
        %dma_start3A_108 = arith.constant 0 : i32
        %dma_start3A_109 = arith.constant 0 : i32
        %dma_start3A_110 = tpu.memref_slice %arg13[%dma_start3A_108, %dma_start3A_109] : memref<10000x128xf32, #tpu.memory_space<vmem_shared>> -> memref<10000x128xf32, #tpu.memory_space<vmem_shared>>
        tpu.enqueue_indirect_dma source(%dma_start3A_104 : memref<128x128xf32, #tpu.memory_space<vmem>>) target(%dma_start3A_110 : memref<10000x128xf32, #tpu.memory_space<vmem_shared>>) offsets(%dma_start3A_107 : memref<128xi32, #tpu.memory_space<vmem>>) semaphore(%run_scoped3A_101 : memref<!tpu.dma_semaphore, #tpu.memory_space<semaphore_mem>>) {add = true}
        %dma_wait3A_111 = arith.constant 0 : i32
        %dma_wait3A_112 = arith.constant 0 : i32
        %dma_wait3A_113 = tpu.memref_slice %arg12[%dma_wait3A_111, %dma_wait3A_112] : memref<128x128xf32, #tpu.memory_space<vmem>> -> memref<128x128xf32, #tpu.memory_space<vmem>>
        %dma_wait3A_114 = arith.constant 0 : i32
        %dma_wait3A_115 = tpu.memref_slice %arg8[%add3A_83, %run_scoped3A_93, %dma_wait3A_114] : memref<40x1x128xi32, #tpu.memory_space<vmem>> -> memref<1x1x128xi32, #tpu.memory_space<vmem>>
        %dma_wait3A_116 = tpu.memref_squeeze %dma_wait3A_115 : memref<1x1x128xi32, #tpu.memory_space<vmem>> -> memref<128xi32, #tpu.memory_space<vmem>>
        %dma_wait3A_117 = arith.constant 0 : i32
        %dma_wait3A_118 = arith.constant 0 : i32
        %dma_wait3A_119 = tpu.memref_slice %arg13[%dma_wait3A_117, %dma_wait3A_118] : memref<10000x128xf32, #tpu.memory_space<vmem_shared>> -> memref<10000x128xf32, #tpu.memory_space<vmem_shared>>
        tpu.wait_indirect_dma semaphore(%run_scoped3A_101 : memref<!tpu.dma_semaphore, #tpu.memory_space<semaphore_mem>>) src(%dma_wait3A_113 : memref<128x128xf32, #tpu.memory_space<vmem>>) dst(%dma_wait3A_119 : memref<10000x128xf32, #tpu.memory_space<vmem_shared>>)
        tpu.yield
      }) : () -> ()
      %add3A_94 = arith.constant 2 : i32
      %add3A_95 = arith.addi %add3A_83, %add3A_94 : i32
      %lt3A_96 = arith.constant 40 : i32
      %lt3A_97 = arith.cmpi slt, %add3A_95, %lt3A_96 : i32
      %convert_element_type3A_98 = arith.extui %lt3A_97 : i1 to i32
      %cond3A_99 = arith.constant 0 : i32
      %cond3A_100 = arith.cmpi ne, %convert_element_type3A_98, %cond3A_99 : i32
      scf.if %cond3A_100 {
        %add3A_101 = arith.constant 2 : i32
        %add3A_102 = arith.addi %add3A_83, %add3A_101 : i32
        %dma_start3A_103 = arith.constant 0 : i32
        %dma_start3A_104 = tpu.memref_slice %arg7[%add3A_102, %dma_start3A_103] : memref<40x128xi32, #tpu.memory_space<vmem>> -> memref<1x128xi32, #tpu.memory_space<vmem>>
        %dma_start3A_105 = tpu.memref_squeeze %dma_start3A_104 : memref<1x128xi32, #tpu.memory_space<vmem>> -> memref<128xi32, #tpu.memory_space<vmem>>
        %dma_start3A_106 = arith.constant 0 : i32
        %dma_start3A_107 = arith.constant 0 : i32
        %dma_start3A_108 = tpu.memref_slice %arg2[%dma_start3A_106, %dma_start3A_107] : memref<10000x128xbf16, #tpu.memory_space<hbm>> -> memref<10000x128xbf16, #tpu.memory_space<hbm>>
        tpu.enqueue_indirect_dma source(%dma_start3A_108 : memref<10000x128xbf16, #tpu.memory_space<hbm>>) target(%arg11 : memref<128x128xbf16, #tpu.memory_space<vmem>>) offsets(%dma_start3A_105 : memref<128xi32, #tpu.memory_space<vmem>>) semaphore(%arg15 : memref<!tpu.dma_semaphore, #tpu.memory_space<semaphore_mem>>)
      } else {
      }
    }
    %scan3A_36 = arith.constant 20 : i32
    "tpu.region"() ({
      %run_scoped3A = tpu.sem_alloc : memref<!tpu.dma_semaphore, #tpu.memory_space<semaphore_mem>>
      %dma_start3A_62 = arith.constant 40 : i32
      %dma_start3A_63 = arith.constant 0 : i32
      %dma_start3A_64 = tpu.memref_slice %arg3[%add3A, %dma_start3A_62, %dma_start3A_63] : memref<32x80x128xi32, #tpu.memory_space<hbm>> -> memref<1x40x128xi32, #tpu.memory_space<hbm>>
      %dma_start3A_65 = tpu.memref_squeeze %dma_start3A_64 : memref<1x40x128xi32, #tpu.memory_space<hbm>> -> memref<40x128xi32, #tpu.memory_space<hbm>>
      %dma_start3A_66 = arith.constant 40 : i32
      %dma_start3A_67 = arith.constant 0 : i32
      %dma_start3A_68 = tpu.memref_slice %arg3[%add3A, %dma_start3A_66, %dma_start3A_67] : memref<32x80x128xi32, #tpu.memory_space<hbm>> -> memref<1x40x128xi32, #tpu.memory_space<hbm>>
      %dma_start3A_69 = tpu.memref_squeeze %dma_start3A_68 : memref<1x40x128xi32, #tpu.memory_space<hbm>> -> memref<40x128xi32, #tpu.memory_space<hbm>>
      tpu.enqueue_dma source(%dma_start3A_69 : memref<40x128xi32, #tpu.memory_space<hbm>>) target(%arg7 : memref<40x128xi32, #tpu.memory_space<vmem>>) target_semaphore(%run_scoped3A : memref<!tpu.dma_semaphore, #tpu.memory_space<semaphore_mem>>)
      %dma_wait3A = arith.constant 40 : i32
      %dma_wait3A_70 = arith.constant 0 : i32
      %dma_wait3A_71 = tpu.memref_slice %arg3[%add3A, %dma_wait3A, %dma_wait3A_70] : memref<32x80x128xi32, #tpu.memory_space<hbm>> -> memref<1x40x128xi32, #tpu.memory_space<hbm>>
      %dma_wait3A_72 = tpu.memref_squeeze %dma_wait3A_71 : memref<1x40x128xi32, #tpu.memory_space<hbm>> -> memref<40x128xi32, #tpu.memory_space<hbm>>
      %dma_wait3A_73 = arith.constant 40 : i32
      %dma_wait3A_74 = arith.constant 0 : i32
      %dma_wait3A_75 = tpu.memref_slice %arg3[%add3A, %dma_wait3A_73, %dma_wait3A_74] : memref<32x80x128xi32, #tpu.memory_space<hbm>> -> memref<1x40x128xi32, #tpu.memory_space<hbm>>
      %dma_wait3A_76 = tpu.memref_squeeze %dma_wait3A_75 : memref<1x40x128xi32, #tpu.memory_space<hbm>> -> memref<40x128xi32, #tpu.memory_space<hbm>>
      tpu.wait_dma2 semaphore(%run_scoped3A : memref<!tpu.dma_semaphore, #tpu.memory_space<semaphore_mem>>) src(%dma_wait3A_76 : memref<40x128xi32, #tpu.memory_space<hbm>>) dst(%arg7 : memref<40x128xi32, #tpu.memory_space<vmem>>)
      tpu.yield
    }) : () -> ()
    "tpu.region"() ({
      %run_scoped3A = tpu.sem_alloc : memref<!tpu.dma_semaphore, #tpu.memory_space<semaphore_mem>>
      %dma_start3A_62 = arith.constant 40 : i32
      %dma_start3A_63 = arith.constant 0 : i32
      %dma_start3A_64 = arith.constant 0 : i32
      %dma_start3A_65 = tpu.memref_slice %arg4[%add3A, %dma_start3A_62, %dma_start3A_63, %dma_start3A_64] : memref<32x80x1x128xi32, #tpu.memory_space<hbm>> -> memref<1x40x1x128xi32, #tpu.memory_space<hbm>>
      %dma_start3A_66 = tpu.memref_squeeze %dma_start3A_65 : memref<1x40x1x128xi32, #tpu.memory_space<hbm>> -> memref<40x1x128xi32, #tpu.memory_space<hbm>>
      %dma_start3A_67 = arith.constant 40 : i32
      %dma_start3A_68 = arith.constant 0 : i32
      %dma_start3A_69 = arith.constant 0 : i32
      %dma_start3A_70 = tpu.memref_slice %arg4[%add3A, %dma_start3A_67, %dma_start3A_68, %dma_start3A_69] : memref<32x80x1x128xi32, #tpu.memory_space<hbm>> -> memref<1x40x1x128xi32, #tpu.memory_space<hbm>>
      %dma_start3A_71 = tpu.memref_squeeze %dma_start3A_70 : memref<1x40x1x128xi32, #tpu.memory_space<hbm>> -> memref<40x1x128xi32, #tpu.memory_space<hbm>>
      tpu.enqueue_dma source(%dma_start3A_71 : memref<40x1x128xi32, #tpu.memory_space<hbm>>) target(%arg8 : memref<40x1x128xi32, #tpu.memory_space<vmem>>) target_semaphore(%run_scoped3A : memref<!tpu.dma_semaphore, #tpu.memory_space<semaphore_mem>>)
      %dma_wait3A = arith.constant 40 : i32
      %dma_wait3A_72 = arith.constant 0 : i32
      %dma_wait3A_73 = arith.constant 0 : i32
      %dma_wait3A_74 = tpu.memref_slice %arg4[%add3A, %dma_wait3A, %dma_wait3A_72, %dma_wait3A_73] : memref<32x80x1x128xi32, #tpu.memory_space<hbm>> -> memref<1x40x1x128xi32, #tpu.memory_space<hbm>>
      %dma_wait3A_75 = tpu.memref_squeeze %dma_wait3A_74 : memref<1x40x1x128xi32, #tpu.memory_space<hbm>> -> memref<40x1x128xi32, #tpu.memory_space<hbm>>
      %dma_wait3A_76 = arith.constant 40 : i32
      %dma_wait3A_77 = arith.constant 0 : i32
      %dma_wait3A_78 = arith.constant 0 : i32
      %dma_wait3A_79 = tpu.memref_slice %arg4[%add3A, %dma_wait3A_76, %dma_wait3A_77, %dma_wait3A_78] : memref<32x80x1x128xi32, #tpu.memory_space<hbm>> -> memref<1x40x1x128xi32, #tpu.memory_space<hbm>>
      %dma_wait3A_80 = tpu.memref_squeeze %dma_wait3A_79 : memref<1x40x1x128xi32, #tpu.memory_space<hbm>> -> memref<40x1x128xi32, #tpu.memory_space<hbm>>
      tpu.wait_dma2 semaphore(%run_scoped3A : memref<!tpu.dma_semaphore, #tpu.memory_space<semaphore_mem>>) src(%dma_wait3A_80 : memref<40x1x128xi32, #tpu.memory_space<hbm>>) dst(%arg8 : memref<40x1x128xi32, #tpu.memory_space<vmem>>)
      tpu.yield
    }) : () -> ()
    "tpu.region"() ({
      %run_scoped3A = tpu.sem_alloc : memref<!tpu.dma_semaphore, #tpu.memory_space<semaphore_mem>>
      %dma_start3A_62 = arith.constant 40 : i32
      %dma_start3A_63 = arith.constant 0 : i32
      %dma_start3A_64 = tpu.memref_slice %arg5[%add3A, %dma_start3A_62, %dma_start3A_63] : memref<32x80x128xf32, #tpu.memory_space<hbm>> -> memref<1x40x128xf32, #tpu.memory_space<hbm>>
      %dma_start3A_65 = tpu.memref_squeeze %dma_start3A_64 : memref<1x40x128xf32, #tpu.memory_space<hbm>> -> memref<40x128xf32, #tpu.memory_space<hbm>>
      %dma_start3A_66 = arith.constant 40 : i32
      %dma_start3A_67 = arith.constant 0 : i32
      %dma_start3A_68 = tpu.memref_slice %arg5[%add3A, %dma_start3A_66, %dma_start3A_67] : memref<32x80x128xf32, #tpu.memory_space<hbm>> -> memref<1x40x128xf32, #tpu.memory_space<hbm>>
      %dma_start3A_69 = tpu.memref_squeeze %dma_start3A_68 : memref<1x40x128xf32, #tpu.memory_space<hbm>> -> memref<40x128xf32, #tpu.memory_space<hbm>>
      tpu.enqueue_dma source(%dma_start3A_69 : memref<40x128xf32, #tpu.memory_space<hbm>>) target(%arg9 : memref<40x128xf32, #tpu.memory_space<vmem>>) target_semaphore(%run_scoped3A : memref<!tpu.dma_semaphore, #tpu.memory_space<semaphore_mem>>)
      %dma_wait3A = arith.constant 40 : i32
      %dma_wait3A_70 = arith.constant 0 : i32
      %dma_wait3A_71 = tpu.memref_slice %arg5[%add3A, %dma_wait3A, %dma_wait3A_70] : memref<32x80x128xf32, #tpu.memory_space<hbm>> -> memref<1x40x128xf32, #tpu.memory_space<hbm>>
      %dma_wait3A_72 = tpu.memref_squeeze %dma_wait3A_71 : memref<1x40x128xf32, #tpu.memory_space<hbm>> -> memref<40x128xf32, #tpu.memory_space<hbm>>
      %dma_wait3A_73 = arith.constant 40 : i32
      %dma_wait3A_74 = arith.constant 0 : i32
      %dma_wait3A_75 = tpu.memref_slice %arg5[%add3A, %dma_wait3A_73, %dma_wait3A_74] : memref<32x80x128xf32, #tpu.memory_space<hbm>> -> memref<1x40x128xf32, #tpu.memory_space<hbm>>
      %dma_wait3A_76 = tpu.memref_squeeze %dma_wait3A_75 : memref<1x40x128xf32, #tpu.memory_space<hbm>> -> memref<40x128xf32, #tpu.memory_space<hbm>>
      tpu.wait_dma2 semaphore(%run_scoped3A : memref<!tpu.dma_semaphore, #tpu.memory_space<semaphore_mem>>) src(%dma_wait3A_76 : memref<40x128xf32, #tpu.memory_space<hbm>>) dst(%arg9 : memref<40x128xf32, #tpu.memory_space<vmem>>)
      tpu.yield
    }) : () -> ()
    %dma_start3A_37 = arith.constant 0 : i32
    %dma_start3A_38 = arith.constant 0 : i32
    %dma_start3A_39 = tpu.memref_slice %arg7[%dma_start3A_37, %dma_start3A_38] : memref<40x128xi32, #tpu.memory_space<vmem>> -> memref<1x128xi32, #tpu.memory_space<vmem>>
    %dma_start3A_40 = tpu.memref_squeeze %dma_start3A_39 : memref<1x128xi32, #tpu.memory_space<vmem>> -> memref<128xi32, #tpu.memory_space<vmem>>
    %dma_start3A_41 = arith.constant 0 : i32
    %dma_start3A_42 = arith.constant 0 : i32
    %dma_start3A_43 = tpu.memref_slice %arg2[%dma_start3A_41, %dma_start3A_42] : memref<10000x128xbf16, #tpu.memory_space<hbm>> -> memref<10000x128xbf16, #tpu.memory_space<hbm>>
    tpu.enqueue_indirect_dma source(%dma_start3A_43 : memref<10000x128xbf16, #tpu.memory_space<hbm>>) target(%arg10 : memref<128x128xbf16, #tpu.memory_space<vmem>>) offsets(%dma_start3A_40 : memref<128xi32, #tpu.memory_space<vmem>>) semaphore(%arg14 : memref<!tpu.dma_semaphore, #tpu.memory_space<semaphore_mem>>)
    %dma_start3A_44 = arith.constant 1 : i32
    %dma_start3A_45 = arith.constant 0 : i32
    %dma_start3A_46 = tpu.memref_slice %arg7[%dma_start3A_44, %dma_start3A_45] : memref<40x128xi32, #tpu.memory_space<vmem>> -> memref<1x128xi32, #tpu.memory_space<vmem>>
    %dma_start3A_47 = tpu.memref_squeeze %dma_start3A_46 : memref<1x128xi32, #tpu.memory_space<vmem>> -> memref<128xi32, #tpu.memory_space<vmem>>
    %dma_start3A_48 = arith.constant 0 : i32
    %dma_start3A_49 = arith.constant 0 : i32
    %dma_start3A_50 = tpu.memref_slice %arg2[%dma_start3A_48, %dma_start3A_49] : memref<10000x128xbf16, #tpu.memory_space<hbm>> -> memref<10000x128xbf16, #tpu.memory_space<hbm>>
    tpu.enqueue_indirect_dma source(%dma_start3A_50 : memref<10000x128xbf16, #tpu.memory_space<hbm>>) target(%arg11 : memref<128x128xbf16, #tpu.memory_space<vmem>>) offsets(%dma_start3A_47 : memref<128xi32, #tpu.memory_space<vmem>>) semaphore(%arg15 : memref<!tpu.dma_semaphore, #tpu.memory_space<semaphore_mem>>)
    %scan3A_51 = arith.constant 0 : i32
    %scan3A_52 = arith.constant 20 : i32
    %scan3A_53 = arith.addi %scan3A_51, %scan3A_52 : i32
    %scan3A_54 = arith.constant 1 : i32
    scf.for %scan3A_62 = %scan3A_51 to %scan3A_53 step %scan3A_54  : i32 {
      %mul3A_63 = arith.constant 2 : i32
      %mul3A_64 = arith.muli %scan3A_62, %mul3A_63 : i32
      %add3A_65 = arith.constant 0 : i32
      %add3A_66 = arith.addi %add3A_65, %mul3A_64 : i32
      %add3A_67 = arith.constant 0 : i32
      %add3A_68 = arith.addi %add3A_66, %add3A_67 : i32
      %dma_wait3A = arith.constant 0 : i32
      %dma_wait3A_69 = tpu.memref_slice %arg7[%add3A_68, %dma_wait3A] : memref<40x128xi32, #tpu.memory_space<vmem>> -> memref<1x128xi32, #tpu.memory_space<vmem>>
      %dma_wait3A_70 = tpu.memref_squeeze %dma_wait3A_69 : memref<1x128xi32, #tpu.memory_space<vmem>> -> memref<128xi32, #tpu.memory_space<vmem>>
      %dma_wait3A_71 = arith.constant 0 : i32
      %dma_wait3A_72 = arith.constant 0 : i32
      %dma_wait3A_73 = tpu.memref_slice %arg2[%dma_wait3A_71, %dma_wait3A_72] : memref<10000x128xbf16, #tpu.memory_space<hbm>> -> memref<10000x128xbf16, #tpu.memory_space<hbm>>
      tpu.wait_indirect_dma semaphore(%arg14 : memref<!tpu.dma_semaphore, #tpu.memory_space<semaphore_mem>>) src(%dma_wait3A_73 : memref<10000x128xbf16, #tpu.memory_space<hbm>>) dst(%arg10 : memref<128x128xbf16, #tpu.memory_space<vmem>>)
      %parallel_loop3A = arith.constant 0 : i32
      %parallel_loop3A_74 = arith.constant 128 : i32
      %parallel_loop3A_75 = arith.constant 1 : i32
      scf.for %parallel_loop3A_101 = %parallel_loop3A to %parallel_loop3A_74 step %parallel_loop3A_75  : i32 {
        %parallel_loop3A_102 = vector.broadcast %add3A_68 : i32 to vector<16xi32>
        %parallel_loop3A_103 = vector.broadcast %parallel_loop3A_101 : i32 to vector<16xi32>
        %parallel_loop3A_104 = tpu.vector_load_idx %arg9[%parallel_loop3A_102, %parallel_loop3A_103] : memref<40x128xf32, #tpu.memory_space<vmem>>[vector<16xi32>, vector<16xi32>], vector<16xf32>,
        %parallel_loop3A_105 = arith.index_cast %parallel_loop3A_101 : i32 to index
        %parallel_loop3A_106 = arith.constant 0 : index
        %parallel_loop3A_107 = tpu.vector_load %arg10[%parallel_loop3A_105, %parallel_loop3A_106] {strides = array<i32>} : memref<128x128xbf16, #tpu.memory_space<vmem>>, vector<32xbf16>,
        %parallel_loop3A_108 = tpu.unpack_subelements %parallel_loop3A_107, 0 {pack_format = #tpu.pack_format<interleaved>} : vector<32xbf16> -> vector<16xf32>
        %parallel_loop3A_109 = tpu.unpack_subelements %parallel_loop3A_107, 1 {pack_format = #tpu.pack_format<interleaved>} : vector<32xbf16> -> vector<16xf32>
        %parallel_loop3A_110 = arith.mulf %parallel_loop3A_108, %parallel_loop3A_104 : vector<16xf32>
        %parallel_loop3A_111 = arith.index_cast %parallel_loop3A_101 : i32 to index
        %parallel_loop3A_112 = arith.constant 0 : index
        %parallel_loop3A_113 = tpu.vector_load %arg12[%parallel_loop3A_111, %parallel_loop3A_112] {strides = array<i32>} : memref<128x128xf32, #tpu.memory_space<vmem>>, vector<16xf32>,
        tpu.vector_store %arg12[%parallel_loop3A_111, %parallel_loop3A_112], %parallel_loop3A_110 {strides = array<i32>} : memref<128x128xf32, #tpu.memory_space<vmem>>, vector<16xf32>,
        %parallel_loop3A_114 = arith.mulf %parallel_loop3A_109, %parallel_loop3A_104 : vector<16xf32>
        %parallel_loop3A_115 = arith.index_cast %parallel_loop3A_101 : i32 to index
        %parallel_loop3A_116 = arith.constant 16 : index
        %parallel_loop3A_117 = tpu.vector_load %arg12[%parallel_loop3A_115, %parallel_loop3A_116] {strides = array<i32>} : memref<128x128xf32, #tpu.memory_space<vmem>>, vector<16xf32>,
        tpu.vector_store %arg12[%parallel_loop3A_115, %parallel_loop3A_116], %parallel_loop3A_114 {strides = array<i32>} : memref<128x128xf32, #tpu.memory_space<vmem>>, vector<16xf32>,
        %parallel_loop3A_118 = arith.index_cast %parallel_loop3A_101 : i32 to index
        %parallel_loop3A_119 = arith.constant 32 : index
        %parallel_loop3A_120 = tpu.vector_load %arg10[%parallel_loop3A_118, %parallel_loop3A_119] {strides = array<i32>} : memref<128x128xbf16, #tpu.memory_space<vmem>>, vector<32xbf16>,
        %parallel_loop3A_121 = tpu.unpack_subelements %parallel_loop3A_120, 0 {pack_format = #tpu.pack_format<interleaved>} : vector<32xbf16> -> vector<16xf32>
        %parallel_loop3A_122 = tpu.unpack_subelements %parallel_loop3A_120, 1 {pack_format = #tpu.pack_format<interleaved>} : vector<32xbf16> -> vector<16xf32>
        %parallel_loop3A_123 = arith.mulf %parallel_loop3A_121, %parallel_loop3A_104 : vector<16xf32>
        %parallel_loop3A_124 = arith.index_cast %parallel_loop3A_101 : i32 to index
        %parallel_loop3A_125 = arith.constant 32 : index
        %parallel_loop3A_126 = tpu.vector_load %arg12[%parallel_loop3A_124, %parallel_loop3A_125] {strides = array<i32>} : memref<128x128xf32, #tpu.memory_space<vmem>>, vector<16xf32>,
        tpu.vector_store %arg12[%parallel_loop3A_124, %parallel_loop3A_125], %parallel_loop3A_123 {strides = array<i32>} : memref<128x128xf32, #tpu.memory_space<vmem>>, vector<16xf32>,
        %parallel_loop3A_127 = arith.mulf %parallel_loop3A_122, %parallel_loop3A_104 : vector<16xf32>
        %parallel_loop3A_128 = arith.index_cast %parallel_loop3A_101 : i32 to index
        %parallel_loop3A_129 = arith.constant 48 : index
        %parallel_loop3A_130 = tpu.vector_load %arg12[%parallel_loop3A_128, %parallel_loop3A_129] {strides = array<i32>} : memref<128x128xf32, #tpu.memory_space<vmem>>, vector<16xf32>,
        tpu.vector_store %arg12[%parallel_loop3A_128, %parallel_loop3A_129], %parallel_loop3A_127 {strides = array<i32>} : memref<128x128xf32, #tpu.memory_space<vmem>>, vector<16xf32>,
        %parallel_loop3A_131 = arith.index_cast %parallel_loop3A_101 : i32 to index
        %parallel_loop3A_132 = arith.constant 64 : index
        %parallel_loop3A_133 = tpu.vector_load %arg10[%parallel_loop3A_131, %parallel_loop3A_132] {strides = array<i32>} : memref<128x128xbf16, #tpu.memory_space<vmem>>, vector<32xbf16>,
        %parallel_loop3A_134 = tpu.unpack_subelements %parallel_loop3A_133, 0 {pack_format = #tpu.pack_format<interleaved>} : vector<32xbf16> -> vector<16xf32>
        %parallel_loop3A_135 = tpu.unpack_subelements %parallel_loop3A_133, 1 {pack_format = #tpu.pack_format<interleaved>} : vector<32xbf16> -> vector<16xf32>
        %parallel_loop3A_136 = arith.mulf %parallel_loop3A_134, %parallel_loop3A_104 : vector<16xf32>
        %parallel_loop3A_137 = arith.index_cast %parallel_loop3A_101 : i32 to index
        %parallel_loop3A_138 = arith.constant 64 : index
        %parallel_loop3A_139 = tpu.vector_load %arg12[%parallel_loop3A_137, %parallel_loop3A_138] {strides = array<i32>} : memref<128x128xf32, #tpu.memory_space<vmem>>, vector<16xf32>,
        tpu.vector_store %arg12[%parallel_loop3A_137, %parallel_loop3A_138], %parallel_loop3A_136 {strides = array<i32>} : memref<128x128xf32, #tpu.memory_space<vmem>>, vector<16xf32>,
        %parallel_loop3A_140 = arith.mulf %parallel_loop3A_135, %parallel_loop3A_104 : vector<16xf32>
        %parallel_loop3A_141 = arith.index_cast %parallel_loop3A_101 : i32 to index
        %parallel_loop3A_142 = arith.constant 80 : index
        %parallel_loop3A_143 = tpu.vector_load %arg12[%parallel_loop3A_141, %parallel_loop3A_142] {strides = array<i32>} : memref<128x128xf32, #tpu.memory_space<vmem>>, vector<16xf32>,
        tpu.vector_store %arg12[%parallel_loop3A_141, %parallel_loop3A_142], %parallel_loop3A_140 {strides = array<i32>} : memref<128x128xf32, #tpu.memory_space<vmem>>, vector<16xf32>,
        %parallel_loop3A_144 = arith.index_cast %parallel_loop3A_101 : i32 to index
        %parallel_loop3A_145 = arith.constant 96 : index
        %parallel_loop3A_146 = tpu.vector_load %arg10[%parallel_loop3A_144, %parallel_loop3A_145] {strides = array<i32>} : memref<128x128xbf16, #tpu.memory_space<vmem>>, vector<32xbf16>,
        %parallel_loop3A_147 = tpu.unpack_subelements %parallel_loop3A_146, 0 {pack_format = #tpu.pack_format<interleaved>} : vector<32xbf16> -> vector<16xf32>
        %parallel_loop3A_148 = tpu.unpack_subelements %parallel_loop3A_146, 1 {pack_format = #tpu.pack_format<interleaved>} : vector<32xbf16> -> vector<16xf32>
        %parallel_loop3A_149 = arith.mulf %parallel_loop3A_147, %parallel_loop3A_104 : vector<16xf32>
        %parallel_loop3A_150 = arith.index_cast %parallel_loop3A_101 : i32 to index
        %parallel_loop3A_151 = arith.constant 96 : index
        %parallel_loop3A_152 = tpu.vector_load %arg12[%parallel_loop3A_150, %parallel_loop3A_151] {strides = array<i32>} : memref<128x128xf32, #tpu.memory_space<vmem>>, vector<16xf32>,
        tpu.vector_store %arg12[%parallel_loop3A_150, %parallel_loop3A_151], %parallel_loop3A_149 {strides = array<i32>} : memref<128x128xf32, #tpu.memory_space<vmem>>, vector<16xf32>,
        %parallel_loop3A_153 = arith.mulf %parallel_loop3A_148, %parallel_loop3A_104 : vector<16xf32>
        %parallel_loop3A_154 = arith.index_cast %parallel_loop3A_101 : i32 to index
        %parallel_loop3A_155 = arith.constant 112 : index
        %parallel_loop3A_156 = tpu.vector_load %arg12[%parallel_loop3A_154, %parallel_loop3A_155] {strides = array<i32>} : memref<128x128xf32, #tpu.memory_space<vmem>>, vector<16xf32>,
        tpu.vector_store %arg12[%parallel_loop3A_154, %parallel_loop3A_155], %parallel_loop3A_153 {strides = array<i32>} : memref<128x128xf32, #tpu.memory_space<vmem>>, vector<16xf32>,
      } {sc.loop_unroll_factor = 4 : i64, sc.parallel_access}
      %run_scoped3A = arith.constant 0 : i32
      "tpu.region"() ({
        %run_scoped3A_101 = tpu.sem_alloc : memref<!tpu.dma_semaphore, #tpu.memory_space<semaphore_mem>>
        %dma_start3A_102 = arith.constant 0 : i32
        %dma_start3A_103 = arith.constant 0 : i32
        %dma_start3A_104 = tpu.memref_slice %arg12[%dma_start3A_102, %dma_start3A_103] : memref<128x128xf32, #tpu.memory_space<vmem>> -> memref<128x128xf32, #tpu.memory_space<vmem>>
        %dma_start3A_105 = arith.constant 0 : i32
        %dma_start3A_106 = tpu.memref_slice %arg8[%add3A_68, %run_scoped3A, %dma_start3A_105] : memref<40x1x128xi32, #tpu.memory_space<vmem>> -> memref<1x1x128xi32, #tpu.memory_space<vmem>>
        %dma_start3A_107 = tpu.memref_squeeze %dma_start3A_106 : memref<1x1x128xi32, #tpu.memory_space<vmem>> -> memref<128xi32, #tpu.memory_space<vmem>>
        %dma_start3A_108 = arith.constant 0 : i32
        %dma_start3A_109 = arith.constant 0 : i32
        %dma_start3A_110 = tpu.memref_slice %arg13[%dma_start3A_108, %dma_start3A_109] : memref<10000x128xf32, #tpu.memory_space<vmem_shared>> -> memref<10000x128xf32, #tpu.memory_space<vmem_shared>>
        tpu.enqueue_indirect_dma source(%dma_start3A_104 : memref<128x128xf32, #tpu.memory_space<vmem>>) target(%dma_start3A_110 : memref<10000x128xf32, #tpu.memory_space<vmem_shared>>) offsets(%dma_start3A_107 : memref<128xi32, #tpu.memory_space<vmem>>) semaphore(%run_scoped3A_101 : memref<!tpu.dma_semaphore, #tpu.memory_space<semaphore_mem>>) {add = true}
        %dma_wait3A_111 = arith.constant 0 : i32
        %dma_wait3A_112 = arith.constant 0 : i32
        %dma_wait3A_113 = tpu.memref_slice %arg12[%dma_wait3A_111, %dma_wait3A_112] : memref<128x128xf32, #tpu.memory_space<vmem>> -> memref<128x128xf32, #tpu.memory_space<vmem>>
        %dma_wait3A_114 = arith.constant 0 : i32
        %dma_wait3A_115 = tpu.memref_slice %arg8[%add3A_68, %run_scoped3A, %dma_wait3A_114] : memref<40x1x128xi32, #tpu.memory_space<vmem>> -> memref<1x1x128xi32, #tpu.memory_space<vmem>>
        %dma_wait3A_116 = tpu.memref_squeeze %dma_wait3A_115 : memref<1x1x128xi32, #tpu.memory_space<vmem>> -> memref<128xi32, #tpu.memory_space<vmem>>
        %dma_wait3A_117 = arith.constant 0 : i32
        %dma_wait3A_118 = arith.constant 0 : i32
        %dma_wait3A_119 = tpu.memref_slice %arg13[%dma_wait3A_117, %dma_wait3A_118] : memref<10000x128xf32, #tpu.memory_space<vmem_shared>> -> memref<10000x128xf32, #tpu.memory_space<vmem_shared>>
        tpu.wait_indirect_dma semaphore(%run_scoped3A_101 : memref<!tpu.dma_semaphore, #tpu.memory_space<semaphore_mem>>) src(%dma_wait3A_113 : memref<128x128xf32, #tpu.memory_space<vmem>>) dst(%dma_wait3A_119 : memref<10000x128xf32, #tpu.memory_space<vmem_shared>>)
        tpu.yield
      }) : () -> ()
      %add3A_76 = arith.constant 2 : i32
      %add3A_77 = arith.addi %add3A_68, %add3A_76 : i32
      %lt3A = arith.constant 40 : i32
      %lt3A_78 = arith.cmpi slt, %add3A_77, %lt3A : i32
      %convert_element_type3A_79 = arith.extui %lt3A_78 : i1 to i32
      %cond3A_80 = arith.constant 0 : i32
      %cond3A_81 = arith.cmpi ne, %convert_element_type3A_79, %cond3A_80 : i32
      scf.if %cond3A_81 {
        %add3A_101 = arith.constant 2 : i32
        %add3A_102 = arith.addi %add3A_68, %add3A_101 : i32
        %dma_start3A_103 = arith.constant 0 : i32
        %dma_start3A_104 = tpu.memref_slice %arg7[%add3A_102, %dma_start3A_103] : memref<40x128xi32, #tpu.memory_space<vmem>> -> memref<1x128xi32, #tpu.memory_space<vmem>>
        %dma_start3A_105 = tpu.memref_squeeze %dma_start3A_104 : memref<1x128xi32, #tpu.memory_space<vmem>> -> memref<128xi32, #tpu.memory_space<vmem>>
        %dma_start3A_106 = arith.constant 0 : i32
        %dma_start3A_107 = arith.constant 0 : i32
        %dma_start3A_108 = tpu.memref_slice %arg2[%dma_start3A_106, %dma_start3A_107] : memref<10000x128xbf16, #tpu.memory_space<hbm>> -> memref<10000x128xbf16, #tpu.memory_space<hbm>>
        tpu.enqueue_indirect_dma source(%dma_start3A_108 : memref<10000x128xbf16, #tpu.memory_space<hbm>>) target(%arg10 : memref<128x128xbf16, #tpu.memory_space<vmem>>) offsets(%dma_start3A_105 : memref<128xi32, #tpu.memory_space<vmem>>) semaphore(%arg14 : memref<!tpu.dma_semaphore, #tpu.memory_space<semaphore_mem>>)
      } else {
      }
      %add3A_82 = arith.constant 1 : i32
      %add3A_83 = arith.addi %add3A_66, %add3A_82 : i32
      %dma_wait3A_84 = arith.constant 0 : i32
      %dma_wait3A_85 = tpu.memref_slice %arg7[%add3A_83, %dma_wait3A_84] : memref<40x128xi32, #tpu.memory_space<vmem>> -> memref<1x128xi32, #tpu.memory_space<vmem>>
      %dma_wait3A_86 = tpu.memref_squeeze %dma_wait3A_85 : memref<1x128xi32, #tpu.memory_space<vmem>> -> memref<128xi32, #tpu.memory_space<vmem>>
      %dma_wait3A_87 = arith.constant 0 : i32
      %dma_wait3A_88 = arith.constant 0 : i32
      %dma_wait3A_89 = tpu.memref_slice %arg2[%dma_wait3A_87, %dma_wait3A_88] : memref<10000x128xbf16, #tpu.memory_space<hbm>> -> memref<10000x128xbf16, #tpu.memory_space<hbm>>
      tpu.wait_indirect_dma semaphore(%arg15 : memref<!tpu.dma_semaphore, #tpu.memory_space<semaphore_mem>>) src(%dma_wait3A_89 : memref<10000x128xbf16, #tpu.memory_space<hbm>>) dst(%arg11 : memref<128x128xbf16, #tpu.memory_space<vmem>>)
      %parallel_loop3A_90 = arith.constant 0 : i32
      %parallel_loop3A_91 = arith.constant 128 : i32
      %parallel_loop3A_92 = arith.constant 1 : i32
      scf.for %parallel_loop3A_101 = %parallel_loop3A_90 to %parallel_loop3A_91 step %parallel_loop3A_92  : i32 {
        %parallel_loop3A_102 = vector.broadcast %add3A_83 : i32 to vector<16xi32>
        %parallel_loop3A_103 = vector.broadcast %parallel_loop3A_101 : i32 to vector<16xi32>
        %parallel_loop3A_104 = tpu.vector_load_idx %arg9[%parallel_loop3A_102, %parallel_loop3A_103] : memref<40x128xf32, #tpu.memory_space<vmem>>[vector<16xi32>, vector<16xi32>], vector<16xf32>,
        %parallel_loop3A_105 = arith.index_cast %parallel_loop3A_101 : i32 to index
        %parallel_loop3A_106 = arith.constant 0 : index
        %parallel_loop3A_107 = tpu.vector_load %arg11[%parallel_loop3A_105, %parallel_loop3A_106] {strides = array<i32>} : memref<128x128xbf16, #tpu.memory_space<vmem>>, vector<32xbf16>,
        %parallel_loop3A_108 = tpu.unpack_subelements %parallel_loop3A_107, 0 {pack_format = #tpu.pack_format<interleaved>} : vector<32xbf16> -> vector<16xf32>
        %parallel_loop3A_109 = tpu.unpack_subelements %parallel_loop3A_107, 1 {pack_format = #tpu.pack_format<interleaved>} : vector<32xbf16> -> vector<16xf32>
        %parallel_loop3A_110 = arith.mulf %parallel_loop3A_108, %parallel_loop3A_104 : vector<16xf32>
        %parallel_loop3A_111 = arith.index_cast %parallel_loop3A_101 : i32 to index
        %parallel_loop3A_112 = arith.constant 0 : index
        %parallel_loop3A_113 = tpu.vector_load %arg12[%parallel_loop3A_111, %parallel_loop3A_112] {strides = array<i32>} : memref<128x128xf32, #tpu.memory_space<vmem>>, vector<16xf32>,
        tpu.vector_store %arg12[%parallel_loop3A_111, %parallel_loop3A_112], %parallel_loop3A_110 {strides = array<i32>} : memref<128x128xf32, #tpu.memory_space<vmem>>, vector<16xf32>,
        %parallel_loop3A_114 = arith.mulf %parallel_loop3A_109, %parallel_loop3A_104 : vector<16xf32>
        %parallel_loop3A_115 = arith.index_cast %parallel_loop3A_101 : i32 to index
        %parallel_loop3A_116 = arith.constant 16 : index
        %parallel_loop3A_117 = tpu.vector_load %arg12[%parallel_loop3A_115, %parallel_loop3A_116] {strides = array<i32>} : memref<128x128xf32, #tpu.memory_space<vmem>>, vector<16xf32>,
        tpu.vector_store %arg12[%parallel_loop3A_115, %parallel_loop3A_116], %parallel_loop3A_114 {strides = array<i32>} : memref<128x128xf32, #tpu.memory_space<vmem>>, vector<16xf32>,
        %parallel_loop3A_118 = arith.index_cast %parallel_loop3A_101 : i32 to index
        %parallel_loop3A_119 = arith.constant 32 : index
        %parallel_loop3A_120 = tpu.vector_load %arg11[%parallel_loop3A_118, %parallel_loop3A_119] {strides = array<i32>} : memref<128x128xbf16, #tpu.memory_space<vmem>>, vector<32xbf16>,
        %parallel_loop3A_121 = tpu.unpack_subelements %parallel_loop3A_120, 0 {pack_format = #tpu.pack_format<interleaved>} : vector<32xbf16> -> vector<16xf32>
        %parallel_loop3A_122 = tpu.unpack_subelements %parallel_loop3A_120, 1 {pack_format = #tpu.pack_format<interleaved>} : vector<32xbf16> -> vector<16xf32>
        %parallel_loop3A_123 = arith.mulf %parallel_loop3A_121, %parallel_loop3A_104 : vector<16xf32>
        %parallel_loop3A_124 = arith.index_cast %parallel_loop3A_101 : i32 to index
        %parallel_loop3A_125 = arith.constant 32 : index
        %parallel_loop3A_126 = tpu.vector_load %arg12[%parallel_loop3A_124, %parallel_loop3A_125] {strides = array<i32>} : memref<128x128xf32, #tpu.memory_space<vmem>>, vector<16xf32>,
        tpu.vector_store %arg12[%parallel_loop3A_124, %parallel_loop3A_125], %parallel_loop3A_123 {strides = array<i32>} : memref<128x128xf32, #tpu.memory_space<vmem>>, vector<16xf32>,
        %parallel_loop3A_127 = arith.mulf %parallel_loop3A_122, %parallel_loop3A_104 : vector<16xf32>
        %parallel_loop3A_128 = arith.index_cast %parallel_loop3A_101 : i32 to index
        %parallel_loop3A_129 = arith.constant 48 : index
        %parallel_loop3A_130 = tpu.vector_load %arg12[%parallel_loop3A_128, %parallel_loop3A_129] {strides = array<i32>} : memref<128x128xf32, #tpu.memory_space<vmem>>, vector<16xf32>,
        tpu.vector_store %arg12[%parallel_loop3A_128, %parallel_loop3A_129], %parallel_loop3A_127 {strides = array<i32>} : memref<128x128xf32, #tpu.memory_space<vmem>>, vector<16xf32>,
        %parallel_loop3A_131 = arith.index_cast %parallel_loop3A_101 : i32 to index
        %parallel_loop3A_132 = arith.constant 64 : index
        %parallel_loop3A_133 = tpu.vector_load %arg11[%parallel_loop3A_131, %parallel_loop3A_132] {strides = array<i32>} : memref<128x128xbf16, #tpu.memory_space<vmem>>, vector<32xbf16>,
        %parallel_loop3A_134 = tpu.unpack_subelements %parallel_loop3A_133, 0 {pack_format = #tpu.pack_format<interleaved>} : vector<32xbf16> -> vector<16xf32>
        %parallel_loop3A_135 = tpu.unpack_subelements %parallel_loop3A_133, 1 {pack_format = #tpu.pack_format<interleaved>} : vector<32xbf16> -> vector<16xf32>
        %parallel_loop3A_136 = arith.mulf %parallel_loop3A_134, %parallel_loop3A_104 : vector<16xf32>
        %parallel_loop3A_137 = arith.index_cast %parallel_loop3A_101 : i32 to index
        %parallel_loop3A_138 = arith.constant 64 : index
        %parallel_loop3A_139 = tpu.vector_load %arg12[%parallel_loop3A_137, %parallel_loop3A_138] {strides = array<i32>} : memref<128x128xf32, #tpu.memory_space<vmem>>, vector<16xf32>,
        tpu.vector_store %arg12[%parallel_loop3A_137, %parallel_loop3A_138], %parallel_loop3A_136 {strides = array<i32>} : memref<128x128xf32, #tpu.memory_space<vmem>>, vector<16xf32>,
        %parallel_loop3A_140 = arith.mulf %parallel_loop3A_135, %parallel_loop3A_104 : vector<16xf32>
        %parallel_loop3A_141 = arith.index_cast %parallel_loop3A_101 : i32 to index
        %parallel_loop3A_142 = arith.constant 80 : index
        %parallel_loop3A_143 = tpu.vector_load %arg12[%parallel_loop3A_141, %parallel_loop3A_142] {strides = array<i32>} : memref<128x128xf32, #tpu.memory_space<vmem>>, vector<16xf32>,
        tpu.vector_store %arg12[%parallel_loop3A_141, %parallel_loop3A_142], %parallel_loop3A_140 {strides = array<i32>} : memref<128x128xf32, #tpu.memory_space<vmem>>, vector<16xf32>,
        %parallel_loop3A_144 = arith.index_cast %parallel_loop3A_101 : i32 to index
        %parallel_loop3A_145 = arith.constant 96 : index
        %parallel_loop3A_146 = tpu.vector_load %arg11[%parallel_loop3A_144, %parallel_loop3A_145] {strides = array<i32>} : memref<128x128xbf16, #tpu.memory_space<vmem>>, vector<32xbf16>,
        %parallel_loop3A_147 = tpu.unpack_subelements %parallel_loop3A_146, 0 {pack_format = #tpu.pack_format<interleaved>} : vector<32xbf16> -> vector<16xf32>
        %parallel_loop3A_148 = tpu.unpack_subelements %parallel_loop3A_146, 1 {pack_format = #tpu.pack_format<interleaved>} : vector<32xbf16> -> vector<16xf32>
        %parallel_loop3A_149 = arith.mulf %parallel_loop3A_147, %parallel_loop3A_104 : vector<16xf32>
        %parallel_loop3A_150 = arith.index_cast %parallel_loop3A_101 : i32 to index
        %parallel_loop3A_151 = arith.constant 96 : index
        %parallel_loop3A_152 = tpu.vector_load %arg12[%parallel_loop3A_150, %parallel_loop3A_151] {strides = array<i32>} : memref<128x128xf32, #tpu.memory_space<vmem>>, vector<16xf32>,
        tpu.vector_store %arg12[%parallel_loop3A_150, %parallel_loop3A_151], %parallel_loop3A_149 {strides = array<i32>} : memref<128x128xf32, #tpu.memory_space<vmem>>, vector<16xf32>,
        %parallel_loop3A_153 = arith.mulf %parallel_loop3A_148, %parallel_loop3A_104 : vector<16xf32>
        %parallel_loop3A_154 = arith.index_cast %parallel_loop3A_101 : i32 to index
        %parallel_loop3A_155 = arith.constant 112 : index
        %parallel_loop3A_156 = tpu.vector_load %arg12[%parallel_loop3A_154, %parallel_loop3A_155] {strides = array<i32>} : memref<128x128xf32, #tpu.memory_space<vmem>>, vector<16xf32>,
        tpu.vector_store %arg12[%parallel_loop3A_154, %parallel_loop3A_155], %parallel_loop3A_153 {strides = array<i32>} : memref<128x128xf32, #tpu.memory_space<vmem>>, vector<16xf32>,
      } {sc.loop_unroll_factor = 4 : i64, sc.parallel_access}
      %run_scoped3A_93 = arith.constant 0 : i32
      "tpu.region"() ({
        %run_scoped3A_101 = tpu.sem_alloc : memref<!tpu.dma_semaphore, #tpu.memory_space<semaphore_mem>>
        %dma_start3A_102 = arith.constant 0 : i32
        %dma_start3A_103 = arith.constant 0 : i32
        %dma_start3A_104 = tpu.memref_slice %arg12[%dma_start3A_102, %dma_start3A_103] : memref<128x128xf32, #tpu.memory_space<vmem>> -> memref<128x128xf32, #tpu.memory_space<vmem>>
        %dma_start3A_105 = arith.constant 0 : i32
        %dma_start3A_106 = tpu.memref_slice %arg8[%add3A_83, %run_scoped3A_93, %dma_start3A_105] : memref<40x1x128xi32, #tpu.memory_space<vmem>> -> memref<1x1x128xi32, #tpu.memory_space<vmem>>
        %dma_start3A_107 = tpu.memref_squeeze %dma_start3A_106 : memref<1x1x128xi32, #tpu.memory_space<vmem>> -> memref<128xi32, #tpu.memory_space<vmem>>
        %dma_start3A_108 = arith.constant 0 : i32
        %dma_start3A_109 = arith.constant 0 : i32
        %dma_start3A_110 = tpu.memref_slice %arg13[%dma_start3A_108, %dma_start3A_109] : memref<10000x128xf32, #tpu.memory_space<vmem_shared>> -> memref<10000x128xf32, #tpu.memory_space<vmem_shared>>
        tpu.enqueue_indirect_dma source(%dma_start3A_104 : memref<128x128xf32, #tpu.memory_space<vmem>>) target(%dma_start3A_110 : memref<10000x128xf32, #tpu.memory_space<vmem_shared>>) offsets(%dma_start3A_107 : memref<128xi32, #tpu.memory_space<vmem>>) semaphore(%run_scoped3A_101 : memref<!tpu.dma_semaphore, #tpu.memory_space<semaphore_mem>>) {add = true}
        %dma_wait3A_111 = arith.constant 0 : i32
        %dma_wait3A_112 = arith.constant 0 : i32
        %dma_wait3A_113 = tpu.memref_slice %arg12[%dma_wait3A_111, %dma_wait3A_112] : memref<128x128xf32, #tpu.memory_space<vmem>> -> memref<128x128xf32, #tpu.memory_space<vmem>>
        %dma_wait3A_114 = arith.constant 0 : i32
        %dma_wait3A_115 = tpu.memref_slice %arg8[%add3A_83, %run_scoped3A_93, %dma_wait3A_114] : memref<40x1x128xi32, #tpu.memory_space<vmem>> -> memref<1x1x128xi32, #tpu.memory_space<vmem>>
        %dma_wait3A_116 = tpu.memref_squeeze %dma_wait3A_115 : memref<1x1x128xi32, #tpu.memory_space<vmem>> -> memref<128xi32, #tpu.memory_space<vmem>>
        %dma_wait3A_117 = arith.constant 0 : i32
        %dma_wait3A_118 = arith.constant 0 : i32
        %dma_wait3A_119 = tpu.memref_slice %arg13[%dma_wait3A_117, %dma_wait3A_118] : memref<10000x128xf32, #tpu.memory_space<vmem_shared>> -> memref<10000x128xf32, #tpu.memory_space<vmem_shared>>
        tpu.wait_indirect_dma semaphore(%run_scoped3A_101 : memref<!tpu.dma_semaphore, #tpu.memory_space<semaphore_mem>>) src(%dma_wait3A_113 : memref<128x128xf32, #tpu.memory_space<vmem>>) dst(%dma_wait3A_119 : memref<10000x128xf32, #tpu.memory_space<vmem_shared>>)
        tpu.yield
      }) : () -> ()
      %add3A_94 = arith.constant 2 : i32
      %add3A_95 = arith.addi %add3A_83, %add3A_94 : i32
      %lt3A_96 = arith.constant 40 : i32
      %lt3A_97 = arith.cmpi slt, %add3A_95, %lt3A_96 : i32
      %convert_element_type3A_98 = arith.extui %lt3A_97 : i1 to i32
      %cond3A_99 = arith.constant 0 : i32
      %cond3A_100 = arith.cmpi ne, %convert_element_type3A_98, %cond3A_99 : i32
      scf.if %cond3A_100 {
        %add3A_101 = arith.constant 2 : i32
        %add3A_102 = arith.addi %add3A_83, %add3A_101 : i32
        %dma_start3A_103 = arith.constant 0 : i32
        %dma_start3A_104 = tpu.memref_slice %arg7[%add3A_102, %dma_start3A_103] : memref<40x128xi32, #tpu.memory_space<vmem>> -> memref<1x128xi32, #tpu.memory_space<vmem>>
        %dma_start3A_105 = tpu.memref_squeeze %dma_start3A_104 : memref<1x128xi32, #tpu.memory_space<vmem>> -> memref<128xi32, #tpu.memory_space<vmem>>
        %dma_start3A_106 = arith.constant 0 : i32
        %dma_start3A_107 = arith.constant 0 : i32
        %dma_start3A_108 = tpu.memref_slice %arg2[%dma_start3A_106, %dma_start3A_107] : memref<10000x128xbf16, #tpu.memory_space<hbm>> -> memref<10000x128xbf16, #tpu.memory_space<hbm>>
        tpu.enqueue_indirect_dma source(%dma_start3A_108 : memref<10000x128xbf16, #tpu.memory_space<hbm>>) target(%arg11 : memref<128x128xbf16, #tpu.memory_space<vmem>>) offsets(%dma_start3A_105 : memref<128xi32, #tpu.memory_space<vmem>>) semaphore(%arg15 : memref<!tpu.dma_semaphore, #tpu.memory_space<semaphore_mem>>)
      } else {
      }
    }
    %scan3A_55 = arith.constant 20 : i32
    %barrier3A_56 = arith.constant 0 : index
    tpu.barrier barrier_id(%barrier3A_56)
    "tpu.region"() ({
      %run_scoped3A = tpu.sem_alloc : memref<!tpu.dma_semaphore, #tpu.memory_space<semaphore_mem>>
      %dma_start3A_62 = arith.constant 0 : i32
      %dma_start3A_63 = tpu.memref_slice %arg6[%arg0, %mul3A_2, %dma_start3A_62] : memref<2x10000x128xf32, #tpu.memory_space<hbm>> -> memref<1x624x128xf32, #tpu.memory_space<hbm>>
      %dma_start3A_64 = tpu.memref_squeeze %dma_start3A_63 : memref<1x624x128xf32, #tpu.memory_space<hbm>> -> memref<624x128xf32, #tpu.memory_space<hbm>>
      %dma_start3A_65 = arith.constant 0 : i32
      %dma_start3A_66 = tpu.memref_slice %arg13[%mul3A_2, %dma_start3A_65] : memref<10000x128xf32, #tpu.memory_space<vmem_shared>> -> memref<624x128xf32, #tpu.memory_space<vmem_shared>>
      tpu.enqueue_dma source(%dma_start3A_66 : memref<624x128xf32, #tpu.memory_space<vmem_shared>>) target(%dma_start3A_64 : memref<624x128xf32, #tpu.memory_space<hbm>>) target_semaphore(%run_scoped3A : memref<!tpu.dma_semaphore, #tpu.memory_space<semaphore_mem>>)
      %dma_wait3A = arith.constant 0 : i32
      %dma_wait3A_67 = tpu.memref_slice %arg6[%arg0, %mul3A_2, %dma_wait3A] : memref<2x10000x128xf32, #tpu.memory_space<hbm>> -> memref<1x624x128xf32, #tpu.memory_space<hbm>>
      %dma_wait3A_68 = tpu.memref_squeeze %dma_wait3A_67 : memref<1x624x128xf32, #tpu.memory_space<hbm>> -> memref<624x128xf32, #tpu.memory_space<hbm>>
      %dma_wait3A_69 = arith.constant 0 : i32
      %dma_wait3A_70 = tpu.memref_slice %arg13[%mul3A_2, %dma_wait3A_69] : memref<10000x128xf32, #tpu.memory_space<vmem_shared>> -> memref<624x128xf32, #tpu.memory_space<vmem_shared>>
      tpu.wait_dma2 semaphore(%run_scoped3A : memref<!tpu.dma_semaphore, #tpu.memory_space<semaphore_mem>>) src(%dma_wait3A_70 : memref<624x128xf32, #tpu.memory_space<vmem_shared>>) dst(%dma_wait3A_68 : memref<624x128xf32, #tpu.memory_space<hbm>>)
      tpu.yield
    }) : () -> ()
    %eq3A_57 = arith.constant 15 : i32
    %eq3A_58 = arith.cmpi eq, %arg1, %eq3A_57 : i32
    %convert_element_type3A_59 = arith.extui %eq3A_58 : i1 to i32
    %cond3A_60 = arith.constant 0 : i32
    %cond3A_61 = arith.cmpi ne, %convert_element_type3A_59, %cond3A_60 : i32
    scf.if %cond3A_61 {
      "tpu.region"() ({
        %run_scoped3A = tpu.sem_alloc : memref<!tpu.dma_semaphore, #tpu.memory_space<semaphore_mem>>
        %dma_start3A_62 = arith.constant 9984 : i32
        %dma_start3A_63 = arith.constant 0 : i32
        %dma_start3A_64 = tpu.memref_slice %arg6[%arg0, %dma_start3A_62, %dma_start3A_63] : memref<2x10000x128xf32, #tpu.memory_space<hbm>> -> memref<1x16x128xf32, #tpu.memory_space<hbm>>
        %dma_start3A_65 = tpu.memref_squeeze %dma_start3A_64 : memref<1x16x128xf32, #tpu.memory_space<hbm>> -> memref<16x128xf32, #tpu.memory_space<hbm>>
        %dma_start3A_66 = arith.constant 9984 : i32
        %dma_start3A_67 = arith.constant 0 : i32
        %dma_start3A_68 = tpu.memref_slice %arg13[%dma_start3A_66, %dma_start3A_67] : memref<10000x128xf32, #tpu.memory_space<vmem_shared>> -> memref<16x128xf32, #tpu.memory_space<vmem_shared>>
        tpu.enqueue_dma source(%dma_start3A_68 : memref<16x128xf32, #tpu.memory_space<vmem_shared>>) target(%dma_start3A_65 : memref<16x128xf32, #tpu.memory_space<hbm>>) target_semaphore(%run_scoped3A : memref<!tpu.dma_semaphore, #tpu.memory_space<semaphore_mem>>)
        %dma_wait3A = arith.constant 9984 : i32
        %dma_wait3A_69 = arith.constant 0 : i32
        %dma_wait3A_70 = tpu.memref_slice %arg6[%arg0, %dma_wait3A, %dma_wait3A_69] : memref<2x10000x128xf32, #tpu.memory_space<hbm>> -> memref<1x16x128xf32, #tpu.memory_space<hbm>>
        %dma_wait3A_71 = tpu.memref_squeeze %dma_wait3A_70 : memref<1x16x128xf32, #tpu.memory_space<hbm>> -> memref<16x128xf32, #tpu.memory_space<hbm>>
        %dma_wait3A_72 = arith.constant 9984 : i32
        %dma_wait3A_73 = arith.constant 0 : i32
        %dma_wait3A_74 = tpu.memref_slice %arg13[%dma_wait3A_72, %dma_wait3A_73] : memref<10000x128xf32, #tpu.memory_space<vmem_shared>> -> memref<16x128xf32, #tpu.memory_space<vmem_shared>>
        tpu.wait_dma2 semaphore(%run_scoped3A : memref<!tpu.dma_semaphore, #tpu.memory_space<semaphore_mem>>) src(%dma_wait3A_74 : memref<16x128xf32, #tpu.memory_space<vmem_shared>>) dst(%dma_wait3A_71 : memref<16x128xf32, #tpu.memory_space<hbm>>)
        tpu.yield
      }) : () -> ()
    } else {
    }
    return
  }
}

#map = affine_map<(d0, d1) -> (0, 0)>
#map1 = affine_map<(d0, d1) -> (0, 0, 0)>
#map2 = affine_map<(d0, d1) -> (0, 0, 0, 0)>
module attributes {stable_mosaic.version = 14 : i64} {
  func.func @seg_kernel(%arg0: i32, %arg1: i32, %arg2: memref<10000x16xf32, #tpu.memory_space<hbm>>, %arg3: memref<32x20x512xi32, #tpu.memory_space<hbm>>, %arg4: memref<32x20x4x128xi32, #tpu.memory_space<hbm>>, %arg5: memref<32x20x512xf32, #tpu.memory_space<hbm>>, %arg6: memref<2x10000x16xf32, #tpu.memory_space<hbm>>, %arg7: memref<10x512xi32, #tpu.memory_space<vmem>>, %arg8: memref<10x4x128xi32, #tpu.memory_space<vmem>>, %arg9: memref<10x512xf32, #tpu.memory_space<vmem>>, %arg10: memref<512x16xf32, #tpu.memory_space<vmem>>, %arg11: memref<512x16xf32, #tpu.memory_space<vmem>>, %arg12: memref<512x16xf32, #tpu.memory_space<vmem>>, %arg13: memref<10000x16xf32, #tpu.memory_space<vmem_shared>>, %arg14: memref<!tpu.dma_semaphore, #tpu.memory_space<semaphore_mem>>, %arg15: memref<!tpu.dma_semaphore, #tpu.memory_space<semaphore_mem>>) attributes {dimension_semantics = [#tpu.dimension_semantics<core_parallel>, #tpu.dimension_semantics<subcore_parallel>], iteration_bounds = array<i64: 2, 16>, scalar_prefetch = 0 : i64, scratch_operands = 9 : i64, tpu.core_type = #tpu.core_type<sc_vector_subcore>, window_params = [{transform_indices = #map}, {transform_indices = #map1}, {transform_indices = #map2}, {transform_indices = #map1}, {transform_indices = #map1}]} {
    %mul3A = arith.constant 16 : i32
    %mul3A_0 = arith.muli %arg0, %mul3A : i32
    %add3A = arith.addi %mul3A_0, %arg1 : i32
    %mul3A_1 = arith.constant 624 : i32
    %mul3A_2 = arith.muli %arg1, %mul3A_1 : i32
    "tpu.region"() ({
      %run_scoped3A = tpu.sem_alloc : memref<!tpu.dma_semaphore, #tpu.memory_space<semaphore_mem>>
      %dma_start3A_56 = arith.constant 0 : i32
      %dma_start3A_57 = arith.constant 0 : i32
      %dma_start3A_58 = tpu.memref_slice %arg3[%add3A, %dma_start3A_56, %dma_start3A_57] : memref<32x20x512xi32, #tpu.memory_space<hbm>> -> memref<1x10x512xi32, #tpu.memory_space<hbm>>
      %dma_start3A_59 = tpu.memref_squeeze %dma_start3A_58 : memref<1x10x512xi32, #tpu.memory_space<hbm>> -> memref<10x512xi32, #tpu.memory_space<hbm>>
      %dma_start3A_60 = arith.constant 0 : i32
      %dma_start3A_61 = arith.constant 0 : i32
      %dma_start3A_62 = tpu.memref_slice %arg3[%add3A, %dma_start3A_60, %dma_start3A_61] : memref<32x20x512xi32, #tpu.memory_space<hbm>> -> memref<1x10x512xi32, #tpu.memory_space<hbm>>
      %dma_start3A_63 = tpu.memref_squeeze %dma_start3A_62 : memref<1x10x512xi32, #tpu.memory_space<hbm>> -> memref<10x512xi32, #tpu.memory_space<hbm>>
      tpu.enqueue_dma source(%dma_start3A_63 : memref<10x512xi32, #tpu.memory_space<hbm>>) target(%arg7 : memref<10x512xi32, #tpu.memory_space<vmem>>) target_semaphore(%run_scoped3A : memref<!tpu.dma_semaphore, #tpu.memory_space<semaphore_mem>>)
      %dma_wait3A = arith.constant 0 : i32
      %dma_wait3A_64 = arith.constant 0 : i32
      %dma_wait3A_65 = tpu.memref_slice %arg3[%add3A, %dma_wait3A, %dma_wait3A_64] : memref<32x20x512xi32, #tpu.memory_space<hbm>> -> memref<1x10x512xi32, #tpu.memory_space<hbm>>
      %dma_wait3A_66 = tpu.memref_squeeze %dma_wait3A_65 : memref<1x10x512xi32, #tpu.memory_space<hbm>> -> memref<10x512xi32, #tpu.memory_space<hbm>>
      %dma_wait3A_67 = arith.constant 0 : i32
      %dma_wait3A_68 = arith.constant 0 : i32
      %dma_wait3A_69 = tpu.memref_slice %arg3[%add3A, %dma_wait3A_67, %dma_wait3A_68] : memref<32x20x512xi32, #tpu.memory_space<hbm>> -> memref<1x10x512xi32, #tpu.memory_space<hbm>>
      %dma_wait3A_70 = tpu.memref_squeeze %dma_wait3A_69 : memref<1x10x512xi32, #tpu.memory_space<hbm>> -> memref<10x512xi32, #tpu.memory_space<hbm>>
      tpu.wait_dma2 semaphore(%run_scoped3A : memref<!tpu.dma_semaphore, #tpu.memory_space<semaphore_mem>>) src(%dma_wait3A_70 : memref<10x512xi32, #tpu.memory_space<hbm>>) dst(%arg7 : memref<10x512xi32, #tpu.memory_space<vmem>>)
      tpu.yield
    }) : () -> ()
    "tpu.region"() ({
      %run_scoped3A = tpu.sem_alloc : memref<!tpu.dma_semaphore, #tpu.memory_space<semaphore_mem>>
      %dma_start3A_56 = arith.constant 0 : i32
      %dma_start3A_57 = arith.constant 0 : i32
      %dma_start3A_58 = arith.constant 0 : i32
      %dma_start3A_59 = tpu.memref_slice %arg4[%add3A, %dma_start3A_56, %dma_start3A_57, %dma_start3A_58] : memref<32x20x4x128xi32, #tpu.memory_space<hbm>> -> memref<1x10x4x128xi32, #tpu.memory_space<hbm>>
      %dma_start3A_60 = tpu.memref_squeeze %dma_start3A_59 : memref<1x10x4x128xi32, #tpu.memory_space<hbm>> -> memref<10x4x128xi32, #tpu.memory_space<hbm>>
      %dma_start3A_61 = arith.constant 0 : i32
      %dma_start3A_62 = arith.constant 0 : i32
      %dma_start3A_63 = arith.constant 0 : i32
      %dma_start3A_64 = tpu.memref_slice %arg4[%add3A, %dma_start3A_61, %dma_start3A_62, %dma_start3A_63] : memref<32x20x4x128xi32, #tpu.memory_space<hbm>> -> memref<1x10x4x128xi32, #tpu.memory_space<hbm>>
      %dma_start3A_65 = tpu.memref_squeeze %dma_start3A_64 : memref<1x10x4x128xi32, #tpu.memory_space<hbm>> -> memref<10x4x128xi32, #tpu.memory_space<hbm>>
      tpu.enqueue_dma source(%dma_start3A_65 : memref<10x4x128xi32, #tpu.memory_space<hbm>>) target(%arg8 : memref<10x4x128xi32, #tpu.memory_space<vmem>>) target_semaphore(%run_scoped3A : memref<!tpu.dma_semaphore, #tpu.memory_space<semaphore_mem>>)
      %dma_wait3A = arith.constant 0 : i32
      %dma_wait3A_66 = arith.constant 0 : i32
      %dma_wait3A_67 = arith.constant 0 : i32
      %dma_wait3A_68 = tpu.memref_slice %arg4[%add3A, %dma_wait3A, %dma_wait3A_66, %dma_wait3A_67] : memref<32x20x4x128xi32, #tpu.memory_space<hbm>> -> memref<1x10x4x128xi32, #tpu.memory_space<hbm>>
      %dma_wait3A_69 = tpu.memref_squeeze %dma_wait3A_68 : memref<1x10x4x128xi32, #tpu.memory_space<hbm>> -> memref<10x4x128xi32, #tpu.memory_space<hbm>>
      %dma_wait3A_70 = arith.constant 0 : i32
      %dma_wait3A_71 = arith.constant 0 : i32
      %dma_wait3A_72 = arith.constant 0 : i32
      %dma_wait3A_73 = tpu.memref_slice %arg4[%add3A, %dma_wait3A_70, %dma_wait3A_71, %dma_wait3A_72] : memref<32x20x4x128xi32, #tpu.memory_space<hbm>> -> memref<1x10x4x128xi32, #tpu.memory_space<hbm>>
      %dma_wait3A_74 = tpu.memref_squeeze %dma_wait3A_73 : memref<1x10x4x128xi32, #tpu.memory_space<hbm>> -> memref<10x4x128xi32, #tpu.memory_space<hbm>>
      tpu.wait_dma2 semaphore(%run_scoped3A : memref<!tpu.dma_semaphore, #tpu.memory_space<semaphore_mem>>) src(%dma_wait3A_74 : memref<10x4x128xi32, #tpu.memory_space<hbm>>) dst(%arg8 : memref<10x4x128xi32, #tpu.memory_space<vmem>>)
      tpu.yield
    }) : () -> ()
    "tpu.region"() ({
      %run_scoped3A = tpu.sem_alloc : memref<!tpu.dma_semaphore, #tpu.memory_space<semaphore_mem>>
      %dma_start3A_56 = arith.constant 0 : i32
      %dma_start3A_57 = arith.constant 0 : i32
      %dma_start3A_58 = tpu.memref_slice %arg5[%add3A, %dma_start3A_56, %dma_start3A_57] : memref<32x20x512xf32, #tpu.memory_space<hbm>> -> memref<1x10x512xf32, #tpu.memory_space<hbm>>
      %dma_start3A_59 = tpu.memref_squeeze %dma_start3A_58 : memref<1x10x512xf32, #tpu.memory_space<hbm>> -> memref<10x512xf32, #tpu.memory_space<hbm>>
      %dma_start3A_60 = arith.constant 0 : i32
      %dma_start3A_61 = arith.constant 0 : i32
      %dma_start3A_62 = tpu.memref_slice %arg5[%add3A, %dma_start3A_60, %dma_start3A_61] : memref<32x20x512xf32, #tpu.memory_space<hbm>> -> memref<1x10x512xf32, #tpu.memory_space<hbm>>
      %dma_start3A_63 = tpu.memref_squeeze %dma_start3A_62 : memref<1x10x512xf32, #tpu.memory_space<hbm>> -> memref<10x512xf32, #tpu.memory_space<hbm>>
      tpu.enqueue_dma source(%dma_start3A_63 : memref<10x512xf32, #tpu.memory_space<hbm>>) target(%arg9 : memref<10x512xf32, #tpu.memory_space<vmem>>) target_semaphore(%run_scoped3A : memref<!tpu.dma_semaphore, #tpu.memory_space<semaphore_mem>>)
      %dma_wait3A = arith.constant 0 : i32
      %dma_wait3A_64 = arith.constant 0 : i32
      %dma_wait3A_65 = tpu.memref_slice %arg5[%add3A, %dma_wait3A, %dma_wait3A_64] : memref<32x20x512xf32, #tpu.memory_space<hbm>> -> memref<1x10x512xf32, #tpu.memory_space<hbm>>
      %dma_wait3A_66 = tpu.memref_squeeze %dma_wait3A_65 : memref<1x10x512xf32, #tpu.memory_space<hbm>> -> memref<10x512xf32, #tpu.memory_space<hbm>>
      %dma_wait3A_67 = arith.constant 0 : i32
      %dma_wait3A_68 = arith.constant 0 : i32
      %dma_wait3A_69 = tpu.memref_slice %arg5[%add3A, %dma_wait3A_67, %dma_wait3A_68] : memref<32x20x512xf32, #tpu.memory_space<hbm>> -> memref<1x10x512xf32, #tpu.memory_space<hbm>>
      %dma_wait3A_70 = tpu.memref_squeeze %dma_wait3A_69 : memref<1x10x512xf32, #tpu.memory_space<hbm>> -> memref<10x512xf32, #tpu.memory_space<hbm>>
      tpu.wait_dma2 semaphore(%run_scoped3A : memref<!tpu.dma_semaphore, #tpu.memory_space<semaphore_mem>>) src(%dma_wait3A_70 : memref<10x512xf32, #tpu.memory_space<hbm>>) dst(%arg9 : memref<10x512xf32, #tpu.memory_space<vmem>>)
      tpu.yield
    }) : () -> ()
    %dma_start3A = arith.constant 0 : i32
    %dma_start3A_3 = arith.constant 0 : i32
    %dma_start3A_4 = tpu.memref_slice %arg7[%dma_start3A, %dma_start3A_3] : memref<10x512xi32, #tpu.memory_space<vmem>> -> memref<1x512xi32, #tpu.memory_space<vmem>>
    %dma_start3A_5 = tpu.memref_squeeze %dma_start3A_4 : memref<1x512xi32, #tpu.memory_space<vmem>> -> memref<512xi32, #tpu.memory_space<vmem>>
    %dma_start3A_6 = arith.constant 0 : i32
    %dma_start3A_7 = arith.constant 0 : i32
    %dma_start3A_8 = tpu.memref_slice %arg2[%dma_start3A_6, %dma_start3A_7] : memref<10000x16xf32, #tpu.memory_space<hbm>> -> memref<10000x16xf32, #tpu.memory_space<hbm>>
    tpu.enqueue_indirect_dma source(%dma_start3A_8 : memref<10000x16xf32, #tpu.memory_space<hbm>>) target(%arg10 : memref<512x16xf32, #tpu.memory_space<vmem>>) offsets(%dma_start3A_5 : memref<512xi32, #tpu.memory_space<vmem>>) semaphore(%arg14 : memref<!tpu.dma_semaphore, #tpu.memory_space<semaphore_mem>>)
    %dma_start3A_9 = arith.constant 1 : i32
    %dma_start3A_10 = arith.constant 0 : i32
    %dma_start3A_11 = tpu.memref_slice %arg7[%dma_start3A_9, %dma_start3A_10] : memref<10x512xi32, #tpu.memory_space<vmem>> -> memref<1x512xi32, #tpu.memory_space<vmem>>
    %dma_start3A_12 = tpu.memref_squeeze %dma_start3A_11 : memref<1x512xi32, #tpu.memory_space<vmem>> -> memref<512xi32, #tpu.memory_space<vmem>>
    %dma_start3A_13 = arith.constant 0 : i32
    %dma_start3A_14 = arith.constant 0 : i32
    %dma_start3A_15 = tpu.memref_slice %arg2[%dma_start3A_13, %dma_start3A_14] : memref<10000x16xf32, #tpu.memory_space<hbm>> -> memref<10000x16xf32, #tpu.memory_space<hbm>>
    tpu.enqueue_indirect_dma source(%dma_start3A_15 : memref<10000x16xf32, #tpu.memory_space<hbm>>) target(%arg11 : memref<512x16xf32, #tpu.memory_space<vmem>>) offsets(%dma_start3A_12 : memref<512xi32, #tpu.memory_space<vmem>>) semaphore(%arg15 : memref<!tpu.dma_semaphore, #tpu.memory_space<semaphore_mem>>)
    %scan3A = arith.constant 0 : i32
    %scan3A_16 = arith.constant 512 : i32
    %scan3A_17 = arith.addi %scan3A, %scan3A_16 : i32
    %scan3A_18 = arith.constant 1 : i32
    scf.for %scan3A_56 = %scan3A to %scan3A_17 step %scan3A_18  : i32 {
      %mul3A_57 = arith.constant 1 : i32
      %mul3A_58 = arith.muli %scan3A_56, %mul3A_57 : i32
      %add3A_59 = arith.constant 0 : i32
      %add3A_60 = arith.addi %add3A_59, %mul3A_58 : i32
      %broadcast_in_dim3A = arith.constant 0.000000e+00 : f32
      %broadcast_in_dim3A_61 = vector.broadcast %broadcast_in_dim3A : f32 to vector<16xf32>
      %swap3A = arith.index_cast %add3A_60 : i32 to index
      %swap3A_62 = arith.constant 0 : index
      %swap3A_63 = tpu.vector_load %arg12[%swap3A, %swap3A_62] {strides = array<i32>} : memref<512x16xf32, #tpu.memory_space<vmem>>, vector<16xf32>,
      tpu.vector_store %arg12[%swap3A, %swap3A_62], %broadcast_in_dim3A_61 {strides = array<i32>} : memref<512x16xf32, #tpu.memory_space<vmem>>, vector<16xf32>,
    }
    %scan3A_19 = arith.constant 512 : i32
    %add3A_20 = arith.constant 0 : i32
    %add3A_21 = arith.addi %mul3A_2, %add3A_20 : i32
    "tpu.region"() ({
      %run_scoped3A = tpu.sem_alloc : memref<!tpu.dma_semaphore, #tpu.memory_space<semaphore_mem>>
      %dma_start3A_56 = arith.constant 0 : i32
      %dma_start3A_57 = arith.constant 0 : i32
      %dma_start3A_58 = tpu.memref_slice %arg12[%dma_start3A_56, %dma_start3A_57] : memref<512x16xf32, #tpu.memory_space<vmem>> -> memref<512x16xf32, #tpu.memory_space<vmem>>
      %dma_start3A_59 = arith.constant 0 : i32
      %dma_start3A_60 = tpu.memref_slice %arg13[%add3A_21, %dma_start3A_59] : memref<10000x16xf32, #tpu.memory_space<vmem_shared>> -> memref<512x16xf32, #tpu.memory_space<vmem_shared>>
      %dma_start3A_61 = arith.constant 0 : i32
      %dma_start3A_62 = tpu.memref_slice %arg13[%add3A_21, %dma_start3A_61] : memref<10000x16xf32, #tpu.memory_space<vmem_shared>> -> memref<512x16xf32, #tpu.memory_space<vmem_shared>>
      %dma_start3A_63 = arith.constant 0 : i32
      %dma_start3A_64 = arith.constant 0 : i32
      %dma_start3A_65 = tpu.memref_slice %arg12[%dma_start3A_63, %dma_start3A_64] : memref<512x16xf32, #tpu.memory_space<vmem>> -> memref<512x16xf32, #tpu.memory_space<vmem>>
      tpu.enqueue_dma source(%dma_start3A_65 : memref<512x16xf32, #tpu.memory_space<vmem>>) target(%dma_start3A_62 : memref<512x16xf32, #tpu.memory_space<vmem_shared>>) target_semaphore(%run_scoped3A : memref<!tpu.dma_semaphore, #tpu.memory_space<semaphore_mem>>)
      %dma_wait3A = arith.constant 0 : i32
      %dma_wait3A_66 = arith.constant 0 : i32
      %dma_wait3A_67 = tpu.memref_slice %arg12[%dma_wait3A, %dma_wait3A_66] : memref<512x16xf32, #tpu.memory_space<vmem>> -> memref<512x16xf32, #tpu.memory_space<vmem>>
      %dma_wait3A_68 = arith.constant 0 : i32
      %dma_wait3A_69 = tpu.memref_slice %arg13[%add3A_21, %dma_wait3A_68] : memref<10000x16xf32, #tpu.memory_space<vmem_shared>> -> memref<512x16xf32, #tpu.memory_space<vmem_shared>>
      %dma_wait3A_70 = arith.constant 0 : i32
      %dma_wait3A_71 = tpu.memref_slice %arg13[%add3A_21, %dma_wait3A_70] : memref<10000x16xf32, #tpu.memory_space<vmem_shared>> -> memref<512x16xf32, #tpu.memory_space<vmem_shared>>
      %dma_wait3A_72 = arith.constant 0 : i32
      %dma_wait3A_73 = arith.constant 0 : i32
      %dma_wait3A_74 = tpu.memref_slice %arg12[%dma_wait3A_72, %dma_wait3A_73] : memref<512x16xf32, #tpu.memory_space<vmem>> -> memref<512x16xf32, #tpu.memory_space<vmem>>
      tpu.wait_dma2 semaphore(%run_scoped3A : memref<!tpu.dma_semaphore, #tpu.memory_space<semaphore_mem>>) src(%dma_wait3A_74 : memref<512x16xf32, #tpu.memory_space<vmem>>) dst(%dma_wait3A_71 : memref<512x16xf32, #tpu.memory_space<vmem_shared>>)
      tpu.yield
    }) : () -> ()
    %add3A_22 = arith.constant 512 : i32
    %add3A_23 = arith.addi %mul3A_2, %add3A_22 : i32
    "tpu.region"() ({
      %run_scoped3A = tpu.sem_alloc : memref<!tpu.dma_semaphore, #tpu.memory_space<semaphore_mem>>
      %dma_start3A_56 = arith.constant 0 : i32
      %dma_start3A_57 = arith.constant 0 : i32
      %dma_start3A_58 = tpu.memref_slice %arg12[%dma_start3A_56, %dma_start3A_57] : memref<512x16xf32, #tpu.memory_space<vmem>> -> memref<112x16xf32, #tpu.memory_space<vmem>>
      %dma_start3A_59 = arith.constant 0 : i32
      %dma_start3A_60 = tpu.memref_slice %arg13[%add3A_23, %dma_start3A_59] : memref<10000x16xf32, #tpu.memory_space<vmem_shared>> -> memref<112x16xf32, #tpu.memory_space<vmem_shared>>
      %dma_start3A_61 = arith.constant 0 : i32
      %dma_start3A_62 = tpu.memref_slice %arg13[%add3A_23, %dma_start3A_61] : memref<10000x16xf32, #tpu.memory_space<vmem_shared>> -> memref<112x16xf32, #tpu.memory_space<vmem_shared>>
      %dma_start3A_63 = arith.constant 0 : i32
      %dma_start3A_64 = arith.constant 0 : i32
      %dma_start3A_65 = tpu.memref_slice %arg12[%dma_start3A_63, %dma_start3A_64] : memref<512x16xf32, #tpu.memory_space<vmem>> -> memref<112x16xf32, #tpu.memory_space<vmem>>
      tpu.enqueue_dma source(%dma_start3A_65 : memref<112x16xf32, #tpu.memory_space<vmem>>) target(%dma_start3A_62 : memref<112x16xf32, #tpu.memory_space<vmem_shared>>) target_semaphore(%run_scoped3A : memref<!tpu.dma_semaphore, #tpu.memory_space<semaphore_mem>>)
      %dma_wait3A = arith.constant 0 : i32
      %dma_wait3A_66 = arith.constant 0 : i32
      %dma_wait3A_67 = tpu.memref_slice %arg12[%dma_wait3A, %dma_wait3A_66] : memref<512x16xf32, #tpu.memory_space<vmem>> -> memref<112x16xf32, #tpu.memory_space<vmem>>
      %dma_wait3A_68 = arith.constant 0 : i32
      %dma_wait3A_69 = tpu.memref_slice %arg13[%add3A_23, %dma_wait3A_68] : memref<10000x16xf32, #tpu.memory_space<vmem_shared>> -> memref<112x16xf32, #tpu.memory_space<vmem_shared>>
      %dma_wait3A_70 = arith.constant 0 : i32
      %dma_wait3A_71 = tpu.memref_slice %arg13[%add3A_23, %dma_wait3A_70] : memref<10000x16xf32, #tpu.memory_space<vmem_shared>> -> memref<112x16xf32, #tpu.memory_space<vmem_shared>>
      %dma_wait3A_72 = arith.constant 0 : i32
      %dma_wait3A_73 = arith.constant 0 : i32
      %dma_wait3A_74 = tpu.memref_slice %arg12[%dma_wait3A_72, %dma_wait3A_73] : memref<512x16xf32, #tpu.memory_space<vmem>> -> memref<112x16xf32, #tpu.memory_space<vmem>>
      tpu.wait_dma2 semaphore(%run_scoped3A : memref<!tpu.dma_semaphore, #tpu.memory_space<semaphore_mem>>) src(%dma_wait3A_74 : memref<112x16xf32, #tpu.memory_space<vmem>>) dst(%dma_wait3A_71 : memref<112x16xf32, #tpu.memory_space<vmem_shared>>)
      tpu.yield
    }) : () -> ()
    %eq3A = arith.constant 15 : i32
    %eq3A_24 = arith.cmpi eq, %arg1, %eq3A : i32
    %convert_element_type3A = arith.extui %eq3A_24 : i1 to i32
    %cond3A = arith.constant 0 : i32
    %cond3A_25 = arith.cmpi ne, %convert_element_type3A, %cond3A : i32
    scf.if %cond3A_25 {
      "tpu.region"() ({
        %run_scoped3A = tpu.sem_alloc : memref<!tpu.dma_semaphore, #tpu.memory_space<semaphore_mem>>
        %dma_start3A_56 = arith.constant 0 : i32
        %dma_start3A_57 = arith.constant 0 : i32
        %dma_start3A_58 = tpu.memref_slice %arg12[%dma_start3A_56, %dma_start3A_57] : memref<512x16xf32, #tpu.memory_space<vmem>> -> memref<16x16xf32, #tpu.memory_space<vmem>>
        %dma_start3A_59 = arith.constant 9984 : i32
        %dma_start3A_60 = arith.constant 0 : i32
        %dma_start3A_61 = tpu.memref_slice %arg13[%dma_start3A_59, %dma_start3A_60] : memref<10000x16xf32, #tpu.memory_space<vmem_shared>> -> memref<16x16xf32, #tpu.memory_space<vmem_shared>>
        %dma_start3A_62 = arith.constant 9984 : i32
        %dma_start3A_63 = arith.constant 0 : i32
        %dma_start3A_64 = tpu.memref_slice %arg13[%dma_start3A_62, %dma_start3A_63] : memref<10000x16xf32, #tpu.memory_space<vmem_shared>> -> memref<16x16xf32, #tpu.memory_space<vmem_shared>>
        %dma_start3A_65 = arith.constant 0 : i32
        %dma_start3A_66 = arith.constant 0 : i32
        %dma_start3A_67 = tpu.memref_slice %arg12[%dma_start3A_65, %dma_start3A_66] : memref<512x16xf32, #tpu.memory_space<vmem>> -> memref<16x16xf32, #tpu.memory_space<vmem>>
        tpu.enqueue_dma source(%dma_start3A_67 : memref<16x16xf32, #tpu.memory_space<vmem>>) target(%dma_start3A_64 : memref<16x16xf32, #tpu.memory_space<vmem_shared>>) target_semaphore(%run_scoped3A : memref<!tpu.dma_semaphore, #tpu.memory_space<semaphore_mem>>)
        %dma_wait3A = arith.constant 0 : i32
        %dma_wait3A_68 = arith.constant 0 : i32
        %dma_wait3A_69 = tpu.memref_slice %arg12[%dma_wait3A, %dma_wait3A_68] : memref<512x16xf32, #tpu.memory_space<vmem>> -> memref<16x16xf32, #tpu.memory_space<vmem>>
        %dma_wait3A_70 = arith.constant 9984 : i32
        %dma_wait3A_71 = arith.constant 0 : i32
        %dma_wait3A_72 = tpu.memref_slice %arg13[%dma_wait3A_70, %dma_wait3A_71] : memref<10000x16xf32, #tpu.memory_space<vmem_shared>> -> memref<16x16xf32, #tpu.memory_space<vmem_shared>>
        %dma_wait3A_73 = arith.constant 9984 : i32
        %dma_wait3A_74 = arith.constant 0 : i32
        %dma_wait3A_75 = tpu.memref_slice %arg13[%dma_wait3A_73, %dma_wait3A_74] : memref<10000x16xf32, #tpu.memory_space<vmem_shared>> -> memref<16x16xf32, #tpu.memory_space<vmem_shared>>
        %dma_wait3A_76 = arith.constant 0 : i32
        %dma_wait3A_77 = arith.constant 0 : i32
        %dma_wait3A_78 = tpu.memref_slice %arg12[%dma_wait3A_76, %dma_wait3A_77] : memref<512x16xf32, #tpu.memory_space<vmem>> -> memref<16x16xf32, #tpu.memory_space<vmem>>
        tpu.wait_dma2 semaphore(%run_scoped3A : memref<!tpu.dma_semaphore, #tpu.memory_space<semaphore_mem>>) src(%dma_wait3A_78 : memref<16x16xf32, #tpu.memory_space<vmem>>) dst(%dma_wait3A_75 : memref<16x16xf32, #tpu.memory_space<vmem_shared>>)
        tpu.yield
      }) : () -> ()
    } else {
    }
    %barrier3A = arith.constant 0 : index
    tpu.barrier barrier_id(%barrier3A)
    %scan3A_26 = arith.constant 0 : i32
    %scan3A_27 = arith.constant 5 : i32
    %scan3A_28 = arith.addi %scan3A_26, %scan3A_27 : i32
    %scan3A_29 = arith.constant 1 : i32
    scf.for %scan3A_56 = %scan3A_26 to %scan3A_28 step %scan3A_29  : i32 {
      %mul3A_57 = arith.constant 2 : i32
      %mul3A_58 = arith.muli %scan3A_56, %mul3A_57 : i32
      %add3A_59 = arith.constant 0 : i32
      %add3A_60 = arith.addi %add3A_59, %mul3A_58 : i32
      %add3A_61 = arith.constant 0 : i32
      %add3A_62 = arith.addi %add3A_60, %add3A_61 : i32
      %dma_wait3A = arith.constant 0 : i32
      %dma_wait3A_63 = tpu.memref_slice %arg7[%add3A_62, %dma_wait3A] : memref<10x512xi32, #tpu.memory_space<vmem>> -> memref<1x512xi32, #tpu.memory_space<vmem>>
      %dma_wait3A_64 = tpu.memref_squeeze %dma_wait3A_63 : memref<1x512xi32, #tpu.memory_space<vmem>> -> memref<512xi32, #tpu.memory_space<vmem>>
      %dma_wait3A_65 = arith.constant 0 : i32
      %dma_wait3A_66 = arith.constant 0 : i32
      %dma_wait3A_67 = tpu.memref_slice %arg2[%dma_wait3A_65, %dma_wait3A_66] : memref<10000x16xf32, #tpu.memory_space<hbm>> -> memref<10000x16xf32, #tpu.memory_space<hbm>>
      tpu.wait_indirect_dma semaphore(%arg14 : memref<!tpu.dma_semaphore, #tpu.memory_space<semaphore_mem>>) src(%dma_wait3A_67 : memref<10000x16xf32, #tpu.memory_space<hbm>>) dst(%arg10 : memref<512x16xf32, #tpu.memory_space<vmem>>)
      %parallel_loop3A = arith.constant 0 : i32
      %parallel_loop3A_68 = arith.constant 512 : i32
      %parallel_loop3A_69 = arith.constant 1 : i32
      scf.for %parallel_loop3A_101 = %parallel_loop3A to %parallel_loop3A_68 step %parallel_loop3A_69  : i32 {
        %parallel_loop3A_102 = vector.broadcast %add3A_62 : i32 to vector<16xi32>
        %parallel_loop3A_103 = vector.broadcast %parallel_loop3A_101 : i32 to vector<16xi32>
        %parallel_loop3A_104 = tpu.vector_load_idx %arg9[%parallel_loop3A_102, %parallel_loop3A_103] : memref<10x512xf32, #tpu.memory_space<vmem>>[vector<16xi32>, vector<16xi32>], vector<16xf32>,
        %parallel_loop3A_105 = arith.index_cast %parallel_loop3A_101 : i32 to index
        %parallel_loop3A_106 = arith.constant 0 : index
        %parallel_loop3A_107 = tpu.vector_load %arg10[%parallel_loop3A_105, %parallel_loop3A_106] {strides = array<i32>} : memref<512x16xf32, #tpu.memory_space<vmem>>, vector<16xf32>,
        %parallel_loop3A_108 = arith.mulf %parallel_loop3A_107, %parallel_loop3A_104 : vector<16xf32>
        %parallel_loop3A_109 = arith.index_cast %parallel_loop3A_101 : i32 to index
        %parallel_loop3A_110 = arith.constant 0 : index
        %parallel_loop3A_111 = tpu.vector_load %arg10[%parallel_loop3A_109, %parallel_loop3A_110] {strides = array<i32>} : memref<512x16xf32, #tpu.memory_space<vmem>>, vector<16xf32>,
        tpu.vector_store %arg10[%parallel_loop3A_109, %parallel_loop3A_110], %parallel_loop3A_108 {strides = array<i32>} : memref<512x16xf32, #tpu.memory_space<vmem>>, vector<16xf32>,
      } {sc.loop_unroll_factor = 4 : i64, sc.parallel_access}
      %run_scoped3A = arith.constant 0 : i32
      "tpu.region"() ({
        %run_scoped3A_101 = tpu.sem_alloc : memref<!tpu.dma_semaphore, #tpu.memory_space<semaphore_mem>>
        %dma_start3A_102 = arith.constant 0 : i32
        %dma_start3A_103 = arith.constant 0 : i32
        %dma_start3A_104 = tpu.memref_slice %arg10[%dma_start3A_102, %dma_start3A_103] : memref<512x16xf32, #tpu.memory_space<vmem>> -> memref<128x16xf32, #tpu.memory_space<vmem>>
        %dma_start3A_105 = arith.constant 0 : i32
        %dma_start3A_106 = tpu.memref_slice %arg8[%add3A_62, %run_scoped3A, %dma_start3A_105] : memref<10x4x128xi32, #tpu.memory_space<vmem>> -> memref<1x1x128xi32, #tpu.memory_space<vmem>>
        %dma_start3A_107 = tpu.memref_squeeze %dma_start3A_106 : memref<1x1x128xi32, #tpu.memory_space<vmem>> -> memref<128xi32, #tpu.memory_space<vmem>>
        %dma_start3A_108 = arith.constant 0 : i32
        %dma_start3A_109 = arith.constant 0 : i32
        %dma_start3A_110 = tpu.memref_slice %arg13[%dma_start3A_108, %dma_start3A_109] : memref<10000x16xf32, #tpu.memory_space<vmem_shared>> -> memref<10000x16xf32, #tpu.memory_space<vmem_shared>>
        tpu.enqueue_indirect_dma source(%dma_start3A_104 : memref<128x16xf32, #tpu.memory_space<vmem>>) target(%dma_start3A_110 : memref<10000x16xf32, #tpu.memory_space<vmem_shared>>) offsets(%dma_start3A_107 : memref<128xi32, #tpu.memory_space<vmem>>) semaphore(%run_scoped3A_101 : memref<!tpu.dma_semaphore, #tpu.memory_space<semaphore_mem>>) {add = true}
        %dma_wait3A_111 = arith.constant 0 : i32
        %dma_wait3A_112 = arith.constant 0 : i32
        %dma_wait3A_113 = tpu.memref_slice %arg10[%dma_wait3A_111, %dma_wait3A_112] : memref<512x16xf32, #tpu.memory_space<vmem>> -> memref<128x16xf32, #tpu.memory_space<vmem>>
        %dma_wait3A_114 = arith.constant 0 : i32
        %dma_wait3A_115 = tpu.memref_slice %arg8[%add3A_62, %run_scoped3A, %dma_wait3A_114] : memref<10x4x128xi32, #tpu.memory_space<vmem>> -> memref<1x1x128xi32, #tpu.memory_space<vmem>>
        %dma_wait3A_116 = tpu.memref_squeeze %dma_wait3A_115 : memref<1x1x128xi32, #tpu.memory_space<vmem>> -> memref<128xi32, #tpu.memory_space<vmem>>
        %dma_wait3A_117 = arith.constant 0 : i32
        %dma_wait3A_118 = arith.constant 0 : i32
        %dma_wait3A_119 = tpu.memref_slice %arg13[%dma_wait3A_117, %dma_wait3A_118] : memref<10000x16xf32, #tpu.memory_space<vmem_shared>> -> memref<10000x16xf32, #tpu.memory_space<vmem_shared>>
        tpu.wait_indirect_dma semaphore(%run_scoped3A_101 : memref<!tpu.dma_semaphore, #tpu.memory_space<semaphore_mem>>) src(%dma_wait3A_113 : memref<128x16xf32, #tpu.memory_space<vmem>>) dst(%dma_wait3A_119 : memref<10000x16xf32, #tpu.memory_space<vmem_shared>>)
        tpu.yield
      }) : () -> ()
      %run_scoped3A_70 = arith.constant 1 : i32
      "tpu.region"() ({
        %run_scoped3A_101 = tpu.sem_alloc : memref<!tpu.dma_semaphore, #tpu.memory_space<semaphore_mem>>
        %dma_start3A_102 = arith.constant 128 : i32
        %dma_start3A_103 = arith.constant 0 : i32
        %dma_start3A_104 = tpu.memref_slice %arg10[%dma_start3A_102, %dma_start3A_103] : memref<512x16xf32, #tpu.memory_space<vmem>> -> memref<128x16xf32, #tpu.memory_space<vmem>>
        %dma_start3A_105 = arith.constant 0 : i32
        %dma_start3A_106 = tpu.memref_slice %arg8[%add3A_62, %run_scoped3A_70, %dma_start3A_105] : memref<10x4x128xi32, #tpu.memory_space<vmem>> -> memref<1x1x128xi32, #tpu.memory_space<vmem>>
        %dma_start3A_107 = tpu.memref_squeeze %dma_start3A_106 : memref<1x1x128xi32, #tpu.memory_space<vmem>> -> memref<128xi32, #tpu.memory_space<vmem>>
        %dma_start3A_108 = arith.constant 0 : i32
        %dma_start3A_109 = arith.constant 0 : i32
        %dma_start3A_110 = tpu.memref_slice %arg13[%dma_start3A_108, %dma_start3A_109] : memref<10000x16xf32, #tpu.memory_space<vmem_shared>> -> memref<10000x16xf32, #tpu.memory_space<vmem_shared>>
        tpu.enqueue_indirect_dma source(%dma_start3A_104 : memref<128x16xf32, #tpu.memory_space<vmem>>) target(%dma_start3A_110 : memref<10000x16xf32, #tpu.memory_space<vmem_shared>>) offsets(%dma_start3A_107 : memref<128xi32, #tpu.memory_space<vmem>>) semaphore(%run_scoped3A_101 : memref<!tpu.dma_semaphore, #tpu.memory_space<semaphore_mem>>) {add = true}
        %dma_wait3A_111 = arith.constant 128 : i32
        %dma_wait3A_112 = arith.constant 0 : i32
        %dma_wait3A_113 = tpu.memref_slice %arg10[%dma_wait3A_111, %dma_wait3A_112] : memref<512x16xf32, #tpu.memory_space<vmem>> -> memref<128x16xf32, #tpu.memory_space<vmem>>
        %dma_wait3A_114 = arith.constant 0 : i32
        %dma_wait3A_115 = tpu.memref_slice %arg8[%add3A_62, %run_scoped3A_70, %dma_wait3A_114] : memref<10x4x128xi32, #tpu.memory_space<vmem>> -> memref<1x1x128xi32, #tpu.memory_space<vmem>>
        %dma_wait3A_116 = tpu.memref_squeeze %dma_wait3A_115 : memref<1x1x128xi32, #tpu.memory_space<vmem>> -> memref<128xi32, #tpu.memory_space<vmem>>
        %dma_wait3A_117 = arith.constant 0 : i32
        %dma_wait3A_118 = arith.constant 0 : i32
        %dma_wait3A_119 = tpu.memref_slice %arg13[%dma_wait3A_117, %dma_wait3A_118] : memref<10000x16xf32, #tpu.memory_space<vmem_shared>> -> memref<10000x16xf32, #tpu.memory_space<vmem_shared>>
        tpu.wait_indirect_dma semaphore(%run_scoped3A_101 : memref<!tpu.dma_semaphore, #tpu.memory_space<semaphore_mem>>) src(%dma_wait3A_113 : memref<128x16xf32, #tpu.memory_space<vmem>>) dst(%dma_wait3A_119 : memref<10000x16xf32, #tpu.memory_space<vmem_shared>>)
        tpu.yield
      }) : () -> ()
      %run_scoped3A_71 = arith.constant 2 : i32
      "tpu.region"() ({
        %run_scoped3A_101 = tpu.sem_alloc : memref<!tpu.dma_semaphore, #tpu.memory_space<semaphore_mem>>
        %dma_start3A_102 = arith.constant 256 : i32
        %dma_start3A_103 = arith.constant 0 : i32
        %dma_start3A_104 = tpu.memref_slice %arg10[%dma_start3A_102, %dma_start3A_103] : memref<512x16xf32, #tpu.memory_space<vmem>> -> memref<128x16xf32, #tpu.memory_space<vmem>>
        %dma_start3A_105 = arith.constant 0 : i32
        %dma_start3A_106 = tpu.memref_slice %arg8[%add3A_62, %run_scoped3A_71, %dma_start3A_105] : memref<10x4x128xi32, #tpu.memory_space<vmem>> -> memref<1x1x128xi32, #tpu.memory_space<vmem>>
        %dma_start3A_107 = tpu.memref_squeeze %dma_start3A_106 : memref<1x1x128xi32, #tpu.memory_space<vmem>> -> memref<128xi32, #tpu.memory_space<vmem>>
        %dma_start3A_108 = arith.constant 0 : i32
        %dma_start3A_109 = arith.constant 0 : i32
        %dma_start3A_110 = tpu.memref_slice %arg13[%dma_start3A_108, %dma_start3A_109] : memref<10000x16xf32, #tpu.memory_space<vmem_shared>> -> memref<10000x16xf32, #tpu.memory_space<vmem_shared>>
        tpu.enqueue_indirect_dma source(%dma_start3A_104 : memref<128x16xf32, #tpu.memory_space<vmem>>) target(%dma_start3A_110 : memref<10000x16xf32, #tpu.memory_space<vmem_shared>>) offsets(%dma_start3A_107 : memref<128xi32, #tpu.memory_space<vmem>>) semaphore(%run_scoped3A_101 : memref<!tpu.dma_semaphore, #tpu.memory_space<semaphore_mem>>) {add = true}
        %dma_wait3A_111 = arith.constant 256 : i32
        %dma_wait3A_112 = arith.constant 0 : i32
        %dma_wait3A_113 = tpu.memref_slice %arg10[%dma_wait3A_111, %dma_wait3A_112] : memref<512x16xf32, #tpu.memory_space<vmem>> -> memref<128x16xf32, #tpu.memory_space<vmem>>
        %dma_wait3A_114 = arith.constant 0 : i32
        %dma_wait3A_115 = tpu.memref_slice %arg8[%add3A_62, %run_scoped3A_71, %dma_wait3A_114] : memref<10x4x128xi32, #tpu.memory_space<vmem>> -> memref<1x1x128xi32, #tpu.memory_space<vmem>>
        %dma_wait3A_116 = tpu.memref_squeeze %dma_wait3A_115 : memref<1x1x128xi32, #tpu.memory_space<vmem>> -> memref<128xi32, #tpu.memory_space<vmem>>
        %dma_wait3A_117 = arith.constant 0 : i32
        %dma_wait3A_118 = arith.constant 0 : i32
        %dma_wait3A_119 = tpu.memref_slice %arg13[%dma_wait3A_117, %dma_wait3A_118] : memref<10000x16xf32, #tpu.memory_space<vmem_shared>> -> memref<10000x16xf32, #tpu.memory_space<vmem_shared>>
        tpu.wait_indirect_dma semaphore(%run_scoped3A_101 : memref<!tpu.dma_semaphore, #tpu.memory_space<semaphore_mem>>) src(%dma_wait3A_113 : memref<128x16xf32, #tpu.memory_space<vmem>>) dst(%dma_wait3A_119 : memref<10000x16xf32, #tpu.memory_space<vmem_shared>>)
        tpu.yield
      }) : () -> ()
      %run_scoped3A_72 = arith.constant 3 : i32
      "tpu.region"() ({
        %run_scoped3A_101 = tpu.sem_alloc : memref<!tpu.dma_semaphore, #tpu.memory_space<semaphore_mem>>
        %dma_start3A_102 = arith.constant 384 : i32
        %dma_start3A_103 = arith.constant 0 : i32
        %dma_start3A_104 = tpu.memref_slice %arg10[%dma_start3A_102, %dma_start3A_103] : memref<512x16xf32, #tpu.memory_space<vmem>> -> memref<128x16xf32, #tpu.memory_space<vmem>>
        %dma_start3A_105 = arith.constant 0 : i32
        %dma_start3A_106 = tpu.memref_slice %arg8[%add3A_62, %run_scoped3A_72, %dma_start3A_105] : memref<10x4x128xi32, #tpu.memory_space<vmem>> -> memref<1x1x128xi32, #tpu.memory_space<vmem>>
        %dma_start3A_107 = tpu.memref_squeeze %dma_start3A_106 : memref<1x1x128xi32, #tpu.memory_space<vmem>> -> memref<128xi32, #tpu.memory_space<vmem>>
        %dma_start3A_108 = arith.constant 0 : i32
        %dma_start3A_109 = arith.constant 0 : i32
        %dma_start3A_110 = tpu.memref_slice %arg13[%dma_start3A_108, %dma_start3A_109] : memref<10000x16xf32, #tpu.memory_space<vmem_shared>> -> memref<10000x16xf32, #tpu.memory_space<vmem_shared>>
        tpu.enqueue_indirect_dma source(%dma_start3A_104 : memref<128x16xf32, #tpu.memory_space<vmem>>) target(%dma_start3A_110 : memref<10000x16xf32, #tpu.memory_space<vmem_shared>>) offsets(%dma_start3A_107 : memref<128xi32, #tpu.memory_space<vmem>>) semaphore(%run_scoped3A_101 : memref<!tpu.dma_semaphore, #tpu.memory_space<semaphore_mem>>) {add = true}
        %dma_wait3A_111 = arith.constant 384 : i32
        %dma_wait3A_112 = arith.constant 0 : i32
        %dma_wait3A_113 = tpu.memref_slice %arg10[%dma_wait3A_111, %dma_wait3A_112] : memref<512x16xf32, #tpu.memory_space<vmem>> -> memref<128x16xf32, #tpu.memory_space<vmem>>
        %dma_wait3A_114 = arith.constant 0 : i32
        %dma_wait3A_115 = tpu.memref_slice %arg8[%add3A_62, %run_scoped3A_72, %dma_wait3A_114] : memref<10x4x128xi32, #tpu.memory_space<vmem>> -> memref<1x1x128xi32, #tpu.memory_space<vmem>>
        %dma_wait3A_116 = tpu.memref_squeeze %dma_wait3A_115 : memref<1x1x128xi32, #tpu.memory_space<vmem>> -> memref<128xi32, #tpu.memory_space<vmem>>
        %dma_wait3A_117 = arith.constant 0 : i32
        %dma_wait3A_118 = arith.constant 0 : i32
        %dma_wait3A_119 = tpu.memref_slice %arg13[%dma_wait3A_117, %dma_wait3A_118] : memref<10000x16xf32, #tpu.memory_space<vmem_shared>> -> memref<10000x16xf32, #tpu.memory_space<vmem_shared>>
        tpu.wait_indirect_dma semaphore(%run_scoped3A_101 : memref<!tpu.dma_semaphore, #tpu.memory_space<semaphore_mem>>) src(%dma_wait3A_113 : memref<128x16xf32, #tpu.memory_space<vmem>>) dst(%dma_wait3A_119 : memref<10000x16xf32, #tpu.memory_space<vmem_shared>>)
        tpu.yield
      }) : () -> ()
      %add3A_73 = arith.constant 2 : i32
      %add3A_74 = arith.addi %add3A_62, %add3A_73 : i32
      %lt3A = arith.constant 10 : i32
      %lt3A_75 = arith.cmpi slt, %add3A_74, %lt3A : i32
      %convert_element_type3A_76 = arith.extui %lt3A_75 : i1 to i32
      %cond3A_77 = arith.constant 0 : i32
      %cond3A_78 = arith.cmpi ne, %convert_element_type3A_76, %cond3A_77 : i32
      scf.if %cond3A_78 {
        %add3A_101 = arith.constant 2 : i32
        %add3A_102 = arith.addi %add3A_62, %add3A_101 : i32
        %dma_start3A_103 = arith.constant 0 : i32
        %dma_start3A_104 = tpu.memref_slice %arg7[%add3A_102, %dma_start3A_103] : memref<10x512xi32, #tpu.memory_space<vmem>> -> memref<1x512xi32, #tpu.memory_space<vmem>>
        %dma_start3A_105 = tpu.memref_squeeze %dma_start3A_104 : memref<1x512xi32, #tpu.memory_space<vmem>> -> memref<512xi32, #tpu.memory_space<vmem>>
        %dma_start3A_106 = arith.constant 0 : i32
        %dma_start3A_107 = arith.constant 0 : i32
        %dma_start3A_108 = tpu.memref_slice %arg2[%dma_start3A_106, %dma_start3A_107] : memref<10000x16xf32, #tpu.memory_space<hbm>> -> memref<10000x16xf32, #tpu.memory_space<hbm>>
        tpu.enqueue_indirect_dma source(%dma_start3A_108 : memref<10000x16xf32, #tpu.memory_space<hbm>>) target(%arg10 : memref<512x16xf32, #tpu.memory_space<vmem>>) offsets(%dma_start3A_105 : memref<512xi32, #tpu.memory_space<vmem>>) semaphore(%arg14 : memref<!tpu.dma_semaphore, #tpu.memory_space<semaphore_mem>>)
      } else {
      }
      %add3A_79 = arith.constant 1 : i32
      %add3A_80 = arith.addi %add3A_60, %add3A_79 : i32
      %dma_wait3A_81 = arith.constant 0 : i32
      %dma_wait3A_82 = tpu.memref_slice %arg7[%add3A_80, %dma_wait3A_81] : memref<10x512xi32, #tpu.memory_space<vmem>> -> memref<1x512xi32, #tpu.memory_space<vmem>>
      %dma_wait3A_83 = tpu.memref_squeeze %dma_wait3A_82 : memref<1x512xi32, #tpu.memory_space<vmem>> -> memref<512xi32, #tpu.memory_space<vmem>>
      %dma_wait3A_84 = arith.constant 0 : i32
      %dma_wait3A_85 = arith.constant 0 : i32
      %dma_wait3A_86 = tpu.memref_slice %arg2[%dma_wait3A_84, %dma_wait3A_85] : memref<10000x16xf32, #tpu.memory_space<hbm>> -> memref<10000x16xf32, #tpu.memory_space<hbm>>
      tpu.wait_indirect_dma semaphore(%arg15 : memref<!tpu.dma_semaphore, #tpu.memory_space<semaphore_mem>>) src(%dma_wait3A_86 : memref<10000x16xf32, #tpu.memory_space<hbm>>) dst(%arg11 : memref<512x16xf32, #tpu.memory_space<vmem>>)
      %parallel_loop3A_87 = arith.constant 0 : i32
      %parallel_loop3A_88 = arith.constant 512 : i32
      %parallel_loop3A_89 = arith.constant 1 : i32
      scf.for %parallel_loop3A_101 = %parallel_loop3A_87 to %parallel_loop3A_88 step %parallel_loop3A_89  : i32 {
        %parallel_loop3A_102 = vector.broadcast %add3A_80 : i32 to vector<16xi32>
        %parallel_loop3A_103 = vector.broadcast %parallel_loop3A_101 : i32 to vector<16xi32>
        %parallel_loop3A_104 = tpu.vector_load_idx %arg9[%parallel_loop3A_102, %parallel_loop3A_103] : memref<10x512xf32, #tpu.memory_space<vmem>>[vector<16xi32>, vector<16xi32>], vector<16xf32>,
        %parallel_loop3A_105 = arith.index_cast %parallel_loop3A_101 : i32 to index
        %parallel_loop3A_106 = arith.constant 0 : index
        %parallel_loop3A_107 = tpu.vector_load %arg11[%parallel_loop3A_105, %parallel_loop3A_106] {strides = array<i32>} : memref<512x16xf32, #tpu.memory_space<vmem>>, vector<16xf32>,
        %parallel_loop3A_108 = arith.mulf %parallel_loop3A_107, %parallel_loop3A_104 : vector<16xf32>
        %parallel_loop3A_109 = arith.index_cast %parallel_loop3A_101 : i32 to index
        %parallel_loop3A_110 = arith.constant 0 : index
        %parallel_loop3A_111 = tpu.vector_load %arg11[%parallel_loop3A_109, %parallel_loop3A_110] {strides = array<i32>} : memref<512x16xf32, #tpu.memory_space<vmem>>, vector<16xf32>,
        tpu.vector_store %arg11[%parallel_loop3A_109, %parallel_loop3A_110], %parallel_loop3A_108 {strides = array<i32>} : memref<512x16xf32, #tpu.memory_space<vmem>>, vector<16xf32>,
      } {sc.loop_unroll_factor = 4 : i64, sc.parallel_access}
      %run_scoped3A_90 = arith.constant 0 : i32
      "tpu.region"() ({
        %run_scoped3A_101 = tpu.sem_alloc : memref<!tpu.dma_semaphore, #tpu.memory_space<semaphore_mem>>
        %dma_start3A_102 = arith.constant 0 : i32
        %dma_start3A_103 = arith.constant 0 : i32
        %dma_start3A_104 = tpu.memref_slice %arg11[%dma_start3A_102, %dma_start3A_103] : memref<512x16xf32, #tpu.memory_space<vmem>> -> memref<128x16xf32, #tpu.memory_space<vmem>>
        %dma_start3A_105 = arith.constant 0 : i32
        %dma_start3A_106 = tpu.memref_slice %arg8[%add3A_80, %run_scoped3A_90, %dma_start3A_105] : memref<10x4x128xi32, #tpu.memory_space<vmem>> -> memref<1x1x128xi32, #tpu.memory_space<vmem>>
        %dma_start3A_107 = tpu.memref_squeeze %dma_start3A_106 : memref<1x1x128xi32, #tpu.memory_space<vmem>> -> memref<128xi32, #tpu.memory_space<vmem>>
        %dma_start3A_108 = arith.constant 0 : i32
        %dma_start3A_109 = arith.constant 0 : i32
        %dma_start3A_110 = tpu.memref_slice %arg13[%dma_start3A_108, %dma_start3A_109] : memref<10000x16xf32, #tpu.memory_space<vmem_shared>> -> memref<10000x16xf32, #tpu.memory_space<vmem_shared>>
        tpu.enqueue_indirect_dma source(%dma_start3A_104 : memref<128x16xf32, #tpu.memory_space<vmem>>) target(%dma_start3A_110 : memref<10000x16xf32, #tpu.memory_space<vmem_shared>>) offsets(%dma_start3A_107 : memref<128xi32, #tpu.memory_space<vmem>>) semaphore(%run_scoped3A_101 : memref<!tpu.dma_semaphore, #tpu.memory_space<semaphore_mem>>) {add = true}
        %dma_wait3A_111 = arith.constant 0 : i32
        %dma_wait3A_112 = arith.constant 0 : i32
        %dma_wait3A_113 = tpu.memref_slice %arg11[%dma_wait3A_111, %dma_wait3A_112] : memref<512x16xf32, #tpu.memory_space<vmem>> -> memref<128x16xf32, #tpu.memory_space<vmem>>
        %dma_wait3A_114 = arith.constant 0 : i32
        %dma_wait3A_115 = tpu.memref_slice %arg8[%add3A_80, %run_scoped3A_90, %dma_wait3A_114] : memref<10x4x128xi32, #tpu.memory_space<vmem>> -> memref<1x1x128xi32, #tpu.memory_space<vmem>>
        %dma_wait3A_116 = tpu.memref_squeeze %dma_wait3A_115 : memref<1x1x128xi32, #tpu.memory_space<vmem>> -> memref<128xi32, #tpu.memory_space<vmem>>
        %dma_wait3A_117 = arith.constant 0 : i32
        %dma_wait3A_118 = arith.constant 0 : i32
        %dma_wait3A_119 = tpu.memref_slice %arg13[%dma_wait3A_117, %dma_wait3A_118] : memref<10000x16xf32, #tpu.memory_space<vmem_shared>> -> memref<10000x16xf32, #tpu.memory_space<vmem_shared>>
        tpu.wait_indirect_dma semaphore(%run_scoped3A_101 : memref<!tpu.dma_semaphore, #tpu.memory_space<semaphore_mem>>) src(%dma_wait3A_113 : memref<128x16xf32, #tpu.memory_space<vmem>>) dst(%dma_wait3A_119 : memref<10000x16xf32, #tpu.memory_space<vmem_shared>>)
        tpu.yield
      }) : () -> ()
      %run_scoped3A_91 = arith.constant 1 : i32
      "tpu.region"() ({
        %run_scoped3A_101 = tpu.sem_alloc : memref<!tpu.dma_semaphore, #tpu.memory_space<semaphore_mem>>
        %dma_start3A_102 = arith.constant 128 : i32
        %dma_start3A_103 = arith.constant 0 : i32
        %dma_start3A_104 = tpu.memref_slice %arg11[%dma_start3A_102, %dma_start3A_103] : memref<512x16xf32, #tpu.memory_space<vmem>> -> memref<128x16xf32, #tpu.memory_space<vmem>>
        %dma_start3A_105 = arith.constant 0 : i32
        %dma_start3A_106 = tpu.memref_slice %arg8[%add3A_80, %run_scoped3A_91, %dma_start3A_105] : memref<10x4x128xi32, #tpu.memory_space<vmem>> -> memref<1x1x128xi32, #tpu.memory_space<vmem>>
        %dma_start3A_107 = tpu.memref_squeeze %dma_start3A_106 : memref<1x1x128xi32, #tpu.memory_space<vmem>> -> memref<128xi32, #tpu.memory_space<vmem>>
        %dma_start3A_108 = arith.constant 0 : i32
        %dma_start3A_109 = arith.constant 0 : i32
        %dma_start3A_110 = tpu.memref_slice %arg13[%dma_start3A_108, %dma_start3A_109] : memref<10000x16xf32, #tpu.memory_space<vmem_shared>> -> memref<10000x16xf32, #tpu.memory_space<vmem_shared>>
        tpu.enqueue_indirect_dma source(%dma_start3A_104 : memref<128x16xf32, #tpu.memory_space<vmem>>) target(%dma_start3A_110 : memref<10000x16xf32, #tpu.memory_space<vmem_shared>>) offsets(%dma_start3A_107 : memref<128xi32, #tpu.memory_space<vmem>>) semaphore(%run_scoped3A_101 : memref<!tpu.dma_semaphore, #tpu.memory_space<semaphore_mem>>) {add = true}
        %dma_wait3A_111 = arith.constant 128 : i32
        %dma_wait3A_112 = arith.constant 0 : i32
        %dma_wait3A_113 = tpu.memref_slice %arg11[%dma_wait3A_111, %dma_wait3A_112] : memref<512x16xf32, #tpu.memory_space<vmem>> -> memref<128x16xf32, #tpu.memory_space<vmem>>
        %dma_wait3A_114 = arith.constant 0 : i32
        %dma_wait3A_115 = tpu.memref_slice %arg8[%add3A_80, %run_scoped3A_91, %dma_wait3A_114] : memref<10x4x128xi32, #tpu.memory_space<vmem>> -> memref<1x1x128xi32, #tpu.memory_space<vmem>>
        %dma_wait3A_116 = tpu.memref_squeeze %dma_wait3A_115 : memref<1x1x128xi32, #tpu.memory_space<vmem>> -> memref<128xi32, #tpu.memory_space<vmem>>
        %dma_wait3A_117 = arith.constant 0 : i32
        %dma_wait3A_118 = arith.constant 0 : i32
        %dma_wait3A_119 = tpu.memref_slice %arg13[%dma_wait3A_117, %dma_wait3A_118] : memref<10000x16xf32, #tpu.memory_space<vmem_shared>> -> memref<10000x16xf32, #tpu.memory_space<vmem_shared>>
        tpu.wait_indirect_dma semaphore(%run_scoped3A_101 : memref<!tpu.dma_semaphore, #tpu.memory_space<semaphore_mem>>) src(%dma_wait3A_113 : memref<128x16xf32, #tpu.memory_space<vmem>>) dst(%dma_wait3A_119 : memref<10000x16xf32, #tpu.memory_space<vmem_shared>>)
        tpu.yield
      }) : () -> ()
      %run_scoped3A_92 = arith.constant 2 : i32
      "tpu.region"() ({
        %run_scoped3A_101 = tpu.sem_alloc : memref<!tpu.dma_semaphore, #tpu.memory_space<semaphore_mem>>
        %dma_start3A_102 = arith.constant 256 : i32
        %dma_start3A_103 = arith.constant 0 : i32
        %dma_start3A_104 = tpu.memref_slice %arg11[%dma_start3A_102, %dma_start3A_103] : memref<512x16xf32, #tpu.memory_space<vmem>> -> memref<128x16xf32, #tpu.memory_space<vmem>>
        %dma_start3A_105 = arith.constant 0 : i32
        %dma_start3A_106 = tpu.memref_slice %arg8[%add3A_80, %run_scoped3A_92, %dma_start3A_105] : memref<10x4x128xi32, #tpu.memory_space<vmem>> -> memref<1x1x128xi32, #tpu.memory_space<vmem>>
        %dma_start3A_107 = tpu.memref_squeeze %dma_start3A_106 : memref<1x1x128xi32, #tpu.memory_space<vmem>> -> memref<128xi32, #tpu.memory_space<vmem>>
        %dma_start3A_108 = arith.constant 0 : i32
        %dma_start3A_109 = arith.constant 0 : i32
        %dma_start3A_110 = tpu.memref_slice %arg13[%dma_start3A_108, %dma_start3A_109] : memref<10000x16xf32, #tpu.memory_space<vmem_shared>> -> memref<10000x16xf32, #tpu.memory_space<vmem_shared>>
        tpu.enqueue_indirect_dma source(%dma_start3A_104 : memref<128x16xf32, #tpu.memory_space<vmem>>) target(%dma_start3A_110 : memref<10000x16xf32, #tpu.memory_space<vmem_shared>>) offsets(%dma_start3A_107 : memref<128xi32, #tpu.memory_space<vmem>>) semaphore(%run_scoped3A_101 : memref<!tpu.dma_semaphore, #tpu.memory_space<semaphore_mem>>) {add = true}
        %dma_wait3A_111 = arith.constant 256 : i32
        %dma_wait3A_112 = arith.constant 0 : i32
        %dma_wait3A_113 = tpu.memref_slice %arg11[%dma_wait3A_111, %dma_wait3A_112] : memref<512x16xf32, #tpu.memory_space<vmem>> -> memref<128x16xf32, #tpu.memory_space<vmem>>
        %dma_wait3A_114 = arith.constant 0 : i32
        %dma_wait3A_115 = tpu.memref_slice %arg8[%add3A_80, %run_scoped3A_92, %dma_wait3A_114] : memref<10x4x128xi32, #tpu.memory_space<vmem>> -> memref<1x1x128xi32, #tpu.memory_space<vmem>>
        %dma_wait3A_116 = tpu.memref_squeeze %dma_wait3A_115 : memref<1x1x128xi32, #tpu.memory_space<vmem>> -> memref<128xi32, #tpu.memory_space<vmem>>
        %dma_wait3A_117 = arith.constant 0 : i32
        %dma_wait3A_118 = arith.constant 0 : i32
        %dma_wait3A_119 = tpu.memref_slice %arg13[%dma_wait3A_117, %dma_wait3A_118] : memref<10000x16xf32, #tpu.memory_space<vmem_shared>> -> memref<10000x16xf32, #tpu.memory_space<vmem_shared>>
        tpu.wait_indirect_dma semaphore(%run_scoped3A_101 : memref<!tpu.dma_semaphore, #tpu.memory_space<semaphore_mem>>) src(%dma_wait3A_113 : memref<128x16xf32, #tpu.memory_space<vmem>>) dst(%dma_wait3A_119 : memref<10000x16xf32, #tpu.memory_space<vmem_shared>>)
        tpu.yield
      }) : () -> ()
      %run_scoped3A_93 = arith.constant 3 : i32
      "tpu.region"() ({
        %run_scoped3A_101 = tpu.sem_alloc : memref<!tpu.dma_semaphore, #tpu.memory_space<semaphore_mem>>
        %dma_start3A_102 = arith.constant 384 : i32
        %dma_start3A_103 = arith.constant 0 : i32
        %dma_start3A_104 = tpu.memref_slice %arg11[%dma_start3A_102, %dma_start3A_103] : memref<512x16xf32, #tpu.memory_space<vmem>> -> memref<128x16xf32, #tpu.memory_space<vmem>>
        %dma_start3A_105 = arith.constant 0 : i32
        %dma_start3A_106 = tpu.memref_slice %arg8[%add3A_80, %run_scoped3A_93, %dma_start3A_105] : memref<10x4x128xi32, #tpu.memory_space<vmem>> -> memref<1x1x128xi32, #tpu.memory_space<vmem>>
        %dma_start3A_107 = tpu.memref_squeeze %dma_start3A_106 : memref<1x1x128xi32, #tpu.memory_space<vmem>> -> memref<128xi32, #tpu.memory_space<vmem>>
        %dma_start3A_108 = arith.constant 0 : i32
        %dma_start3A_109 = arith.constant 0 : i32
        %dma_start3A_110 = tpu.memref_slice %arg13[%dma_start3A_108, %dma_start3A_109] : memref<10000x16xf32, #tpu.memory_space<vmem_shared>> -> memref<10000x16xf32, #tpu.memory_space<vmem_shared>>
        tpu.enqueue_indirect_dma source(%dma_start3A_104 : memref<128x16xf32, #tpu.memory_space<vmem>>) target(%dma_start3A_110 : memref<10000x16xf32, #tpu.memory_space<vmem_shared>>) offsets(%dma_start3A_107 : memref<128xi32, #tpu.memory_space<vmem>>) semaphore(%run_scoped3A_101 : memref<!tpu.dma_semaphore, #tpu.memory_space<semaphore_mem>>) {add = true}
        %dma_wait3A_111 = arith.constant 384 : i32
        %dma_wait3A_112 = arith.constant 0 : i32
        %dma_wait3A_113 = tpu.memref_slice %arg11[%dma_wait3A_111, %dma_wait3A_112] : memref<512x16xf32, #tpu.memory_space<vmem>> -> memref<128x16xf32, #tpu.memory_space<vmem>>
        %dma_wait3A_114 = arith.constant 0 : i32
        %dma_wait3A_115 = tpu.memref_slice %arg8[%add3A_80, %run_scoped3A_93, %dma_wait3A_114] : memref<10x4x128xi32, #tpu.memory_space<vmem>> -> memref<1x1x128xi32, #tpu.memory_space<vmem>>
        %dma_wait3A_116 = tpu.memref_squeeze %dma_wait3A_115 : memref<1x1x128xi32, #tpu.memory_space<vmem>> -> memref<128xi32, #tpu.memory_space<vmem>>
        %dma_wait3A_117 = arith.constant 0 : i32
        %dma_wait3A_118 = arith.constant 0 : i32
        %dma_wait3A_119 = tpu.memref_slice %arg13[%dma_wait3A_117, %dma_wait3A_118] : memref<10000x16xf32, #tpu.memory_space<vmem_shared>> -> memref<10000x16xf32, #tpu.memory_space<vmem_shared>>
        tpu.wait_indirect_dma semaphore(%run_scoped3A_101 : memref<!tpu.dma_semaphore, #tpu.memory_space<semaphore_mem>>) src(%dma_wait3A_113 : memref<128x16xf32, #tpu.memory_space<vmem>>) dst(%dma_wait3A_119 : memref<10000x16xf32, #tpu.memory_space<vmem_shared>>)
        tpu.yield
      }) : () -> ()
      %add3A_94 = arith.constant 2 : i32
      %add3A_95 = arith.addi %add3A_80, %add3A_94 : i32
      %lt3A_96 = arith.constant 10 : i32
      %lt3A_97 = arith.cmpi slt, %add3A_95, %lt3A_96 : i32
      %convert_element_type3A_98 = arith.extui %lt3A_97 : i1 to i32
      %cond3A_99 = arith.constant 0 : i32
      %cond3A_100 = arith.cmpi ne, %convert_element_type3A_98, %cond3A_99 : i32
      scf.if %cond3A_100 {
        %add3A_101 = arith.constant 2 : i32
        %add3A_102 = arith.addi %add3A_80, %add3A_101 : i32
        %dma_start3A_103 = arith.constant 0 : i32
        %dma_start3A_104 = tpu.memref_slice %arg7[%add3A_102, %dma_start3A_103] : memref<10x512xi32, #tpu.memory_space<vmem>> -> memref<1x512xi32, #tpu.memory_space<vmem>>
        %dma_start3A_105 = tpu.memref_squeeze %dma_start3A_104 : memref<1x512xi32, #tpu.memory_space<vmem>> -> memref<512xi32, #tpu.memory_space<vmem>>
        %dma_start3A_106 = arith.constant 0 : i32
        %dma_start3A_107 = arith.constant 0 : i32
        %dma_start3A_108 = tpu.memref_slice %arg2[%dma_start3A_106, %dma_start3A_107] : memref<10000x16xf32, #tpu.memory_space<hbm>> -> memref<10000x16xf32, #tpu.memory_space<hbm>>
        tpu.enqueue_indirect_dma source(%dma_start3A_108 : memref<10000x16xf32, #tpu.memory_space<hbm>>) target(%arg11 : memref<512x16xf32, #tpu.memory_space<vmem>>) offsets(%dma_start3A_105 : memref<512xi32, #tpu.memory_space<vmem>>) semaphore(%arg15 : memref<!tpu.dma_semaphore, #tpu.memory_space<semaphore_mem>>)
      } else {
      }
    }
    %scan3A_30 = arith.constant 5 : i32
    "tpu.region"() ({
      %run_scoped3A = tpu.sem_alloc : memref<!tpu.dma_semaphore, #tpu.memory_space<semaphore_mem>>
      %dma_start3A_56 = arith.constant 10 : i32
      %dma_start3A_57 = arith.constant 0 : i32
      %dma_start3A_58 = tpu.memref_slice %arg3[%add3A, %dma_start3A_56, %dma_start3A_57] : memref<32x20x512xi32, #tpu.memory_space<hbm>> -> memref<1x10x512xi32, #tpu.memory_space<hbm>>
      %dma_start3A_59 = tpu.memref_squeeze %dma_start3A_58 : memref<1x10x512xi32, #tpu.memory_space<hbm>> -> memref<10x512xi32, #tpu.memory_space<hbm>>
      %dma_start3A_60 = arith.constant 10 : i32
      %dma_start3A_61 = arith.constant 0 : i32
      %dma_start3A_62 = tpu.memref_slice %arg3[%add3A, %dma_start3A_60, %dma_start3A_61] : memref<32x20x512xi32, #tpu.memory_space<hbm>> -> memref<1x10x512xi32, #tpu.memory_space<hbm>>
      %dma_start3A_63 = tpu.memref_squeeze %dma_start3A_62 : memref<1x10x512xi32, #tpu.memory_space<hbm>> -> memref<10x512xi32, #tpu.memory_space<hbm>>
      tpu.enqueue_dma source(%dma_start3A_63 : memref<10x512xi32, #tpu.memory_space<hbm>>) target(%arg7 : memref<10x512xi32, #tpu.memory_space<vmem>>) target_semaphore(%run_scoped3A : memref<!tpu.dma_semaphore, #tpu.memory_space<semaphore_mem>>)
      %dma_wait3A = arith.constant 10 : i32
      %dma_wait3A_64 = arith.constant 0 : i32
      %dma_wait3A_65 = tpu.memref_slice %arg3[%add3A, %dma_wait3A, %dma_wait3A_64] : memref<32x20x512xi32, #tpu.memory_space<hbm>> -> memref<1x10x512xi32, #tpu.memory_space<hbm>>
      %dma_wait3A_66 = tpu.memref_squeeze %dma_wait3A_65 : memref<1x10x512xi32, #tpu.memory_space<hbm>> -> memref<10x512xi32, #tpu.memory_space<hbm>>
      %dma_wait3A_67 = arith.constant 10 : i32
      %dma_wait3A_68 = arith.constant 0 : i32
      %dma_wait3A_69 = tpu.memref_slice %arg3[%add3A, %dma_wait3A_67, %dma_wait3A_68] : memref<32x20x512xi32, #tpu.memory_space<hbm>> -> memref<1x10x512xi32, #tpu.memory_space<hbm>>
      %dma_wait3A_70 = tpu.memref_squeeze %dma_wait3A_69 : memref<1x10x512xi32, #tpu.memory_space<hbm>> -> memref<10x512xi32, #tpu.memory_space<hbm>>
      tpu.wait_dma2 semaphore(%run_scoped3A : memref<!tpu.dma_semaphore, #tpu.memory_space<semaphore_mem>>) src(%dma_wait3A_70 : memref<10x512xi32, #tpu.memory_space<hbm>>) dst(%arg7 : memref<10x512xi32, #tpu.memory_space<vmem>>)
      tpu.yield
    }) : () -> ()
    "tpu.region"() ({
      %run_scoped3A = tpu.sem_alloc : memref<!tpu.dma_semaphore, #tpu.memory_space<semaphore_mem>>
      %dma_start3A_56 = arith.constant 10 : i32
      %dma_start3A_57 = arith.constant 0 : i32
      %dma_start3A_58 = arith.constant 0 : i32
      %dma_start3A_59 = tpu.memref_slice %arg4[%add3A, %dma_start3A_56, %dma_start3A_57, %dma_start3A_58] : memref<32x20x4x128xi32, #tpu.memory_space<hbm>> -> memref<1x10x4x128xi32, #tpu.memory_space<hbm>>
      %dma_start3A_60 = tpu.memref_squeeze %dma_start3A_59 : memref<1x10x4x128xi32, #tpu.memory_space<hbm>> -> memref<10x4x128xi32, #tpu.memory_space<hbm>>
      %dma_start3A_61 = arith.constant 10 : i32
      %dma_start3A_62 = arith.constant 0 : i32
      %dma_start3A_63 = arith.constant 0 : i32
      %dma_start3A_64 = tpu.memref_slice %arg4[%add3A, %dma_start3A_61, %dma_start3A_62, %dma_start3A_63] : memref<32x20x4x128xi32, #tpu.memory_space<hbm>> -> memref<1x10x4x128xi32, #tpu.memory_space<hbm>>
      %dma_start3A_65 = tpu.memref_squeeze %dma_start3A_64 : memref<1x10x4x128xi32, #tpu.memory_space<hbm>> -> memref<10x4x128xi32, #tpu.memory_space<hbm>>
      tpu.enqueue_dma source(%dma_start3A_65 : memref<10x4x128xi32, #tpu.memory_space<hbm>>) target(%arg8 : memref<10x4x128xi32, #tpu.memory_space<vmem>>) target_semaphore(%run_scoped3A : memref<!tpu.dma_semaphore, #tpu.memory_space<semaphore_mem>>)
      %dma_wait3A = arith.constant 10 : i32
      %dma_wait3A_66 = arith.constant 0 : i32
      %dma_wait3A_67 = arith.constant 0 : i32
      %dma_wait3A_68 = tpu.memref_slice %arg4[%add3A, %dma_wait3A, %dma_wait3A_66, %dma_wait3A_67] : memref<32x20x4x128xi32, #tpu.memory_space<hbm>> -> memref<1x10x4x128xi32, #tpu.memory_space<hbm>>
      %dma_wait3A_69 = tpu.memref_squeeze %dma_wait3A_68 : memref<1x10x4x128xi32, #tpu.memory_space<hbm>> -> memref<10x4x128xi32, #tpu.memory_space<hbm>>
      %dma_wait3A_70 = arith.constant 10 : i32
      %dma_wait3A_71 = arith.constant 0 : i32
      %dma_wait3A_72 = arith.constant 0 : i32
      %dma_wait3A_73 = tpu.memref_slice %arg4[%add3A, %dma_wait3A_70, %dma_wait3A_71, %dma_wait3A_72] : memref<32x20x4x128xi32, #tpu.memory_space<hbm>> -> memref<1x10x4x128xi32, #tpu.memory_space<hbm>>
      %dma_wait3A_74 = tpu.memref_squeeze %dma_wait3A_73 : memref<1x10x4x128xi32, #tpu.memory_space<hbm>> -> memref<10x4x128xi32, #tpu.memory_space<hbm>>
      tpu.wait_dma2 semaphore(%run_scoped3A : memref<!tpu.dma_semaphore, #tpu.memory_space<semaphore_mem>>) src(%dma_wait3A_74 : memref<10x4x128xi32, #tpu.memory_space<hbm>>) dst(%arg8 : memref<10x4x128xi32, #tpu.memory_space<vmem>>)
      tpu.yield
    }) : () -> ()
    "tpu.region"() ({
      %run_scoped3A = tpu.sem_alloc : memref<!tpu.dma_semaphore, #tpu.memory_space<semaphore_mem>>
      %dma_start3A_56 = arith.constant 10 : i32
      %dma_start3A_57 = arith.constant 0 : i32
      %dma_start3A_58 = tpu.memref_slice %arg5[%add3A, %dma_start3A_56, %dma_start3A_57] : memref<32x20x512xf32, #tpu.memory_space<hbm>> -> memref<1x10x512xf32, #tpu.memory_space<hbm>>
      %dma_start3A_59 = tpu.memref_squeeze %dma_start3A_58 : memref<1x10x512xf32, #tpu.memory_space<hbm>> -> memref<10x512xf32, #tpu.memory_space<hbm>>
      %dma_start3A_60 = arith.constant 10 : i32
      %dma_start3A_61 = arith.constant 0 : i32
      %dma_start3A_62 = tpu.memref_slice %arg5[%add3A, %dma_start3A_60, %dma_start3A_61] : memref<32x20x512xf32, #tpu.memory_space<hbm>> -> memref<1x10x512xf32, #tpu.memory_space<hbm>>
      %dma_start3A_63 = tpu.memref_squeeze %dma_start3A_62 : memref<1x10x512xf32, #tpu.memory_space<hbm>> -> memref<10x512xf32, #tpu.memory_space<hbm>>
      tpu.enqueue_dma source(%dma_start3A_63 : memref<10x512xf32, #tpu.memory_space<hbm>>) target(%arg9 : memref<10x512xf32, #tpu.memory_space<vmem>>) target_semaphore(%run_scoped3A : memref<!tpu.dma_semaphore, #tpu.memory_space<semaphore_mem>>)
      %dma_wait3A = arith.constant 10 : i32
      %dma_wait3A_64 = arith.constant 0 : i32
      %dma_wait3A_65 = tpu.memref_slice %arg5[%add3A, %dma_wait3A, %dma_wait3A_64] : memref<32x20x512xf32, #tpu.memory_space<hbm>> -> memref<1x10x512xf32, #tpu.memory_space<hbm>>
      %dma_wait3A_66 = tpu.memref_squeeze %dma_wait3A_65 : memref<1x10x512xf32, #tpu.memory_space<hbm>> -> memref<10x512xf32, #tpu.memory_space<hbm>>
      %dma_wait3A_67 = arith.constant 10 : i32
      %dma_wait3A_68 = arith.constant 0 : i32
      %dma_wait3A_69 = tpu.memref_slice %arg5[%add3A, %dma_wait3A_67, %dma_wait3A_68] : memref<32x20x512xf32, #tpu.memory_space<hbm>> -> memref<1x10x512xf32, #tpu.memory_space<hbm>>
      %dma_wait3A_70 = tpu.memref_squeeze %dma_wait3A_69 : memref<1x10x512xf32, #tpu.memory_space<hbm>> -> memref<10x512xf32, #tpu.memory_space<hbm>>
      tpu.wait_dma2 semaphore(%run_scoped3A : memref<!tpu.dma_semaphore, #tpu.memory_space<semaphore_mem>>) src(%dma_wait3A_70 : memref<10x512xf32, #tpu.memory_space<hbm>>) dst(%arg9 : memref<10x512xf32, #tpu.memory_space<vmem>>)
      tpu.yield
    }) : () -> ()
    %dma_start3A_31 = arith.constant 0 : i32
    %dma_start3A_32 = arith.constant 0 : i32
    %dma_start3A_33 = tpu.memref_slice %arg7[%dma_start3A_31, %dma_start3A_32] : memref<10x512xi32, #tpu.memory_space<vmem>> -> memref<1x512xi32, #tpu.memory_space<vmem>>
    %dma_start3A_34 = tpu.memref_squeeze %dma_start3A_33 : memref<1x512xi32, #tpu.memory_space<vmem>> -> memref<512xi32, #tpu.memory_space<vmem>>
    %dma_start3A_35 = arith.constant 0 : i32
    %dma_start3A_36 = arith.constant 0 : i32
    %dma_start3A_37 = tpu.memref_slice %arg2[%dma_start3A_35, %dma_start3A_36] : memref<10000x16xf32, #tpu.memory_space<hbm>> -> memref<10000x16xf32, #tpu.memory_space<hbm>>
    tpu.enqueue_indirect_dma source(%dma_start3A_37 : memref<10000x16xf32, #tpu.memory_space<hbm>>) target(%arg10 : memref<512x16xf32, #tpu.memory_space<vmem>>) offsets(%dma_start3A_34 : memref<512xi32, #tpu.memory_space<vmem>>) semaphore(%arg14 : memref<!tpu.dma_semaphore, #tpu.memory_space<semaphore_mem>>)
    %dma_start3A_38 = arith.constant 1 : i32
    %dma_start3A_39 = arith.constant 0 : i32
    %dma_start3A_40 = tpu.memref_slice %arg7[%dma_start3A_38, %dma_start3A_39] : memref<10x512xi32, #tpu.memory_space<vmem>> -> memref<1x512xi32, #tpu.memory_space<vmem>>
    %dma_start3A_41 = tpu.memref_squeeze %dma_start3A_40 : memref<1x512xi32, #tpu.memory_space<vmem>> -> memref<512xi32, #tpu.memory_space<vmem>>
    %dma_start3A_42 = arith.constant 0 : i32
    %dma_start3A_43 = arith.constant 0 : i32
    %dma_start3A_44 = tpu.memref_slice %arg2[%dma_start3A_42, %dma_start3A_43] : memref<10000x16xf32, #tpu.memory_space<hbm>> -> memref<10000x16xf32, #tpu.memory_space<hbm>>
    tpu.enqueue_indirect_dma source(%dma_start3A_44 : memref<10000x16xf32, #tpu.memory_space<hbm>>) target(%arg11 : memref<512x16xf32, #tpu.memory_space<vmem>>) offsets(%dma_start3A_41 : memref<512xi32, #tpu.memory_space<vmem>>) semaphore(%arg15 : memref<!tpu.dma_semaphore, #tpu.memory_space<semaphore_mem>>)
    %scan3A_45 = arith.constant 0 : i32
    %scan3A_46 = arith.constant 5 : i32
    %scan3A_47 = arith.addi %scan3A_45, %scan3A_46 : i32
    %scan3A_48 = arith.constant 1 : i32
    scf.for %scan3A_56 = %scan3A_45 to %scan3A_47 step %scan3A_48  : i32 {
      %mul3A_57 = arith.constant 2 : i32
      %mul3A_58 = arith.muli %scan3A_56, %mul3A_57 : i32
      %add3A_59 = arith.constant 0 : i32
      %add3A_60 = arith.addi %add3A_59, %mul3A_58 : i32
      %add3A_61 = arith.constant 0 : i32
      %add3A_62 = arith.addi %add3A_60, %add3A_61 : i32
      %dma_wait3A = arith.constant 0 : i32
      %dma_wait3A_63 = tpu.memref_slice %arg7[%add3A_62, %dma_wait3A] : memref<10x512xi32, #tpu.memory_space<vmem>> -> memref<1x512xi32, #tpu.memory_space<vmem>>
      %dma_wait3A_64 = tpu.memref_squeeze %dma_wait3A_63 : memref<1x512xi32, #tpu.memory_space<vmem>> -> memref<512xi32, #tpu.memory_space<vmem>>
      %dma_wait3A_65 = arith.constant 0 : i32
      %dma_wait3A_66 = arith.constant 0 : i32
      %dma_wait3A_67 = tpu.memref_slice %arg2[%dma_wait3A_65, %dma_wait3A_66] : memref<10000x16xf32, #tpu.memory_space<hbm>> -> memref<10000x16xf32, #tpu.memory_space<hbm>>
      tpu.wait_indirect_dma semaphore(%arg14 : memref<!tpu.dma_semaphore, #tpu.memory_space<semaphore_mem>>) src(%dma_wait3A_67 : memref<10000x16xf32, #tpu.memory_space<hbm>>) dst(%arg10 : memref<512x16xf32, #tpu.memory_space<vmem>>)
      %parallel_loop3A = arith.constant 0 : i32
      %parallel_loop3A_68 = arith.constant 512 : i32
      %parallel_loop3A_69 = arith.constant 1 : i32
      scf.for %parallel_loop3A_101 = %parallel_loop3A to %parallel_loop3A_68 step %parallel_loop3A_69  : i32 {
        %parallel_loop3A_102 = vector.broadcast %add3A_62 : i32 to vector<16xi32>
        %parallel_loop3A_103 = vector.broadcast %parallel_loop3A_101 : i32 to vector<16xi32>
        %parallel_loop3A_104 = tpu.vector_load_idx %arg9[%parallel_loop3A_102, %parallel_loop3A_103] : memref<10x512xf32, #tpu.memory_space<vmem>>[vector<16xi32>, vector<16xi32>], vector<16xf32>,
        %parallel_loop3A_105 = arith.index_cast %parallel_loop3A_101 : i32 to index
        %parallel_loop3A_106 = arith.constant 0 : index
        %parallel_loop3A_107 = tpu.vector_load %arg10[%parallel_loop3A_105, %parallel_loop3A_106] {strides = array<i32>} : memref<512x16xf32, #tpu.memory_space<vmem>>, vector<16xf32>,
        %parallel_loop3A_108 = arith.mulf %parallel_loop3A_107, %parallel_loop3A_104 : vector<16xf32>
        %parallel_loop3A_109 = arith.index_cast %parallel_loop3A_101 : i32 to index
        %parallel_loop3A_110 = arith.constant 0 : index
        %parallel_loop3A_111 = tpu.vector_load %arg10[%parallel_loop3A_109, %parallel_loop3A_110] {strides = array<i32>} : memref<512x16xf32, #tpu.memory_space<vmem>>, vector<16xf32>,
        tpu.vector_store %arg10[%parallel_loop3A_109, %parallel_loop3A_110], %parallel_loop3A_108 {strides = array<i32>} : memref<512x16xf32, #tpu.memory_space<vmem>>, vector<16xf32>,
      } {sc.loop_unroll_factor = 4 : i64, sc.parallel_access}
      %run_scoped3A = arith.constant 0 : i32
      "tpu.region"() ({
        %run_scoped3A_101 = tpu.sem_alloc : memref<!tpu.dma_semaphore, #tpu.memory_space<semaphore_mem>>
        %dma_start3A_102 = arith.constant 0 : i32
        %dma_start3A_103 = arith.constant 0 : i32
        %dma_start3A_104 = tpu.memref_slice %arg10[%dma_start3A_102, %dma_start3A_103] : memref<512x16xf32, #tpu.memory_space<vmem>> -> memref<128x16xf32, #tpu.memory_space<vmem>>
        %dma_start3A_105 = arith.constant 0 : i32
        %dma_start3A_106 = tpu.memref_slice %arg8[%add3A_62, %run_scoped3A, %dma_start3A_105] : memref<10x4x128xi32, #tpu.memory_space<vmem>> -> memref<1x1x128xi32, #tpu.memory_space<vmem>>
        %dma_start3A_107 = tpu.memref_squeeze %dma_start3A_106 : memref<1x1x128xi32, #tpu.memory_space<vmem>> -> memref<128xi32, #tpu.memory_space<vmem>>
        %dma_start3A_108 = arith.constant 0 : i32
        %dma_start3A_109 = arith.constant 0 : i32
        %dma_start3A_110 = tpu.memref_slice %arg13[%dma_start3A_108, %dma_start3A_109] : memref<10000x16xf32, #tpu.memory_space<vmem_shared>> -> memref<10000x16xf32, #tpu.memory_space<vmem_shared>>
        tpu.enqueue_indirect_dma source(%dma_start3A_104 : memref<128x16xf32, #tpu.memory_space<vmem>>) target(%dma_start3A_110 : memref<10000x16xf32, #tpu.memory_space<vmem_shared>>) offsets(%dma_start3A_107 : memref<128xi32, #tpu.memory_space<vmem>>) semaphore(%run_scoped3A_101 : memref<!tpu.dma_semaphore, #tpu.memory_space<semaphore_mem>>) {add = true}
        %dma_wait3A_111 = arith.constant 0 : i32
        %dma_wait3A_112 = arith.constant 0 : i32
        %dma_wait3A_113 = tpu.memref_slice %arg10[%dma_wait3A_111, %dma_wait3A_112] : memref<512x16xf32, #tpu.memory_space<vmem>> -> memref<128x16xf32, #tpu.memory_space<vmem>>
        %dma_wait3A_114 = arith.constant 0 : i32
        %dma_wait3A_115 = tpu.memref_slice %arg8[%add3A_62, %run_scoped3A, %dma_wait3A_114] : memref<10x4x128xi32, #tpu.memory_space<vmem>> -> memref<1x1x128xi32, #tpu.memory_space<vmem>>
        %dma_wait3A_116 = tpu.memref_squeeze %dma_wait3A_115 : memref<1x1x128xi32, #tpu.memory_space<vmem>> -> memref<128xi32, #tpu.memory_space<vmem>>
        %dma_wait3A_117 = arith.constant 0 : i32
        %dma_wait3A_118 = arith.constant 0 : i32
        %dma_wait3A_119 = tpu.memref_slice %arg13[%dma_wait3A_117, %dma_wait3A_118] : memref<10000x16xf32, #tpu.memory_space<vmem_shared>> -> memref<10000x16xf32, #tpu.memory_space<vmem_shared>>
        tpu.wait_indirect_dma semaphore(%run_scoped3A_101 : memref<!tpu.dma_semaphore, #tpu.memory_space<semaphore_mem>>) src(%dma_wait3A_113 : memref<128x16xf32, #tpu.memory_space<vmem>>) dst(%dma_wait3A_119 : memref<10000x16xf32, #tpu.memory_space<vmem_shared>>)
        tpu.yield
      }) : () -> ()
      %run_scoped3A_70 = arith.constant 1 : i32
      "tpu.region"() ({
        %run_scoped3A_101 = tpu.sem_alloc : memref<!tpu.dma_semaphore, #tpu.memory_space<semaphore_mem>>
        %dma_start3A_102 = arith.constant 128 : i32
        %dma_start3A_103 = arith.constant 0 : i32
        %dma_start3A_104 = tpu.memref_slice %arg10[%dma_start3A_102, %dma_start3A_103] : memref<512x16xf32, #tpu.memory_space<vmem>> -> memref<128x16xf32, #tpu.memory_space<vmem>>
        %dma_start3A_105 = arith.constant 0 : i32
        %dma_start3A_106 = tpu.memref_slice %arg8[%add3A_62, %run_scoped3A_70, %dma_start3A_105] : memref<10x4x128xi32, #tpu.memory_space<vmem>> -> memref<1x1x128xi32, #tpu.memory_space<vmem>>
        %dma_start3A_107 = tpu.memref_squeeze %dma_start3A_106 : memref<1x1x128xi32, #tpu.memory_space<vmem>> -> memref<128xi32, #tpu.memory_space<vmem>>
        %dma_start3A_108 = arith.constant 0 : i32
        %dma_start3A_109 = arith.constant 0 : i32
        %dma_start3A_110 = tpu.memref_slice %arg13[%dma_start3A_108, %dma_start3A_109] : memref<10000x16xf32, #tpu.memory_space<vmem_shared>> -> memref<10000x16xf32, #tpu.memory_space<vmem_shared>>
        tpu.enqueue_indirect_dma source(%dma_start3A_104 : memref<128x16xf32, #tpu.memory_space<vmem>>) target(%dma_start3A_110 : memref<10000x16xf32, #tpu.memory_space<vmem_shared>>) offsets(%dma_start3A_107 : memref<128xi32, #tpu.memory_space<vmem>>) semaphore(%run_scoped3A_101 : memref<!tpu.dma_semaphore, #tpu.memory_space<semaphore_mem>>) {add = true}
        %dma_wait3A_111 = arith.constant 128 : i32
        %dma_wait3A_112 = arith.constant 0 : i32
        %dma_wait3A_113 = tpu.memref_slice %arg10[%dma_wait3A_111, %dma_wait3A_112] : memref<512x16xf32, #tpu.memory_space<vmem>> -> memref<128x16xf32, #tpu.memory_space<vmem>>
        %dma_wait3A_114 = arith.constant 0 : i32
        %dma_wait3A_115 = tpu.memref_slice %arg8[%add3A_62, %run_scoped3A_70, %dma_wait3A_114] : memref<10x4x128xi32, #tpu.memory_space<vmem>> -> memref<1x1x128xi32, #tpu.memory_space<vmem>>
        %dma_wait3A_116 = tpu.memref_squeeze %dma_wait3A_115 : memref<1x1x128xi32, #tpu.memory_space<vmem>> -> memref<128xi32, #tpu.memory_space<vmem>>
        %dma_wait3A_117 = arith.constant 0 : i32
        %dma_wait3A_118 = arith.constant 0 : i32
        %dma_wait3A_119 = tpu.memref_slice %arg13[%dma_wait3A_117, %dma_wait3A_118] : memref<10000x16xf32, #tpu.memory_space<vmem_shared>> -> memref<10000x16xf32, #tpu.memory_space<vmem_shared>>
        tpu.wait_indirect_dma semaphore(%run_scoped3A_101 : memref<!tpu.dma_semaphore, #tpu.memory_space<semaphore_mem>>) src(%dma_wait3A_113 : memref<128x16xf32, #tpu.memory_space<vmem>>) dst(%dma_wait3A_119 : memref<10000x16xf32, #tpu.memory_space<vmem_shared>>)
        tpu.yield
      }) : () -> ()
      %run_scoped3A_71 = arith.constant 2 : i32
      "tpu.region"() ({
        %run_scoped3A_101 = tpu.sem_alloc : memref<!tpu.dma_semaphore, #tpu.memory_space<semaphore_mem>>
        %dma_start3A_102 = arith.constant 256 : i32
        %dma_start3A_103 = arith.constant 0 : i32
        %dma_start3A_104 = tpu.memref_slice %arg10[%dma_start3A_102, %dma_start3A_103] : memref<512x16xf32, #tpu.memory_space<vmem>> -> memref<128x16xf32, #tpu.memory_space<vmem>>
        %dma_start3A_105 = arith.constant 0 : i32
        %dma_start3A_106 = tpu.memref_slice %arg8[%add3A_62, %run_scoped3A_71, %dma_start3A_105] : memref<10x4x128xi32, #tpu.memory_space<vmem>> -> memref<1x1x128xi32, #tpu.memory_space<vmem>>
        %dma_start3A_107 = tpu.memref_squeeze %dma_start3A_106 : memref<1x1x128xi32, #tpu.memory_space<vmem>> -> memref<128xi32, #tpu.memory_space<vmem>>
        %dma_start3A_108 = arith.constant 0 : i32
        %dma_start3A_109 = arith.constant 0 : i32
        %dma_start3A_110 = tpu.memref_slice %arg13[%dma_start3A_108, %dma_start3A_109] : memref<10000x16xf32, #tpu.memory_space<vmem_shared>> -> memref<10000x16xf32, #tpu.memory_space<vmem_shared>>
        tpu.enqueue_indirect_dma source(%dma_start3A_104 : memref<128x16xf32, #tpu.memory_space<vmem>>) target(%dma_start3A_110 : memref<10000x16xf32, #tpu.memory_space<vmem_shared>>) offsets(%dma_start3A_107 : memref<128xi32, #tpu.memory_space<vmem>>) semaphore(%run_scoped3A_101 : memref<!tpu.dma_semaphore, #tpu.memory_space<semaphore_mem>>) {add = true}
        %dma_wait3A_111 = arith.constant 256 : i32
        %dma_wait3A_112 = arith.constant 0 : i32
        %dma_wait3A_113 = tpu.memref_slice %arg10[%dma_wait3A_111, %dma_wait3A_112] : memref<512x16xf32, #tpu.memory_space<vmem>> -> memref<128x16xf32, #tpu.memory_space<vmem>>
        %dma_wait3A_114 = arith.constant 0 : i32
        %dma_wait3A_115 = tpu.memref_slice %arg8[%add3A_62, %run_scoped3A_71, %dma_wait3A_114] : memref<10x4x128xi32, #tpu.memory_space<vmem>> -> memref<1x1x128xi32, #tpu.memory_space<vmem>>
        %dma_wait3A_116 = tpu.memref_squeeze %dma_wait3A_115 : memref<1x1x128xi32, #tpu.memory_space<vmem>> -> memref<128xi32, #tpu.memory_space<vmem>>
        %dma_wait3A_117 = arith.constant 0 : i32
        %dma_wait3A_118 = arith.constant 0 : i32
        %dma_wait3A_119 = tpu.memref_slice %arg13[%dma_wait3A_117, %dma_wait3A_118] : memref<10000x16xf32, #tpu.memory_space<vmem_shared>> -> memref<10000x16xf32, #tpu.memory_space<vmem_shared>>
        tpu.wait_indirect_dma semaphore(%run_scoped3A_101 : memref<!tpu.dma_semaphore, #tpu.memory_space<semaphore_mem>>) src(%dma_wait3A_113 : memref<128x16xf32, #tpu.memory_space<vmem>>) dst(%dma_wait3A_119 : memref<10000x16xf32, #tpu.memory_space<vmem_shared>>)
        tpu.yield
      }) : () -> ()
      %run_scoped3A_72 = arith.constant 3 : i32
      "tpu.region"() ({
        %run_scoped3A_101 = tpu.sem_alloc : memref<!tpu.dma_semaphore, #tpu.memory_space<semaphore_mem>>
        %dma_start3A_102 = arith.constant 384 : i32
        %dma_start3A_103 = arith.constant 0 : i32
        %dma_start3A_104 = tpu.memref_slice %arg10[%dma_start3A_102, %dma_start3A_103] : memref<512x16xf32, #tpu.memory_space<vmem>> -> memref<128x16xf32, #tpu.memory_space<vmem>>
        %dma_start3A_105 = arith.constant 0 : i32
        %dma_start3A_106 = tpu.memref_slice %arg8[%add3A_62, %run_scoped3A_72, %dma_start3A_105] : memref<10x4x128xi32, #tpu.memory_space<vmem>> -> memref<1x1x128xi32, #tpu.memory_space<vmem>>
        %dma_start3A_107 = tpu.memref_squeeze %dma_start3A_106 : memref<1x1x128xi32, #tpu.memory_space<vmem>> -> memref<128xi32, #tpu.memory_space<vmem>>
        %dma_start3A_108 = arith.constant 0 : i32
        %dma_start3A_109 = arith.constant 0 : i32
        %dma_start3A_110 = tpu.memref_slice %arg13[%dma_start3A_108, %dma_start3A_109] : memref<10000x16xf32, #tpu.memory_space<vmem_shared>> -> memref<10000x16xf32, #tpu.memory_space<vmem_shared>>
        tpu.enqueue_indirect_dma source(%dma_start3A_104 : memref<128x16xf32, #tpu.memory_space<vmem>>) target(%dma_start3A_110 : memref<10000x16xf32, #tpu.memory_space<vmem_shared>>) offsets(%dma_start3A_107 : memref<128xi32, #tpu.memory_space<vmem>>) semaphore(%run_scoped3A_101 : memref<!tpu.dma_semaphore, #tpu.memory_space<semaphore_mem>>) {add = true}
        %dma_wait3A_111 = arith.constant 384 : i32
        %dma_wait3A_112 = arith.constant 0 : i32
        %dma_wait3A_113 = tpu.memref_slice %arg10[%dma_wait3A_111, %dma_wait3A_112] : memref<512x16xf32, #tpu.memory_space<vmem>> -> memref<128x16xf32, #tpu.memory_space<vmem>>
        %dma_wait3A_114 = arith.constant 0 : i32
        %dma_wait3A_115 = tpu.memref_slice %arg8[%add3A_62, %run_scoped3A_72, %dma_wait3A_114] : memref<10x4x128xi32, #tpu.memory_space<vmem>> -> memref<1x1x128xi32, #tpu.memory_space<vmem>>
        %dma_wait3A_116 = tpu.memref_squeeze %dma_wait3A_115 : memref<1x1x128xi32, #tpu.memory_space<vmem>> -> memref<128xi32, #tpu.memory_space<vmem>>
        %dma_wait3A_117 = arith.constant 0 : i32
        %dma_wait3A_118 = arith.constant 0 : i32
        %dma_wait3A_119 = tpu.memref_slice %arg13[%dma_wait3A_117, %dma_wait3A_118] : memref<10000x16xf32, #tpu.memory_space<vmem_shared>> -> memref<10000x16xf32, #tpu.memory_space<vmem_shared>>
        tpu.wait_indirect_dma semaphore(%run_scoped3A_101 : memref<!tpu.dma_semaphore, #tpu.memory_space<semaphore_mem>>) src(%dma_wait3A_113 : memref<128x16xf32, #tpu.memory_space<vmem>>) dst(%dma_wait3A_119 : memref<10000x16xf32, #tpu.memory_space<vmem_shared>>)
        tpu.yield
      }) : () -> ()
      %add3A_73 = arith.constant 2 : i32
      %add3A_74 = arith.addi %add3A_62, %add3A_73 : i32
      %lt3A = arith.constant 10 : i32
      %lt3A_75 = arith.cmpi slt, %add3A_74, %lt3A : i32
      %convert_element_type3A_76 = arith.extui %lt3A_75 : i1 to i32
      %cond3A_77 = arith.constant 0 : i32
      %cond3A_78 = arith.cmpi ne, %convert_element_type3A_76, %cond3A_77 : i32
      scf.if %cond3A_78 {
        %add3A_101 = arith.constant 2 : i32
        %add3A_102 = arith.addi %add3A_62, %add3A_101 : i32
        %dma_start3A_103 = arith.constant 0 : i32
        %dma_start3A_104 = tpu.memref_slice %arg7[%add3A_102, %dma_start3A_103] : memref<10x512xi32, #tpu.memory_space<vmem>> -> memref<1x512xi32, #tpu.memory_space<vmem>>
        %dma_start3A_105 = tpu.memref_squeeze %dma_start3A_104 : memref<1x512xi32, #tpu.memory_space<vmem>> -> memref<512xi32, #tpu.memory_space<vmem>>
        %dma_start3A_106 = arith.constant 0 : i32
        %dma_start3A_107 = arith.constant 0 : i32
        %dma_start3A_108 = tpu.memref_slice %arg2[%dma_start3A_106, %dma_start3A_107] : memref<10000x16xf32, #tpu.memory_space<hbm>> -> memref<10000x16xf32, #tpu.memory_space<hbm>>
        tpu.enqueue_indirect_dma source(%dma_start3A_108 : memref<10000x16xf32, #tpu.memory_space<hbm>>) target(%arg10 : memref<512x16xf32, #tpu.memory_space<vmem>>) offsets(%dma_start3A_105 : memref<512xi32, #tpu.memory_space<vmem>>) semaphore(%arg14 : memref<!tpu.dma_semaphore, #tpu.memory_space<semaphore_mem>>)
      } else {
      }
      %add3A_79 = arith.constant 1 : i32
      %add3A_80 = arith.addi %add3A_60, %add3A_79 : i32
      %dma_wait3A_81 = arith.constant 0 : i32
      %dma_wait3A_82 = tpu.memref_slice %arg7[%add3A_80, %dma_wait3A_81] : memref<10x512xi32, #tpu.memory_space<vmem>> -> memref<1x512xi32, #tpu.memory_space<vmem>>
      %dma_wait3A_83 = tpu.memref_squeeze %dma_wait3A_82 : memref<1x512xi32, #tpu.memory_space<vmem>> -> memref<512xi32, #tpu.memory_space<vmem>>
      %dma_wait3A_84 = arith.constant 0 : i32
      %dma_wait3A_85 = arith.constant 0 : i32
      %dma_wait3A_86 = tpu.memref_slice %arg2[%dma_wait3A_84, %dma_wait3A_85] : memref<10000x16xf32, #tpu.memory_space<hbm>> -> memref<10000x16xf32, #tpu.memory_space<hbm>>
      tpu.wait_indirect_dma semaphore(%arg15 : memref<!tpu.dma_semaphore, #tpu.memory_space<semaphore_mem>>) src(%dma_wait3A_86 : memref<10000x16xf32, #tpu.memory_space<hbm>>) dst(%arg11 : memref<512x16xf32, #tpu.memory_space<vmem>>)
      %parallel_loop3A_87 = arith.constant 0 : i32
      %parallel_loop3A_88 = arith.constant 512 : i32
      %parallel_loop3A_89 = arith.constant 1 : i32
      scf.for %parallel_loop3A_101 = %parallel_loop3A_87 to %parallel_loop3A_88 step %parallel_loop3A_89  : i32 {
        %parallel_loop3A_102 = vector.broadcast %add3A_80 : i32 to vector<16xi32>
        %parallel_loop3A_103 = vector.broadcast %parallel_loop3A_101 : i32 to vector<16xi32>
        %parallel_loop3A_104 = tpu.vector_load_idx %arg9[%parallel_loop3A_102, %parallel_loop3A_103] : memref<10x512xf32, #tpu.memory_space<vmem>>[vector<16xi32>, vector<16xi32>], vector<16xf32>,
        %parallel_loop3A_105 = arith.index_cast %parallel_loop3A_101 : i32 to index
        %parallel_loop3A_106 = arith.constant 0 : index
        %parallel_loop3A_107 = tpu.vector_load %arg11[%parallel_loop3A_105, %parallel_loop3A_106] {strides = array<i32>} : memref<512x16xf32, #tpu.memory_space<vmem>>, vector<16xf32>,
        %parallel_loop3A_108 = arith.mulf %parallel_loop3A_107, %parallel_loop3A_104 : vector<16xf32>
        %parallel_loop3A_109 = arith.index_cast %parallel_loop3A_101 : i32 to index
        %parallel_loop3A_110 = arith.constant 0 : index
        %parallel_loop3A_111 = tpu.vector_load %arg11[%parallel_loop3A_109, %parallel_loop3A_110] {strides = array<i32>} : memref<512x16xf32, #tpu.memory_space<vmem>>, vector<16xf32>,
        tpu.vector_store %arg11[%parallel_loop3A_109, %parallel_loop3A_110], %parallel_loop3A_108 {strides = array<i32>} : memref<512x16xf32, #tpu.memory_space<vmem>>, vector<16xf32>,
      } {sc.loop_unroll_factor = 4 : i64, sc.parallel_access}
      %run_scoped3A_90 = arith.constant 0 : i32
      "tpu.region"() ({
        %run_scoped3A_101 = tpu.sem_alloc : memref<!tpu.dma_semaphore, #tpu.memory_space<semaphore_mem>>
        %dma_start3A_102 = arith.constant 0 : i32
        %dma_start3A_103 = arith.constant 0 : i32
        %dma_start3A_104 = tpu.memref_slice %arg11[%dma_start3A_102, %dma_start3A_103] : memref<512x16xf32, #tpu.memory_space<vmem>> -> memref<128x16xf32, #tpu.memory_space<vmem>>
        %dma_start3A_105 = arith.constant 0 : i32
        %dma_start3A_106 = tpu.memref_slice %arg8[%add3A_80, %run_scoped3A_90, %dma_start3A_105] : memref<10x4x128xi32, #tpu.memory_space<vmem>> -> memref<1x1x128xi32, #tpu.memory_space<vmem>>
        %dma_start3A_107 = tpu.memref_squeeze %dma_start3A_106 : memref<1x1x128xi32, #tpu.memory_space<vmem>> -> memref<128xi32, #tpu.memory_space<vmem>>
        %dma_start3A_108 = arith.constant 0 : i32
        %dma_start3A_109 = arith.constant 0 : i32
        %dma_start3A_110 = tpu.memref_slice %arg13[%dma_start3A_108, %dma_start3A_109] : memref<10000x16xf32, #tpu.memory_space<vmem_shared>> -> memref<10000x16xf32, #tpu.memory_space<vmem_shared>>
        tpu.enqueue_indirect_dma source(%dma_start3A_104 : memref<128x16xf32, #tpu.memory_space<vmem>>) target(%dma_start3A_110 : memref<10000x16xf32, #tpu.memory_space<vmem_shared>>) offsets(%dma_start3A_107 : memref<128xi32, #tpu.memory_space<vmem>>) semaphore(%run_scoped3A_101 : memref<!tpu.dma_semaphore, #tpu.memory_space<semaphore_mem>>) {add = true}
        %dma_wait3A_111 = arith.constant 0 : i32
        %dma_wait3A_112 = arith.constant 0 : i32
        %dma_wait3A_113 = tpu.memref_slice %arg11[%dma_wait3A_111, %dma_wait3A_112] : memref<512x16xf32, #tpu.memory_space<vmem>> -> memref<128x16xf32, #tpu.memory_space<vmem>>
        %dma_wait3A_114 = arith.constant 0 : i32
        %dma_wait3A_115 = tpu.memref_slice %arg8[%add3A_80, %run_scoped3A_90, %dma_wait3A_114] : memref<10x4x128xi32, #tpu.memory_space<vmem>> -> memref<1x1x128xi32, #tpu.memory_space<vmem>>
        %dma_wait3A_116 = tpu.memref_squeeze %dma_wait3A_115 : memref<1x1x128xi32, #tpu.memory_space<vmem>> -> memref<128xi32, #tpu.memory_space<vmem>>
        %dma_wait3A_117 = arith.constant 0 : i32
        %dma_wait3A_118 = arith.constant 0 : i32
        %dma_wait3A_119 = tpu.memref_slice %arg13[%dma_wait3A_117, %dma_wait3A_118] : memref<10000x16xf32, #tpu.memory_space<vmem_shared>> -> memref<10000x16xf32, #tpu.memory_space<vmem_shared>>
        tpu.wait_indirect_dma semaphore(%run_scoped3A_101 : memref<!tpu.dma_semaphore, #tpu.memory_space<semaphore_mem>>) src(%dma_wait3A_113 : memref<128x16xf32, #tpu.memory_space<vmem>>) dst(%dma_wait3A_119 : memref<10000x16xf32, #tpu.memory_space<vmem_shared>>)
        tpu.yield
      }) : () -> ()
      %run_scoped3A_91 = arith.constant 1 : i32
      "tpu.region"() ({
        %run_scoped3A_101 = tpu.sem_alloc : memref<!tpu.dma_semaphore, #tpu.memory_space<semaphore_mem>>
        %dma_start3A_102 = arith.constant 128 : i32
        %dma_start3A_103 = arith.constant 0 : i32
        %dma_start3A_104 = tpu.memref_slice %arg11[%dma_start3A_102, %dma_start3A_103] : memref<512x16xf32, #tpu.memory_space<vmem>> -> memref<128x16xf32, #tpu.memory_space<vmem>>
        %dma_start3A_105 = arith.constant 0 : i32
        %dma_start3A_106 = tpu.memref_slice %arg8[%add3A_80, %run_scoped3A_91, %dma_start3A_105] : memref<10x4x128xi32, #tpu.memory_space<vmem>> -> memref<1x1x128xi32, #tpu.memory_space<vmem>>
        %dma_start3A_107 = tpu.memref_squeeze %dma_start3A_106 : memref<1x1x128xi32, #tpu.memory_space<vmem>> -> memref<128xi32, #tpu.memory_space<vmem>>
        %dma_start3A_108 = arith.constant 0 : i32
        %dma_start3A_109 = arith.constant 0 : i32
        %dma_start3A_110 = tpu.memref_slice %arg13[%dma_start3A_108, %dma_start3A_109] : memref<10000x16xf32, #tpu.memory_space<vmem_shared>> -> memref<10000x16xf32, #tpu.memory_space<vmem_shared>>
        tpu.enqueue_indirect_dma source(%dma_start3A_104 : memref<128x16xf32, #tpu.memory_space<vmem>>) target(%dma_start3A_110 : memref<10000x16xf32, #tpu.memory_space<vmem_shared>>) offsets(%dma_start3A_107 : memref<128xi32, #tpu.memory_space<vmem>>) semaphore(%run_scoped3A_101 : memref<!tpu.dma_semaphore, #tpu.memory_space<semaphore_mem>>) {add = true}
        %dma_wait3A_111 = arith.constant 128 : i32
        %dma_wait3A_112 = arith.constant 0 : i32
        %dma_wait3A_113 = tpu.memref_slice %arg11[%dma_wait3A_111, %dma_wait3A_112] : memref<512x16xf32, #tpu.memory_space<vmem>> -> memref<128x16xf32, #tpu.memory_space<vmem>>
        %dma_wait3A_114 = arith.constant 0 : i32
        %dma_wait3A_115 = tpu.memref_slice %arg8[%add3A_80, %run_scoped3A_91, %dma_wait3A_114] : memref<10x4x128xi32, #tpu.memory_space<vmem>> -> memref<1x1x128xi32, #tpu.memory_space<vmem>>
        %dma_wait3A_116 = tpu.memref_squeeze %dma_wait3A_115 : memref<1x1x128xi32, #tpu.memory_space<vmem>> -> memref<128xi32, #tpu.memory_space<vmem>>
        %dma_wait3A_117 = arith.constant 0 : i32
        %dma_wait3A_118 = arith.constant 0 : i32
        %dma_wait3A_119 = tpu.memref_slice %arg13[%dma_wait3A_117, %dma_wait3A_118] : memref<10000x16xf32, #tpu.memory_space<vmem_shared>> -> memref<10000x16xf32, #tpu.memory_space<vmem_shared>>
        tpu.wait_indirect_dma semaphore(%run_scoped3A_101 : memref<!tpu.dma_semaphore, #tpu.memory_space<semaphore_mem>>) src(%dma_wait3A_113 : memref<128x16xf32, #tpu.memory_space<vmem>>) dst(%dma_wait3A_119 : memref<10000x16xf32, #tpu.memory_space<vmem_shared>>)
        tpu.yield
      }) : () -> ()
      %run_scoped3A_92 = arith.constant 2 : i32
      "tpu.region"() ({
        %run_scoped3A_101 = tpu.sem_alloc : memref<!tpu.dma_semaphore, #tpu.memory_space<semaphore_mem>>
        %dma_start3A_102 = arith.constant 256 : i32
        %dma_start3A_103 = arith.constant 0 : i32
        %dma_start3A_104 = tpu.memref_slice %arg11[%dma_start3A_102, %dma_start3A_103] : memref<512x16xf32, #tpu.memory_space<vmem>> -> memref<128x16xf32, #tpu.memory_space<vmem>>
        %dma_start3A_105 = arith.constant 0 : i32
        %dma_start3A_106 = tpu.memref_slice %arg8[%add3A_80, %run_scoped3A_92, %dma_start3A_105] : memref<10x4x128xi32, #tpu.memory_space<vmem>> -> memref<1x1x128xi32, #tpu.memory_space<vmem>>
        %dma_start3A_107 = tpu.memref_squeeze %dma_start3A_106 : memref<1x1x128xi32, #tpu.memory_space<vmem>> -> memref<128xi32, #tpu.memory_space<vmem>>
        %dma_start3A_108 = arith.constant 0 : i32
        %dma_start3A_109 = arith.constant 0 : i32
        %dma_start3A_110 = tpu.memref_slice %arg13[%dma_start3A_108, %dma_start3A_109] : memref<10000x16xf32, #tpu.memory_space<vmem_shared>> -> memref<10000x16xf32, #tpu.memory_space<vmem_shared>>
        tpu.enqueue_indirect_dma source(%dma_start3A_104 : memref<128x16xf32, #tpu.memory_space<vmem>>) target(%dma_start3A_110 : memref<10000x16xf32, #tpu.memory_space<vmem_shared>>) offsets(%dma_start3A_107 : memref<128xi32, #tpu.memory_space<vmem>>) semaphore(%run_scoped3A_101 : memref<!tpu.dma_semaphore, #tpu.memory_space<semaphore_mem>>) {add = true}
        %dma_wait3A_111 = arith.constant 256 : i32
        %dma_wait3A_112 = arith.constant 0 : i32
        %dma_wait3A_113 = tpu.memref_slice %arg11[%dma_wait3A_111, %dma_wait3A_112] : memref<512x16xf32, #tpu.memory_space<vmem>> -> memref<128x16xf32, #tpu.memory_space<vmem>>
        %dma_wait3A_114 = arith.constant 0 : i32
        %dma_wait3A_115 = tpu.memref_slice %arg8[%add3A_80, %run_scoped3A_92, %dma_wait3A_114] : memref<10x4x128xi32, #tpu.memory_space<vmem>> -> memref<1x1x128xi32, #tpu.memory_space<vmem>>
        %dma_wait3A_116 = tpu.memref_squeeze %dma_wait3A_115 : memref<1x1x128xi32, #tpu.memory_space<vmem>> -> memref<128xi32, #tpu.memory_space<vmem>>
        %dma_wait3A_117 = arith.constant 0 : i32
        %dma_wait3A_118 = arith.constant 0 : i32
        %dma_wait3A_119 = tpu.memref_slice %arg13[%dma_wait3A_117, %dma_wait3A_118] : memref<10000x16xf32, #tpu.memory_space<vmem_shared>> -> memref<10000x16xf32, #tpu.memory_space<vmem_shared>>
        tpu.wait_indirect_dma semaphore(%run_scoped3A_101 : memref<!tpu.dma_semaphore, #tpu.memory_space<semaphore_mem>>) src(%dma_wait3A_113 : memref<128x16xf32, #tpu.memory_space<vmem>>) dst(%dma_wait3A_119 : memref<10000x16xf32, #tpu.memory_space<vmem_shared>>)
        tpu.yield
      }) : () -> ()
      %run_scoped3A_93 = arith.constant 3 : i32
      "tpu.region"() ({
        %run_scoped3A_101 = tpu.sem_alloc : memref<!tpu.dma_semaphore, #tpu.memory_space<semaphore_mem>>
        %dma_start3A_102 = arith.constant 384 : i32
        %dma_start3A_103 = arith.constant 0 : i32
        %dma_start3A_104 = tpu.memref_slice %arg11[%dma_start3A_102, %dma_start3A_103] : memref<512x16xf32, #tpu.memory_space<vmem>> -> memref<128x16xf32, #tpu.memory_space<vmem>>
        %dma_start3A_105 = arith.constant 0 : i32
        %dma_start3A_106 = tpu.memref_slice %arg8[%add3A_80, %run_scoped3A_93, %dma_start3A_105] : memref<10x4x128xi32, #tpu.memory_space<vmem>> -> memref<1x1x128xi32, #tpu.memory_space<vmem>>
        %dma_start3A_107 = tpu.memref_squeeze %dma_start3A_106 : memref<1x1x128xi32, #tpu.memory_space<vmem>> -> memref<128xi32, #tpu.memory_space<vmem>>
        %dma_start3A_108 = arith.constant 0 : i32
        %dma_start3A_109 = arith.constant 0 : i32
        %dma_start3A_110 = tpu.memref_slice %arg13[%dma_start3A_108, %dma_start3A_109] : memref<10000x16xf32, #tpu.memory_space<vmem_shared>> -> memref<10000x16xf32, #tpu.memory_space<vmem_shared>>
        tpu.enqueue_indirect_dma source(%dma_start3A_104 : memref<128x16xf32, #tpu.memory_space<vmem>>) target(%dma_start3A_110 : memref<10000x16xf32, #tpu.memory_space<vmem_shared>>) offsets(%dma_start3A_107 : memref<128xi32, #tpu.memory_space<vmem>>) semaphore(%run_scoped3A_101 : memref<!tpu.dma_semaphore, #tpu.memory_space<semaphore_mem>>) {add = true}
        %dma_wait3A_111 = arith.constant 384 : i32
        %dma_wait3A_112 = arith.constant 0 : i32
        %dma_wait3A_113 = tpu.memref_slice %arg11[%dma_wait3A_111, %dma_wait3A_112] : memref<512x16xf32, #tpu.memory_space<vmem>> -> memref<128x16xf32, #tpu.memory_space<vmem>>
        %dma_wait3A_114 = arith.constant 0 : i32
        %dma_wait3A_115 = tpu.memref_slice %arg8[%add3A_80, %run_scoped3A_93, %dma_wait3A_114] : memref<10x4x128xi32, #tpu.memory_space<vmem>> -> memref<1x1x128xi32, #tpu.memory_space<vmem>>
        %dma_wait3A_116 = tpu.memref_squeeze %dma_wait3A_115 : memref<1x1x128xi32, #tpu.memory_space<vmem>> -> memref<128xi32, #tpu.memory_space<vmem>>
        %dma_wait3A_117 = arith.constant 0 : i32
        %dma_wait3A_118 = arith.constant 0 : i32
        %dma_wait3A_119 = tpu.memref_slice %arg13[%dma_wait3A_117, %dma_wait3A_118] : memref<10000x16xf32, #tpu.memory_space<vmem_shared>> -> memref<10000x16xf32, #tpu.memory_space<vmem_shared>>
        tpu.wait_indirect_dma semaphore(%run_scoped3A_101 : memref<!tpu.dma_semaphore, #tpu.memory_space<semaphore_mem>>) src(%dma_wait3A_113 : memref<128x16xf32, #tpu.memory_space<vmem>>) dst(%dma_wait3A_119 : memref<10000x16xf32, #tpu.memory_space<vmem_shared>>)
        tpu.yield
      }) : () -> ()
      %add3A_94 = arith.constant 2 : i32
      %add3A_95 = arith.addi %add3A_80, %add3A_94 : i32
      %lt3A_96 = arith.constant 10 : i32
      %lt3A_97 = arith.cmpi slt, %add3A_95, %lt3A_96 : i32
      %convert_element_type3A_98 = arith.extui %lt3A_97 : i1 to i32
      %cond3A_99 = arith.constant 0 : i32
      %cond3A_100 = arith.cmpi ne, %convert_element_type3A_98, %cond3A_99 : i32
      scf.if %cond3A_100 {
        %add3A_101 = arith.constant 2 : i32
        %add3A_102 = arith.addi %add3A_80, %add3A_101 : i32
        %dma_start3A_103 = arith.constant 0 : i32
        %dma_start3A_104 = tpu.memref_slice %arg7[%add3A_102, %dma_start3A_103] : memref<10x512xi32, #tpu.memory_space<vmem>> -> memref<1x512xi32, #tpu.memory_space<vmem>>
        %dma_start3A_105 = tpu.memref_squeeze %dma_start3A_104 : memref<1x512xi32, #tpu.memory_space<vmem>> -> memref<512xi32, #tpu.memory_space<vmem>>
        %dma_start3A_106 = arith.constant 0 : i32
        %dma_start3A_107 = arith.constant 0 : i32
        %dma_start3A_108 = tpu.memref_slice %arg2[%dma_start3A_106, %dma_start3A_107] : memref<10000x16xf32, #tpu.memory_space<hbm>> -> memref<10000x16xf32, #tpu.memory_space<hbm>>
        tpu.enqueue_indirect_dma source(%dma_start3A_108 : memref<10000x16xf32, #tpu.memory_space<hbm>>) target(%arg11 : memref<512x16xf32, #tpu.memory_space<vmem>>) offsets(%dma_start3A_105 : memref<512xi32, #tpu.memory_space<vmem>>) semaphore(%arg15 : memref<!tpu.dma_semaphore, #tpu.memory_space<semaphore_mem>>)
      } else {
      }
    }
    %scan3A_49 = arith.constant 5 : i32
    %barrier3A_50 = arith.constant 0 : index
    tpu.barrier barrier_id(%barrier3A_50)
    "tpu.region"() ({
      %run_scoped3A = tpu.sem_alloc : memref<!tpu.dma_semaphore, #tpu.memory_space<semaphore_mem>>
      %dma_start3A_56 = arith.constant 0 : i32
      %dma_start3A_57 = tpu.memref_slice %arg6[%arg0, %mul3A_2, %dma_start3A_56] : memref<2x10000x16xf32, #tpu.memory_space<hbm>> -> memref<1x624x16xf32, #tpu.memory_space<hbm>>
      %dma_start3A_58 = tpu.memref_squeeze %dma_start3A_57 : memref<1x624x16xf32, #tpu.memory_space<hbm>> -> memref<624x16xf32, #tpu.memory_space<hbm>>
      %dma_start3A_59 = arith.constant 0 : i32
      %dma_start3A_60 = tpu.memref_slice %arg13[%mul3A_2, %dma_start3A_59] : memref<10000x16xf32, #tpu.memory_space<vmem_shared>> -> memref<624x16xf32, #tpu.memory_space<vmem_shared>>
      tpu.enqueue_dma source(%dma_start3A_60 : memref<624x16xf32, #tpu.memory_space<vmem_shared>>) target(%dma_start3A_58 : memref<624x16xf32, #tpu.memory_space<hbm>>) target_semaphore(%run_scoped3A : memref<!tpu.dma_semaphore, #tpu.memory_space<semaphore_mem>>)
      %dma_wait3A = arith.constant 0 : i32
      %dma_wait3A_61 = tpu.memref_slice %arg6[%arg0, %mul3A_2, %dma_wait3A] : memref<2x10000x16xf32, #tpu.memory_space<hbm>> -> memref<1x624x16xf32, #tpu.memory_space<hbm>>
      %dma_wait3A_62 = tpu.memref_squeeze %dma_wait3A_61 : memref<1x624x16xf32, #tpu.memory_space<hbm>> -> memref<624x16xf32, #tpu.memory_space<hbm>>
      %dma_wait3A_63 = arith.constant 0 : i32
      %dma_wait3A_64 = tpu.memref_slice %arg13[%mul3A_2, %dma_wait3A_63] : memref<10000x16xf32, #tpu.memory_space<vmem_shared>> -> memref<624x16xf32, #tpu.memory_space<vmem_shared>>
      tpu.wait_dma2 semaphore(%run_scoped3A : memref<!tpu.dma_semaphore, #tpu.memory_space<semaphore_mem>>) src(%dma_wait3A_64 : memref<624x16xf32, #tpu.memory_space<vmem_shared>>) dst(%dma_wait3A_62 : memref<624x16xf32, #tpu.memory_space<hbm>>)
      tpu.yield
    }) : () -> ()
    %eq3A_51 = arith.constant 15 : i32
    %eq3A_52 = arith.cmpi eq, %arg1, %eq3A_51 : i32
    %convert_element_type3A_53 = arith.extui %eq3A_52 : i1 to i32
    %cond3A_54 = arith.constant 0 : i32
    %cond3A_55 = arith.cmpi ne, %convert_element_type3A_53, %cond3A_54 : i32
    scf.if %cond3A_55 {
      "tpu.region"() ({
        %run_scoped3A = tpu.sem_alloc : memref<!tpu.dma_semaphore, #tpu.memory_space<semaphore_mem>>
        %dma_start3A_56 = arith.constant 9984 : i32
        %dma_start3A_57 = arith.constant 0 : i32
        %dma_start3A_58 = tpu.memref_slice %arg6[%arg0, %dma_start3A_56, %dma_start3A_57] : memref<2x10000x16xf32, #tpu.memory_space<hbm>> -> memref<1x16x16xf32, #tpu.memory_space<hbm>>
        %dma_start3A_59 = tpu.memref_squeeze %dma_start3A_58 : memref<1x16x16xf32, #tpu.memory_space<hbm>> -> memref<16x16xf32, #tpu.memory_space<hbm>>
        %dma_start3A_60 = arith.constant 9984 : i32
        %dma_start3A_61 = arith.constant 0 : i32
        %dma_start3A_62 = tpu.memref_slice %arg13[%dma_start3A_60, %dma_start3A_61] : memref<10000x16xf32, #tpu.memory_space<vmem_shared>> -> memref<16x16xf32, #tpu.memory_space<vmem_shared>>
        tpu.enqueue_dma source(%dma_start3A_62 : memref<16x16xf32, #tpu.memory_space<vmem_shared>>) target(%dma_start3A_59 : memref<16x16xf32, #tpu.memory_space<hbm>>) target_semaphore(%run_scoped3A : memref<!tpu.dma_semaphore, #tpu.memory_space<semaphore_mem>>)
        %dma_wait3A = arith.constant 9984 : i32
        %dma_wait3A_63 = arith.constant 0 : i32
        %dma_wait3A_64 = tpu.memref_slice %arg6[%arg0, %dma_wait3A, %dma_wait3A_63] : memref<2x10000x16xf32, #tpu.memory_space<hbm>> -> memref<1x16x16xf32, #tpu.memory_space<hbm>>
        %dma_wait3A_65 = tpu.memref_squeeze %dma_wait3A_64 : memref<1x16x16xf32, #tpu.memory_space<hbm>> -> memref<16x16xf32, #tpu.memory_space<hbm>>
        %dma_wait3A_66 = arith.constant 9984 : i32
        %dma_wait3A_67 = arith.constant 0 : i32
        %dma_wait3A_68 = tpu.memref_slice %arg13[%dma_wait3A_66, %dma_wait3A_67] : memref<10000x16xf32, #tpu.memory_space<vmem_shared>> -> memref<16x16xf32, #tpu.memory_space<vmem_shared>>
        tpu.wait_dma2 semaphore(%run_scoped3A : memref<!tpu.dma_semaphore, #tpu.memory_space<semaphore_mem>>) src(%dma_wait3A_68 : memref<16x16xf32, #tpu.memory_space<vmem_shared>>) dst(%dma_wait3A_65 : memref<16x16xf32, #tpu.memory_space<hbm>>)
        tpu.yield
      }) : () -> ()
    } else {
    }
    return
  }
}

module attributes {stable_mosaic.version = 14 : i64} {
  func.func @body(%arg0: i32, %arg1: memref<2000x128xf32, #tpu.memory_space<vmem>>, %arg2: memref<128x128xf32, #tpu.memory_space<vmem>>, %arg3: memref<128x128xf32, #tpu.memory_space<vmem>>, %arg4: memref<2000x128xbf16, #tpu.memory_space<vmem>>, %arg5: memref<2000x128xf32, #tpu.memory_space<vmem>>) attributes {dimension_semantics = [#tpu.dimension_semantics<arbitrary>], iteration_bounds = array<i64: 5>, scalar_prefetch = 0 : i64, scratch_operands = 0 : i64, tpu.core_type = #tpu.core_type<tc>, window_params = [{transform_indices = @transform_0, window_bounds = array<i64: 2000, 128>}, {pipeline_mode = #tpu.pipeline_mode<synchronous>, transform_indices = @transform_1, window_bounds = array<i64: 128, 128>}, {pipeline_mode = #tpu.pipeline_mode<synchronous>, transform_indices = @transform_2, window_bounds = array<i64: 128, 128>}, {transform_indices = @transform_3, window_bounds = array<i64: 2000, 128>}, {transform_indices = @transform_4, window_bounds = array<i64: 2000, 128>}]} {
    %get3A = arith.constant 0 : index
    %get3A_0 = arith.constant 0 : index
    %get3A_1 = vector.load %arg1[%get3A, %get3A_0] : memref<2000x128xf32, #tpu.memory_space<vmem>>, vector<2000x128xf32>
    %get3A_2 = arith.constant 0 : index
    %get3A_3 = arith.constant 0 : index
    %get3A_4 = vector.load %arg2[%get3A_2, %get3A_3] : memref<128x128xf32, #tpu.memory_space<vmem>>, vector<128x128xf32>
    %dot_general3A = arith.constant dense<0.000000e+00> : vector<2000x128xf32>
    %dot_general3A_5 = tpu.matmul %get3A_1, %get3A_4, %dot_general3A {dimension_numbers = #tpu.dot_dimension_numbers<[1], [0], [0], [1], [0, 0, 1, 1], [], []>, precision = #tpu.contract_precision<fp32>, transpose_lhs_hint = false} : vector<2000x128xf32>, vector<128x128xf32>, vector<2000x128xf32> -> vector<2000x128xf32>
    %convert_element_type3A = arith.truncf %dot_general3A_5 : vector<2000x128xf32> to vector<2000x128xbf16>
    %swap3A = arith.constant 0 : index
    %swap3A_6 = arith.constant 0 : index
    %swap3A_7 = vector.load %arg4[%swap3A, %swap3A_6] : memref<2000x128xbf16, #tpu.memory_space<vmem>>, vector<2000x128xbf16>
    tpu.vector_store %arg4[%swap3A, %swap3A_6], %convert_element_type3A {strides = array<i32>} : memref<2000x128xbf16, #tpu.memory_space<vmem>>, vector<2000x128xbf16>,
    %get3A_8 = arith.constant 0 : index
    %get3A_9 = arith.constant 0 : index
    %get3A_10 = vector.load %arg3[%get3A_8, %get3A_9] : memref<128x128xf32, #tpu.memory_space<vmem>>, vector<128x128xf32>
    %dot_general3A_11 = arith.constant dense<0.000000e+00> : vector<2000x128xf32>
    %dot_general3A_12 = tpu.matmul %get3A_1, %get3A_10, %dot_general3A_11 {dimension_numbers = #tpu.dot_dimension_numbers<[1], [0], [0], [1], [0, 0, 1, 1], [], []>, precision = #tpu.contract_precision<fp32>, transpose_lhs_hint = false} : vector<2000x128xf32>, vector<128x128xf32>, vector<2000x128xf32> -> vector<2000x128xf32>
    %swap3A_13 = arith.constant 0 : index
    %swap3A_14 = arith.constant 0 : index
    %swap3A_15 = vector.load %arg5[%swap3A_13, %swap3A_14] : memref<2000x128xf32, #tpu.memory_space<vmem>>, vector<2000x128xf32>
    tpu.vector_store %arg5[%swap3A_13, %swap3A_14], %dot_general3A_12 {strides = array<i32>} : memref<2000x128xf32, #tpu.memory_space<vmem>>, vector<2000x128xf32>,
    return
  }
  func.func @transform_0(%arg0: i32) -> (i32, i32) {
    %c0_i32 = arith.constant 0 : i32
    %c0_i32_0 = arith.constant 0 : i32
    return %arg0, %c0_i32 : i32, i32
  }
  func.func @transform_1(%arg0: i32) -> (i32, i32) {
    %c0_i32 = arith.constant 0 : i32
    %c0_i32_0 = arith.constant 0 : i32
    %c0_i32_1 = arith.constant 0 : i32
    return %c0_i32, %c0_i32_0 : i32, i32
  }
  func.func @transform_2(%arg0: i32) -> (i32, i32) {
    %c0_i32 = arith.constant 0 : i32
    %c0_i32_0 = arith.constant 0 : i32
    %c0_i32_1 = arith.constant 0 : i32
    return %c0_i32, %c0_i32_0 : i32, i32
  }
  func.func @transform_3(%arg0: i32) -> (i32, i32) {
    %c0_i32 = arith.constant 0 : i32
    %c0_i32_0 = arith.constant 0 : i32
    return %arg0, %c0_i32 : i32, i32
  }
  func.func @transform_4(%arg0: i32) -> (i32, i32) {
    %c0_i32 = arith.constant 0 : i32
    %c0_i32_0 = arith.constant 0 : i32
    return %arg0, %c0_i32 : i32, i32
  }
}

module attributes {stable_mosaic.version = 14 : i64} {
  func.func @body(%arg0: i32, %arg1: memref<2x2000x128xf32, #tpu.memory_space<vmem>>, %arg2: memref<2000x128xf32, #tpu.memory_space<vmem>>, %arg3: memref<1x128xf32, #tpu.memory_space<vmem>>, %arg4: memref<128x16xf32, #tpu.memory_space<vmem>>, %arg5: memref<128x16xf32, #tpu.memory_space<vmem>>, %arg6: memref<1x16xf32, #tpu.memory_space<vmem>>, %arg7: memref<2000x16xf32, #tpu.memory_space<vmem>>, %arg8: memref<2000x16xf32, #tpu.memory_space<vmem>>) attributes {dimension_semantics = [#tpu.dimension_semantics<arbitrary>], iteration_bounds = array<i64: 5>, scalar_prefetch = 0 : i64, scratch_operands = 0 : i64, tpu.core_type = #tpu.core_type<tc>, window_params = [{transform_indices = @transform_0, window_bounds = array<i64: 2, 2000, 128>}, {transform_indices = @transform_1, window_bounds = array<i64: 2000, 128>}, {pipeline_mode = #tpu.pipeline_mode<synchronous>, transform_indices = @transform_2, window_bounds = array<i64: 1, 128>}, {pipeline_mode = #tpu.pipeline_mode<synchronous>, transform_indices = @transform_3, window_bounds = array<i64: 128, 16>}, {pipeline_mode = #tpu.pipeline_mode<synchronous>, transform_indices = @transform_4, window_bounds = array<i64: 128, 16>}, {pipeline_mode = #tpu.pipeline_mode<synchronous>, transform_indices = @transform_5, window_bounds = array<i64: 1, 16>}, {transform_indices = @transform_6, window_bounds = array<i64: 2000, 16>}, {transform_indices = @transform_7, window_bounds = array<i64: 2000, 16>}]} {
    %get3A = arith.constant 0 : index
    %get3A_0 = arith.constant 0 : index
    %get3A_1 = arith.constant 0 : index
    %get3A_2 = vector.load %arg1[%get3A, %get3A_0, %get3A_1] : memref<2x2000x128xf32, #tpu.memory_space<vmem>>, vector<1x2000x128xf32>
    %get3A_3 = vector.shape_cast %get3A_2 : vector<1x2000x128xf32> to vector<2000x128xf32>
    %get3A_4 = arith.constant 1 : index
    %get3A_5 = arith.constant 0 : index
    %get3A_6 = arith.constant 0 : index
    %get3A_7 = vector.load %arg1[%get3A_4, %get3A_5, %get3A_6] : memref<2x2000x128xf32, #tpu.memory_space<vmem>>, vector<1x2000x128xf32>
    %get3A_8 = vector.shape_cast %get3A_7 : vector<1x2000x128xf32> to vector<2000x128xf32>
    %add3A = arith.addf %get3A_3, %get3A_8 : vector<2000x128xf32>
    %get3A_9 = arith.constant 0 : index
    %get3A_10 = arith.constant 0 : index
    %get3A_11 = vector.load %arg2[%get3A_9, %get3A_10] : memref<2000x128xf32, #tpu.memory_space<vmem>>, vector<2000x128xf32>
    %add3A_12 = arith.addf %add3A, %get3A_11 : vector<2000x128xf32>
    %get3A_13 = arith.constant 0 : index
    %get3A_14 = arith.constant 0 : index
    %get3A_15 = vector.load %arg3[%get3A_13, %get3A_14] : memref<1x128xf32, #tpu.memory_space<vmem>>, vector<1x128xf32>
    %add3A_16 = vector.broadcast %get3A_15 : vector<1x128xf32> to vector<2000x128xf32>
    %add3A_17 = arith.addf %add3A_12, %add3A_16 : vector<2000x128xf32>
    %max3A = arith.constant 0.000000e+00 : f32
    %max3A_18 = vector.broadcast %max3A : f32 to vector<2000x128xf32>
    %max3A_19 = arith.maximumf %add3A_17, %max3A_18 : vector<2000x128xf32>
    %get3A_20 = arith.constant 0 : index
    %get3A_21 = arith.constant 0 : index
    %get3A_22 = vector.load %arg4[%get3A_20, %get3A_21] : memref<128x16xf32, #tpu.memory_space<vmem>>, vector<128x16xf32>
    %dot_general3A = arith.constant dense<0.000000e+00> : vector<2000x16xf32>
    %dot_general3A_23 = tpu.matmul %max3A_19, %get3A_22, %dot_general3A {dimension_numbers = #tpu.dot_dimension_numbers<[1], [0], [0], [1], [0, 0, 1, 1], [], []>, precision = #tpu.contract_precision<fp32>, transpose_lhs_hint = false} : vector<2000x128xf32>, vector<128x16xf32>, vector<2000x16xf32> -> vector<2000x16xf32>
    %swap3A = arith.constant 0 : index
    %swap3A_24 = arith.constant 0 : index
    %swap3A_25 = vector.load %arg7[%swap3A, %swap3A_24] : memref<2000x16xf32, #tpu.memory_space<vmem>>, vector<2000x16xf32>
    tpu.vector_store %arg7[%swap3A, %swap3A_24], %dot_general3A_23 {strides = array<i32>} : memref<2000x16xf32, #tpu.memory_space<vmem>>, vector<2000x16xf32>,
    %get3A_26 = arith.constant 0 : index
    %get3A_27 = arith.constant 0 : index
    %get3A_28 = vector.load %arg5[%get3A_26, %get3A_27] : memref<128x16xf32, #tpu.memory_space<vmem>>, vector<128x16xf32>
    %dot_general3A_29 = arith.constant dense<0.000000e+00> : vector<2000x16xf32>
    %dot_general3A_30 = tpu.matmul %max3A_19, %get3A_28, %dot_general3A_29 {dimension_numbers = #tpu.dot_dimension_numbers<[1], [0], [0], [1], [0, 0, 1, 1], [], []>, precision = #tpu.contract_precision<fp32>, transpose_lhs_hint = false} : vector<2000x128xf32>, vector<128x16xf32>, vector<2000x16xf32> -> vector<2000x16xf32>
    %get3A_31 = arith.constant 0 : index
    %get3A_32 = arith.constant 0 : index
    %get3A_33 = vector.load %arg6[%get3A_31, %get3A_32] : memref<1x16xf32, #tpu.memory_space<vmem>>, vector<1x16xf32>
    %add3A_34 = vector.broadcast %get3A_33 : vector<1x16xf32> to vector<2000x16xf32>
    %add3A_35 = arith.addf %dot_general3A_30, %add3A_34 : vector<2000x16xf32>
    %swap3A_36 = arith.constant 0 : index
    %swap3A_37 = arith.constant 0 : index
    %swap3A_38 = vector.load %arg8[%swap3A_36, %swap3A_37] : memref<2000x16xf32, #tpu.memory_space<vmem>>, vector<2000x16xf32>
    tpu.vector_store %arg8[%swap3A_36, %swap3A_37], %add3A_35 {strides = array<i32>} : memref<2000x16xf32, #tpu.memory_space<vmem>>, vector<2000x16xf32>,
    return
  }
  func.func @transform_0(%arg0: i32) -> (i32, i32, i32) {
    %c0_i32 = arith.constant 0 : i32
    %c0_i32_0 = arith.constant 0 : i32
    %c0_i32_1 = arith.constant 0 : i32
    return %c0_i32, %arg0, %c0_i32_0 : i32, i32, i32
  }
  func.func @transform_1(%arg0: i32) -> (i32, i32) {
    %c0_i32 = arith.constant 0 : i32
    %c0_i32_0 = arith.constant 0 : i32
    return %arg0, %c0_i32 : i32, i32
  }
  func.func @transform_2(%arg0: i32) -> (i32, i32) {
    %c0_i32 = arith.constant 0 : i32
    %c0_i32_0 = arith.constant 0 : i32
    %c0_i32_1 = arith.constant 0 : i32
    return %c0_i32, %c0_i32_0 : i32, i32
  }
  func.func @transform_3(%arg0: i32) -> (i32, i32) {
    %c0_i32 = arith.constant 0 : i32
    %c0_i32_0 = arith.constant 0 : i32
    %c0_i32_1 = arith.constant 0 : i32
    return %c0_i32, %c0_i32_0 : i32, i32
  }
  func.func @transform_4(%arg0: i32) -> (i32, i32) {
    %c0_i32 = arith.constant 0 : i32
    %c0_i32_0 = arith.constant 0 : i32
    %c0_i32_1 = arith.constant 0 : i32
    return %c0_i32, %c0_i32_0 : i32, i32
  }
  func.func @transform_5(%arg0: i32) -> (i32, i32) {
    %c0_i32 = arith.constant 0 : i32
    %c0_i32_0 = arith.constant 0 : i32
    %c0_i32_1 = arith.constant 0 : i32
    return %c0_i32, %c0_i32_0 : i32, i32
  }
  func.func @transform_6(%arg0: i32) -> (i32, i32) {
    %c0_i32 = arith.constant 0 : i32
    %c0_i32_0 = arith.constant 0 : i32
    return %arg0, %c0_i32 : i32, i32
  }
  func.func @transform_7(%arg0: i32) -> (i32, i32) {
    %c0_i32 = arith.constant 0 : i32
    %c0_i32_0 = arith.constant 0 : i32
    return %arg0, %c0_i32 : i32, i32
  }
}

module attributes {stable_mosaic.version = 14 : i64} {
  func.func @body(%arg0: i32, %arg1: memref<2x2000x16xf32, #tpu.memory_space<vmem>>, %arg2: memref<2000x16xf32, #tpu.memory_space<vmem>>, %arg3: memref<2000x16xf32, #tpu.memory_space<vmem>>) attributes {dimension_semantics = [#tpu.dimension_semantics<arbitrary>], iteration_bounds = array<i64: 5>, scalar_prefetch = 0 : i64, scratch_operands = 0 : i64, tpu.core_type = #tpu.core_type<tc>, window_params = [{transform_indices = @transform_0, window_bounds = array<i64: 2, 2000, 16>}, {transform_indices = @transform_1, window_bounds = array<i64: 2000, 16>}, {transform_indices = @transform_2, window_bounds = array<i64: 2000, 16>}]} {
    %get3A = arith.constant 0 : index
    %get3A_0 = arith.constant 0 : index
    %get3A_1 = arith.constant 0 : index
    %get3A_2 = vector.load %arg1[%get3A, %get3A_0, %get3A_1] : memref<2x2000x16xf32, #tpu.memory_space<vmem>>, vector<1x2000x16xf32>
    %get3A_3 = vector.shape_cast %get3A_2 : vector<1x2000x16xf32> to vector<2000x16xf32>
    %get3A_4 = arith.constant 1 : index
    %get3A_5 = arith.constant 0 : index
    %get3A_6 = arith.constant 0 : index
    %get3A_7 = vector.load %arg1[%get3A_4, %get3A_5, %get3A_6] : memref<2x2000x16xf32, #tpu.memory_space<vmem>>, vector<1x2000x16xf32>
    %get3A_8 = vector.shape_cast %get3A_7 : vector<1x2000x16xf32> to vector<2000x16xf32>
    %add3A = arith.addf %get3A_3, %get3A_8 : vector<2000x16xf32>
    %get3A_9 = arith.constant 0 : index
    %get3A_10 = arith.constant 0 : index
    %get3A_11 = vector.load %arg2[%get3A_9, %get3A_10] : memref<2000x16xf32, #tpu.memory_space<vmem>>, vector<2000x16xf32>
    %add3A_12 = arith.addf %add3A, %get3A_11 : vector<2000x16xf32>
    %swap3A = arith.constant 0 : index
    %swap3A_13 = arith.constant 0 : index
    %swap3A_14 = vector.load %arg3[%swap3A, %swap3A_13] : memref<2000x16xf32, #tpu.memory_space<vmem>>, vector<2000x16xf32>
    tpu.vector_store %arg3[%swap3A, %swap3A_13], %add3A_12 {strides = array<i32>} : memref<2000x16xf32, #tpu.memory_space<vmem>>, vector<2000x16xf32>,
    return
  }
  func.func @transform_0(%arg0: i32) -> (i32, i32, i32) {
    %c0_i32 = arith.constant 0 : i32
    %c0_i32_0 = arith.constant 0 : i32
    %c0_i32_1 = arith.constant 0 : i32
    return %c0_i32, %arg0, %c0_i32_0 : i32, i32, i32
  }
  func.func @transform_1(%arg0: i32) -> (i32, i32) {
    %c0_i32 = arith.constant 0 : i32
    %c0_i32_0 = arith.constant 0 : i32
    return %arg0, %c0_i32 : i32, i32
  }
  func.func @transform_2(%arg0: i32) -> (i32, i32) {
    %c0_i32 = arith.constant 0 : i32
    %c0_i32_0 = arith.constant 0 : i32
    return %arg0, %c0_i32 : i32, i32
  }
}

</mosaic_0001>

<sc_bundles>
// kernel: kernel.10.cloned.1.call-start
scs
__scs_entry_jumppad:
0x0: {  	(pc) =	sbr.rel $0x88, $3  }
0x1: {  	(tag) =	ssettag $0x0;
	lr =	simm.s32 $0x1  }
0x2: {  	[smem:$0x3F98] =	sst lr;
	_ =	strace $0xD0000000  }
0x3: {  	_ = 	snop  }
0x4: {  	_ = 	snop  }
0x5: {  	_ = 	snop  }
0x6: {  	_ = 	snop  }
0x7: {  	_ = 	snop  }
__scs_overlays_trampoline_lowered:
0x8: {  	[smem:$0x3FA7] =	sst s0  }
0x9: {  	[smem:$0x3FA8] =	sst s1  }
0xa: {  	[smem:$0x3FA9] =	sst s2  }
0xb: {  	[smem:$0x3FAA] =	sst s3  }
0xc: {  	[smem:$0x3FAB] =	sst s4  }
0xd: {  	[smem:$0x3FAC] =	sst s5  }
0xe: {  	[smem:$0x3FAD] =	sst s6  }
0xf: {  	[smem:$0x3FAE] =	sst s7  }
0x10: {  	[smem:$0x3FAF] =	sst s8  }
0x11: {  	[smem:$0x3FB0] =	sst s9;
	s0 =	simm.s32 @!p0 $0x0  }
0x12: {  	s1 =	sld [smem:$0x3F96];
	s0 =	simm.s32 @p0 $0x1  }
0x13: {  	[smem:$0x3FB1] =	sst s0;
	s0 =	simm.s32 @!p1 $0x0  }
0x14: {  	s2 =	sld [smem:$0x3F95];
	s0 =	simm.s32 @p1 $0x1  }
0x15: {  	[smem:$0x3FB2] =	sst s0;
	s0 =	simm.s32 @!p2 $0x0  }
0x16: {  	s3 =	sld [smem:$0x3FDB];
	s0 =	simm.s32 @p2 $0x1  }
0x17: {  	s4 =	simm.s32 $0x1BF5;
	[smem:$0x3FB4] =	sst s0  }
0x18: {  	s0 =	sld [smem:$0x3F97];
	_ =	swait.ge [sflag:s4], $0x0  }
0x19: {  	s7 =	sld [smem:$0x3F98]  }
0x1a: {  	s8 =	sadd.s32 $0xFFFFE003, lr  }
0x1b: {  	s9 =	sadd.s32 $0xFFFFFEF7, lr;
	s5 =	simm.s32 $0xFFFFFFFF;
	p2 =	slt.u32 s8, $0xFFFFF086  }
0x1c: {  	p1 =	slt.u32 s9, $0xF7A;
	s5 =	simm.s32 @!p2 $0x0  }
0x1d: {  	s5 =	simm.s32 @p1 $0x1;
	p0 =	seq.s32 s7, s2  }
0x1e: {  	s7 =	smul.u32 @!p0 $0xF7A, s2;
	p2 =	seq.s32 @!p0 s5, $0x0  }
0x1f: {  	s9 =	smul.u32 $0xF7A, s1;
	s8 =	simm.s32 @!p0 $0x1BF5;
	p2 =	por !p2, p0  }
0x20: {  	[sflag:s8] =	ssyncset.s32 @!p0 $0xFFFFF086;
	s6 =	sadd.s32 @!p0 s3, s7;
	s7 =	simm.s32 @!p0 $0x108  }
0x21: {  	s3 =	sadd.s32 s3, s9;
	s6 =	sadd.s32 @!p0 $0x88, s6;
	s7 =	simm.s32 @p2 $0x1082  }
0x22: {  	[simem:s7], [sflag:s8] =	dma.local @!p0 [hbm:s6], $0xF7A  }
0x23: {  	s9 =	sor.u32 $0xD0000000, s2;
	s6 =	simm.s32 $0x108;
	_ =	swait.ge @!p0 [sflag:s8], $0x0  }
0x24: {  	s3 =	sadd.s32 $0x88, s3;
	s6 =	simm.s32 @!p1 $0x1082;
	[sflag:s4] =	ssyncset.s32 $0xFFFFF086  }
0x25: {  	[simem:s6], [sflag:s4] =	dma.local [hbm:s3], $0xF7A  }
0x26: {  	[smem:$0x3F98] =	sst s1;
	(tag) =	ssettag s2;
	_ =	strace s9  }
0x27: {  	s1 =	sld [smem:$0x3FA8]  }
0x28: {  	s2 =	sld [smem:$0x3FA9]  }
0x29: {  	s4 =	sld [smem:$0x3FAB]  }
0x2a: {  	p0 =	seq.s32 s5, $0x0;
	s5 =	sld [smem:$0x3FAC]  }
0x2b: {  	s6 =	sld [smem:$0x3FAD]  }
0x2c: {  	s7 =	sld [smem:$0x3FAE]  }
0x2d: {  	s3 =	simm.s32 $0x108;
	s8 =	sld [smem:$0x3FAF]  }
0x2e: {  	s3 =	simm.s32 @!p0 $0x1082;
	s9 =	sld [smem:$0x3FB0]  }
0x2f: {  	lr =	sadd.s32 s0, s3;
	s0 =	sld [smem:$0x3FA7]  }
0x30: {  	s3 =	sld [smem:$0x3FAA]  }
0x31: {  	[smem:$0x3FB3] =	sst s10  }
0x32: {  	s10 =	sld [smem:$0x3FB1];
	_ =	sdelay $0x3  }
0x33: {  	p0 =	seq.s32 s10, $0x1;
	s10 =	sld [smem:$0x3FB3];
	_ =	sdelay $0x3  }
0x34: {  	[smem:$0x3FB3] =	sst s10  }
0x35: {  	s10 =	sld [smem:$0x3FB2];
	_ =	sdelay $0x3  }
0x36: {  	p1 =	seq.s32 s10, $0x1;
	s10 =	sld [smem:$0x3FB3];
	_ =	sdelay $0x3  }
0x37: {  	[smem:$0x3FB3] =	sst s10  }
0x38: {  	s10 =	sld [smem:$0x3FB4]  }
0x39: {  	_ = 	snop;
	(pc) =	sbr.ind lr, $3  }
0x3a: {  	_ = 	snop  }
0x3b: {  	_ = 	snop  }
0x3c: {  	p2 =	seq.s32 s10, $0x1;
	s10 =	sld [smem:$0x3FB3]  }
0x3d: {  	_ =	shalt  }
0x3e: {  	_ =	shalt  }
0x3f: {  	_ =	shalt  }
0x40: {  	_ =	shalt  }
0x41: {  	_ =	shalt  }
0x42: {  	_ =	shalt  }
0x43: {  	_ =	shalt  }
0x44: {  	_ =	shalt  }
0x45: {  	_ =	shalt  }
0x46: {  	_ =	shalt  }
0x47: {  	_ =	shalt  }
0x48: {  	_ =	shalt  }
0x49: {  	_ =	shalt  }
0x4a: {  	_ =	shalt  }
0x4b: {  	_ =	shalt  }
0x4c: {  	_ =	shalt  }
0x4d: {  	_ =	shalt  }
0x4e: {  	_ =	shalt  }
0x4f: {  	_ =	shalt  }
0x50: {  	_ =	shalt  }
0x51: {  	_ =	shalt  }
0x52: {  	_ =	shalt  }
0x53: {  	_ =	shalt  }
0x54: {  	_ =	shalt  }
0x55: {  	_ =	shalt  }
0x56: {  	_ =	shalt  }
0x57: {  	_ =	shalt  }
0x58: {  	_ =	shalt  }
0x59: {  	_ =	shalt  }
0x5a: {  	_ =	shalt  }
0x5b: {  	_ =	shalt  }
0x5c: {  	_ =	shalt  }
0x5d: {  	_ =	shalt  }
0x5e: {  	_ =	shalt  }
0x5f: {  	_ =	shalt  }
0x60: {  	_ =	shalt  }
0x61: {  	_ =	shalt  }
0x62: {  	_ =	shalt  }
0x63: {  	_ =	shalt  }
0x64: {  	_ =	shalt  }
0x65: {  	_ =	shalt  }
0x66: {  	_ =	shalt  }
0x67: {  	_ =	shalt  }
0x68: {  	_ =	shalt  }
0x69: {  	_ =	shalt  }
0x6a: {  	_ =	shalt  }
0x6b: {  	_ =	shalt  }
0x6c: {  	_ =	shalt  }
0x6d: {  	_ =	shalt  }
0x6e: {  	_ =	shalt  }
0x6f: {  	_ =	shalt  }
0x70: {  	_ =	shalt  }
0x71: {  	_ =	shalt  }
0x72: {  	_ =	shalt  }
0x73: {  	_ =	shalt  }
0x74: {  	_ =	shalt  }
0x75: {  	_ =	shalt  }
0x76: {  	_ =	shalt  }
0x77: {  	_ =	shalt  }
0x78: {  	_ =	shalt  }
0x79: {  	_ =	shalt  }
0x7a: {  	_ =	shalt  }
0x7b: {  	_ =	shalt  }
0x7c: {  	_ =	shalt  }
0x7d: {  	_ =	shalt  }
0x7e: {  	_ =	shalt  }
0x7f: {  	_ =	shalt  }
0x80: {  	_ =	shalt  }
0x81: {  	_ =	shalt  }
0x82: {  	_ =	shalt  }
0x83: {  	_ =	shalt  }
0x84: {  	_ =	shalt  }
0x85: {  	_ =	shalt  }
0x86: {  	_ =	shalt  }
0x87: {  	_ =	shalt  }
.Lfunc_end0:
.L_simem_size_0:
called_computation.1_lowered:
.L_overlay_start_0:
0x88: {  	s2 =	sld [smem:$0x3FD9]  }
0x89: {  	s3 =	sld [smem:$0x3FFE];
	_ =	sdelay $0x1  }
0x8a: {  	s1 =	srdreg.scid  }
0x8b: {  	s0 =	sand.u32 $0x1, s1  }
0x8c: {  	s17 =	sshll.u32 s0, $0xA;
	s2 =	sadd.s32 s3, s2  }
0x8d: {  	s2 =	sadd.s32 s2, s17  }
0x8e: {  	[smem:$0x3FBF] =	sst s2  }
0x8f: {  	_ = 	snop  }
0x90: {  	s2 =	sld [smem:$0x3FD0];
	(tm) =	ssettm $0x1  }
0x91: {  	s18 =	sld [smem:$0x3FFB];
	_ =	sdelay $0x3  }
0x92: {  	_ =	strace s18  }
0x93: {  	s3 =	sld [smem:$0x3FFC];
	_ =	sdelay $0x3  }
0x94: {  	_ =	strace s3  }
0x95: {  	s3 =	sld [smem:$0x3FFD];
	_ =	sdelay $0x3  }
0x96: {  	_ =	strace s3  }
0x97: {  	_ =	strace $0x8FFFFFFF  }
0x98: {  	s19 =	sld [smem:$0x3FDB];
	_ =	sdelay $0x1  }
0x99: {  	s4 =	simm.s32 $_scs_section_size  }
0x9a: {  	s5 =	simm.s32 $_size__tile_overlayer_lowered;
	s6 =	simm.s32 $_tile_overlayer_lowered  }
0x9b: {  	s22 =	simm.s32 $0x1BFF;
	s21 =	sshll.u32 s6, $0x1;
	s3 =	sadd.s32 s4, s19  }
0x9c: {  	s7 =	simm.s32 $0x0;
	s20 =	sshll.u32 s5, $0x1;
	s5 =	sadd.s32 s21, s3  }
0x9d: {  	[timem:s7], [sflag:s22] =	dma.local [hbm:s5], s20  }
0x9e: {  	_ =	swait.ge [sflag:s22], s20  }
0x9f: {  	s4 =	ssub.s32 $0x0, s20;
	[sflag:s22] =	ssyncset.done $0x0  }
0xa0: {  	[sflag:s22] =	ssyncadd.s32 s4;
	_ =	sdelay $0x1  }
0xa1: {  	s23 =	simm.s32 $0x1B8B  }
0xa2: {  	_ =	swait.ge [sflag:s23], $0x1  }
0xa3: {  	[sflag:s23] =	ssyncset.done $0x0  }
0xa4: {  	s25 =	simm.s32 $0x1B8E;
	s24 =	sld [smem:$0x3FFE];
	[sflag:s23] =	ssyncadd.s32 $0xFFFFFFFF  }
0xa5: {  	s26 =	simm.s32 $execute0_lowered;
	[smem:$0x3FD2] =	sst s25  }
0xa6: {  	s5 =	sshll.u32 s26, $0x1;
	_ =	strace $0x80000049;
	[dreg:$0x1] =	wrdreg $0xFFFFFFFF  }
0xa7: {  	s28 =	simm.s32 $_size_execute0_lowered;
	s3 =	sadd.s32 s3, s5;
	[dreg:$0x0] =	wrdreg $0x0  }
0xa8: {  	s5 =	sshll.u32 s28, $0x1;
	[dreg:$0x2] =	wrdreg s3  }
0xa9: {  	[dreg:$0x3] =	wrdreg s5  }
0xaa: {  	[dreg:$0x4] =	wrdreg $0xC0  }
0xab: {  	_ =	task [dreg:s7], $0x5FFFF  }
0xac: {  	[dreg:$0x1] =	wrdreg $0xFFFFFFFF  }
0xad: {  	[dreg:$0x0] =	wrdreg $0x60  }
0xae: {  	[dreg:$0x2] =	wrdreg s2  }
0xaf: {  	[dreg:$0x3] =	wrdreg s24  }
0xb0: {  	[dreg:$0x4] =	wrdreg $0x9C000  }
0xb1: {  	[dreg:$0x5] =	wrdreg $0x9  }
0xb2: {  	_ =	task.clear_ibuf [dreg:s7], $0x6FFFF;
	_ =	strace $0x90000049  }
0xb3: {  	s29 =	simm.s32 $0x9;
	_ =	strace $0x8000004B  }
0xb4: {  	_ =	swait.ge [sflag:s29], $0x1  }
0xb5: {  	[sflag:s29] =	ssyncadd.s32 $0xFFFFFFFF  }
0xb6: {  	_ =	strace $0x9000004B  }
0xb7: {  	_ =	sfence  }
0xb8: {  	s30 =	sld [smem:$0x0];
	_ =	sdelay $0x2  }
0xb9: {  	s31 =	sshll.u32 s1, $0xD;
	s1 =	sshrl.u32 s1, $0x2  }
0xba: {  	s3 =	sand.u32 $0x4000, s31;
	s1 =	sadd.s32 s1, s30  }
0xbb: {  	s0 =	sor.u32 s3, s0;
	s1 =	sshll.u32 s1, $0x11  }
0xbc: {  	s0 =	sor.u32 s1, s0  }
0xbd: {  	s0 =	sadd.s32 $0x8F2B, s0  }
0xbe: {  	[sflag:s0] =	ssyncadd.remote.s32 $0x1  }
0xbf: {  	_ =	sfence.sel $0xFFFF  }
0xc0: {  	[dreg:$0x0] =	wrdreg $0xFFFFFFFF;
	(pc) =	sbr.abs _section_cstart, $3  }
0xc1: {  	[dreg:$0x1] =	wrdreg $0xFFFFFFFF  }
0xc2: {  	_ =	task.clear_ibuf [dreg:s7], $0x2FFFF;
	_ =	strace $0x9FFFFFFF  }
0xc3: {  	(tm) =	ssettm $0x7FFFFFFF  }
tec
execute0_lowered:
.L_overlay_start_1:
0x0: {  	(tag) =	ssettag $0x1  }
0x1: {  	s1 =	rddreg [dreg:$0x0]  }
0x2: {  	s0 =	rddreg [dreg:$0x1]  }
0x3: {  	s2 =	rddreg [dreg:$0x2];
	s3 =	srdreg.scid  }
0x4: {  	s4 =	simm.s32 $0x0;
	s14 =	stileid.u32;
	s17 =	simm.s32 $0x3  }
0x5: {  	s19 =	simm.s32 $0x2800;
	s28 =	simm.s32 $0x4C00;
	s29 =	simm.s32 $0x5400  }
0x6: {  	s30 =	simm.s32 $0x2;
	s31 =	simm.s32 $0x6400;
	s3 =	sand.u32 $0x1, s3  }
0x7: {  	[smem:$0x7FF] =	sst s4;
	s6 =	sadd.s32 $0xB800, s0;
	s7 =	sadd.s32 $0x1800, s0  }
0x8: {  	s9 =	sadd.s32 $0x29200, s0;
	s0 =	sadd.s32 $0x15800, s0;
	s11 =	smul.u32 $0x2700, s14  }
0x9: {  	s12 =	smul.u32 $0x9C00, s14;
	p0 =	sne.s32 s14, $0xF;
	s5 =	sshll.u32 s3, $0x4  }
0xa: {  	_ =	strace $0x8000004A;
	s8 =	ssub.s32 $0x2, s3;
	s3 =	smul.u32 $0x27100, s3  }
0xb: {  	s5 =	sor.u32 s14, s5;
	s10 =	sshrl.u32 s8, $0x1;
	s23 =	sshrl.u32 s12, $0x2  }
0xc: {  	s5 =	smul.u32 $0x2800, s5;
	s13 =	ssub.s32 s8, s10;
	s8 =	sadd.s32 s11, s2  }
0xd: {  	s10 =	sadd.s32 s23, s2;
	s25 =	sadd.s32 s11, s3;
	s3 =	sshrl.u32 s3, $0x3  }
0xe: {  	s10 =	sadd.s32 $0x2000, s10;
	s26 =	sshrl.u32 s25, $0x3;
	s3 =	sadd.s32 s0, s3  }
0xf: {  	s16 =	smax.u32 s13, $0x1;
	s25 =	simm.s32 $0x80;
	s5 =	sshrl.u32 s5, $0x3  }
0x10: {  	[dreg:$0x7] =	wrdreg s10;
	s10 =	sadd.s32 $0x27000, s2;
	s0 =	sadd.s32 s0, s26  }
0x11: {  	s15 =	sadd.s32 $0x4E00, s3;
	s26 =	simm.s32 $0x4400;
	s3 =	simm.s32 $0x7400  }
0x12: {  	s20 =	sadd.s32 s6, s5;
	s21 =	sadd.s32 s7, s5;
	[dreg:$0xb] =	wrdreg s0  }
0x13: {  	s22 =	sadd.s32 s9, s5;
	s5 =	sadd.s32 $0x280, s5;
	[dreg:$0x4] =	wrdreg s20  }
.Ltmp0:
0x14: {  	s0 =	simm.s32 $0x6C00;
	[dreg:$0x5] =	wrdreg s21;
	(pc) =	sbr.rel .LBB2_1-.Ltmp0, $4  }
0x15: {  	[dreg:$0x6] =	wrdreg s22;
	s6 =	sadd.s32 s6, s5;
	s24 =	sadd.s32 s7, s5  }
0x16: {  	s5 =	sadd.s32 s9, s5;
	s20 =	simm.s32 $0x200;
	[dreg:$0x8] =	wrdreg s6  }
0x17: {  	s21 =	simm.s32 $0x3C00;
	s22 =	simm.s32 $0x5C00;
	[dreg:$0x9] =	wrdreg s24  }
0x18: {  	v0 =	vimm.f32 $0.0e+00;
	[dreg:$0xa] =	wrdreg s5;
	s24 =	simm.s32 $0x1;
	s5 =	simm.s32 $0x0  }
.LBB2_17:
0x19: {  	s6 =	stileid.u32  }
0x1a: {  	[bflag:$0x0] =	sbarrier.arrive $0xFFFF;
	s6 =	sshll.u32 s6, $0x6  }
0x1b: {  	s7 =	sshrl.u32 s8, $0x3;
	s9 =	rddreg [dreg:$0xb];
	s6 =	sor.u32 $0x1C03, s6  }
0x1c: {  	[hbm:s9], [sflag:s6] =	dma.local [spmem:s7], $0x4E0  }
0x1d: {  	_ =	swait.ge [sflag:s17], $0x4E0  }
0x1e: {  	s5 =	sadd.s32 $0x1, s5;
	[sflag:s17] =	ssyncset.done $0x0  }
0x1f: {  	p1 =	sne.s32 s5, s16;
	s7 =	sshrl.u32 @!p0 s10, $0x3;
	[sflag:s17] =	ssyncadd.s32 $0xFFFFFB20  }
0x20: {  	[hbm:s15], [sflag:s6] =	dma.local @!p0 [spmem:s7], $0x20  }
.Ltmp1:
0x21: {  	_ = 	snop;
	(pc) =	sbr.rel @!p1 .LBB2_18-.Ltmp1, $4  }
0x22: {  	s6 =	simm.s32 @!p0 $0x3  }
0x23: {  	_ =	swait.ge @!p0 [sflag:s6], $0x20  }
0x24: {  	[sflag:s6] =	ssyncset.done @!p0 $0x0  }
0x25: {  	[sflag:s6] =	ssyncadd.s32 @!p0 $0xFFFFFFE0  }
.LBB2_1:
0x26: {  	s6 =	rddreg [dreg:$0x4]  }
0x27: {  	[tilespmem:s4], [sflag:$0x3] =	stream.linear.gather [hbm4b:s6+s4], $0x1400, $0x38;
	[tilespmem:$0xC310] =	vst v63  }
0x28: {  	_ =	swait.ge [sflag:s17], $0x1400  }
0x29: {  	[sflag:s17] =	ssyncset.done $0x0  }
0x2a: {  	s7 =	simm.s32 $0x1400;
	s18 =	rddreg [dreg:$0x5];
	[sflag:s17] =	ssyncadd.s32 $0xFFFFEC00  }
0x2b: {  	[tilespmem:s7], [sflag:$0x3] =	stream.linear.gather [hbm4b:s18+s4], $0x1400, $0x38;
	[tilespmem:$0xC310] =	vst v63  }
0x2c: {  	_ =	swait.ge [sflag:s17], $0x1400  }
0x2d: {  	[sflag:s17] =	ssyncset.done $0x0  }
0x2e: {  	s23 =	rddreg [dreg:$0x6];
	[sflag:s17] =	ssyncadd.s32 $0xFFFFEC00  }
0x2f: {  	[tilespmem:s19], [sflag:$0x3] =	stream.linear.gather [hbm4b:s23+s4], $0x1400, $0x38;
	[tilespmem:$0xC310] =	vst v63  }
0x30: {  	_ =	swait.ge [sflag:s17], $0x1400  }
0x31: {  	[sflag:s17] =	ssyncset.done $0x0  }
0x32: {  	[sflag:s17] =	ssyncadd.s32 $0xFFFFEC00  }
0x33: {  	[tilespmem:s21], [sflag:$0x1] =	stream.indirect.gather [hbm4b:s1+s20], $0x10, s4, s20, $0xb8;
	[tilespmem:$0xC310] =	vst v63  }
0x34: {  	s6 =	simm.s32 $0x40;
	s7 =	simm.s32 $0x0  }
0x35: {  	[tilespmem:s22], [sflag:$0x2] =	stream.indirect.gather [hbm4b:s1+s20], $0x10, s20, s20, $0xb8;
	[tilespmem:$0xC310] =	vst v63  }
.LBB2_2:
0x36: {  	p1 =	sne.s32 s6, $0x7FC0;
	[tilespmem:s7+$0x7C00] =	vst v0;
	s7 =	smov.u32 s6;
	s6 =	sadd.s32 $0x40, s6  }
.Ltmp2:
0x37: {  	(pc) =	sbr.rel @p1 .LBB2_2-.Ltmp2, $2  }
0x38: {  	_ =	sdelay $0x2  }
0x39: {  	s7 =	sshra.s32 s7, $0x2  }
0x3a: {  	[tilespmem:s7+$0x7C00] =	vst v0;
	s23 =	simm.s32 $0x7C00  }
0x3b: {  	[spmem:s8] =	stream.linear.scatter [tilespmem:s23], [sflag:$0x3], $0x2000, $0x38;
	[tilespmem:$0xC310] =	vst v63  }
0x3c: {  	_ =	swait.ge [sflag:s17], $0x2000  }
0x3d: {  	[sflag:s17] =	ssyncset.done $0x0  }
0x3e: {  	s6 =	rddreg [dreg:$0x7];
	[sflag:s17] =	ssyncadd.s32 $0xFFFFE000  }
0x3f: {  	[spmem:s6] =	stream.linear.scatter [tilespmem:s23], [sflag:$0x3], $0x700, $0x38;
	[tilespmem:$0xC310] =	vst v63  }
0x40: {  	_ =	swait.ge [sflag:s17], $0x700  }
0x41: {  	[sflag:s17] =	ssyncset.done $0x0  }
0x42: {  	s6 =	simm.s32 @!p0 $0x7C00;
	[sflag:s17] =	ssyncadd.s32 $0xFFFFF900  }
0x43: {  	[spmem:s10] =	stream.linear.scatter @!p0 [tilespmem:s6], [sflag:$0x3], $0x100, $0x38;
	[tilespmem:$0xC310] =	vst v63  }
0x44: {  	s6 =	simm.s32 @!p0 $0x3  }
0x45: {  	_ =	swait.ge @!p0 [sflag:s6], $0x100  }
0x46: {  	[sflag:s6] =	ssyncset.done @!p0 $0x0  }
0x47: {  	[sflag:s6] =	ssyncadd.s32 @!p0 $0xFFFFFF00  }
0x48: {  	s7 =	simm.s32 $0x0;
	s6 =	simm.s32 $0x0;
	[bflag:$0x0] =	sbarrier.arrive $0xFFFF  }
.LBB2_4:
0x49: {  	s13 =	simm.s32 $0x1  }
0x4a: {  	s9 =	sshll.u32 s7, $0xA;
	s11 =	simm.s32 $0x2;
	v3 =	vmov s13  }
0x4b: {  	s14 =	simm.s32 $0x3;
	v1 =	vmov s9;
	v4 =	vmov s11;
	v3 =	vand.u32 $0x1FD, v3  }
0x4c: {  	v5 =	vmov s14;
	v4 =	vand.u32 $0x1FE, v4;
	v3 =	vor.u32 v1, v3  }
0x4d: {  	v5 =	vand.u32 $0x1FF, v5;
	v4 =	vor.u32 v1, v4;
	v3 =	vbroadcast v3, $0x0  }
0x4e: {  	v2 =	vmov s6;
	v6 =	vbroadcast v4, $0x0;
	v4 =	vor.u32 v1, v5  }
0x4f: {  	v2 =	vand.u32 $0x1FC, v2;
	v5 =	vbroadcast v4, $0x0  }
0x50: {  	_ =	swait.ge [sflag:s24], $0x2000;
	s18 =	simm.s32 $0x4;
	s23 =	simm.s32 $0x5;
	v2 =	vor.u32 v1, v2  }
0x51: {  	[sflag:s24] =	ssyncset.done $0x0;
	v7 =	vmov s23;
	v2 =	vbroadcast v2, $0x0;
	v4 =	vmov s18  }
0x52: {  	[sflag:s24] =	ssyncadd.s32 $0xFFFFE000;
	v7 =	vand.u32 $0x1FD, v7;
	v4 =	vand.u32 $0x1FC, v4  }
0x53: {  	s11 =	simm.s32 $0x6;
	v7 =	vor.u32 v1, v7;
	v8 =	vor.u32 v1, v4;
	v4 =	vld.idx.msk [tilespmem:v3+s19+$0x0], $0xffff  }
0x54: {  	s12 =	simm.s32 $0x7;
	v7 =	vbroadcast v7, $0x0;
	v3 =	vld.idx.msk [tilespmem:v6+s19+$0x0], $0xffff;
	v6 =	vmov s11  }
0x55: {  	s18 =	simm.s32 $0x3C20;
	v10 =	vbroadcast v8, $0x0;
	v8 =	vmov s12;
	v13 =	vld.idx.msk [tilespmem:v5+s19+$0x0], $0xffff;
	v5 =	vand.u32 $0x1FE, v6  }
0x56: {  	v16 =	vld [tilespmem:s18+$0x10];
	v6 =	vand.u32 $0x1FF, v8;
	v5 =	vor.u32 v1, v5  }
0x57: {  	v2 =	vld.idx.msk [tilespmem:v2+s19+$0x0], $0xffff;
	v8 =	vor.u32 v1, v6;
	v12 =	vbroadcast v5, $0x0  }
0x58: {  	s13 =	simm.s32 $0x8;
	v6 =	vld [tilespmem:s18+$0xFFFFFFE0];
	v11 =	vbroadcast v8, $0x0  }
0x59: {  	s14 =	simm.s32 $0x9;
	s23 =	simm.s32 $0xA;
	v9 =	vld [tilespmem:s18+$0xFFFFFFF0];
	v5 =	vmov s13  }
0x5a: {  	v14 =	vmov s14;
	v15 =	vmov s23;
	v8 =	vld [tilespmem:s18+$0x0];
	v5 =	vand.u32 $0x1FC, v5  }
0x5b: {  	s9 =	sshll.u32 s7, $0x1;
	v18 =	vand.u32 $0x1FD, v14;
	v14 =	vand.u32 $0x1FE, v15;
	v7 =	vld.idx.msk [tilespmem:v7+s19+$0x0], $0xffff;
	v17 =	vor.u32 v1, v5  }
0x5c: {  	s23 =	simm.s32 $0xB;
	v15 =	vor.u32 v1, v18;
	s12 =	simm.s32 $0xC;
	s11 =	simm.s32 $0x3C20;
	v5 =	vld.idx.msk [tilespmem:v10+s19+$0x0], $0xffff;
	v10 =	vbroadcast v17, $0x0;
	v13 =	vmul.f32 v16, v13  }
.LBB2_5:
0x5d: {  	p1 =	slt.u32 s12, $0x1FC;
	v14 =	vor.u32 v1, v14;
	v16 =	vmov s23;
	v17 =	vld.idx.msk [tilespmem:v12+s19+$0x0], $0xffff;
	v2 =	vmul.f32 v6, v2  }
0x5e: {  	v18 =	vbroadcast v15, $0x0;
	s11 =	sadd.s32 $0x40, s11;
	v6 =	vand.u32 $0x1FF, v16;
	v16 =	vld.idx.msk [tilespmem:v11+s19+$0x0], $0xffff;
	v4 =	vmul.f32 v9, v4;
	[tilespmem:s18+$0x10] =	vst v13  }
0x5f: {  	v12 =	vbroadcast v14, $0x0;
	v6 =	vor.u32 v1, v6;
	v13 =	vld [tilespmem:s11+$0x10];
	[tilespmem:s18+$0xFFFFFFE0] =	vst v2;
	v8 =	vmul.f32 v8, v3  }
.Ltmp3:
0x60: {  	v11 =	vbroadcast v6, $0x0;
	v6 =	vld [tilespmem:s11+$0xFFFFFFE0];
	[tilespmem:s18+$0xFFFFFFF0] =	vst v4;
	(pc) =	sbr.rel @p1 .LBB2_5-.Ltmp3, $4  }
0x61: {  	v20 =	vmov s12;
	s13 =	sadd.s32 $0x1, s12;
	s23 =	sadd.s32 $0x2, s12;
	v9 =	vld [tilespmem:s11+$0xFFFFFFF0];
	[tilespmem:s18+$0x0] =	vst v8;
	v2 =	vmov v5;
	s18 =	smov.u32 s11  }
0x62: {  	v19 =	vand.u32 $0x1FC, v20;
	v14 =	vmov s23;
	v5 =	vmov s13;
	v8 =	vld [tilespmem:s11+$0x0];
	v4 =	vmovc v7  }
0x63: {  	v14 =	vand.u32 $0x1FE, v14;
	v7 =	vor.u32 v1, v19;
	v15 =	vand.u32 $0x1FD, v5;
	v3 =	vmovc v17;
	v5 =	vld.idx.msk [tilespmem:v10+s19+$0x0], $0xffff  }
0x64: {  	s23 =	sadd.s32 $0x3, s12;
	s12 =	sadd.s32 $0x4, s12;
	v10 =	vbroadcast v7, $0x0;
	v15 =	vor.u32 v1, v15;
	v7 =	vld.idx.msk [tilespmem:v18+s19+$0x0], $0xffff;
	v13 =	vmul.f32 v13, v16  }
0x65: {  	_ =	sdelay $0x3  }
0x66: {  	v12 =	vld.idx.msk [tilespmem:v12+s19+$0x0], $0xffff  }
0x67: {  	v11 =	vld.idx.msk [tilespmem:v11+s19+$0x0], $0xffff;
	s11 =	sadd.s32 $0x40, s11  }
0x68: {  	v16 =	vmov s23;
	v17 =	vld [tilespmem:s11+$0xFFFFFFE0]  }
0x69: {  	v15 =	vbroadcast v15, $0x0;
	v16 =	vand.u32 $0x1FF, v16;
	v18 =	vld [tilespmem:s11+$0xFFFFFFF0]  }
0x6a: {  	v14 =	vor.u32 v1, v14;
	v19 =	vld [tilespmem:s11+$0x0];
	v1 =	vor.u32 v1, v16  }
0x6b: {  	v2 =	vmul.f32 v6, v2;
	v10 =	vld.idx.msk [tilespmem:v10+s19+$0x0], $0xffff;
	v1 =	vbroadcast v1, $0x0  }
0x6c: {  	v14 =	vbroadcast v14, $0x0;
	s12 =	sadd.s32 $0x40, s11;
	v16 =	vld [tilespmem:s11+$0x10]  }
0x6d: {  	[tilespmem:s18+$0xFFFFFFE0] =	vst v2;
	v2 =	vmul.f32 v8, v3;
	v3 =	vld [tilespmem:s12+$0x10]  }
0x6e: {  	v8 =	vld [tilespmem:s12+$0xFFFFFFE0]  }
0x6f: {  	v4 =	vmul.f32 v9, v4;
	v15 =	vld.idx.msk [tilespmem:v15+s19+$0x0], $0xffff  }
0x70: {  	[tilespmem:s18+$0x0] =	vst v2;
	v2 =	vmul.f32 v17, v5;
	v5 =	vld [tilespmem:s12+$0xFFFFFFF0]  }
0x71: {  	[tilespmem:s18+$0xFFFFFFF0] =	vst v4;
	v4 =	vmul.f32 v16, v11;
	v1 =	vld.idx.msk [tilespmem:v1+s19+$0x0], $0xffff  }
0x72: {  	v6 =	vld.idx.msk [tilespmem:v14+s19+$0x0], $0xffff;
	[tilespmem:s11+$0xFFFFFFE0] =	vst v2  }
0x73: {  	v2 =	vmul.f32 v19, v12;
	[tilespmem:s11+$0x10] =	vst v4;
	v4 =	vld [tilespmem:s12+$0x0]  }
0x74: {  	[tilespmem:s18+$0x10] =	vst v13;
	v7 =	vmul.f32 v18, v7  }
0x75: {  	[tilespmem:s11+$0x0] =	vst v2;
	v2 =	vmul.f32 v8, v10  }
0x76: {  	[tilespmem:s11+$0xFFFFFFF0] =	vst v7;
	v1 =	vmul.f32 v3, v1  }
0x77: {  	[tilespmem:s12+$0xFFFFFFE0] =	vst v2;
	v3 =	vmul.f32 v5, v15  }
0x78: {  	s11 =	sshll.u32 s7, $0xC;
	[tilespmem:s12+$0x10] =	vst v1;
	v1 =	vmul.f32 v4, v6  }
0x79: {  	s18 =	sshrl.u32 s11, $0x2;
	[tilespmem:s12+$0xFFFFFFF0] =	vst v3  }
0x7a: {  	s23 =	sadd.s32 $0x1400, s18;
	[tilespmem:s12+$0x0] =	vst v1  }
0x7b: {  	[spmem:s2] =	stream.indirect.scatter.add.f32 [tilespmem:s21], [sflag:$0x3], $0x10, s23, s25, $0xb8;
	[tilespmem:$0xC310] =	vst v63  }
0x7c: {  	_ =	swait.ge [sflag:s17], $0x800  }
0x7d: {  	[sflag:s17] =	ssyncset.done $0x0  }
0x7e: {  	s13 =	sadd.s32 $0x1480, s18;
	[sflag:s17] =	ssyncadd.s32 $0xFFFFF800  }
0x7f: {  	[spmem:s2] =	stream.indirect.scatter.add.f32 [tilespmem:s26], [sflag:$0x3], $0x10, s13, s25, $0xb8;
	[tilespmem:$0xC310] =	vst v63  }
0x80: {  	_ =	swait.ge [sflag:s17], $0x800  }
0x81: {  	[sflag:s17] =	ssyncset.done $0x0  }
0x82: {  	s9 =	sor.u32 $0x1, s9;
	s14 =	sadd.s32 $0x1500, s18;
	[sflag:s17] =	ssyncadd.s32 $0xFFFFF800  }
0x83: {  	[spmem:s2] =	stream.indirect.scatter.add.f32 [tilespmem:s28], [sflag:$0x3], $0x10, s14, s25, $0xb8;
	[tilespmem:$0xC310] =	vst v63  }
0x84: {  	s9 =	sshll.u32 s9, $0x9;
	_ =	swait.ge [sflag:s17], $0x800  }
0x85: {  	s23 =	sadd.s32 $0x1580, s18;
	s13 =	simm.s32 $0x0;
	[sflag:s17] =	ssyncset.done $0x0  }
0x86: {  	v2 =	vmov s13;
	s13 =	simm.s32 $0x2;
	s14 =	simm.s32 $0x1;
	[sflag:s17] =	ssyncadd.s32 $0xFFFFF800  }
0x87: {  	v3 =	vmov s14;
	[spmem:s2] =	stream.indirect.scatter.add.f32 [tilespmem:s29], [sflag:$0x3], $0x10, s23, s25, $0xb8;
	[tilespmem:$0xC310] =	vst v63  }
0x88: {  	p1 =	seq.s32 s7, $0x4;
	v1 =	vmov s9;
	v4 =	vmov s13;
	v3 =	vand.u32 $0x1FD, v3;
	s23 =	simm.s32 $0x3  }
0x89: {  	s11 =	sshrl.u32 @!p1 s11, $0x2;
	v4 =	vand.u32 $0x1FE, v4;
	v3 =	vor.u32 v1, v3;
	_ =	swait.ge [sflag:s17], $0x800;
	v5 =	vmov s23  }
0x8a: {  	s11 =	sadd.s32 @!p1 $0x400, s11;
	v4 =	vor.u32 v1, v4;
	v3 =	vbroadcast v3, $0x0;
	[sflag:s17] =	ssyncset.done $0x0;
	v5 =	vand.u32 $0x1FF, v5  }
0x8b: {  	s12 =	simm.s32 @!p1 $0x200;
	v2 =	vand.u32 $0x1FC, v2;
	s13 =	simm.s32 @!p1 $0x3C00;
	v6 =	vbroadcast v4, $0x0;
	[sflag:s17] =	ssyncadd.s32 $0xFFFFF800;
	v4 =	vor.u32 v1, v5  }
0x8c: {  	v2 =	vor.u32 v1, v2;
	[tilespmem:s13], [sflag:$0x1] =	stream.indirect.gather @!p1 [hbm4b:s1+s12], $0x10, s11, s12, $0xb8;
	v5 =	vbroadcast v4, $0x0;
	[tilespmem:$0xC310] =	vst v63  }
0x8d: {  	v2 =	vbroadcast v2, $0x0;
	s12 =	simm.s32 $0x4;
	_ =	swait.ge [sflag:s30], $0x2000  }
0x8e: {  	s13 =	simm.s32 $0x5;
	v4 =	vmov s12;
	[sflag:s30] =	ssyncset.done $0x0  }
0x8f: {  	v7 =	vmov s13;
	v4 =	vand.u32 $0x1FC, v4;
	[sflag:s30] =	ssyncadd.s32 $0xFFFFE000  }
0x90: {  	s14 =	simm.s32 $0x6;
	v7 =	vand.u32 $0x1FD, v7;
	v8 =	vor.u32 v1, v4;
	v4 =	vld.idx.msk [tilespmem:v3+s19+$0x0], $0xffff  }
0x91: {  	s23 =	simm.s32 $0x7;
	v7 =	vor.u32 v1, v7;
	v3 =	vld.idx.msk [tilespmem:v6+s19+$0x0], $0xffff;
	v6 =	vmov s14  }
0x92: {  	v9 =	vbroadcast v8, $0x0;
	v8 =	vmov s23;
	v13 =	vld.idx.msk [tilespmem:v5+s19+$0x0], $0xffff;
	v5 =	vand.u32 $0x1FE, v6  }
0x93: {  	s11 =	simm.s32 $0x5C20;
	v2 =	vld.idx.msk [tilespmem:v2+s19+$0x0], $0xffff;
	v7 =	vbroadcast v7, $0x0;
	v6 =	vand.u32 $0x1FF, v8;
	v5 =	vor.u32 v1, v5  }
0x94: {  	v16 =	vld [tilespmem:s11+$0x10];
	v8 =	vor.u32 v1, v6;
	v12 =	vbroadcast v5, $0x0  }
0x95: {  	s13 =	simm.s32 $0x8;
	v6 =	vld [tilespmem:s11+$0xFFFFFFE0];
	v11 =	vbroadcast v8, $0x0  }
0x96: {  	s14 =	simm.s32 $0x9;
	s23 =	simm.s32 $0xA;
	v10 =	vld [tilespmem:s11+$0xFFFFFFF0];
	v5 =	vmov s13  }
0x97: {  	v14 =	vmov s14;
	v15 =	vmov s23;
	v8 =	vld [tilespmem:s11+$0x0];
	v5 =	vand.u32 $0x1FC, v5  }
0x98: {  	v63 =	vand.u32 $0x1FD, v14;
	v14 =	vand.u32 $0x1FE, v15;
	v17 =	vor.u32 v1, v5;
	v5 =	vld.idx.msk [tilespmem:v9+s19+$0x0], $0xffff  }
0x99: {  	s12 =	simm.s32 $0x5C20;
	s23 =	simm.s32 $0xC;
	v15 =	vor.u32 v1, v63;
	s13 =	simm.s32 $0xB;
	v7 =	vld.idx.msk [tilespmem:v7+s19+$0x0], $0xffff;
	v9 =	vbroadcast v17, $0x0;
	v13 =	vmul.f32 v16, v13  }
.LBB2_7:
0x9a: {  	p2 =	slt.u32 s23, $0x1FC;
	v14 =	vor.u32 v1, v14;
	v16 =	vmov s13;
	v17 =	vld.idx.msk [tilespmem:v12+s19+$0x0], $0xffff;
	v2 =	vmul.f32 v6, v2  }
0x9b: {  	v18 =	vbroadcast v15, $0x0;
	s12 =	sadd.s32 $0x40, s12;
	v6 =	vand.u32 $0x1FF, v16;
	v16 =	vld.idx.msk [tilespmem:v11+s19+$0x0], $0xffff;
	v4 =	vmul.f32 v10, v4;
	[tilespmem:s11+$0x10] =	vst v13  }
0x9c: {  	v12 =	vbroadcast v14, $0x0;
	v6 =	vor.u32 v1, v6;
	v13 =	vld [tilespmem:s12+$0x10];
	[tilespmem:s11+$0xFFFFFFE0] =	vst v2;
	v8 =	vmul.f32 v8, v3  }
.Ltmp4:
0x9d: {  	v11 =	vbroadcast v6, $0x0;
	v6 =	vld [tilespmem:s12+$0xFFFFFFE0];
	[tilespmem:s11+$0xFFFFFFF0] =	vst v4;
	(pc) =	sbr.rel @p2 .LBB2_7-.Ltmp4, $4  }
0x9e: {  	v20 =	vmov s23;
	s13 =	sadd.s32 $0x1, s23;
	s14 =	sadd.s32 $0x2, s23;
	v10 =	vld [tilespmem:s12+$0xFFFFFFF0];
	[tilespmem:s11+$0x0] =	vst v8;
	v2 =	vmov v5;
	s11 =	smov.u32 s12  }
0x9f: {  	v19 =	vand.u32 $0x1FC, v20;
	v14 =	vmov s14;
	v5 =	vmov s13;
	v8 =	vld [tilespmem:s12+$0x0];
	v4 =	vmovc v7  }
0xa0: {  	v14 =	vand.u32 $0x1FE, v14;
	v7 =	vor.u32 v1, v19;
	v15 =	vand.u32 $0x1FD, v5;
	v3 =	vmovc v17;
	v5 =	vld.idx.msk [tilespmem:v9+s19+$0x0], $0xffff  }
0xa1: {  	s13 =	sadd.s32 $0x3, s23;
	s23 =	sadd.s32 $0x4, s23;
	v9 =	vbroadcast v7, $0x0;
	v15 =	vor.u32 v1, v15;
	v7 =	vld.idx.msk [tilespmem:v18+s19+$0x0], $0xffff;
	v13 =	vmul.f32 v13, v16  }
0xa2: {  	_ =	sdelay $0x3  }
0xa3: {  	v12 =	vld.idx.msk [tilespmem:v12+s19+$0x0], $0xffff  }
0xa4: {  	v11 =	vld.idx.msk [tilespmem:v11+s19+$0x0], $0xffff;
	s12 =	sadd.s32 $0x40, s12  }
0xa5: {  	v16 =	vmov s13;
	v58 =	vld [tilespmem:s12+$0x10]  }
0xa6: {  	v16 =	vand.u32 $0x1FF, v16;
	v17 =	vld [tilespmem:s12+$0xFFFFFFE0]  }
0xa7: {  	v14 =	vor.u32 v1, v14;
	v18 =	vld [tilespmem:s12+$0xFFFFFFF0];
	v1 =	vor.u32 v1, v16  }
0xa8: {  	v2 =	vmul.f32 v6, v2;
	v19 =	vld [tilespmem:s12+$0x0];
	v1 =	vbroadcast v1, $0x0  }
0xa9: {  	v15 =	vbroadcast v15, $0x0;
	v9 =	vld.idx.msk [tilespmem:v9+s19+$0x0], $0xffff;
	s23 =	sadd.s32 $0x40, s12  }
0xaa: {  	v14 =	vbroadcast v14, $0x0;
	[tilespmem:s11+$0xFFFFFFE0] =	vst v2;
	v2 =	vmul.f32 v8, v3;
	v3 =	vld [tilespmem:s23+$0x10]  }
0xab: {  	v61 =	vld [tilespmem:s23+$0xFFFFFFE0]  }
0xac: {  	v62 =	vld [tilespmem:s23+$0xFFFFFFF0]  }
0xad: {  	v4 =	vmul.f32 v10, v4;
	[tilespmem:s11+$0x10] =	vst v13;
	v63 =	vld [tilespmem:s23+$0x0]  }
0xae: {  	[tilespmem:s11+$0x0] =	vst v2;
	v2 =	vmul.f32 v17, v5;
	v1 =	vld.idx.msk [tilespmem:v1+s19+$0x0], $0xffff  }
0xaf: {  	[tilespmem:s11+$0xFFFFFFF0] =	vst v4;
	v15 =	vld.idx.msk [tilespmem:v15+s19+$0x0], $0xffff;
	v60 =	vmul.f32 v58, v11  }
0xb0: {  	v59 =	vld.idx.msk [tilespmem:v14+s19+$0x0], $0xffff;
	[tilespmem:s12+$0xFFFFFFE0] =	vst v2;
	v2 =	vmul.f32 v19, v12  }
0xb1: {  	v7 =	vmul.f32 v18, v7;
	[tilespmem:s12+$0x10] =	vst v60  }
0xb2: {  	[tilespmem:s12+$0x0] =	vst v2;
	v2 =	vmul.f32 v61, v9  }
0xb3: {  	[tilespmem:s12+$0xFFFFFFF0] =	vst v7;
	v1 =	vmul.f32 v3, v1  }
0xb4: {  	[tilespmem:s23+$0xFFFFFFE0] =	vst v2;
	v3 =	vmul.f32 v62, v15  }
0xb5: {  	[tilespmem:s23+$0x10] =	vst v1;
	v1 =	vmul.f32 v63, v59  }
0xb6: {  	s9 =	sand.u32 $0x3FFFFE00, s9;
	[tilespmem:s23+$0xFFFFFFF0] =	vst v3  }
0xb7: {  	s13 =	sadd.s32 $0x1400, s9;
	[tilespmem:s23+$0x0] =	vst v1  }
0xb8: {  	[spmem:s2] =	stream.indirect.scatter.add.f32 [tilespmem:s22], [sflag:$0x3], $0x10, s13, s25, $0xb8;
	[tilespmem:$0xC310] =	vst v63  }
0xb9: {  	_ =	swait.ge [sflag:s17], $0x800  }
0xba: {  	[sflag:s17] =	ssyncset.done $0x0  }
0xbb: {  	s14 =	sadd.s32 $0x1480, s9;
	[sflag:s17] =	ssyncadd.s32 $0xFFFFF800  }
0xbc: {  	[spmem:s2] =	stream.indirect.scatter.add.f32 [tilespmem:s31], [sflag:$0x3], $0x10, s14, s25, $0xb8;
	[tilespmem:$0xC310] =	vst v63  }
0xbd: {  	_ =	swait.ge [sflag:s17], $0x800  }
0xbe: {  	[sflag:s17] =	ssyncset.done $0x0  }
0xbf: {  	s23 =	sadd.s32 $0x1500, s9;
	[sflag:s17] =	ssyncadd.s32 $0xFFFFF800  }
0xc0: {  	[spmem:s2] =	stream.indirect.scatter.add.f32 [tilespmem:s0], [sflag:$0x3], $0x10, s23, s25, $0xb8;
	[tilespmem:$0xC310] =	vst v63  }
0xc1: {  	_ =	swait.ge [sflag:s17], $0x800  }
0xc2: {  	[sflag:s17] =	ssyncset.done $0x0  }
.Ltmp5:
0xc3: {  	s9 =	sadd.s32 $0x1580, s9;
	[sflag:s17] =	ssyncadd.s32 $0xFFFFF800;
	(pc) =	sbr.rel @p1 .LBB2_10-.Ltmp5, $4  }
0xc4: {  	[spmem:s2] =	stream.indirect.scatter.add.f32 [tilespmem:s3], [sflag:$0x3], $0x10, s9, s25, $0xb8;
	[tilespmem:$0xC310] =	vst v63  }
0xc5: {  	_ =	swait.ge [sflag:s17], $0x800  }
0xc6: {  	[sflag:s17] =	ssyncset.done $0x0  }
0xc7: {  	[sflag:s17] =	ssyncadd.s32 $0xFFFFF800  }
.Ltmp6:
0xc8: {  	(pc) =	sbr.rel .LBB2_4-.Ltmp6, $3  }
0xc9: {  	_ =	sdelay $0x1  }
0xca: {  	s9 =	sadd.s32 $0x600, s18;
	s7 =	sadd.s32 $0x1, s7  }
0xcb: {  	[tilespmem:s22], [sflag:$0x2] =	stream.indirect.gather [hbm4b:s1+s20], $0x10, s9, s20, $0xb8;
	[tilespmem:$0xC310] =	vst v63  }
.LBB2_10:
0xcc: {  	s6 =	simm.s32 $0x0;
	s7 =	rddreg [dreg:$0x8]  }
0xcd: {  	[tilespmem:s6], [sflag:$0x3] =	stream.linear.gather [hbm4b:s7+s6], $0x1400, $0x38;
	[tilespmem:$0xC310] =	vst v63  }
0xce: {  	_ =	swait.ge [sflag:s17], $0x1400  }
0xcf: {  	[sflag:s17] =	ssyncset.done $0x0  }
0xd0: {  	s9 =	simm.s32 $0x1400;
	s18 =	rddreg [dreg:$0x9];
	[sflag:s17] =	ssyncadd.s32 $0xFFFFEC00  }
0xd1: {  	[tilespmem:s9], [sflag:$0x3] =	stream.linear.gather [hbm4b:s18+s6], $0x1400, $0x38;
	[tilespmem:$0xC310] =	vst v63  }
0xd2: {  	_ =	swait.ge [sflag:s17], $0x1400  }
0xd3: {  	[sflag:s17] =	ssyncset.done $0x0  }
0xd4: {  	s23 =	rddreg [dreg:$0xa];
	[sflag:s17] =	ssyncadd.s32 $0xFFFFEC00  }
0xd5: {  	[tilespmem:s19], [sflag:$0x3] =	stream.linear.gather [hbm4b:s23+s6], $0x1400, $0x38;
	[tilespmem:$0xC310] =	vst v63  }
0xd6: {  	_ =	swait.ge [sflag:s17], $0x1400  }
0xd7: {  	[sflag:s17] =	ssyncset.done $0x0  }
0xd8: {  	[sflag:s17] =	ssyncadd.s32 $0xFFFFEC00  }
0xd9: {  	[tilespmem:s21], [sflag:$0x1] =	stream.indirect.gather [hbm4b:s1+s20], $0x10, s6, s20, $0xb8;
	[tilespmem:$0xC310] =	vst v63  }
0xda: {  	s7 =	simm.s32 $0x0  }
0xdb: {  	[tilespmem:s22], [sflag:$0x2] =	stream.indirect.gather [hbm4b:s1+s20], $0x10, s20, s20, $0xb8;
	[tilespmem:$0xC310] =	vst v63  }
.LBB2_11:
0xdc: {  	s13 =	simm.s32 $0x1  }
0xdd: {  	s9 =	sshll.u32 s7, $0xA;
	s11 =	simm.s32 $0x2;
	v3 =	vmov s13  }
0xde: {  	s14 =	simm.s32 $0x3;
	v1 =	vmov s9;
	v4 =	vmov s11;
	v3 =	vand.u32 $0x1FD, v3  }
0xdf: {  	v5 =	vmov s14;
	v4 =	vand.u32 $0x1FE, v4;
	v3 =	vor.u32 v1, v3  }
0xe0: {  	v5 =	vand.u32 $0x1FF, v5;
	v4 =	vor.u32 v1, v4;
	v3 =	vbroadcast v3, $0x0  }
0xe1: {  	v2 =	vmov s6;
	v6 =	vbroadcast v4, $0x0;
	v4 =	vor.u32 v1, v5  }
0xe2: {  	v2 =	vand.u32 $0x1FC, v2;
	v5 =	vbroadcast v4, $0x0  }
0xe3: {  	_ =	swait.ge [sflag:s24], $0x2000;
	s18 =	simm.s32 $0x4;
	s23 =	simm.s32 $0x5;
	v2 =	vor.u32 v1, v2  }
0xe4: {  	[sflag:s24] =	ssyncset.done $0x0;
	v7 =	vmov s23;
	v2 =	vbroadcast v2, $0x0;
	v4 =	vmov s18  }
0xe5: {  	[sflag:s24] =	ssyncadd.s32 $0xFFFFE000;
	v7 =	vand.u32 $0x1FD, v7;
	v4 =	vand.u32 $0x1FC, v4  }
0xe6: {  	s11 =	simm.s32 $0x6;
	v7 =	vor.u32 v1, v7;
	v8 =	vor.u32 v1, v4;
	v4 =	vld.idx.msk [tilespmem:v3+s19+$0x0], $0xffff  }
0xe7: {  	s12 =	simm.s32 $0x7;
	v7 =	vbroadcast v7, $0x0;
	v3 =	vld.idx.msk [tilespmem:v6+s19+$0x0], $0xffff;
	v6 =	vmov s11  }
0xe8: {  	s18 =	simm.s32 $0x3C20;
	v10 =	vbroadcast v8, $0x0;
	v8 =	vmov s12;
	v13 =	vld.idx.msk [tilespmem:v5+s19+$0x0], $0xffff;
	v5 =	vand.u32 $0x1FE, v6  }
0xe9: {  	v16 =	vld [tilespmem:s18+$0x10];
	v6 =	vand.u32 $0x1FF, v8;
	v5 =	vor.u32 v1, v5  }
0xea: {  	v2 =	vld.idx.msk [tilespmem:v2+s19+$0x0], $0xffff;
	v8 =	vor.u32 v1, v6;
	v12 =	vbroadcast v5, $0x0  }
0xeb: {  	s13 =	simm.s32 $0x8;
	v6 =	vld [tilespmem:s18+$0xFFFFFFE0];
	v11 =	vbroadcast v8, $0x0  }
0xec: {  	s14 =	simm.s32 $0x9;
	s23 =	simm.s32 $0xA;
	v9 =	vld [tilespmem:s18+$0xFFFFFFF0];
	v5 =	vmov s13  }
0xed: {  	v14 =	vmov s14;
	v15 =	vmov s23;
	v8 =	vld [tilespmem:s18+$0x0];
	v5 =	vand.u32 $0x1FC, v5  }
0xee: {  	s9 =	sshll.u32 s7, $0x1;
	v18 =	vand.u32 $0x1FD, v14;
	v14 =	vand.u32 $0x1FE, v15;
	v7 =	vld.idx.msk [tilespmem:v7+s19+$0x0], $0xffff;
	v17 =	vor.u32 v1, v5  }
0xef: {  	v15 =	vor.u32 v1, v18;
	s12 =	simm.s32 $0xC;
	s11 =	simm.s32 $0x3C20;
	s13 =	simm.s32 $0xB;
	v5 =	vld.idx.msk [tilespmem:v10+s19+$0x0], $0xffff;
	v10 =	vbroadcast v17, $0x0;
	v13 =	vmul.f32 v16, v13  }
.LBB2_12:
0xf0: {  	p1 =	slt.u32 s12, $0x1FC;
	v14 =	vor.u32 v1, v14;
	v16 =	vmov s13;
	v17 =	vld.idx.msk [tilespmem:v12+s19+$0x0], $0xffff;
	v2 =	vmul.f32 v6, v2  }
0xf1: {  	v18 =	vbroadcast v15, $0x0;
	s11 =	sadd.s32 $0x40, s11;
	v6 =	vand.u32 $0x1FF, v16;
	v16 =	vld.idx.msk [tilespmem:v11+s19+$0x0], $0xffff;
	v4 =	vmul.f32 v9, v4;
	[tilespmem:s18+$0x10] =	vst v13  }
0xf2: {  	v12 =	vbroadcast v14, $0x0;
	v6 =	vor.u32 v1, v6;
	v13 =	vld [tilespmem:s11+$0x10];
	[tilespmem:s18+$0xFFFFFFE0] =	vst v2;
	v8 =	vmul.f32 v8, v3  }
.Ltmp7:
0xf3: {  	v11 =	vbroadcast v6, $0x0;
	v6 =	vld [tilespmem:s11+$0xFFFFFFE0];
	[tilespmem:s18+$0xFFFFFFF0] =	vst v4;
	(pc) =	sbr.rel @p1 .LBB2_12-.Ltmp7, $4  }
0xf4: {  	v20 =	vmov s12;
	s13 =	sadd.s32 $0x1, s12;
	s14 =	sadd.s32 $0x2, s12;
	v9 =	vld [tilespmem:s11+$0xFFFFFFF0];
	[tilespmem:s18+$0x0] =	vst v8;
	v2 =	vmov v5;
	s18 =	smov.u32 s11  }
0xf5: {  	v19 =	vand.u32 $0x1FC, v20;
	v14 =	vmov s14;
	v5 =	vmov s13;
	v8 =	vld [tilespmem:s11+$0x0];
	v4 =	vmovc v7  }
0xf6: {  	v14 =	vand.u32 $0x1FE, v14;
	v7 =	vor.u32 v1, v19;
	v15 =	vand.u32 $0x1FD, v5;
	v3 =	vmovc v17;
	v5 =	vld.idx.msk [tilespmem:v10+s19+$0x0], $0xffff  }
0xf7: {  	s13 =	sadd.s32 $0x3, s12;
	s12 =	sadd.s32 $0x4, s12;
	v10 =	vbroadcast v7, $0x0;
	v15 =	vor.u32 v1, v15;
	v7 =	vld.idx.msk [tilespmem:v18+s19+$0x0], $0xffff;
	v13 =	vmul.f32 v13, v16  }
0xf8: {  	_ =	sdelay $0x3  }
0xf9: {  	v12 =	vld.idx.msk [tilespmem:v12+s19+$0x0], $0xffff  }
0xfa: {  	v11 =	vld.idx.msk [tilespmem:v11+s19+$0x0], $0xffff;
	s11 =	sadd.s32 $0x40, s11  }
0xfb: {  	v16 =	vmov s13;
	v17 =	vld [tilespmem:s11+$0xFFFFFFE0]  }
0xfc: {  	v15 =	vbroadcast v15, $0x0;
	v16 =	vand.u32 $0x1FF, v16;
	v18 =	vld [tilespmem:s11+$0xFFFFFFF0]  }
0xfd: {  	v14 =	vor.u32 v1, v14;
	v19 =	vld [tilespmem:s11+$0x0];
	v1 =	vor.u32 v1, v16  }
0xfe: {  	v2 =	vmul.f32 v6, v2;
	v10 =	vld.idx.msk [tilespmem:v10+s19+$0x0], $0xffff;
	v1 =	vbroadcast v1, $0x0  }
0xff: {  	v14 =	vbroadcast v14, $0x0;
	s12 =	sadd.s32 $0x40, s11;
	v16 =	vld [tilespmem:s11+$0x10]  }
0x100: {  	[tilespmem:s18+$0xFFFFFFE0] =	vst v2;
	v2 =	vmul.f32 v8, v3;
	v3 =	vld [tilespmem:s12+$0x10]  }
0x101: {  	v8 =	vld [tilespmem:s12+$0xFFFFFFE0]  }
0x102: {  	v4 =	vmul.f32 v9, v4;
	v15 =	vld.idx.msk [tilespmem:v15+s19+$0x0], $0xffff  }
0x103: {  	[tilespmem:s18+$0x0] =	vst v2;
	v2 =	vmul.f32 v17, v5;
	v5 =	vld [tilespmem:s12+$0xFFFFFFF0]  }
0x104: {  	[tilespmem:s18+$0xFFFFFFF0] =	vst v4;
	v4 =	vmul.f32 v16, v11;
	v1 =	vld.idx.msk [tilespmem:v1+s19+$0x0], $0xffff  }
0x105: {  	v6 =	vld.idx.msk [tilespmem:v14+s19+$0x0], $0xffff;
	[tilespmem:s11+$0xFFFFFFE0] =	vst v2  }
0x106: {  	v2 =	vmul.f32 v19, v12;
	[tilespmem:s11+$0x10] =	vst v4;
	v4 =	vld [tilespmem:s12+$0x0]  }
0x107: {  	[tilespmem:s18+$0x10] =	vst v13;
	v7 =	vmul.f32 v18, v7  }
0x108: {  	[tilespmem:s11+$0x0] =	vst v2;
	v2 =	vmul.f32 v8, v10  }
0x109: {  	[tilespmem:s11+$0xFFFFFFF0] =	vst v7;
	v1 =	vmul.f32 v3, v1  }
0x10a: {  	[tilespmem:s12+$0xFFFFFFE0] =	vst v2;
	v3 =	vmul.f32 v5, v15  }
0x10b: {  	s11 =	sshll.u32 s7, $0xC;
	[tilespmem:s12+$0x10] =	vst v1;
	v1 =	vmul.f32 v4, v6  }
0x10c: {  	s18 =	sshrl.u32 s11, $0x2;
	[tilespmem:s12+$0xFFFFFFF0] =	vst v3  }
0x10d: {  	s14 =	sadd.s32 $0x1400, s18;
	[tilespmem:s12+$0x0] =	vst v1  }
0x10e: {  	[spmem:s2] =	stream.indirect.scatter.add.f32 [tilespmem:s21], [sflag:$0x3], $0x10, s14, s25, $0xb8;
	[tilespmem:$0xC310] =	vst v63  }
0x10f: {  	_ =	swait.ge [sflag:s17], $0x800  }
0x110: {  	[sflag:s17] =	ssyncset.done $0x0  }
0x111: {  	s23 =	sadd.s32 $0x1480, s18;
	[sflag:s17] =	ssyncadd.s32 $0xFFFFF800  }
0x112: {  	[spmem:s2] =	stream.indirect.scatter.add.f32 [tilespmem:s26], [sflag:$0x3], $0x10, s23, s25, $0xb8;
	[tilespmem:$0xC310] =	vst v63  }
0x113: {  	_ =	swait.ge [sflag:s17], $0x800  }
0x114: {  	[sflag:s17] =	ssyncset.done $0x0  }
0x115: {  	s13 =	sadd.s32 $0x1500, s18;
	[sflag:s17] =	ssyncadd.s32 $0xFFFFF800  }
0x116: {  	[spmem:s2] =	stream.indirect.scatter.add.f32 [tilespmem:s28], [sflag:$0x3], $0x10, s13, s25, $0xb8;
	[tilespmem:$0xC310] =	vst v63  }
0x117: {  	s9 =	sor.u32 $0x1, s9;
	_ =	swait.ge [sflag:s17], $0x800  }
0x118: {  	s9 =	sshll.u32 s9, $0x9;
	[sflag:s17] =	ssyncset.done $0x0  }
0x119: {  	s14 =	sadd.s32 $0x1580, s18;
	s13 =	simm.s32 $0x1;
	[sflag:s17] =	ssyncadd.s32 $0xFFFFF800  }
0x11a: {  	[spmem:s2] =	stream.indirect.scatter.add.f32 [tilespmem:s29], [sflag:$0x3], $0x10, s14, s25, $0xb8;
	[tilespmem:$0xC310] =	vst v63  }
0x11b: {  	v1 =	vmov s9;
	s23 =	simm.s32 $0x0;
	v3 =	vmov s13;
	s14 =	simm.s32 $0x2  }
0x11c: {  	p1 =	seq.s32 s7, $0x4;
	v2 =	vmov s23;
	s23 =	simm.s32 $0x3;
	v3 =	vand.u32 $0x1FD, v3;
	v4 =	vmov s14  }
0x11d: {  	s11 =	sshrl.u32 @!p1 s11, $0x2;
	v5 =	vmov s23;
	v3 =	vor.u32 v1, v3;
	_ =	swait.ge [sflag:s17], $0x800;
	v4 =	vand.u32 $0x1FE, v4  }
0x11e: {  	s11 =	sadd.s32 @!p1 $0x400, s11;
	v5 =	vand.u32 $0x1FF, v5;
	v3 =	vbroadcast v3, $0x0;
	[sflag:s17] =	ssyncset.done $0x0;
	v4 =	vor.u32 v1, v4  }
0x11f: {  	s12 =	simm.s32 @!p1 $0x200;
	v2 =	vand.u32 $0x1FC, v2;
	s13 =	simm.s32 @!p1 $0x3C00;
	[sflag:s17] =	ssyncadd.s32 $0xFFFFF800;
	v6 =	vbroadcast v4, $0x0;
	v4 =	vor.u32 v1, v5  }
0x120: {  	v2 =	vor.u32 v1, v2;
	[tilespmem:s13], [sflag:$0x1] =	stream.indirect.gather @!p1 [hbm4b:s1+s12], $0x10, s11, s12, $0xb8;
	v5 =	vbroadcast v4, $0x0;
	[tilespmem:$0xC310] =	vst v63  }
0x121: {  	v2 =	vbroadcast v2, $0x0;
	s12 =	simm.s32 $0x4;
	_ =	swait.ge [sflag:s30], $0x2000  }
0x122: {  	s13 =	simm.s32 $0x5;
	v4 =	vmov s12;
	[sflag:s30] =	ssyncset.done $0x0  }
0x123: {  	v7 =	vmov s13;
	v4 =	vand.u32 $0x1FC, v4;
	[sflag:s30] =	ssyncadd.s32 $0xFFFFE000  }
0x124: {  	s14 =	simm.s32 $0x6;
	v7 =	vand.u32 $0x1FD, v7;
	v8 =	vor.u32 v1, v4;
	v4 =	vld.idx.msk [tilespmem:v3+s19+$0x0], $0xffff  }
0x125: {  	s23 =	simm.s32 $0x7;
	v7 =	vor.u32 v1, v7;
	v9 =	vbroadcast v8, $0x0;
	v3 =	vld.idx.msk [tilespmem:v6+s19+$0x0], $0xffff;
	v6 =	vmov s14  }
0x126: {  	v8 =	vmov s23;
	v7 =	vbroadcast v7, $0x0;
	v13 =	vld.idx.msk [tilespmem:v5+s19+$0x0], $0xffff;
	v5 =	vand.u32 $0x1FE, v6  }
0x127: {  	s11 =	simm.s32 $0x5C20;
	v2 =	vld.idx.msk [tilespmem:v2+s19+$0x0], $0xffff;
	v6 =	vand.u32 $0x1FF, v8;
	v5 =	vor.u32 v1, v5  }
0x128: {  	v16 =	vld [tilespmem:s11+$0x10];
	v8 =	vor.u32 v1, v6;
	v12 =	vbroadcast v5, $0x0  }
0x129: {  	s13 =	simm.s32 $0x8;
	v6 =	vld [tilespmem:s11+$0xFFFFFFE0];
	v11 =	vbroadcast v8, $0x0  }
0x12a: {  	s23 =	simm.s32 $0xA;
	v10 =	vld [tilespmem:s11+$0xFFFFFFF0];
	s14 =	simm.s32 $0x9;
	v5 =	vmov s13  }
0x12b: {  	v15 =	vmov s23;
	v14 =	vmov s14;
	v8 =	vld [tilespmem:s11+$0x0];
	v5 =	vand.u32 $0x1FC, v5  }
0x12c: {  	v63 =	vand.u32 $0x1FD, v14;
	v14 =	vand.u32 $0x1FE, v15;
	v7 =	vld.idx.msk [tilespmem:v7+s19+$0x0], $0xffff;
	v17 =	vor.u32 v1, v5  }
0x12d: {  	s12 =	simm.s32 $0x5C20;
	s23 =	simm.s32 $0xC;
	v15 =	vor.u32 v1, v63;
	s13 =	simm.s32 $0xB;
	v5 =	vld.idx.msk [tilespmem:v9+s19+$0x0], $0xffff;
	v9 =	vbroadcast v17, $0x0;
	v13 =	vmul.f32 v16, v13  }
.LBB2_14:
0x12e: {  	p2 =	slt.u32 s23, $0x1FC;
	v14 =	vor.u32 v1, v14;
	v16 =	vmov s13;
	v17 =	vld.idx.msk [tilespmem:v12+s19+$0x0], $0xffff;
	v2 =	vmul.f32 v6, v2  }
0x12f: {  	v18 =	vbroadcast v15, $0x0;
	s12 =	sadd.s32 $0x40, s12;
	v6 =	vand.u32 $0x1FF, v16;
	v16 =	vld.idx.msk [tilespmem:v11+s19+$0x0], $0xffff;
	v4 =	vmul.f32 v10, v4;
	[tilespmem:s11+$0x10] =	vst v13  }
0x130: {  	v12 =	vbroadcast v14, $0x0;
	v6 =	vor.u32 v1, v6;
	v13 =	vld [tilespmem:s12+$0x10];
	[tilespmem:s11+$0xFFFFFFE0] =	vst v2;
	v8 =	vmul.f32 v8, v3  }
.Ltmp8:
0x131: {  	v11 =	vbroadcast v6, $0x0;
	v6 =	vld [tilespmem:s12+$0xFFFFFFE0];
	[tilespmem:s11+$0xFFFFFFF0] =	vst v4;
	(pc) =	sbr.rel @p2 .LBB2_14-.Ltmp8, $4  }
0x132: {  	v20 =	vmov s23;
	s13 =	sadd.s32 $0x1, s23;
	s14 =	sadd.s32 $0x2, s23;
	v10 =	vld [tilespmem:s12+$0xFFFFFFF0];
	[tilespmem:s11+$0x0] =	vst v8;
	v2 =	vmov v5;
	s11 =	smov.u32 s12  }
0x133: {  	v19 =	vand.u32 $0x1FC, v20;
	v14 =	vmov s14;
	v5 =	vmov s13;
	v8 =	vld [tilespmem:s12+$0x0];
	v4 =	vmovc v7  }
0x134: {  	v14 =	vand.u32 $0x1FE, v14;
	v7 =	vor.u32 v1, v19;
	v15 =	vand.u32 $0x1FD, v5;
	v3 =	vmovc v17;
	v5 =	vld.idx.msk [tilespmem:v9+s19+$0x0], $0xffff  }
0x135: {  	s13 =	sadd.s32 $0x3, s23;
	s23 =	sadd.s32 $0x4, s23;
	v9 =	vbroadcast v7, $0x0;
	v15 =	vor.u32 v1, v15;
	v7 =	vld.idx.msk [tilespmem:v18+s19+$0x0], $0xffff;
	v13 =	vmul.f32 v13, v16  }
0x136: {  	_ =	sdelay $0x3  }
0x137: {  	v12 =	vld.idx.msk [tilespmem:v12+s19+$0x0], $0xffff  }
0x138: {  	v11 =	vld.idx.msk [tilespmem:v11+s19+$0x0], $0xffff;
	s12 =	sadd.s32 $0x40, s12  }
0x139: {  	v16 =	vmov s13;
	v58 =	vld [tilespmem:s12+$0x10]  }
0x13a: {  	v16 =	vand.u32 $0x1FF, v16;
	v17 =	vld [tilespmem:s12+$0xFFFFFFE0]  }
0x13b: {  	v14 =	vor.u32 v1, v14;
	v18 =	vld [tilespmem:s12+$0xFFFFFFF0];
	v1 =	vor.u32 v1, v16  }
0x13c: {  	v2 =	vmul.f32 v6, v2;
	v19 =	vld [tilespmem:s12+$0x0];
	v1 =	vbroadcast v1, $0x0  }
0x13d: {  	v15 =	vbroadcast v15, $0x0;
	v9 =	vld.idx.msk [tilespmem:v9+s19+$0x0], $0xffff;
	s23 =	sadd.s32 $0x40, s12  }
0x13e: {  	v14 =	vbroadcast v14, $0x0;
	[tilespmem:s11+$0xFFFFFFE0] =	vst v2;
	v2 =	vmul.f32 v8, v3;
	v3 =	vld [tilespmem:s23+$0x10]  }
0x13f: {  	v61 =	vld [tilespmem:s23+$0xFFFFFFE0]  }
0x140: {  	v62 =	vld [tilespmem:s23+$0xFFFFFFF0]  }
0x141: {  	v4 =	vmul.f32 v10, v4;
	[tilespmem:s11+$0x10] =	vst v13;
	v63 =	vld [tilespmem:s23+$0x0]  }
0x142: {  	[tilespmem:s11+$0x0] =	vst v2;
	v2 =	vmul.f32 v17, v5;
	v1 =	vld.idx.msk [tilespmem:v1+s19+$0x0], $0xffff  }
0x143: {  	[tilespmem:s11+$0xFFFFFFF0] =	vst v4;
	v15 =	vld.idx.msk [tilespmem:v15+s19+$0x0], $0xffff;
	v60 =	vmul.f32 v58, v11  }
0x144: {  	v59 =	vld.idx.msk [tilespmem:v14+s19+$0x0], $0xffff;
	[tilespmem:s12+$0xFFFFFFE0] =	vst v2;
	v2 =	vmul.f32 v19, v12  }
0x145: {  	v7 =	vmul.f32 v18, v7;
	[tilespmem:s12+$0x10] =	vst v60  }
0x146: {  	[tilespmem:s12+$0x0] =	vst v2;
	v2 =	vmul.f32 v61, v9  }
0x147: {  	[tilespmem:s12+$0xFFFFFFF0] =	vst v7;
	v1 =	vmul.f32 v3, v1  }
0x148: {  	[tilespmem:s23+$0xFFFFFFE0] =	vst v2;
	v3 =	vmul.f32 v62, v15  }
0x149: {  	[tilespmem:s23+$0x10] =	vst v1;
	v1 =	vmul.f32 v63, v59  }
0x14a: {  	s9 =	sand.u32 $0x3FFFFE00, s9;
	[tilespmem:s23+$0xFFFFFFF0] =	vst v3  }
0x14b: {  	s13 =	sadd.s32 $0x1400, s9;
	[tilespmem:s23+$0x0] =	vst v1  }
0x14c: {  	[spmem:s2] =	stream.indirect.scatter.add.f32 [tilespmem:s22], [sflag:$0x3], $0x10, s13, s25, $0xb8;
	[tilespmem:$0xC310] =	vst v63  }
0x14d: {  	_ =	swait.ge [sflag:s17], $0x800  }
0x14e: {  	[sflag:s17] =	ssyncset.done $0x0  }
0x14f: {  	s14 =	sadd.s32 $0x1480, s9;
	[sflag:s17] =	ssyncadd.s32 $0xFFFFF800  }
0x150: {  	[spmem:s2] =	stream.indirect.scatter.add.f32 [tilespmem:s31], [sflag:$0x3], $0x10, s14, s25, $0xb8;
	[tilespmem:$0xC310] =	vst v63  }
0x151: {  	_ =	swait.ge [sflag:s17], $0x800  }
0x152: {  	[sflag:s17] =	ssyncset.done $0x0  }
0x153: {  	s23 =	sadd.s32 $0x1500, s9;
	[sflag:s17] =	ssyncadd.s32 $0xFFFFF800  }
0x154: {  	[spmem:s2] =	stream.indirect.scatter.add.f32 [tilespmem:s0], [sflag:$0x3], $0x10, s23, s25, $0xb8;
	[tilespmem:$0xC310] =	vst v63  }
0x155: {  	_ =	swait.ge [sflag:s17], $0x800  }
0x156: {  	[sflag:s17] =	ssyncset.done $0x0  }
.Ltmp9:
0x157: {  	s9 =	sadd.s32 $0x1580, s9;
	[sflag:s17] =	ssyncadd.s32 $0xFFFFF800;
	(pc) =	sbr.rel @p1 .LBB2_17-.Ltmp9, $4  }
0x158: {  	[spmem:s2] =	stream.indirect.scatter.add.f32 [tilespmem:s3], [sflag:$0x3], $0x10, s9, s25, $0xb8;
	[tilespmem:$0xC310] =	vst v63  }
0x159: {  	_ =	swait.ge [sflag:s17], $0x800  }
0x15a: {  	[sflag:s17] =	ssyncset.done $0x0  }
0x15b: {  	[sflag:s17] =	ssyncadd.s32 $0xFFFFF800  }
.Ltmp10:
0x15c: {  	(pc) =	sbr.rel .LBB2_11-.Ltmp10, $3  }
0x15d: {  	_ =	sdelay $0x1  }
0x15e: {  	s9 =	sadd.s32 $0x600, s18;
	s7 =	sadd.s32 $0x1, s7  }
0x15f: {  	[tilespmem:s22], [sflag:$0x2] =	stream.indirect.gather [hbm4b:s1+s20], $0x10, s9, s20, $0xb8;
	[tilespmem:$0xC310] =	vst v63  }
.LBB2_18:
0x160: {  	_ =	sfence.sel $0x180000  }
0x161: {  	[bflag:$0x0] =	sbarrier.arrive $0xFFFF  }
0x162: {  	_ =	strace $0x9000004A  }
0x163: {  	s0 =	stileid.u32;
	[bflag:$0x2] =	sbarrier.arrive $0xFFFF  }
0x164: {  	p0 =	sne.s32 s0, $0x0;
	s0 =	rddreg [dreg:$0x3]  }
0x165: {  	s0 =	sadd.s32 @!p0 $0x100000, s0  }
0x166: {  	[sflag:s0] =	ssyncadd.tile.s32 @!p0 $0x1;
	_ =	shalt  }
.Lfunc_end2:
_tile_overlayer_lowered:
.L_overlay_start_2:
0x167: {  	(tag) =	ssettag $0x2  }
0x168: {  	s0 =	rddreg [dreg:$0x0];
	s2 =	stileid.u32  }
0x169: {  	s1 =	rddreg [dreg:$0x1];
	p0 =	sne.s32 s2, $0x0  }
0x16a: {  	s3 =	rddreg [dreg:$0x2];
	[bflag:$0x3] =	sbarrier.arrive $0xFFFF;
	s2 =	simm.s32 @!p0 $0x1C03  }
0x16b: {  	[timem:s3], [sflag:s2] =	dma.local @!p0 [hbm:s0], s1  }
0x16c: {  	s0 =	simm.s32 @!p0 $0x3  }
0x16d: {  	_ =	swait.ge @!p0 [sflag:s0], s1  }
0x16e: {  	s1 =	ssub.s32 @!p0 $0x0, s1;
	[sflag:s0] =	ssyncset.done @!p0 $0x0  }
0x16f: {  	[sflag:s0] =	ssyncadd.s32 @!p0 s1  }
0x170: {  	[bflag:$0x3] =	sbarrier.arrive $0xFFFF  }
0x171: {  	_ =	shalt  }

// kernel: kernel.7.cloned.1.call-start
scs
__scs_entry_jumppad:
0x0: {  	(pc) =	sbr.rel $0x88, $3  }
0x1: {  	(tag) =	ssettag $0x0;
	lr =	simm.s32 $0x1  }
0x2: {  	[smem:$0x3F98] =	sst lr;
	_ =	strace $0xD0000000  }
0x3: {  	_ = 	snop  }
0x4: {  	_ = 	snop  }
0x5: {  	_ = 	snop  }
0x6: {  	_ = 	snop  }
0x7: {  	_ = 	snop  }
__scs_overlays_trampoline_lowered:
0x8: {  	[smem:$0x3FA7] =	sst s0  }
0x9: {  	[smem:$0x3FA8] =	sst s1  }
0xa: {  	[smem:$0x3FA9] =	sst s2  }
0xb: {  	[smem:$0x3FAA] =	sst s3  }
0xc: {  	[smem:$0x3FAB] =	sst s4  }
0xd: {  	[smem:$0x3FAC] =	sst s5  }
0xe: {  	[smem:$0x3FAD] =	sst s6  }
0xf: {  	[smem:$0x3FAE] =	sst s7  }
0x10: {  	[smem:$0x3FAF] =	sst s8  }
0x11: {  	[smem:$0x3FB0] =	sst s9;
	s0 =	simm.s32 @!p0 $0x0  }
0x12: {  	s1 =	sld [smem:$0x3F96];
	s0 =	simm.s32 @p0 $0x1  }
0x13: {  	[smem:$0x3FB1] =	sst s0;
	s0 =	simm.s32 @!p1 $0x0  }
0x14: {  	s2 =	sld [smem:$0x3F95];
	s0 =	simm.s32 @p1 $0x1  }
0x15: {  	[smem:$0x3FB2] =	sst s0;
	s0 =	simm.s32 @!p2 $0x0  }
0x16: {  	s3 =	sld [smem:$0x3FDB];
	s0 =	simm.s32 @p2 $0x1  }
0x17: {  	s4 =	simm.s32 $0x1BF5;
	[smem:$0x3FB4] =	sst s0  }
0x18: {  	s0 =	sld [smem:$0x3F97];
	_ =	swait.ge [sflag:s4], $0x0  }
0x19: {  	s7 =	sld [smem:$0x3F98]  }
0x1a: {  	s8 =	sadd.s32 $0xFFFFE003, lr  }
0x1b: {  	s9 =	sadd.s32 $0xFFFFFEF7, lr;
	s5 =	simm.s32 $0xFFFFFFFF;
	p2 =	slt.u32 s8, $0xFFFFF086  }
0x1c: {  	p1 =	slt.u32 s9, $0xF7A;
	s5 =	simm.s32 @!p2 $0x0  }
0x1d: {  	s5 =	simm.s32 @p1 $0x1;
	p0 =	seq.s32 s7, s2  }
0x1e: {  	s7 =	smul.u32 @!p0 $0xF7A, s2;
	p2 =	seq.s32 @!p0 s5, $0x0  }
0x1f: {  	s9 =	smul.u32 $0xF7A, s1;
	s8 =	simm.s32 @!p0 $0x1BF5;
	p2 =	por !p2, p0  }
0x20: {  	[sflag:s8] =	ssyncset.s32 @!p0 $0xFFFFF086;
	s6 =	sadd.s32 @!p0 s3, s7;
	s7 =	simm.s32 @!p0 $0x108  }
0x21: {  	s3 =	sadd.s32 s3, s9;
	s6 =	sadd.s32 @!p0 $0x88, s6;
	s7 =	simm.s32 @p2 $0x1082  }
0x22: {  	[simem:s7], [sflag:s8] =	dma.local @!p0 [hbm:s6], $0xF7A  }
0x23: {  	s9 =	sor.u32 $0xD0000000, s2;
	s6 =	simm.s32 $0x108;
	_ =	swait.ge @!p0 [sflag:s8], $0x0  }
0x24: {  	s3 =	sadd.s32 $0x88, s3;
	s6 =	simm.s32 @!p1 $0x1082;
	[sflag:s4] =	ssyncset.s32 $0xFFFFF086  }
0x25: {  	[simem:s6], [sflag:s4] =	dma.local [hbm:s3], $0xF7A  }
0x26: {  	[smem:$0x3F98] =	sst s1;
	(tag) =	ssettag s2;
	_ =	strace s9  }
0x27: {  	s1 =	sld [smem:$0x3FA8]  }
0x28: {  	s2 =	sld [smem:$0x3FA9]  }
0x29: {  	s4 =	sld [smem:$0x3FAB]  }
0x2a: {  	p0 =	seq.s32 s5, $0x0;
	s5 =	sld [smem:$0x3FAC]  }
0x2b: {  	s6 =	sld [smem:$0x3FAD]  }
0x2c: {  	s7 =	sld [smem:$0x3FAE]  }
0x2d: {  	s3 =	simm.s32 $0x108;
	s8 =	sld [smem:$0x3FAF]  }
0x2e: {  	s3 =	simm.s32 @!p0 $0x1082;
	s9 =	sld [smem:$0x3FB0]  }
0x2f: {  	lr =	sadd.s32 s0, s3;
	s0 =	sld [smem:$0x3FA7]  }
0x30: {  	s3 =	sld [smem:$0x3FAA]  }
0x31: {  	[smem:$0x3FB3] =	sst s10  }
0x32: {  	s10 =	sld [smem:$0x3FB1];
	_ =	sdelay $0x3  }
0x33: {  	p0 =	seq.s32 s10, $0x1;
	s10 =	sld [smem:$0x3FB3];
	_ =	sdelay $0x3  }
0x34: {  	[smem:$0x3FB3] =	sst s10  }
0x35: {  	s10 =	sld [smem:$0x3FB2];
	_ =	sdelay $0x3  }
0x36: {  	p1 =	seq.s32 s10, $0x1;
	s10 =	sld [smem:$0x3FB3];
	_ =	sdelay $0x3  }
0x37: {  	[smem:$0x3FB3] =	sst s10  }
0x38: {  	s10 =	sld [smem:$0x3FB4]  }
0x39: {  	_ = 	snop;
	(pc) =	sbr.ind lr, $3  }
0x3a: {  	_ = 	snop  }
0x3b: {  	_ = 	snop  }
0x3c: {  	p2 =	seq.s32 s10, $0x1;
	s10 =	sld [smem:$0x3FB3]  }
0x3d: {  	_ =	shalt  }
0x3e: {  	_ =	shalt  }
0x3f: {  	_ =	shalt  }
0x40: {  	_ =	shalt  }
0x41: {  	_ =	shalt  }
0x42: {  	_ =	shalt  }
0x43: {  	_ =	shalt  }
0x44: {  	_ =	shalt  }
0x45: {  	_ =	shalt  }
0x46: {  	_ =	shalt  }
0x47: {  	_ =	shalt  }
0x48: {  	_ =	shalt  }
0x49: {  	_ =	shalt  }
0x4a: {  	_ =	shalt  }
0x4b: {  	_ =	shalt  }
0x4c: {  	_ =	shalt  }
0x4d: {  	_ =	shalt  }
0x4e: {  	_ =	shalt  }
0x4f: {  	_ =	shalt  }
0x50: {  	_ =	shalt  }
0x51: {  	_ =	shalt  }
0x52: {  	_ =	shalt  }
0x53: {  	_ =	shalt  }
0x54: {  	_ =	shalt  }
0x55: {  	_ =	shalt  }
0x56: {  	_ =	shalt  }
0x57: {  	_ =	shalt  }
0x58: {  	_ =	shalt  }
0x59: {  	_ =	shalt  }
0x5a: {  	_ =	shalt  }
0x5b: {  	_ =	shalt  }
0x5c: {  	_ =	shalt  }
0x5d: {  	_ =	shalt  }
0x5e: {  	_ =	shalt  }
0x5f: {  	_ =	shalt  }
0x60: {  	_ =	shalt  }
0x61: {  	_ =	shalt  }
0x62: {  	_ =	shalt  }
0x63: {  	_ =	shalt  }
0x64: {  	_ =	shalt  }
0x65: {  	_ =	shalt  }
0x66: {  	_ =	shalt  }
0x67: {  	_ =	shalt  }
0x68: {  	_ =	shalt  }
0x69: {  	_ =	shalt  }
0x6a: {  	_ =	shalt  }
0x6b: {  	_ =	shalt  }
0x6c: {  	_ =	shalt  }
0x6d: {  	_ =	shalt  }
0x6e: {  	_ =	shalt  }
0x6f: {  	_ =	shalt  }
0x70: {  	_ =	shalt  }
0x71: {  	_ =	shalt  }
0x72: {  	_ =	shalt  }
0x73: {  	_ =	shalt  }
0x74: {  	_ =	shalt  }
0x75: {  	_ =	shalt  }
0x76: {  	_ =	shalt  }
0x77: {  	_ =	shalt  }
0x78: {  	_ =	shalt  }
0x79: {  	_ =	shalt  }
0x7a: {  	_ =	shalt  }
0x7b: {  	_ =	shalt  }
0x7c: {  	_ =	shalt  }
0x7d: {  	_ =	shalt  }
0x7e: {  	_ =	shalt  }
0x7f: {  	_ =	shalt  }
0x80: {  	_ =	shalt  }
0x81: {  	_ =	shalt  }
0x82: {  	_ =	shalt  }
0x83: {  	_ =	shalt  }
0x84: {  	_ =	shalt  }
0x85: {  	_ =	shalt  }
0x86: {  	_ =	shalt  }
0x87: {  	_ =	shalt  }
.Lfunc_end0:
.L_simem_size_0:
called_computation_lowered:
.L_overlay_start_0:
0x88: {  	s2 =	sld [smem:$0x3FD9]  }
0x89: {  	s3 =	sld [smem:$0x3FFE];
	_ =	sdelay $0x1  }
0x8a: {  	s1 =	srdreg.scid  }
0x8b: {  	s0 =	sand.u32 $0x1, s1  }
0x8c: {  	s16 =	sshll.u32 s0, $0xA;
	s2 =	sadd.s32 s3, s2  }
0x8d: {  	s2 =	sadd.s32 s2, s16  }
0x8e: {  	[smem:$0x3FBF] =	sst s2  }
0x8f: {  	_ = 	snop  }
0x90: {  	(tm) =	ssettm $0x1  }
0x91: {  	s17 =	sld [smem:$0x3FFB];
	_ =	sdelay $0x3  }
0x92: {  	_ =	strace s17  }
0x93: {  	s2 =	sld [smem:$0x3FFC];
	_ =	sdelay $0x3  }
0x94: {  	_ =	strace s2  }
0x95: {  	s2 =	sld [smem:$0x3FFD];
	_ =	sdelay $0x3  }
0x96: {  	_ =	strace s2  }
0x97: {  	_ =	strace $0x8FFFFFFF  }
0x98: {  	s18 =	sld [smem:$0x3FDB];
	_ =	sdelay $0x1  }
0x99: {  	s19 =	simm.s32 $_scs_section_size  }
0x9a: {  	s4 =	simm.s32 $_size__tile_overlayer_lowered;
	s5 =	simm.s32 $_tile_overlayer_lowered  }
0x9b: {  	s22 =	simm.s32 $0x1BFF;
	s21 =	sshll.u32 s5, $0x1;
	s2 =	sadd.s32 s19, s18  }
0x9c: {  	s6 =	simm.s32 $0x0;
	s20 =	sshll.u32 s4, $0x1;
	s4 =	sadd.s32 s21, s2  }
0x9d: {  	[timem:s6], [sflag:s22] =	dma.local [hbm:s4], s20  }
0x9e: {  	_ =	swait.ge [sflag:s22], s20  }
0x9f: {  	s3 =	ssub.s32 $0x0, s20;
	[sflag:s22] =	ssyncset.done $0x0  }
0xa0: {  	[sflag:s22] =	ssyncadd.s32 s3;
	_ =	sdelay $0x1  }
0xa1: {  	s23 =	simm.s32 $0x1B8B  }
0xa2: {  	_ =	swait.ge [sflag:s23], $0x1  }
0xa3: {  	[sflag:s23] =	ssyncset.done $0x0  }
0xa4: {  	s25 =	simm.s32 $0x1B8E;
	s24 =	sld [smem:$0x3FFE];
	[sflag:s23] =	ssyncadd.s32 $0xFFFFFFFF  }
0xa5: {  	s26 =	simm.s32 $execute0_lowered;
	[smem:$0x3FD2] =	sst s25  }
0xa6: {  	s4 =	sshll.u32 s26, $0x1;
	_ =	strace $0x80000046;
	[dreg:$0x1] =	wrdreg $0xFFFFFFFF  }
0xa7: {  	s28 =	simm.s32 $_size_execute0_lowered;
	s2 =	sadd.s32 s2, s4;
	[dreg:$0x0] =	wrdreg $0x0  }
0xa8: {  	s4 =	sshll.u32 s28, $0x1;
	[dreg:$0x2] =	wrdreg s2  }
0xa9: {  	[dreg:$0x3] =	wrdreg s4  }
0xaa: {  	[dreg:$0x4] =	wrdreg $0xC0  }
0xab: {  	_ =	task [dreg:s6], $0x5FFFF  }
0xac: {  	[dreg:$0x1] =	wrdreg $0xFFFFFFFF  }
0xad: {  	[dreg:$0x0] =	wrdreg $0x60  }
0xae: {  	[dreg:$0x2] =	wrdreg s24  }
0xaf: {  	[dreg:$0x3] =	wrdreg $0xBC000  }
0xb0: {  	[dreg:$0x4] =	wrdreg $0x9  }
0xb1: {  	_ =	task.clear_ibuf [dreg:s6], $0x5FFFF;
	_ =	strace $0x90000046  }
0xb2: {  	s29 =	simm.s32 $0x9;
	_ =	strace $0x80000048  }
0xb3: {  	_ =	swait.ge [sflag:s29], $0x1  }
0xb4: {  	[sflag:s29] =	ssyncadd.s32 $0xFFFFFFFF  }
0xb5: {  	_ =	strace $0x90000048  }
0xb6: {  	_ =	sfence  }
0xb7: {  	s30 =	sld [smem:$0x0];
	_ =	sdelay $0x2  }
0xb8: {  	s31 =	sshll.u32 s1, $0xD;
	s1 =	sshrl.u32 s1, $0x2  }
0xb9: {  	s3 =	sand.u32 $0x4000, s31;
	s1 =	sadd.s32 s1, s30  }
0xba: {  	s0 =	sor.u32 s3, s0;
	s1 =	sshll.u32 s1, $0x11  }
0xbb: {  	s0 =	sor.u32 s1, s0  }
0xbc: {  	s0 =	sadd.s32 $0x8F2B, s0  }
0xbd: {  	[sflag:s0] =	ssyncadd.remote.s32 $0x1  }
0xbe: {  	_ =	sfence.sel $0xFFFF  }
0xbf: {  	[dreg:$0x0] =	wrdreg $0xFFFFFFFF;
	(pc) =	sbr.abs _section_cstart, $3  }
0xc0: {  	[dreg:$0x1] =	wrdreg $0xFFFFFFFF  }
0xc1: {  	_ =	task.clear_ibuf [dreg:s6], $0x2FFFF;
	_ =	strace $0x9FFFFFFF  }
0xc2: {  	(tm) =	ssettm $0x7FFFFFFF  }
0xc3: {  	_ =	shalt  }
tec
execute0_lowered:
.L_overlay_start_1:
0x0: {  	(tag) =	ssettag $0x1  }
0x1: {  	s0 =	rddreg [dreg:$0x0]  }
0x2: {  	s1 =	rddreg [dreg:$0x1];
	s2 =	srdreg.scid;
	s3 =	simm.s32 $0x0  }
0x3: {  	s11 =	stileid.u32;
	s28 =	simm.s32 $0x1;
	s29 =	simm.s32 $0x2  }
0x4: {  	s30 =	simm.s32 $0x0;
	s2 =	sand.u32 $0x1, s2;
	[smem:$0x7FF] =	sst s3  }
0x5: {  	s4 =	sadd.s32 $0x15800, s0;
	s6 =	sadd.s32 $0xB800, s0;
	s9 =	sadd.s32 $0x1800, s0  }
0x6: {  	s10 =	smul.u32 $0x4E000, s11;
	s16 =	sadd.s32 $0x29200, s0;
	s0 =	sadd.s32 $0x33200, s0  }
0x7: {  	s15 =	smul.u32 $0x13800, s11;
	s13 =	sadd.s32 $0x138000, s1;
	p0 =	sne.s32 s11, $0xF  }
0x8: {  	s5 =	sshll.u32 s2, $0x4;
	_ =	strace $0x80000047;
	s7 =	ssub.s32 $0x2, s2  }
0x9: {  	s2 =	smul.u32 $0x138800, s2;
	s5 =	sor.u32 s11, s5;
	s8 =	sshrl.u32 s7, $0x1  }
0xa: {  	s20 =	sshrl.u32 s10, $0x2;
	s5 =	smul.u32 $0x2800, s5;
	s7 =	ssub.s32 s7, s8  }
0xb: {  	s23 =	sadd.s32 s20, s1;
	s8 =	sadd.s32 s15, s1;
	s31 =	sadd.s32 s15, s2  }
0xc: {  	s2 =	sshrl.u32 s2, $0x3;
	s20 =	simm.s32 $0x3;
	s12 =	sadd.s32 $0x4000, s23  }
0xd: {  	s25 =	sadd.s32 $0x8000, s23;
	s26 =	sadd.s32 $0xC000, s23;
	[dreg:$0x6] =	wrdreg s12  }
0xe: {  	s2 =	sadd.s32 s0, s2;
	s19 =	smax.u32 s7, $0x1;
	[dreg:$0x7] =	wrdreg s25  }
0xf: {  	s5 =	sshrl.u32 s5, $0x3;
	[dreg:$0x8] =	wrdreg s26;
	s12 =	sadd.s32 $0x10000, s23  }
0x10: {  	s18 =	sadd.s32 $0x27000, s2;
	s23 =	simm.s32 $0x80;
	s21 =	sadd.s32 s6, s5  }
.Ltmp0:
0x11: {  	s22 =	sadd.s32 s9, s5;
	[dreg:$0x3] =	wrdreg s21;
	(pc) =	sbr.rel .LBB2_1-.Ltmp0, $4  }
0x12: {  	s25 =	simm.s32 $0x5C00;
	s24 =	sadd.s32 s16, s5;
	[dreg:$0x4] =	wrdreg s22  }
0x13: {  	s26 =	simm.s32 $0x7C00;
	s5 =	sadd.s32 $0x280, s5;
	[dreg:$0x5] =	wrdreg s24  }
0x14: {  	s14 =	sadd.s32 s6, s5;
	s15 =	sadd.s32 s9, s5;
	s6 =	sshrl.u32 s31, $0x3  }
0x15: {  	v0 =	vimm.f32 $0.0e+00;
	s16 =	sadd.s32 s16, s5;
	s22 =	simm.s32 $0x2800;
	s17 =	sadd.s32 s0, s6  }
.LBB2_17:
0x16: {  	s0 =	stileid.u32  }
0x17: {  	s0 =	sshll.u32 s0, $0x6  }
0x18: {  	[bflag:$0x0] =	sbarrier.arrive $0xFFFF;
	s2 =	sshrl.u32 s8, $0x3;
	s0 =	sor.u32 $0x1C03, s0  }
0x19: {  	[hbm:s17], [sflag:s0] =	dma.local [spmem:s2], $0x2700  }
0x1a: {  	_ =	swait.ge [sflag:s20], $0x2700  }
0x1b: {  	s30 =	sadd.s32 $0x1, s30;
	[sflag:s20] =	ssyncset.done $0x0  }
0x1c: {  	p1 =	sne.s32 s30, s19;
	s2 =	sshrl.u32 @!p0 s13, $0x3;
	[sflag:s20] =	ssyncadd.s32 $0xFFFFD900  }
0x1d: {  	[hbm:s18], [sflag:s0] =	dma.local @!p0 [spmem:s2], $0x100  }
.Ltmp1:
0x1e: {  	_ = 	snop;
	(pc) =	sbr.rel @!p1 .LBB2_18-.Ltmp1, $4  }
0x1f: {  	s0 =	simm.s32 @!p0 $0x3  }
0x20: {  	_ =	swait.ge @!p0 [sflag:s0], $0x100  }
0x21: {  	[sflag:s0] =	ssyncset.done @!p0 $0x0  }
0x22: {  	[sflag:s0] =	ssyncadd.s32 @!p0 $0xFFFFFF00  }
.LBB2_1:
0x23: {  	s0 =	rddreg [dreg:$0x3]  }
0x24: {  	[tilespmem:s3], [sflag:$0x3] =	stream.linear.gather [hbm4b:s0+s3], $0x1400, $0x38;
	[tilespmem:$0x1F480] =	vst v63  }
0x25: {  	_ =	swait.ge [sflag:s20], $0x1400  }
0x26: {  	[sflag:s20] =	ssyncset.done $0x0  }
0x27: {  	s2 =	simm.s32 $0x1400;
	s21 =	rddreg [dreg:$0x4];
	[sflag:s20] =	ssyncadd.s32 $0xFFFFEC00  }
0x28: {  	[tilespmem:s2], [sflag:$0x3] =	stream.linear.gather [hbm4b:s21+s3], $0x1400, $0x38;
	[tilespmem:$0x1F480] =	vst v63  }
0x29: {  	_ =	swait.ge [sflag:s20], $0x1400  }
0x2a: {  	[sflag:s20] =	ssyncset.done $0x0  }
0x2b: {  	s24 =	rddreg [dreg:$0x5];
	[sflag:s20] =	ssyncadd.s32 $0xFFFFEC00  }
0x2c: {  	[tilespmem:s22], [sflag:$0x3] =	stream.linear.gather [hbm4b:s24+s3], $0x1400, $0x38;
	[tilespmem:$0x1F480] =	vst v63  }
0x2d: {  	_ =	swait.ge [sflag:s20], $0x1400  }
0x2e: {  	[sflag:s20] =	ssyncset.done $0x0  }
0x2f: {  	s31 =	simm.s32 $0x3C00;
	[sflag:s20] =	ssyncadd.s32 $0xFFFFEC00  }
0x30: {  	[tilespmem:s31], [sflag:$0x1] =	stream.indirect.gather [hbm4b:s4+s23], $0x40, s3, s23, $0xb8;
	[tilespmem:$0x1F480] =	vst v63  }
0x31: {  	s0 =	simm.s32 $0x0;
	s2 =	simm.s32 $0x200  }
0x32: {  	[tilespmem:s25], [sflag:$0x2] =	stream.indirect.gather [hbm4b:s4+s23], $0x40, s23, s23, $0xb8;
	[tilespmem:$0x1F480] =	vst v63  }
.LBB2_2:
0x33: {  	p1 =	sne.s32 s2, $0xFE00;
	[tilespmem:s0+$0x7C70] =	vst v0  }
0x34: {  	[tilespmem:s0+$0x7C00] =	vst v0  }
0x35: {  	[tilespmem:s0+$0x7C10] =	vst v0  }
.Ltmp2:
0x36: {  	[tilespmem:s0+$0x7C20] =	vst v0;
	(pc) =	sbr.rel @p1 .LBB2_2-.Ltmp2, $4  }
0x37: {  	[tilespmem:s0+$0x7C30] =	vst v0  }
0x38: {  	[tilespmem:s0+$0x7C40] =	vst v0  }
0x39: {  	[tilespmem:s0+$0x7C50] =	vst v0  }
0x3a: {  	[tilespmem:s0+$0x7C60] =	vst v0;
	s0 =	sshra.s32 s2, $0x2;
	s2 =	sadd.s32 $0x200, s2  }
0x3b: {  	[tilespmem:s0+$0x7C70] =	vst v0  }
0x3c: {  	[tilespmem:s0+$0x7C00] =	vst v0  }
0x3d: {  	[tilespmem:s0+$0x7C10] =	vst v0  }
0x3e: {  	[tilespmem:s0+$0x7C20] =	vst v0  }
0x3f: {  	[tilespmem:s0+$0x7C30] =	vst v0  }
0x40: {  	[tilespmem:s0+$0x7C40] =	vst v0  }
0x41: {  	[tilespmem:s0+$0x7C50] =	vst v0  }
0x42: {  	[tilespmem:s0+$0x7C60] =	vst v0  }
0x43: {  	[spmem:s8] =	stream.linear.scatter [tilespmem:s26], [sflag:$0x3], $0x4000, $0x38;
	[tilespmem:$0x1F480] =	vst v63  }
0x44: {  	_ =	swait.ge [sflag:s20], $0x4000  }
0x45: {  	[sflag:s20] =	ssyncset.done $0x0  }
0x46: {  	s11 =	rddreg [dreg:$0x6];
	[sflag:s20] =	ssyncadd.s32 $0xFFFFC000  }
0x47: {  	[spmem:s11] =	stream.linear.scatter [tilespmem:s26], [sflag:$0x3], $0x4000, $0x38;
	[tilespmem:$0x1F480] =	vst v63  }
0x48: {  	_ =	swait.ge [sflag:s20], $0x4000  }
0x49: {  	[sflag:s20] =	ssyncset.done $0x0  }
0x4a: {  	s21 =	rddreg [dreg:$0x7];
	[sflag:s20] =	ssyncadd.s32 $0xFFFFC000  }
0x4b: {  	[spmem:s21] =	stream.linear.scatter [tilespmem:s26], [sflag:$0x3], $0x4000, $0x38;
	[tilespmem:$0x1F480] =	vst v63  }
0x4c: {  	_ =	swait.ge [sflag:s20], $0x4000  }
0x4d: {  	[sflag:s20] =	ssyncset.done $0x0  }
0x4e: {  	s24 =	rddreg [dreg:$0x8];
	[sflag:s20] =	ssyncadd.s32 $0xFFFFC000  }
0x4f: {  	[spmem:s24] =	stream.linear.scatter [tilespmem:s26], [sflag:$0x3], $0x4000, $0x38;
	[tilespmem:$0x1F480] =	vst v63  }
0x50: {  	_ =	swait.ge [sflag:s20], $0x4000  }
0x51: {  	[sflag:s20] =	ssyncset.done $0x0  }
0x52: {  	[sflag:s20] =	ssyncadd.s32 $0xFFFFC000  }
0x53: {  	[spmem:s12] =	stream.linear.scatter [tilespmem:s26], [sflag:$0x3], $0x3800, $0x38;
	[tilespmem:$0x1F480] =	vst v63  }
0x54: {  	_ =	swait.ge [sflag:s20], $0x3800  }
0x55: {  	[sflag:s20] =	ssyncset.done $0x0  }
0x56: {  	s0 =	simm.s32 @!p0 $0x7C00;
	[sflag:s20] =	ssyncadd.s32 $0xFFFFC800  }
0x57: {  	[spmem:s13] =	stream.linear.scatter @!p0 [tilespmem:s0], [sflag:$0x3], $0x800, $0x38;
	[tilespmem:$0x1F480] =	vst v63  }
0x58: {  	s0 =	simm.s32 @!p0 $0x3  }
0x59: {  	_ =	swait.ge @!p0 [sflag:s0], $0x800  }
0x5a: {  	[sflag:s0] =	ssyncset.done @!p0 $0x0  }
0x5b: {  	[sflag:s0] =	ssyncadd.s32 @!p0 $0xFFFFF800  }
0x5c: {  	s31 =	simm.s32 $0x0;
	s0 =	simm.s32 $0x0;
	[bflag:$0x0] =	sbarrier.arrive $0xFFFF  }
.LBB2_4:
0x5d: {  	s2 =	simm.s32 $0x3  }
0x5e: {  	s5 =	sshll.u32 s0, $0x8;
	v1 =	vmov s2  }
0x5f: {  	v2 =	vmov s5;
	v1 =	vand.u32 $0x7F, v1  }
0x60: {  	v1 =	vor.u32 v2, v1  }
0x61: {  	s11 =	simm.s32 $0x1;
	v1 =	vbroadcast v1, $0x0  }
0x62: {  	v3 =	vmov s11  }
0x63: {  	_ =	swait.ge [sflag:s28], $0x2000;
	s21 =	simm.s32 $0x2;
	v3 =	vand.u32 $0x7D, v3  }
0x64: {  	[sflag:s28] =	ssyncset.done $0x0;
	v4 =	vmov s21;
	v3 =	vor.u32 v2, v3  }
0x65: {  	s7 =	simm.s32 $0x3C80;
	[sflag:s28] =	ssyncadd.s32 $0xFFFFE000;
	v4 =	vand.u32 $0x7E, v4;
	v3 =	vbroadcast v3, $0x0  }
0x66: {  	v5 =	vmov s31;
	v4 =	vor.u32 v2, v4;
	v6 =	vld [tilespmem:s7+$0x40]  }
0x67: {  	v5 =	vand.u32 $0x7C, v5;
	v4 =	vbroadcast v4, $0x0;
	v9 =	vld.idx.msk [tilespmem:v1+s22+$0x0], $0xffff  }
0x68: {  	v1 =	vor.u32 v2, v5  }
0x69: {  	v1 =	vbroadcast v1, $0x0  }
0x6a: {  	v5 =	vld [tilespmem:s7+$0xFFFFFFC0]  }
0x6b: {  	v7 =	vld.idx.msk [tilespmem:v3+s22+$0x0], $0xffff;
	v3 =	vunpack.i.l.bf16.f32 v6  }
0x6c: {  	v10 =	vld [tilespmem:s7+$0x0];
	v6 =	vunpack.i.u.bf16.f32 v6;
	v3 =	vmul.f32 v3, v9  }
0x6d: {  	s2 =	simm.s32 $0x7D00;
	v8 =	vld.idx.msk [tilespmem:v4+s22+$0x0], $0xffff;
	v4 =	vmul.f32 v6, v9  }
0x6e: {  	v11 =	vld [tilespmem:s7+$0xFFFFFF80];
	[tilespmem:s2+$0x80] =	vst v3  }
0x6f: {  	v6 =	vld.idx.msk [tilespmem:v1+s22+$0x0], $0xffff;
	v1 =	vunpack.i.l.bf16.f32 v5;
	[tilespmem:s2+$0x90] =	vst v4  }
0x70: {  	v3 =	vunpack.i.u.bf16.f32 v5;
	v1 =	vmul.f32 v1, v7;
	v4 =	vld [tilespmem:s7+$0x50]  }
0x71: {  	v5 =	vunpack.i.l.bf16.f32 v10;
	v3 =	vmul.f32 v3, v7  }
0x72: {  	v10 =	vunpack.i.u.bf16.f32 v10;
	v5 =	vmul.f32 v5, v8;
	[tilespmem:s2+$0xFFFFFF80] =	vst v1  }
0x73: {  	v10 =	vmul.f32 v10, v8;
	v1 =	vunpack.i.l.bf16.f32 v11;
	[tilespmem:s2+$0xFFFFFF90] =	vst v3  }
0x74: {  	v3 =	vunpack.i.u.bf16.f32 v11;
	[tilespmem:s2+$0x0] =	vst v5;
	v11 =	vld [tilespmem:s7+$0xFFFFFFD0];
	v1 =	vmul.f32 v1, v6  }
0x75: {  	[tilespmem:s2+$0x10] =	vst v10;
	v3 =	vmul.f32 v3, v6;
	v5 =	vunpack.i.l.bf16.f32 v4  }
0x76: {  	s24 =	simm.s32 $0x4;
	v4 =	vunpack.i.u.bf16.f32 v4;
	[tilespmem:s2+$0xFFFFFF00] =	vst v1;
	v1 =	vld [tilespmem:s7+$0x10];
	v5 =	vmul.f32 v5, v9  }
0x77: {  	s6 =	simm.s32 $0x5;
	v10 =	vmov s24;
	[tilespmem:s2+$0xFFFFFF10] =	vst v3;
	v3 =	vmul.f32 v4, v9  }
0x78: {  	v4 =	vand.u32 $0x7C, v10;
	v10 =	vmov s6;
	v12 =	vld [tilespmem:s7+$0xFFFFFF90];
	[tilespmem:s2+$0xA0] =	vst v5  }
0x79: {  	v4 =	vor.u32 v2, v4;
	v5 =	vand.u32 $0x7D, v10;
	v10 =	vunpack.i.l.bf16.f32 v11;
	[tilespmem:s2+$0xB0] =	vst v3  }
0x7a: {  	v3 =	vbroadcast v4, $0x0;
	v4 =	vunpack.i.u.bf16.f32 v11;
	v10 =	vmul.f32 v10, v7;
	v11 =	vld [tilespmem:s7+$0x60]  }
0x7b: {  	v5 =	vor.u32 v2, v5;
	v4 =	vmul.f32 v4, v7;
	v13 =	vunpack.i.l.bf16.f32 v1  }
0x7c: {  	s9 =	simm.s32 $0x7;
	v5 =	vbroadcast v5, $0x0;
	v1 =	vunpack.i.u.bf16.f32 v1;
	[tilespmem:s2+$0xFFFFFFA0] =	vst v10;
	v10 =	vmul.f32 v13, v8  }
0x7d: {  	[tilespmem:s2+$0xFFFFFFB0] =	vst v4;
	v4 =	vmov s9;
	v1 =	vmul.f32 v1, v8;
	v13 =	vunpack.i.l.bf16.f32 v12  }
0x7e: {  	v12 =	vunpack.i.u.bf16.f32 v12;
	v14 =	vld [tilespmem:s7+$0xFFFFFFE0];
	v4 =	vand.u32 $0x7F, v4;
	v13 =	vmul.f32 v13, v6;
	[tilespmem:s2+$0x20] =	vst v10  }
0x7f: {  	v10 =	vmul.f32 v12, v6;
	[tilespmem:s2+$0x30] =	vst v1;
	v1 =	vor.u32 v2, v4;
	v4 =	vunpack.i.l.bf16.f32 v11  }
0x80: {  	v11 =	vunpack.i.u.bf16.f32 v11;
	[tilespmem:s2+$0xFFFFFF20] =	vst v13;
	v12 =	vld [tilespmem:s7+$0x20];
	v13 =	vbroadcast v1, $0x0;
	v4 =	vmul.f32 v4, v9  }
0x81: {  	s10 =	simm.s32 $0x6;
	v1 =	vld.idx.msk [tilespmem:v3+s22+$0x0], $0xffff;
	v3 =	vmul.f32 v11, v9;
	[tilespmem:s2+$0xFFFFFF30] =	vst v10  }
0x82: {  	v10 =	vmov s10;
	v11 =	vld [tilespmem:s7+$0xFFFFFFA0];
	[tilespmem:s2+$0xC0] =	vst v4  }
0x83: {  	v10 =	vand.u32 $0x7E, v10;
	v4 =	vld.idx.msk [tilespmem:v5+s22+$0x0], $0xffff;
	v5 =	vunpack.i.l.bf16.f32 v14;
	[tilespmem:s2+$0xD0] =	vst v3  }
0x84: {  	s5 =	simm.s32 $0x3D80;
	v3 =	vor.u32 v2, v10;
	v10 =	vunpack.i.u.bf16.f32 v14;
	v5 =	vmul.f32 v5, v7;
	v14 =	vld [tilespmem:s7+$0x70]  }
0x85: {  	v16 =	vld [tilespmem:s5+$0x40];
	v10 =	vmul.f32 v10, v7;
	v15 =	vunpack.i.l.bf16.f32 v12  }
0x86: {  	v3 =	vbroadcast v3, $0x0;
	v12 =	vunpack.i.u.bf16.f32 v12;
	[tilespmem:s2+$0xFFFFFFC0] =	vst v5;
	v15 =	vmul.f32 v15, v8;
	v5 =	vld.idx.msk [tilespmem:v13+s22+$0x0], $0xffff  }
0x87: {  	v12 =	vmul.f32 v12, v8;
	[tilespmem:s2+$0xFFFFFFD0] =	vst v10;
	v13 =	vunpack.i.l.bf16.f32 v11  }
0x88: {  	v10 =	vld [tilespmem:s5+$0xFFFFFF80];
	v11 =	vunpack.i.u.bf16.f32 v11;
	v13 =	vmul.f32 v13, v6;
	[tilespmem:s2+$0x40] =	vst v15  }
0x89: {  	v15 =	vld [tilespmem:s5+$0xFFFFFFC0];
	v11 =	vmul.f32 v11, v6;
	[tilespmem:s2+$0x50] =	vst v12;
	v17 =	vunpack.i.u.bf16.f32 v14  }
0x8a: {  	v18 =	vunpack.i.l.bf16.f32 v16;
	v12 =	vld [tilespmem:s5+$0x0];
	v17 =	vmul.f32 v17, v9;
	[tilespmem:s2+$0xFFFFFF40] =	vst v13  }
0x8b: {  	s6 =	simm.s32 $0x8;
	v13 =	vunpack.i.l.bf16.f32 v14;
	v14 =	vld [tilespmem:s7+$0xFFFFFFF0];
	[tilespmem:s2+$0xFFFFFF50] =	vst v11;
	v11 =	vunpack.i.u.bf16.f32 v16;
	v16 =	vmul.f32 v18, v5  }
0x8c: {  	s11 =	simm.s32 $0x9;
	v19 =	vmov s6;
	s6 =	simm.s32 $0x7F00;
	v3 =	vld.idx.msk [tilespmem:v3+s22+$0x0], $0xffff;
	[tilespmem:s2+$0xF0] =	vst v17;
	v11 =	vmul.f32 v11, v5  }
0x8d: {  	v22 =	vmov s11;
	v9 =	vmul.f32 v13, v9;
	v18 =	vld [tilespmem:s7+$0x30];
	v17 =	vunpack.i.u.bf16.f32 v10;
	[tilespmem:s6+$0x80] =	vst v16  }
0x8e: {  	v13 =	vand.u32 $0x7C, v19;
	v19 =	vld [tilespmem:s7+$0xFFFFFFB0];
	v17 =	vmul.f32 v17, v1;
	v20 =	vunpack.i.l.bf16.f32 v15;
	[tilespmem:s6+$0x90] =	vst v11  }
0x8f: {  	v10 =	vunpack.i.l.bf16.f32 v10;
	v15 =	vunpack.i.u.bf16.f32 v15;
	[tilespmem:s2+$0xE0] =	vst v9;
	v20 =	vmul.f32 v20, v4  }
0x90: {  	v10 =	vmul.f32 v10, v1;
	v9 =	vunpack.i.l.bf16.f32 v12;
	v11 =	vmul.f32 v15, v4;
	v15 =	vld [tilespmem:s5+$0x50];
	[tilespmem:s6+$0xFFFFFF10] =	vst v17  }
0x91: {  	s21 =	simm.s32 $0xA;
	v13 =	vor.u32 v2, v13;
	v16 =	vunpack.i.u.bf16.f32 v12;
	v9 =	vmul.f32 v9, v3;
	[tilespmem:s6+$0xFFFFFF80] =	vst v20  }
0x92: {  	v17 =	vmov s21;
	v12 =	vunpack.i.u.bf16.f32 v14;
	v16 =	vmul.f32 v16, v3;
	[tilespmem:s6+$0xFFFFFF90] =	vst v11  }
0x93: {  	v14 =	vunpack.i.l.bf16.f32 v14;
	v20 =	vunpack.i.u.bf16.f32 v18;
	v11 =	vunpack.i.u.bf16.f32 v19;
	v21 =	vld [tilespmem:s5+$0xFFFFFFD0];
	[tilespmem:s6+$0x0] =	vst v9  }
0x94: {  	v19 =	vunpack.i.l.bf16.f32 v19;
	v18 =	vunpack.i.l.bf16.f32 v18;
	v14 =	vmul.f32 v14, v7;
	[tilespmem:s6+$0x10] =	vst v16  }
0x95: {  	[tilespmem:s6+$0xFFFFFF00] =	vst v10;
	v12 =	vmul.f32 v12, v7;
	v9 =	vmul.f32 v18, v8;
	v16 =	vld [tilespmem:s5+$0x10];
	v10 =	vunpack.i.l.bf16.f32 v15  }
0x96: {  	v7 =	vmul.f32 v19, v6;
	[tilespmem:s2+$0xFFFFFFE0] =	vst v14;
	v15 =	vunpack.i.u.bf16.f32 v15;
	v10 =	vmul.f32 v10, v5  }
0x97: {  	v6 =	vmul.f32 v11, v6;
	v18 =	vld [tilespmem:s5+$0xFFFFFF90];
	v14 =	vand.u32 $0x7D, v22;
	[tilespmem:s2+$0xFFFFFFF0] =	vst v12;
	v11 =	vmul.f32 v15, v5  }
0x98: {  	v17 =	vand.u32 $0x7E, v17;
	v12 =	vor.u32 v2, v14;
	v15 =	vunpack.i.l.bf16.f32 v21;
	[tilespmem:s6+$0xA0] =	vst v10  }
0x99: {  	v19 =	vunpack.i.u.bf16.f32 v21;
	[tilespmem:s6+$0xB0] =	vst v11;
	v10 =	vbroadcast v13, $0x0;
	v15 =	vmul.f32 v15, v4  }
0x9a: {  	v19 =	vmul.f32 v19, v4;
	v11 =	vunpack.i.l.bf16.f32 v16;
	v13 =	vld [tilespmem:s5+$0x60];
	v14 =	vunpack.i.u.bf16.f32 v16  }
0x9b: {  	s24 =	simm.s32 $0xB;
	v16 =	vmul.f32 v14, v3;
	v14 =	vor.u32 v2, v17;
	[tilespmem:s6+$0xFFFFFFA0] =	vst v15;
	v15 =	vmul.f32 v11, v3  }
0x9c: {  	v17 =	vmov s24;
	v11 =	vbroadcast v12, $0x0;
	v12 =	vunpack.i.l.bf16.f32 v18;
	[tilespmem:s6+$0xFFFFFFB0] =	vst v19  }
0x9d: {  	v19 =	vmul.f32 v12, v1;
	v12 =	vbroadcast v14, $0x0;
	v14 =	vld [tilespmem:s5+$0xFFFFFFE0];
	[tilespmem:s6+$0x20] =	vst v15;
	v15 =	vunpack.i.u.bf16.f32 v18  }
0x9e: {  	s9 =	simm.s32 $0xC;
	v17 =	vand.u32 $0x7F, v17;
	[tilespmem:s6+$0x30] =	vst v16;
	v16 =	vmul.f32 v15, v1  }
0x9f: {  	s7 =	simm.s32 $0x3D80;
	s21 =	sshll.u32 s0, $0x1;
	v8 =	vmul.f32 v20, v8;
	s24 =	simm.s32 $0x7F00;
	v17 =	vor.u32 v2, v17;
	[tilespmem:s6+$0xFFFFFF20] =	vst v19;
	v15 =	vld [tilespmem:s5+$0x20];
	v18 =	vunpack.i.l.bf16.f32 v13  }
.LBB2_5:
0xa0: {  	p1 =	slt.u32 s9, $0x7C;
	v10 =	vld.idx.msk [tilespmem:v10+s22+$0x0], $0xffff;
	v17 =	vbroadcast v17, $0x0;
	[tilespmem:s6+$0xFFFFFF30] =	vst v16;
	v13 =	vunpack.i.u.bf16.f32 v13;
	v16 =	vmul.f32 v18, v5  }
0xa1: {  	v18 =	vld [tilespmem:s5+$0xFFFFFFA0];
	v13 =	vmul.f32 v13, v5;
	[tilespmem:s2+$0x60] =	vst v9  }
0xa2: {  	v9 =	vld.idx.msk [tilespmem:v11+s22+$0x0], $0xffff;
	v11 =	vunpack.i.u.bf16.f32 v14;
	v14 =	vunpack.i.l.bf16.f32 v14;
	[tilespmem:s6+$0xC0] =	vst v16  }
0xa3: {  	v12 =	vld.idx.msk [tilespmem:v12+s22+$0x0], $0xffff;
	v14 =	vmul.f32 v14, v4;
	v11 =	vmul.f32 v11, v4;
	[tilespmem:s6+$0xD0] =	vst v13  }
0xa4: {  	s5 =	sadd.s32 $0x100, s5;
	v13 =	vunpack.i.u.bf16.f32 v15;
	v15 =	vunpack.i.l.bf16.f32 v15;
	v16 =	vld [tilespmem:s7+$0x70];
	[tilespmem:s2+$0x70] =	vst v8  }
0xa5: {  	v8 =	vld [tilespmem:s5+$0x40];
	[tilespmem:s6+$0xFFFFFFC0] =	vst v14;
	v14 =	vmul.f32 v15, v3;
	v13 =	vmul.f32 v13, v3  }
0xa6: {  	v15 =	vld.idx.msk [tilespmem:v17+s22+$0x0], $0xffff;
	v17 =	vunpack.i.u.bf16.f32 v18;
	v18 =	vunpack.i.l.bf16.f32 v18;
	[tilespmem:s6+$0xFFFFFFD0] =	vst v11  }
0xa7: {  	v11 =	vld [tilespmem:s5+$0xFFFFFF80];
	v18 =	vmul.f32 v18, v1;
	v17 =	vmul.f32 v17, v1;
	[tilespmem:s6+$0x40] =	vst v14  }
0xa8: {  	v14 =	vld [tilespmem:s5+$0xFFFFFFC0];
	[tilespmem:s6+$0x50] =	vst v13  }
0xa9: {  	v13 =	vld [tilespmem:s5+$0x0];
	[tilespmem:s6+$0xFFFFFF40] =	vst v18;
	v18 =	vunpack.i.u.bf16.f32 v16;
	v16 =	vunpack.i.l.bf16.f32 v16  }
0xaa: {  	v19 =	vmov s9;
	[tilespmem:s6+$0xFFFFFF50] =	vst v17;
	v17 =	vld [tilespmem:s7+$0xFFFFFFF0];
	v16 =	vmul.f32 v16, v5;
	v22 =	vmul.f32 v18, v5  }
0xab: {  	v18 =	vand.u32 $0x7C, v19;
	v19 =	vunpack.i.l.bf16.f32 v8;
	v20 =	vld [tilespmem:s7+$0x30];
	[tilespmem:s2+$0xFFFFFF60] =	vst v7  }
0xac: {  	v8 =	vunpack.i.u.bf16.f32 v8;
	v19 =	vmul.f32 v19, v15;
	v5 =	vmovc v15;
	v7 =	vunpack.i.u.bf16.f32 v11;
	v21 =	vld [tilespmem:s7+$0xFFFFFFB0];
	[tilespmem:s6+$0xF0] =	vst v22;
	s7 =	smov.u32 s5  }
0xad: {  	v11 =	vunpack.i.l.bf16.f32 v11;
	v8 =	vmul.f32 v8, v5;
	s6 =	sadd.s32 $0x200, s6;
	v15 =	vunpack.i.u.bf16.f32 v14;
	[tilespmem:s24+$0xE0] =	vst v16  }
0xae: {  	v14 =	vunpack.i.l.bf16.f32 v14;
	v16 =	vunpack.i.u.bf16.f32 v13;
	v13 =	vunpack.i.l.bf16.f32 v13;
	[tilespmem:s6+$0x80] =	vst v19  }
0xaf: {  	v14 =	vmul.f32 v14, v9;
	v15 =	vmul.f32 v15, v9;
	[tilespmem:s6+$0x90] =	vst v8;
	v8 =	vunpack.i.u.bf16.f32 v17  }
0xb0: {  	v13 =	vmul.f32 v13, v12;
	v16 =	vmul.f32 v16, v12;
	v17 =	vunpack.i.l.bf16.f32 v17;
	v19 =	vld [tilespmem:s5+$0x50];
	[tilespmem:s2+$0xFFFFFF70] =	vst v6;
	s2 =	smov.u32 s24;
	s24 =	smov.u32 s6  }
0xb1: {  	v6 =	vmul.f32 v11, v10;
	v11 =	vmul.f32 v7, v10;
	v7 =	vunpack.i.u.bf16.f32 v20;
	[tilespmem:s6+$0xFFFFFF80] =	vst v14  }
0xb2: {  	s10 =	sadd.s32 $0x1, s9;
	v20 =	vunpack.i.l.bf16.f32 v20;
	v14 =	vunpack.i.u.bf16.f32 v21;
	[tilespmem:s6+$0xFFFFFF90] =	vst v15;
	v15 =	vunpack.i.l.bf16.f32 v21  }
0xb3: {  	v21 =	vmov s10;
	s10 =	sadd.s32 $0x2, s9;
	v22 =	vld [tilespmem:s5+$0xFFFFFFD0];
	[tilespmem:s6+$0x0] =	vst v13;
	v13 =	vmul.f32 v17, v4;
	v17 =	vmul.f32 v8, v4;
	v4 =	vmovc v9  }
0xb4: {  	v23 =	vmov s10;
	v9 =	vmul.f32 v20, v3;
	v8 =	vmul.f32 v7, v3;
	v3 =	vmovc v12;
	[tilespmem:s6+$0x10] =	vst v16  }
0xb5: {  	v7 =	vmul.f32 v15, v1;
	[tilespmem:s6+$0xFFFFFF00] =	vst v6;
	v12 =	vld [tilespmem:s5+$0x10];
	v16 =	vunpack.i.l.bf16.f32 v19;
	v6 =	vmul.f32 v14, v1;
	v1 =	vmovc v10  }
0xb6: {  	v10 =	vor.u32 v2, v18;
	[tilespmem:s6+$0xFFFFFF10] =	vst v11;
	v11 =	vunpack.i.u.bf16.f32 v19;
	v14 =	vmul.f32 v16, v5  }
0xb7: {  	v15 =	vand.u32 $0x7D, v21;
	v16 =	vand.u32 $0x7E, v23;
	v18 =	vld [tilespmem:s5+$0xFFFFFF90];
	v11 =	vmul.f32 v11, v5;
	[tilespmem:s2+$0xFFFFFFE0] =	vst v13  }
0xb8: {  	v10 =	vbroadcast v10, $0x0;
	v13 =	vunpack.i.u.bf16.f32 v22;
	v19 =	vunpack.i.l.bf16.f32 v22;
	[tilespmem:s6+$0xA0] =	vst v14  }
0xb9: {  	v14 =	vor.u32 v2, v15;
	v15 =	vmul.f32 v19, v4;
	v19 =	vmul.f32 v13, v4;
	[tilespmem:s6+$0xB0] =	vst v11  }
0xba: {  	v11 =	vbroadcast v14, $0x0;
	v14 =	vunpack.i.u.bf16.f32 v12;
	v12 =	vunpack.i.l.bf16.f32 v12;
	v13 =	vld [tilespmem:s5+$0x60];
	[tilespmem:s2+$0xFFFFFFF0] =	vst v17  }
.Ltmp3:
0xbb: {  	v16 =	vor.u32 v2, v16;
	[tilespmem:s6+$0xFFFFFFA0] =	vst v15;
	v15 =	vmul.f32 v12, v3;
	v17 =	vmul.f32 v14, v3;
	(pc) =	sbr.rel @p1 .LBB2_5-.Ltmp3, $4  }
0xbc: {  	s10 =	sadd.s32 $0x3, s9;
	v12 =	vbroadcast v16, $0x0;
	v14 =	vunpack.i.u.bf16.f32 v18;
	v16 =	vunpack.i.l.bf16.f32 v18;
	[tilespmem:s6+$0xFFFFFFB0] =	vst v19  }
0xbd: {  	v18 =	vmov s10;
	v19 =	vmul.f32 v16, v1;
	v16 =	vmul.f32 v14, v1;
	v14 =	vld [tilespmem:s5+$0xFFFFFFE0];
	[tilespmem:s6+$0x20] =	vst v15  }
0xbe: {  	v15 =	vand.u32 $0x7F, v18;
	[tilespmem:s6+$0x30] =	vst v17  }
0xbf: {  	s9 =	sadd.s32 $0x4, s9;
	v17 =	vor.u32 v2, v15;
	[tilespmem:s6+$0xFFFFFF20] =	vst v19;
	v15 =	vld [tilespmem:s5+$0x20];
	v18 =	vunpack.i.l.bf16.f32 v13  }
0xc0: {  	[tilespmem:s6+$0xFFFFFF30] =	vst v16;
	v2 =	vunpack.i.u.bf16.f32 v13;
	v13 =	vmul.f32 v18, v5  }
0xc1: {  	v16 =	vbroadcast v17, $0x0;
	[tilespmem:s2+$0x60] =	vst v9;
	v17 =	vld [tilespmem:s5+$0xFFFFFFA0];
	v2 =	vmul.f32 v2, v5  }
0xc2: {  	v9 =	vunpack.i.l.bf16.f32 v14;
	[tilespmem:s6+$0xC0] =	vst v13  }
0xc3: {  	v13 =	vunpack.i.u.bf16.f32 v14;
	v9 =	vmul.f32 v9, v4;
	[tilespmem:s6+$0xD0] =	vst v2  }
0xc4: {  	[tilespmem:s2+$0x70] =	vst v8;
	v2 =	vmul.f32 v13, v4;
	v13 =	vunpack.i.l.bf16.f32 v15;
	v14 =	vld [tilespmem:s7+$0x70]  }
0xc5: {  	s9 =	sadd.s32 $0x100, s5;
	v8 =	vunpack.i.u.bf16.f32 v15;
	[tilespmem:s6+$0xFFFFFFC0] =	vst v9;
	v9 =	vmul.f32 v13, v3  }
0xc6: {  	v13 =	vld [tilespmem:s9+$0x40];
	v8 =	vmul.f32 v8, v3;
	[tilespmem:s6+$0xFFFFFFD0] =	vst v2;
	v15 =	vunpack.i.l.bf16.f32 v17  }
0xc7: {  	v16 =	vld.idx.msk [tilespmem:v16+s22+$0x0], $0xffff;
	v2 =	vunpack.i.u.bf16.f32 v17;
	v15 =	vmul.f32 v15, v1;
	[tilespmem:s6+$0x40] =	vst v9  }
0xc8: {  	v9 =	vmul.f32 v2, v1;
	[tilespmem:s6+$0x50] =	vst v8  }
0xc9: {  	v8 =	vld [tilespmem:s9+$0xFFFFFFC0];
	[tilespmem:s6+$0xFFFFFF40] =	vst v15;
	v15 =	vunpack.i.u.bf16.f32 v14  }
0xca: {  	v2 =	vld.idx.msk [tilespmem:v11+s22+$0x0], $0xffff;
	v11 =	vunpack.i.l.bf16.f32 v14;
	[tilespmem:s6+$0xFFFFFF50] =	vst v9;
	v9 =	vmul.f32 v15, v5  }
0xcb: {  	[tilespmem:s2+$0xFFFFFF60] =	vst v7;
	v14 =	vld [tilespmem:s9+$0x0];
	v5 =	vmul.f32 v11, v5;
	v11 =	vunpack.i.l.bf16.f32 v13  }
0xcc: {  	v7 =	vld.idx.msk [tilespmem:v12+s22+$0x0], $0xffff;
	v12 =	vunpack.i.u.bf16.f32 v13;
	v11 =	vmul.f32 v11, v16;
	[tilespmem:s6+$0xF0] =	vst v9  }
0xcd: {  	s10 =	sadd.s32 $0x200, s6;
	v12 =	vmul.f32 v12, v16;
	v9 =	vld [tilespmem:s9+$0xFFFFFF80];
	[tilespmem:s24+$0xE0] =	vst v5  }
0xce: {  	v5 =	vld.idx.msk [tilespmem:v10+s22+$0x0], $0xffff;
	v10 =	vunpack.i.l.bf16.f32 v8;
	[tilespmem:s10+$0x80] =	vst v11  }
0xcf: {  	v11 =	vld [tilespmem:s7+$0xFFFFFFF0];
	v8 =	vunpack.i.u.bf16.f32 v8;
	[tilespmem:s10+$0x90] =	vst v12;
	v10 =	vmul.f32 v10, v2  }
0xd0: {  	[tilespmem:s2+$0xFFFFFF70] =	vst v6;
	v12 =	vunpack.i.l.bf16.f32 v14;
	v8 =	vmul.f32 v8, v2;
	v13 =	vld [tilespmem:s9+$0x50]  }
0xd1: {  	v6 =	vunpack.i.u.bf16.f32 v14;
	v12 =	vmul.f32 v12, v7;
	[tilespmem:s10+$0xFFFFFF80] =	vst v10  }
0xd2: {  	v6 =	vmul.f32 v6, v7;
	[tilespmem:s10+$0xFFFFFF90] =	vst v8;
	v10 =	vunpack.i.l.bf16.f32 v9  }
0xd3: {  	v8 =	vunpack.i.u.bf16.f32 v9;
	[tilespmem:s10+$0x0] =	vst v12;
	v9 =	vmul.f32 v10, v5;
	v10 =	vld [tilespmem:s9+$0xFFFFFFD0]  }
0xd4: {  	[tilespmem:s10+$0x10] =	vst v6;
	v12 =	vunpack.i.l.bf16.f32 v11;
	v8 =	vmul.f32 v8, v5  }
0xd5: {  	v6 =	vmul.f32 v12, v4;
	v12 =	vunpack.i.l.bf16.f32 v13;
	[tilespmem:s10+$0xFFFFFF00] =	vst v9;
	v9 =	vld [tilespmem:s9+$0x10]  }
0xd6: {  	[tilespmem:s10+$0xFFFFFF10] =	vst v8;
	v8 =	vunpack.i.u.bf16.f32 v13;
	v12 =	vmul.f32 v12, v16  }
0xd7: {  	v11 =	vunpack.i.u.bf16.f32 v11;
	v13 =	vld [tilespmem:s9+$0xFFFFFF90];
	v8 =	vmul.f32 v8, v16;
	[tilespmem:s24+$0xFFFFFFE0] =	vst v6  }
0xd8: {  	v4 =	vmul.f32 v11, v4;
	[tilespmem:s10+$0xA0] =	vst v12;
	v6 =	vunpack.i.l.bf16.f32 v10  }
0xd9: {  	v11 =	vld [tilespmem:s7+$0x30];
	v10 =	vunpack.i.u.bf16.f32 v10;
	[tilespmem:s10+$0xB0] =	vst v8;
	v6 =	vmul.f32 v6, v2  }
0xda: {  	[tilespmem:s24+$0xFFFFFFF0] =	vst v4;
	v8 =	vmul.f32 v10, v2;
	v12 =	vld [tilespmem:s9+$0x60];
	v10 =	vunpack.i.l.bf16.f32 v9  }
0xdb: {  	v4 =	vunpack.i.u.bf16.f32 v9;
	[tilespmem:s10+$0xFFFFFFA0] =	vst v6;
	v6 =	vmul.f32 v10, v7  }
0xdc: {  	v4 =	vmul.f32 v4, v7;
	v9 =	vunpack.i.l.bf16.f32 v13;
	[tilespmem:s10+$0xFFFFFFB0] =	vst v8  }
0xdd: {  	v8 =	vunpack.i.u.bf16.f32 v13;
	v9 =	vmul.f32 v9, v5;
	v10 =	vld [tilespmem:s9+$0xFFFFFFE0];
	[tilespmem:s10+$0x20] =	vst v6  }
0xde: {  	v8 =	vmul.f32 v8, v5;
	v6 =	vunpack.i.l.bf16.f32 v11;
	[tilespmem:s10+$0x30] =	vst v4  }
0xdf: {  	v4 =	vmul.f32 v6, v3;
	[tilespmem:s10+$0xFFFFFF20] =	vst v9;
	v6 =	vld [tilespmem:s9+$0x20];
	v9 =	vunpack.i.l.bf16.f32 v12  }
0xe0: {  	[tilespmem:s10+$0xFFFFFF30] =	vst v8;
	v8 =	vunpack.i.u.bf16.f32 v12;
	v9 =	vmul.f32 v9, v16  }
0xe1: {  	v11 =	vunpack.i.u.bf16.f32 v11;
	v12 =	vld [tilespmem:s9+$0xFFFFFFA0];
	v8 =	vmul.f32 v8, v16;
	[tilespmem:s24+$0x60] =	vst v4  }
0xe2: {  	v3 =	vmul.f32 v11, v3;
	v4 =	vunpack.i.l.bf16.f32 v10;
	[tilespmem:s10+$0xC0] =	vst v9  }
0xe3: {  	v9 =	vld [tilespmem:s7+$0xFFFFFFB0];
	v10 =	vunpack.i.u.bf16.f32 v10;
	[tilespmem:s10+$0xD0] =	vst v8;
	v4 =	vmul.f32 v4, v2  }
0xe4: {  	[tilespmem:s24+$0x70] =	vst v3;
	v8 =	vmul.f32 v10, v2;
	v11 =	vld [tilespmem:s9+$0x70];
	v10 =	vunpack.i.l.bf16.f32 v6  }
0xe5: {  	v3 =	vunpack.i.u.bf16.f32 v6;
	[tilespmem:s10+$0xFFFFFFC0] =	vst v4;
	v4 =	vmul.f32 v10, v7  }
0xe6: {  	v3 =	vmul.f32 v3, v7;
	v6 =	vunpack.i.l.bf16.f32 v12;
	[tilespmem:s10+$0xFFFFFFD0] =	vst v8  }
0xe7: {  	v8 =	vunpack.i.u.bf16.f32 v12;
	v6 =	vmul.f32 v6, v5;
	[tilespmem:s10+$0x40] =	vst v4;
	v4 =	vld [tilespmem:s9+$0xFFFFFFF0]  }
0xe8: {  	v8 =	vmul.f32 v8, v5;
	v10 =	vunpack.i.l.bf16.f32 v9;
	[tilespmem:s10+$0x50] =	vst v3  }
0xe9: {  	v3 =	vmul.f32 v10, v1;
	[tilespmem:s10+$0xFFFFFF40] =	vst v6;
	v6 =	vunpack.i.u.bf16.f32 v11;
	v10 =	vld [tilespmem:s9+$0x30]  }
0xea: {  	v11 =	vunpack.i.l.bf16.f32 v11;
	[tilespmem:s10+$0xFFFFFF50] =	vst v8;
	v6 =	vmul.f32 v6, v16  }
0xeb: {  	v8 =	vunpack.i.u.bf16.f32 v9;
	v9 =	vmul.f32 v11, v16;
	[tilespmem:s24+$0xFFFFFF60] =	vst v3;
	v3 =	vld [tilespmem:s9+$0xFFFFFFB0]  }
0xec: {  	v1 =	vmul.f32 v8, v1;
	[tilespmem:s10+$0xF0] =	vst v6;
	v6 =	vunpack.i.l.bf16.f32 v4  }
0xed: {  	[tilespmem:s10+$0xE0] =	vst v9;
	v4 =	vunpack.i.u.bf16.f32 v4;
	v6 =	vmul.f32 v6, v2  }
0xee: {  	[tilespmem:s24+$0xFFFFFF70] =	vst v1;
	v1 =	vunpack.i.l.bf16.f32 v10;
	v2 =	vmul.f32 v4, v2  }
0xef: {  	v4 =	vunpack.i.u.bf16.f32 v10;
	v1 =	vmul.f32 v1, v7;
	[tilespmem:s10+$0xFFFFFFE0] =	vst v6  }
0xf0: {  	v4 =	vmul.f32 v4, v7;
	v6 =	vunpack.i.l.bf16.f32 v3;
	[tilespmem:s10+$0xFFFFFFF0] =	vst v2  }
0xf1: {  	v2 =	vunpack.i.u.bf16.f32 v3;
	v3 =	vmul.f32 v6, v5;
	[tilespmem:s10+$0x60] =	vst v1  }
0xf2: {  	s5 =	sshll.u32 s0, $0xA;
	v1 =	vmul.f32 v2, v5;
	[tilespmem:s10+$0x70] =	vst v4  }
0xf3: {  	s21 =	sor.u32 $0x1, s21;
	p1 =	seq.s32 s0, $0x13;
	s2 =	sshrl.u32 s5, $0x2;
	[tilespmem:s10+$0xFFFFFF60] =	vst v3  }
0xf4: {  	s21 =	sshll.u32 s21, $0x7;
	s11 =	sadd.s32 $0x1400, s2;
	s24 =	simm.s32 $0x3;
	[tilespmem:s10+$0xFFFFFF70] =	vst v1  }
0xf5: {  	v1 =	vmov s24;
	[spmem:s1] =	stream.indirect.scatter.add.f32 [tilespmem:s26], [sflag:$0x3], $0x80, s11, s23, $0xb8;
	[tilespmem:$0x1F480] =	vst v63  }
0xf6: {  	s5 =	sshrl.u32 @!p1 s5, $0x2;
	v2 =	vmov s21;
	v1 =	vand.u32 $0x7F, v1;
	_ =	swait.ge [sflag:s20], $0x4000  }
0xf7: {  	s5 =	sadd.s32 @!p1 $0x100, s5;
	s6 =	simm.s32 @!p1 $0x80;
	v1 =	vor.u32 v2, v1;
	[sflag:s20] =	ssyncset.done $0x0  }
0xf8: {  	s7 =	simm.s32 @!p1 $0x3C00;
	s9 =	simm.s32 $0x1;
	v1 =	vbroadcast v1, $0x0;
	[sflag:s20] =	ssyncadd.s32 $0xFFFFC000  }
0xf9: {  	v3 =	vmov s9;
	[tilespmem:s7], [sflag:$0x1] =	stream.indirect.gather @!p1 [hbm4b:s4+s6], $0x40, s5, s6, $0xb8;
	[tilespmem:$0x1F480] =	vst v63  }
0xfa: {  	s9 =	simm.s32 $0x2;
	v3 =	vand.u32 $0x7D, v3;
	_ =	swait.ge [sflag:s29], $0x2000  }
0xfb: {  	v4 =	vmov s9;
	v3 =	vor.u32 v2, v3;
	[sflag:s29] =	ssyncset.done $0x0  }
0xfc: {  	s10 =	simm.s32 $0x0;
	v4 =	vand.u32 $0x7E, v4;
	v3 =	vbroadcast v3, $0x0;
	s5 =	simm.s32 $0x5C80;
	[sflag:s29] =	ssyncadd.s32 $0xFFFFE000  }
0xfd: {  	v5 =	vmov s10;
	v4 =	vor.u32 v2, v4;
	v6 =	vld [tilespmem:s5+$0x40]  }
0xfe: {  	v5 =	vand.u32 $0x7C, v5;
	v4 =	vbroadcast v4, $0x0;
	v9 =	vld.idx.msk [tilespmem:v1+s22+$0x0], $0xffff  }
0xff: {  	v1 =	vor.u32 v2, v5  }
0x100: {  	v1 =	vbroadcast v1, $0x0  }
0x101: {  	v5 =	vld [tilespmem:s5+$0xFFFFFFC0]  }
0x102: {  	v7 =	vld.idx.msk [tilespmem:v3+s22+$0x0], $0xffff;
	v3 =	vunpack.i.l.bf16.f32 v6  }
0x103: {  	v10 =	vld [tilespmem:s5+$0x0];
	v6 =	vunpack.i.u.bf16.f32 v6;
	v3 =	vmul.f32 v3, v9  }
0x104: {  	s24 =	simm.s32 $0x7D00;
	v8 =	vld.idx.msk [tilespmem:v4+s22+$0x0], $0xffff;
	v4 =	vmul.f32 v6, v9  }
0x105: {  	v11 =	vld [tilespmem:s5+$0xFFFFFF80];
	[tilespmem:s24+$0x80] =	vst v3  }
0x106: {  	v6 =	vld.idx.msk [tilespmem:v1+s22+$0x0], $0xffff;
	v1 =	vunpack.i.l.bf16.f32 v5;
	[tilespmem:s24+$0x90] =	vst v4  }
0x107: {  	v3 =	vunpack.i.u.bf16.f32 v5;
	v1 =	vmul.f32 v1, v7;
	v4 =	vld [tilespmem:s5+$0x50]  }
0x108: {  	v5 =	vunpack.i.l.bf16.f32 v10;
	v3 =	vmul.f32 v3, v7  }
0x109: {  	v10 =	vunpack.i.u.bf16.f32 v10;
	v5 =	vmul.f32 v5, v8;
	[tilespmem:s24+$0xFFFFFF80] =	vst v1  }
0x10a: {  	v10 =	vmul.f32 v10, v8;
	v1 =	vunpack.i.l.bf16.f32 v11;
	[tilespmem:s24+$0xFFFFFF90] =	vst v3  }
0x10b: {  	v3 =	vunpack.i.u.bf16.f32 v11;
	[tilespmem:s24+$0x0] =	vst v5;
	v1 =	vmul.f32 v1, v6;
	v11 =	vld [tilespmem:s5+$0xFFFFFFD0]  }
0x10c: {  	[tilespmem:s24+$0x10] =	vst v10;
	v3 =	vmul.f32 v3, v6;
	v5 =	vunpack.i.l.bf16.f32 v4  }
0x10d: {  	s11 =	simm.s32 $0x4;
	[tilespmem:s24+$0xFFFFFF00] =	vst v1;
	v1 =	vld [tilespmem:s5+$0x10];
	v4 =	vunpack.i.u.bf16.f32 v4;
	v5 =	vmul.f32 v5, v9  }
0x10e: {  	s7 =	simm.s32 $0x5;
	v10 =	vmov s11;
	[tilespmem:s24+$0xFFFFFF10] =	vst v3;
	v3 =	vmul.f32 v4, v9  }
0x10f: {  	v4 =	vand.u32 $0x7C, v10;
	v10 =	vmov s7;
	v12 =	vld [tilespmem:s5+$0xFFFFFF90];
	[tilespmem:s24+$0xA0] =	vst v5  }
0x110: {  	v4 =	vor.u32 v2, v4;
	v5 =	vand.u32 $0x7D, v10;
	v10 =	vunpack.i.l.bf16.f32 v11;
	[tilespmem:s24+$0xB0] =	vst v3  }
0x111: {  	v3 =	vbroadcast v4, $0x0;
	v4 =	vunpack.i.u.bf16.f32 v11;
	v10 =	vmul.f32 v10, v7;
	v11 =	vld [tilespmem:s5+$0x60]  }
0x112: {  	v5 =	vor.u32 v2, v5;
	v4 =	vmul.f32 v4, v7;
	v13 =	vunpack.i.l.bf16.f32 v1  }
0x113: {  	s9 =	simm.s32 $0x7;
	v5 =	vbroadcast v5, $0x0;
	v1 =	vunpack.i.u.bf16.f32 v1;
	[tilespmem:s24+$0xFFFFFFA0] =	vst v10;
	v10 =	vmul.f32 v13, v8  }
0x114: {  	v1 =	vmul.f32 v1, v8;
	v13 =	vunpack.i.l.bf16.f32 v12;
	[tilespmem:s24+$0xFFFFFFB0] =	vst v4;
	v4 =	vmov s9  }
0x115: {  	v12 =	vunpack.i.u.bf16.f32 v12;
	v13 =	vmul.f32 v13, v6;
	v14 =	vld [tilespmem:s5+$0xFFFFFFE0];
	v4 =	vand.u32 $0x7F, v4;
	[tilespmem:s24+$0x20] =	vst v10  }
0x116: {  	v10 =	vmul.f32 v12, v6;
	[tilespmem:s24+$0x30] =	vst v1;
	v1 =	vor.u32 v2, v4;
	v4 =	vunpack.i.l.bf16.f32 v11  }
0x117: {  	[tilespmem:s24+$0xFFFFFF20] =	vst v13;
	v12 =	vld [tilespmem:s5+$0x20];
	v13 =	vbroadcast v1, $0x0;
	v11 =	vunpack.i.u.bf16.f32 v11;
	v4 =	vmul.f32 v4, v9  }
0x118: {  	s10 =	simm.s32 $0x6;
	v1 =	vld.idx.msk [tilespmem:v3+s22+$0x0], $0xffff;
	[tilespmem:s24+$0xFFFFFF30] =	vst v10;
	v3 =	vmul.f32 v11, v9  }
0x119: {  	v10 =	vmov s10;
	v11 =	vld [tilespmem:s5+$0xFFFFFFA0];
	[tilespmem:s24+$0xC0] =	vst v4  }
0x11a: {  	v10 =	vand.u32 $0x7E, v10;
	v4 =	vld.idx.msk [tilespmem:v5+s22+$0x0], $0xffff;
	v5 =	vunpack.i.l.bf16.f32 v14;
	[tilespmem:s24+$0xD0] =	vst v3  }
0x11b: {  	s6 =	simm.s32 $0x5D80;
	v3 =	vor.u32 v2, v10;
	v10 =	vunpack.i.u.bf16.f32 v14;
	v5 =	vmul.f32 v5, v7;
	v14 =	vld [tilespmem:s5+$0x70]  }
0x11c: {  	v16 =	vld [tilespmem:s6+$0x40];
	v10 =	vmul.f32 v10, v7;
	v15 =	vunpack.i.l.bf16.f32 v12  }
0x11d: {  	v3 =	vbroadcast v3, $0x0;
	v12 =	vunpack.i.u.bf16.f32 v12;
	[tilespmem:s24+$0xFFFFFFC0] =	vst v5;
	v15 =	vmul.f32 v15, v8;
	v5 =	vld.idx.msk [tilespmem:v13+s22+$0x0], $0xffff  }
0x11e: {  	v12 =	vmul.f32 v12, v8;
	[tilespmem:s24+$0xFFFFFFD0] =	vst v10;
	v13 =	vunpack.i.l.bf16.f32 v11  }
0x11f: {  	v10 =	vld [tilespmem:s6+$0xFFFFFF80];
	v11 =	vunpack.i.u.bf16.f32 v11;
	v13 =	vmul.f32 v13, v6;
	[tilespmem:s24+$0x40] =	vst v15  }
0x120: {  	v15 =	vld [tilespmem:s6+$0xFFFFFFC0];
	v11 =	vmul.f32 v11, v6;
	[tilespmem:s24+$0x50] =	vst v12;
	v17 =	vunpack.i.u.bf16.f32 v14  }
0x121: {  	v18 =	vunpack.i.l.bf16.f32 v16;
	v12 =	vld [tilespmem:s6+$0x0];
	[tilespmem:s24+$0xFFFFFF40] =	vst v13;
	v17 =	vmul.f32 v17, v9  }
0x122: {  	s11 =	simm.s32 $0x8;
	v13 =	vunpack.i.l.bf16.f32 v14;
	v14 =	vld [tilespmem:s5+$0xFFFFFFF0];
	[tilespmem:s24+$0xFFFFFF50] =	vst v11;
	v11 =	vunpack.i.u.bf16.f32 v16;
	v16 =	vmul.f32 v18, v5  }
0x123: {  	v19 =	vmov s11;
	s7 =	simm.s32 $0x7F00;
	s9 =	simm.s32 $0x9;
	v3 =	vld.idx.msk [tilespmem:v3+s22+$0x0], $0xffff;
	v11 =	vmul.f32 v11, v5;
	[tilespmem:s24+$0xF0] =	vst v17  }
0x124: {  	v22 =	vmov s9;
	v9 =	vmul.f32 v13, v9;
	v18 =	vld [tilespmem:s5+$0x30];
	v17 =	vunpack.i.u.bf16.f32 v10;
	[tilespmem:s7+$0x80] =	vst v16  }
0x125: {  	v13 =	vand.u32 $0x7C, v19;
	v19 =	vld [tilespmem:s5+$0xFFFFFFB0];
	v20 =	vunpack.i.l.bf16.f32 v15;
	[tilespmem:s7+$0x90] =	vst v11;
	v17 =	vmul.f32 v17, v1  }
0x126: {  	v10 =	vunpack.i.l.bf16.f32 v10;
	v15 =	vunpack.i.u.bf16.f32 v15;
	[tilespmem:s24+$0xE0] =	vst v9;
	v20 =	vmul.f32 v20, v4  }
0x127: {  	v13 =	vor.u32 v2, v13;
	v9 =	vunpack.i.l.bf16.f32 v12;
	v11 =	vmul.f32 v15, v4;
	v15 =	vld [tilespmem:s6+$0x50];
	[tilespmem:s7+$0xFFFFFF10] =	vst v17  }
0x128: {  	v16 =	vunpack.i.u.bf16.f32 v12;
	v10 =	vmul.f32 v10, v1;
	v9 =	vmul.f32 v9, v3;
	[tilespmem:s7+$0xFFFFFF80] =	vst v20  }
0x129: {  	s10 =	simm.s32 $0xA;
	v12 =	vunpack.i.u.bf16.f32 v14;
	v16 =	vmul.f32 v16, v3;
	v14 =	vunpack.i.l.bf16.f32 v14;
	[tilespmem:s7+$0xFFFFFF90] =	vst v11  }
0x12a: {  	v17 =	vmov s10;
	v20 =	vunpack.i.u.bf16.f32 v18;
	v11 =	vunpack.i.u.bf16.f32 v19;
	v21 =	vld [tilespmem:s6+$0xFFFFFFD0];
	[tilespmem:s7+$0x0] =	vst v9  }
0x12b: {  	v19 =	vunpack.i.l.bf16.f32 v19;
	v18 =	vunpack.i.l.bf16.f32 v18;
	v14 =	vmul.f32 v14, v7;
	[tilespmem:s7+$0x10] =	vst v16  }
0x12c: {  	[tilespmem:s7+$0xFFFFFF00] =	vst v10;
	v12 =	vmul.f32 v12, v7;
	v9 =	vmul.f32 v18, v8;
	v16 =	vld [tilespmem:s6+$0x10];
	v10 =	vunpack.i.l.bf16.f32 v15  }
0x12d: {  	v7 =	vmul.f32 v19, v6;
	[tilespmem:s24+$0xFFFFFFE0] =	vst v14;
	v15 =	vunpack.i.u.bf16.f32 v15;
	v10 =	vmul.f32 v10, v5  }
0x12e: {  	v6 =	vmul.f32 v11, v6;
	v18 =	vld [tilespmem:s6+$0xFFFFFF90];
	v14 =	vand.u32 $0x7D, v22;
	[tilespmem:s24+$0xFFFFFFF0] =	vst v12;
	v11 =	vmul.f32 v15, v5  }
0x12f: {  	v17 =	vand.u32 $0x7E, v17;
	v12 =	vor.u32 v2, v14;
	v15 =	vunpack.i.l.bf16.f32 v21;
	[tilespmem:s7+$0xA0] =	vst v10  }
0x130: {  	v19 =	vunpack.i.u.bf16.f32 v21;
	[tilespmem:s7+$0xB0] =	vst v11;
	v10 =	vbroadcast v13, $0x0;
	v15 =	vmul.f32 v15, v4  }
0x131: {  	v19 =	vmul.f32 v19, v4;
	v11 =	vunpack.i.l.bf16.f32 v16;
	v13 =	vld [tilespmem:s6+$0x60];
	v14 =	vunpack.i.u.bf16.f32 v16  }
0x132: {  	s11 =	simm.s32 $0xB;
	v16 =	vmul.f32 v14, v3;
	v14 =	vor.u32 v2, v17;
	[tilespmem:s7+$0xFFFFFFA0] =	vst v15;
	v15 =	vmul.f32 v11, v3  }
0x133: {  	v17 =	vmov s11;
	v11 =	vbroadcast v12, $0x0;
	v12 =	vunpack.i.l.bf16.f32 v18;
	[tilespmem:s7+$0xFFFFFFB0] =	vst v19  }
0x134: {  	v19 =	vmul.f32 v12, v1;
	v12 =	vbroadcast v14, $0x0;
	v14 =	vld [tilespmem:s6+$0xFFFFFFE0];
	[tilespmem:s7+$0x20] =	vst v15;
	v15 =	vunpack.i.u.bf16.f32 v18  }
0x135: {  	v17 =	vand.u32 $0x7F, v17;
	[tilespmem:s7+$0x30] =	vst v16;
	v16 =	vmul.f32 v15, v1  }
0x136: {  	s9 =	simm.s32 $0x5D80;
	s5 =	simm.s32 $0x7F00;
	s10 =	simm.s32 $0xC;
	v8 =	vmul.f32 v20, v8;
	v17 =	vor.u32 v2, v17;
	[tilespmem:s7+$0xFFFFFF20] =	vst v19;
	v15 =	vld [tilespmem:s6+$0x20];
	v18 =	vunpack.i.l.bf16.f32 v13  }
.LBB2_7:
0x137: {  	p2 =	slt.u32 s10, $0x7C;
	v10 =	vld.idx.msk [tilespmem:v10+s22+$0x0], $0xffff;
	v17 =	vbroadcast v17, $0x0;
	[tilespmem:s7+$0xFFFFFF30] =	vst v16;
	v13 =	vunpack.i.u.bf16.f32 v13;
	v16 =	vmul.f32 v18, v5  }
0x138: {  	v18 =	vld [tilespmem:s6+$0xFFFFFFA0];
	v13 =	vmul.f32 v13, v5;
	[tilespmem:s24+$0x60] =	vst v9  }
0x139: {  	v9 =	vld.idx.msk [tilespmem:v11+s22+$0x0], $0xffff;
	v11 =	vunpack.i.u.bf16.f32 v14;
	v14 =	vunpack.i.l.bf16.f32 v14;
	[tilespmem:s7+$0xC0] =	vst v16  }
0x13a: {  	v12 =	vld.idx.msk [tilespmem:v12+s22+$0x0], $0xffff;
	v14 =	vmul.f32 v14, v4;
	v11 =	vmul.f32 v11, v4;
	[tilespmem:s7+$0xD0] =	vst v13  }
0x13b: {  	s6 =	sadd.s32 $0x100, s6;
	v13 =	vunpack.i.u.bf16.f32 v15;
	v15 =	vunpack.i.l.bf16.f32 v15;
	v16 =	vld [tilespmem:s9+$0x70];
	[tilespmem:s24+$0x70] =	vst v8  }
0x13c: {  	v8 =	vld [tilespmem:s6+$0x40];
	[tilespmem:s7+$0xFFFFFFC0] =	vst v14;
	v14 =	vmul.f32 v15, v3;
	v13 =	vmul.f32 v13, v3  }
0x13d: {  	v15 =	vld.idx.msk [tilespmem:v17+s22+$0x0], $0xffff;
	v17 =	vunpack.i.u.bf16.f32 v18;
	v18 =	vunpack.i.l.bf16.f32 v18;
	[tilespmem:s7+$0xFFFFFFD0] =	vst v11  }
0x13e: {  	v11 =	vld [tilespmem:s6+$0xFFFFFF80];
	v18 =	vmul.f32 v18, v1;
	v17 =	vmul.f32 v17, v1;
	[tilespmem:s7+$0x40] =	vst v14  }
0x13f: {  	v14 =	vld [tilespmem:s6+$0xFFFFFFC0];
	[tilespmem:s7+$0x50] =	vst v13  }
0x140: {  	v13 =	vld [tilespmem:s6+$0x0];
	[tilespmem:s7+$0xFFFFFF40] =	vst v18;
	v18 =	vunpack.i.u.bf16.f32 v16;
	v16 =	vunpack.i.l.bf16.f32 v16  }
0x141: {  	v19 =	vmov s10;
	[tilespmem:s7+$0xFFFFFF50] =	vst v17;
	v17 =	vld [tilespmem:s9+$0xFFFFFFF0];
	v16 =	vmul.f32 v16, v5;
	v22 =	vmul.f32 v18, v5  }
0x142: {  	v18 =	vand.u32 $0x7C, v19;
	v19 =	vunpack.i.l.bf16.f32 v8;
	v20 =	vld [tilespmem:s9+$0x30];
	[tilespmem:s24+$0xFFFFFF60] =	vst v7  }
0x143: {  	v8 =	vunpack.i.u.bf16.f32 v8;
	v19 =	vmul.f32 v19, v15;
	v5 =	vmovc v15;
	v7 =	vunpack.i.u.bf16.f32 v11;
	v21 =	vld [tilespmem:s9+$0xFFFFFFB0];
	[tilespmem:s7+$0xF0] =	vst v22;
	s9 =	smov.u32 s6  }
0x144: {  	v11 =	vunpack.i.l.bf16.f32 v11;
	v8 =	vmul.f32 v8, v5;
	s7 =	sadd.s32 $0x200, s7;
	v15 =	vunpack.i.u.bf16.f32 v14;
	[tilespmem:s5+$0xE0] =	vst v16  }
0x145: {  	v14 =	vunpack.i.l.bf16.f32 v14;
	v16 =	vunpack.i.u.bf16.f32 v13;
	v13 =	vunpack.i.l.bf16.f32 v13;
	[tilespmem:s7+$0x80] =	vst v19  }
0x146: {  	v14 =	vmul.f32 v14, v9;
	v15 =	vmul.f32 v15, v9;
	[tilespmem:s7+$0x90] =	vst v8;
	v8 =	vunpack.i.u.bf16.f32 v17  }
0x147: {  	v13 =	vmul.f32 v13, v12;
	v16 =	vmul.f32 v16, v12;
	v17 =	vunpack.i.l.bf16.f32 v17;
	v19 =	vld [tilespmem:s6+$0x50];
	[tilespmem:s24+$0xFFFFFF70] =	vst v6;
	s24 =	smov.u32 s5;
	s5 =	smov.u32 s7  }
0x148: {  	v6 =	vmul.f32 v11, v10;
	v11 =	vmul.f32 v7, v10;
	v7 =	vunpack.i.u.bf16.f32 v20;
	[tilespmem:s7+$0xFFFFFF80] =	vst v14  }
0x149: {  	s11 =	sadd.s32 $0x1, s10;
	v20 =	vunpack.i.l.bf16.f32 v20;
	v14 =	vunpack.i.u.bf16.f32 v21;
	[tilespmem:s7+$0xFFFFFF90] =	vst v15;
	v15 =	vunpack.i.l.bf16.f32 v21  }
0x14a: {  	v21 =	vmov s11;
	s11 =	sadd.s32 $0x2, s10;
	v22 =	vld [tilespmem:s6+$0xFFFFFFD0];
	[tilespmem:s7+$0x0] =	vst v13;
	v13 =	vmul.f32 v17, v4;
	v17 =	vmul.f32 v8, v4;
	v4 =	vmovc v9  }
0x14b: {  	v23 =	vmov s11;
	v9 =	vmul.f32 v20, v3;
	v8 =	vmul.f32 v7, v3;
	v3 =	vmovc v12;
	[tilespmem:s7+$0x10] =	vst v16  }
0x14c: {  	v7 =	vmul.f32 v15, v1;
	[tilespmem:s7+$0xFFFFFF00] =	vst v6;
	v12 =	vld [tilespmem:s6+$0x10];
	v16 =	vunpack.i.l.bf16.f32 v19;
	v6 =	vmul.f32 v14, v1;
	v1 =	vmovc v10  }
0x14d: {  	v10 =	vor.u32 v2, v18;
	[tilespmem:s7+$0xFFFFFF10] =	vst v11;
	v11 =	vunpack.i.u.bf16.f32 v19;
	v14 =	vmul.f32 v16, v5  }
0x14e: {  	v15 =	vand.u32 $0x7D, v21;
	v16 =	vand.u32 $0x7E, v23;
	v18 =	vld [tilespmem:s6+$0xFFFFFF90];
	v11 =	vmul.f32 v11, v5;
	[tilespmem:s24+$0xFFFFFFE0] =	vst v13  }
0x14f: {  	v10 =	vbroadcast v10, $0x0;
	v13 =	vunpack.i.u.bf16.f32 v22;
	v19 =	vunpack.i.l.bf16.f32 v22;
	[tilespmem:s7+$0xA0] =	vst v14  }
0x150: {  	v14 =	vor.u32 v2, v15;
	v15 =	vmul.f32 v19, v4;
	v19 =	vmul.f32 v13, v4;
	[tilespmem:s7+$0xB0] =	vst v11  }
0x151: {  	v11 =	vbroadcast v14, $0x0;
	v14 =	vunpack.i.u.bf16.f32 v12;
	v12 =	vunpack.i.l.bf16.f32 v12;
	v13 =	vld [tilespmem:s6+$0x60];
	[tilespmem:s24+$0xFFFFFFF0] =	vst v17  }
.Ltmp4:
0x152: {  	v16 =	vor.u32 v2, v16;
	[tilespmem:s7+$0xFFFFFFA0] =	vst v15;
	v15 =	vmul.f32 v12, v3;
	v17 =	vmul.f32 v14, v3;
	(pc) =	sbr.rel @p2 .LBB2_7-.Ltmp4, $4  }
0x153: {  	s11 =	sadd.s32 $0x3, s10;
	v12 =	vbroadcast v16, $0x0;
	v14 =	vunpack.i.u.bf16.f32 v18;
	v16 =	vunpack.i.l.bf16.f32 v18;
	[tilespmem:s7+$0xFFFFFFB0] =	vst v19  }
0x154: {  	v18 =	vmov s11;
	v19 =	vmul.f32 v16, v1;
	v16 =	vmul.f32 v14, v1;
	v14 =	vld [tilespmem:s6+$0xFFFFFFE0];
	[tilespmem:s7+$0x20] =	vst v15  }
0x155: {  	v15 =	vand.u32 $0x7F, v18;
	[tilespmem:s7+$0x30] =	vst v17  }
0x156: {  	s10 =	sadd.s32 $0x4, s10;
	v17 =	vor.u32 v2, v15;
	[tilespmem:s7+$0xFFFFFF20] =	vst v19;
	v15 =	vld [tilespmem:s6+$0x20];
	v18 =	vunpack.i.l.bf16.f32 v13  }
0x157: {  	[tilespmem:s7+$0xFFFFFF30] =	vst v16  }
0x158: {  	[tilespmem:s24+$0x60] =	vst v9  }
0x159: {  	v2 =	vunpack.i.u.bf16.f32 v13;
	v43 =	vmul.f32 v18, v5;
	v44 =	vbroadcast v17, $0x0;
	[tilespmem:s24+$0x70] =	vst v8  }
0x15a: {  	[tilespmem:s24+$0xFFFFFF60] =	vst v7;
	v45 =	vld [tilespmem:s6+$0xFFFFFFA0];
	v2 =	vmul.f32 v2, v5  }
0x15b: {  	s10 =	sadd.s32 $0x100, s6;
	v7 =	vld.idx.msk [tilespmem:v12+s22+$0x0], $0xffff;
	v46 =	vunpack.i.l.bf16.f32 v14;
	[tilespmem:s7+$0xC0] =	vst v43  }
0x15c: {  	v59 =	vld [tilespmem:s10+$0x0];
	v47 =	vunpack.i.u.bf16.f32 v14;
	v9 =	vmul.f32 v46, v4;
	[tilespmem:s7+$0xD0] =	vst v2  }
0x15d: {  	[tilespmem:s24+$0xFFFFFF70] =	vst v6;
	v2 =	vmul.f32 v47, v4;
	v48 =	vunpack.i.l.bf16.f32 v15;
	v49 =	vld [tilespmem:s9+$0x70]  }
0x15e: {  	v52 =	vld [tilespmem:s10+$0x40];
	v50 =	vunpack.i.u.bf16.f32 v15;
	[tilespmem:s7+$0xFFFFFFC0] =	vst v9;
	v51 =	vmul.f32 v48, v3  }
0x15f: {  	v8 =	vmul.f32 v50, v3;
	[tilespmem:s7+$0xFFFFFFD0] =	vst v2;
	v53 =	vunpack.i.l.bf16.f32 v45;
	v16 =	vld.idx.msk [tilespmem:v44+s22+$0x0], $0xffff  }
0x160: {  	v55 =	vld [tilespmem:s10+$0xFFFFFFC0];
	v2 =	vunpack.i.u.bf16.f32 v45;
	v15 =	vmul.f32 v53, v1;
	[tilespmem:s7+$0x40] =	vst v51  }
0x161: {  	v20 =	vunpack.i.u.bf16.f32 v59;
	v54 =	vmul.f32 v2, v1;
	[tilespmem:s7+$0x50] =	vst v8;
	v2 =	vld.idx.msk [tilespmem:v11+s22+$0x0], $0xffff  }
0x162: {  	v6 =	vmul.f32 v20, v7;
	[tilespmem:s7+$0xFFFFFF40] =	vst v15;
	v56 =	vunpack.i.u.bf16.f32 v49  }
0x163: {  	s11 =	sadd.s32 $0x200, s7;
	v61 =	vunpack.i.l.bf16.f32 v52;
	[tilespmem:s7+$0xFFFFFF50] =	vst v54;
	v58 =	vmul.f32 v56, v5  }
0x164: {  	v63 =	vld [tilespmem:s10+$0xFFFFFF80];
	v62 =	vunpack.i.u.bf16.f32 v52;
	v57 =	vunpack.i.l.bf16.f32 v49;
	[tilespmem:s11+$0x10] =	vst v6;
	v11 =	vmul.f32 v61, v16  }
0x165: {  	v15 =	vunpack.i.l.bf16.f32 v55;
	v60 =	vmul.f32 v57, v5;
	v5 =	vld.idx.msk [tilespmem:v10+s22+$0x0], $0xffff;
	v12 =	vmul.f32 v62, v16;
	[tilespmem:s7+$0xF0] =	vst v58  }
0x166: {  	v17 =	vld [tilespmem:s9+$0xFFFFFFF0];
	v8 =	vunpack.i.u.bf16.f32 v55;
	v10 =	vmul.f32 v15, v2;
	[tilespmem:s11+$0x80] =	vst v11  }
0x167: {  	v8 =	vmul.f32 v8, v2;
	[tilespmem:s11+$0x90] =	vst v12  }
0x168: {  	v18 =	vunpack.i.l.bf16.f32 v59;
	v19 =	vld [tilespmem:s10+$0x50];
	[tilespmem:s11+$0xFFFFFF80] =	vst v10  }
0x169: {  	v21 =	vunpack.i.l.bf16.f32 v63;
	v12 =	vmul.f32 v18, v7;
	[tilespmem:s11+$0xFFFFFF90] =	vst v8  }
0x16a: {  	v22 =	vunpack.i.u.bf16.f32 v63;
	[tilespmem:s5+$0xE0] =	vst v60;
	v23 =	vmul.f32 v21, v5;
	v24 =	vld [tilespmem:s10+$0xFFFFFFD0]  }
0x16b: {  	v25 =	vunpack.i.l.bf16.f32 v17;
	[tilespmem:s11+$0x0] =	vst v12;
	v8 =	vmul.f32 v22, v5  }
0x16c: {  	v26 =	vmul.f32 v25, v4;
	v11 =	vunpack.i.u.bf16.f32 v17;
	v27 =	vld [tilespmem:s10+$0x10];
	[tilespmem:s11+$0xFFFFFF00] =	vst v23  }
0x16d: {  	v31 =	vmul.f32 v11, v4;
	[tilespmem:s11+$0xFFFFFF10] =	vst v8;
	v28 =	vunpack.i.l.bf16.f32 v19  }
0x16e: {  	[tilespmem:s5+$0xFFFFFFE0] =	vst v26;
	v30 =	vld [tilespmem:s10+$0xFFFFFF90];
	v29 =	vunpack.i.u.bf16.f32 v19;
	v12 =	vmul.f32 v28, v16  }
0x16f: {  	[tilespmem:s5+$0xFFFFFFF0] =	vst v31;
	v8 =	vmul.f32 v29, v16;
	v32 =	vunpack.i.l.bf16.f32 v24  }
0x170: {  	v33 =	vld [tilespmem:s9+$0x30];
	v10 =	vunpack.i.u.bf16.f32 v24;
	v6 =	vmul.f32 v32, v2;
	[tilespmem:s11+$0xA0] =	vst v12  }
0x171: {  	v34 =	vmul.f32 v10, v2;
	v35 =	vunpack.i.l.bf16.f32 v27;
	[tilespmem:s11+$0xB0] =	vst v8  }
0x172: {  	v36 =	vunpack.i.u.bf16.f32 v27;
	v37 =	vmul.f32 v35, v7;
	v12 =	vld [tilespmem:s10+$0x60];
	[tilespmem:s11+$0xFFFFFFA0] =	vst v6  }
0x173: {  	v4 =	vmul.f32 v36, v7;
	v38 =	vunpack.i.l.bf16.f32 v30;
	[tilespmem:s11+$0xFFFFFFB0] =	vst v34  }
0x174: {  	v39 =	vunpack.i.u.bf16.f32 v30;
	v9 =	vmul.f32 v38, v5;
	v40 =	vld [tilespmem:s10+$0xFFFFFFE0];
	[tilespmem:s11+$0x20] =	vst v37  }
0x175: {  	v41 =	vunpack.i.l.bf16.f32 v33;
	v8 =	vmul.f32 v39, v5;
	[tilespmem:s11+$0x30] =	vst v4  }
0x176: {  	v42 =	vmul.f32 v41, v3;
	v11 =	vunpack.i.u.bf16.f32 v33;
	v43 =	vld [tilespmem:s10+$0x20];
	[tilespmem:s11+$0xFFFFFF20] =	vst v9  }
0x177: {  	v3 =	vmul.f32 v11, v3;
	[tilespmem:s11+$0xFFFFFF30] =	vst v8;
	v44 =	vunpack.i.l.bf16.f32 v12  }
0x178: {  	[tilespmem:s5+$0x60] =	vst v42;
	v46 =	vld [tilespmem:s10+$0xFFFFFFA0];
	v45 =	vunpack.i.u.bf16.f32 v12;
	v9 =	vmul.f32 v44, v16  }
0x179: {  	[tilespmem:s5+$0x70] =	vst v3;
	v8 =	vmul.f32 v45, v16;
	v47 =	vunpack.i.l.bf16.f32 v40  }
0x17a: {  	v48 =	vld [tilespmem:s9+$0xFFFFFFB0];
	v10 =	vunpack.i.u.bf16.f32 v40;
	v4 =	vmul.f32 v47, v2;
	[tilespmem:s11+$0xC0] =	vst v9  }
0x17b: {  	v49 =	vmul.f32 v10, v2;
	v50 =	vunpack.i.l.bf16.f32 v43;
	[tilespmem:s11+$0xD0] =	vst v8  }
0x17c: {  	v3 =	vunpack.i.u.bf16.f32 v43;
	v52 =	vmul.f32 v50, v7;
	v51 =	vld [tilespmem:s10+$0x70];
	[tilespmem:s11+$0xFFFFFFC0] =	vst v4  }
0x17d: {  	v3 =	vmul.f32 v3, v7;
	v53 =	vunpack.i.l.bf16.f32 v46;
	[tilespmem:s11+$0xFFFFFFD0] =	vst v49  }
0x17e: {  	v54 =	vunpack.i.u.bf16.f32 v46;
	v6 =	vmul.f32 v53, v5;
	[tilespmem:s11+$0x40] =	vst v52;
	v55 =	vld [tilespmem:s10+$0xFFFFFFF0]  }
0x17f: {  	v56 =	vunpack.i.l.bf16.f32 v48;
	v8 =	vmul.f32 v54, v5;
	[tilespmem:s11+$0x50] =	vst v3  }
0x180: {  	v59 =	vunpack.i.u.bf16.f32 v48;
	v3 =	vmul.f32 v56, v1;
	v58 =	vld [tilespmem:s10+$0x30];
	[tilespmem:s11+$0xFFFFFF40] =	vst v6  }
0x181: {  	v1 =	vmul.f32 v59, v1;
	[tilespmem:s11+$0xFFFFFF50] =	vst v8;
	v57 =	vunpack.i.u.bf16.f32 v51  }
0x182: {  	[tilespmem:s5+$0xFFFFFF60] =	vst v3;
	v3 =	vld [tilespmem:s10+$0xFFFFFFB0];
	v11 =	vunpack.i.l.bf16.f32 v51;
	v6 =	vmul.f32 v57, v16  }
0x183: {  	[tilespmem:s5+$0xFFFFFF70] =	vst v1;
	v60 =	vmul.f32 v11, v16;
	v61 =	vunpack.i.l.bf16.f32 v55  }
0x184: {  	v4 =	vunpack.i.u.bf16.f32 v55;
	[tilespmem:s11+$0xF0] =	vst v6;
	v6 =	vmul.f32 v61, v2  }
0x185: {  	v1 =	vunpack.i.l.bf16.f32 v58;
	[tilespmem:s11+$0xE0] =	vst v60;
	v2 =	vmul.f32 v4, v2  }
0x186: {  	v62 =	vunpack.i.u.bf16.f32 v58;
	v1 =	vmul.f32 v1, v7;
	[tilespmem:s11+$0xFFFFFFE0] =	vst v6  }
0x187: {  	v4 =	vmul.f32 v62, v7;
	v63 =	vunpack.i.l.bf16.f32 v3;
	[tilespmem:s11+$0xFFFFFFF0] =	vst v2  }
0x188: {  	v2 =	vunpack.i.u.bf16.f32 v3;
	v3 =	vmul.f32 v63, v5;
	[tilespmem:s11+$0x60] =	vst v1  }
0x189: {  	[tilespmem:s11+$0x70] =	vst v4;
	v1 =	vmul.f32 v2, v5  }
0x18a: {  	s24 =	sand.u32 $0x3FFFFF80, s21;
	[tilespmem:s11+$0xFFFFFF60] =	vst v3  }
.Ltmp5:
0x18b: {  	s5 =	sadd.s32 $0x1400, s24;
	[tilespmem:s11+$0xFFFFFF70] =	vst v1;
	(pc) =	sbr.rel @p1 .LBB2_10-.Ltmp5, $4  }
0x18c: {  	[spmem:s1] =	stream.indirect.scatter.add.f32 [tilespmem:s26], [sflag:$0x3], $0x80, s5, s23, $0xb8;
	[tilespmem:$0x1F480] =	vst v63  }
0x18d: {  	_ =	swait.ge [sflag:s20], $0x4000  }
0x18e: {  	[sflag:s20] =	ssyncset.done $0x0  }
0x18f: {  	[sflag:s20] =	ssyncadd.s32 $0xFFFFC000  }
.Ltmp6:
0x190: {  	(pc) =	sbr.rel .LBB2_4-.Ltmp6, $3  }
0x191: {  	_ =	sdelay $0x1  }
0x192: {  	s2 =	sadd.s32 $0x180, s2;
	s0 =	sadd.s32 $0x1, s0  }
0x193: {  	[tilespmem:s25], [sflag:$0x2] =	stream.indirect.gather [hbm4b:s4+s23], $0x40, s2, s23, $0xb8;
	[tilespmem:$0x1F480] =	vst v63  }
.LBB2_10:
0x194: {  	s31 =	simm.s32 $0x0  }
0x195: {  	[tilespmem:s31], [sflag:$0x3] =	stream.linear.gather [hbm4b:s14+s31], $0x1400, $0x38;
	[tilespmem:$0x1F480] =	vst v63  }
0x196: {  	_ =	swait.ge [sflag:s20], $0x1400  }
0x197: {  	[sflag:s20] =	ssyncset.done $0x0  }
0x198: {  	s0 =	simm.s32 $0x1400;
	[sflag:s20] =	ssyncadd.s32 $0xFFFFEC00  }
0x199: {  	[tilespmem:s0], [sflag:$0x3] =	stream.linear.gather [hbm4b:s15+s31], $0x1400, $0x38;
	[tilespmem:$0x1F480] =	vst v63  }
0x19a: {  	_ =	swait.ge [sflag:s20], $0x1400  }
0x19b: {  	[sflag:s20] =	ssyncset.done $0x0  }
0x19c: {  	[sflag:s20] =	ssyncadd.s32 $0xFFFFEC00  }
0x19d: {  	[tilespmem:s22], [sflag:$0x3] =	stream.linear.gather [hbm4b:s16+s31], $0x1400, $0x38;
	[tilespmem:$0x1F480] =	vst v63  }
0x19e: {  	_ =	swait.ge [sflag:s20], $0x1400  }
0x19f: {  	[sflag:s20] =	ssyncset.done $0x0  }
0x1a0: {  	s24 =	simm.s32 $0x3C00;
	[sflag:s20] =	ssyncadd.s32 $0xFFFFEC00  }
0x1a1: {  	[tilespmem:s24], [sflag:$0x1] =	stream.indirect.gather [hbm4b:s4+s23], $0x40, s31, s23, $0xb8;
	[tilespmem:$0x1F480] =	vst v63  }
0x1a2: {  	s0 =	simm.s32 $0x0  }
0x1a3: {  	[tilespmem:s25], [sflag:$0x2] =	stream.indirect.gather [hbm4b:s4+s23], $0x40, s23, s23, $0xb8;
	[tilespmem:$0x1F480] =	vst v63  }
.LBB2_11:
0x1a4: {  	s2 =	simm.s32 $0x3  }
0x1a5: {  	s5 =	sshll.u32 s0, $0x8;
	v1 =	vmov s2  }
0x1a6: {  	v2 =	vmov s5;
	v1 =	vand.u32 $0x7F, v1  }
0x1a7: {  	v1 =	vor.u32 v2, v1  }
0x1a8: {  	s9 =	simm.s32 $0x1;
	v1 =	vbroadcast v1, $0x0  }
0x1a9: {  	v3 =	vmov s9  }
0x1aa: {  	_ =	swait.ge [sflag:s28], $0x2000;
	s10 =	simm.s32 $0x2;
	v3 =	vand.u32 $0x7D, v3  }
0x1ab: {  	[sflag:s28] =	ssyncset.done $0x0;
	v4 =	vmov s10;
	v3 =	vor.u32 v2, v3  }
0x1ac: {  	s11 =	simm.s32 $0x3C80;
	[sflag:s28] =	ssyncadd.s32 $0xFFFFE000;
	v4 =	vand.u32 $0x7E, v4;
	v3 =	vbroadcast v3, $0x0  }
0x1ad: {  	v5 =	vmov s31;
	v4 =	vor.u32 v2, v4;
	v6 =	vld [tilespmem:s11+$0x40]  }
0x1ae: {  	v5 =	vand.u32 $0x7C, v5;
	v4 =	vbroadcast v4, $0x0;
	v9 =	vld.idx.msk [tilespmem:v1+s22+$0x0], $0xffff  }
0x1af: {  	v1 =	vor.u32 v2, v5  }
0x1b0: {  	v1 =	vbroadcast v1, $0x0  }
0x1b1: {  	v5 =	vld [tilespmem:s11+$0xFFFFFFC0]  }
0x1b2: {  	v7 =	vld.idx.msk [tilespmem:v3+s22+$0x0], $0xffff;
	v3 =	vunpack.i.l.bf16.f32 v6  }
0x1b3: {  	v10 =	vld [tilespmem:s11+$0x0];
	v6 =	vunpack.i.u.bf16.f32 v6;
	v3 =	vmul.f32 v3, v9  }
0x1b4: {  	s2 =	simm.s32 $0x7D00;
	v8 =	vld.idx.msk [tilespmem:v4+s22+$0x0], $0xffff;
	v4 =	vmul.f32 v6, v9  }
0x1b5: {  	v11 =	vld [tilespmem:s11+$0xFFFFFF80];
	[tilespmem:s2+$0x80] =	vst v3  }
0x1b6: {  	v6 =	vld.idx.msk [tilespmem:v1+s22+$0x0], $0xffff;
	v1 =	vunpack.i.l.bf16.f32 v5;
	[tilespmem:s2+$0x90] =	vst v4  }
0x1b7: {  	v3 =	vunpack.i.u.bf16.f32 v5;
	v1 =	vmul.f32 v1, v7;
	v4 =	vld [tilespmem:s11+$0x50]  }
0x1b8: {  	v5 =	vunpack.i.l.bf16.f32 v10;
	v3 =	vmul.f32 v3, v7  }
0x1b9: {  	v10 =	vunpack.i.u.bf16.f32 v10;
	v5 =	vmul.f32 v5, v8;
	[tilespmem:s2+$0xFFFFFF80] =	vst v1  }
0x1ba: {  	v10 =	vmul.f32 v10, v8;
	v1 =	vunpack.i.l.bf16.f32 v11;
	[tilespmem:s2+$0xFFFFFF90] =	vst v3  }
0x1bb: {  	v3 =	vunpack.i.u.bf16.f32 v11;
	[tilespmem:s2+$0x0] =	vst v5;
	v11 =	vld [tilespmem:s11+$0xFFFFFFD0];
	v1 =	vmul.f32 v1, v6  }
0x1bc: {  	[tilespmem:s2+$0x10] =	vst v10;
	v3 =	vmul.f32 v3, v6;
	v5 =	vunpack.i.l.bf16.f32 v4  }
0x1bd: {  	s6 =	simm.s32 $0x4;
	v4 =	vunpack.i.u.bf16.f32 v4;
	[tilespmem:s2+$0xFFFFFF00] =	vst v1;
	v1 =	vld [tilespmem:s11+$0x10];
	v5 =	vmul.f32 v5, v9  }
0x1be: {  	s21 =	simm.s32 $0x5;
	v10 =	vmov s6;
	[tilespmem:s2+$0xFFFFFF10] =	vst v3;
	v3 =	vmul.f32 v4, v9  }
0x1bf: {  	v4 =	vand.u32 $0x7C, v10;
	v10 =	vmov s21;
	v12 =	vld [tilespmem:s11+$0xFFFFFF90];
	[tilespmem:s2+$0xA0] =	vst v5  }
0x1c0: {  	v4 =	vor.u32 v2, v4;
	v5 =	vand.u32 $0x7D, v10;
	v10 =	vunpack.i.l.bf16.f32 v11;
	[tilespmem:s2+$0xB0] =	vst v3  }
0x1c1: {  	v3 =	vbroadcast v4, $0x0;
	v4 =	vunpack.i.u.bf16.f32 v11;
	v10 =	vmul.f32 v10, v7;
	v11 =	vld [tilespmem:s11+$0x60]  }
0x1c2: {  	v5 =	vor.u32 v2, v5;
	v4 =	vmul.f32 v4, v7;
	v13 =	vunpack.i.l.bf16.f32 v1  }
0x1c3: {  	s24 =	simm.s32 $0x7;
	v5 =	vbroadcast v5, $0x0;
	v1 =	vunpack.i.u.bf16.f32 v1;
	[tilespmem:s2+$0xFFFFFFA0] =	vst v10;
	v10 =	vmul.f32 v13, v8  }
0x1c4: {  	[tilespmem:s2+$0xFFFFFFB0] =	vst v4;
	v4 =	vmov s24;
	v1 =	vmul.f32 v1, v8;
	v13 =	vunpack.i.l.bf16.f32 v12  }
0x1c5: {  	v12 =	vunpack.i.u.bf16.f32 v12;
	v14 =	vld [tilespmem:s11+$0xFFFFFFE0];
	v4 =	vand.u32 $0x7F, v4;
	v13 =	vmul.f32 v13, v6;
	[tilespmem:s2+$0x20] =	vst v10  }
0x1c6: {  	v10 =	vmul.f32 v12, v6;
	[tilespmem:s2+$0x30] =	vst v1;
	v1 =	vor.u32 v2, v4;
	v4 =	vunpack.i.l.bf16.f32 v11  }
0x1c7: {  	v11 =	vunpack.i.u.bf16.f32 v11;
	[tilespmem:s2+$0xFFFFFF20] =	vst v13;
	v12 =	vld [tilespmem:s11+$0x20];
	v13 =	vbroadcast v1, $0x0;
	v4 =	vmul.f32 v4, v9  }
0x1c8: {  	s7 =	simm.s32 $0x6;
	v1 =	vld.idx.msk [tilespmem:v3+s22+$0x0], $0xffff;
	v3 =	vmul.f32 v11, v9;
	[tilespmem:s2+$0xFFFFFF30] =	vst v10  }
0x1c9: {  	v10 =	vmov s7;
	v11 =	vld [tilespmem:s11+$0xFFFFFFA0];
	[tilespmem:s2+$0xC0] =	vst v4  }
0x1ca: {  	v10 =	vand.u32 $0x7E, v10;
	v4 =	vld.idx.msk [tilespmem:v5+s22+$0x0], $0xffff;
	v5 =	vunpack.i.l.bf16.f32 v14;
	[tilespmem:s2+$0xD0] =	vst v3  }
0x1cb: {  	s24 =	simm.s32 $0x3D80;
	v3 =	vor.u32 v2, v10;
	v10 =	vunpack.i.u.bf16.f32 v14;
	v5 =	vmul.f32 v5, v7;
	v14 =	vld [tilespmem:s11+$0x70]  }
0x1cc: {  	v16 =	vld [tilespmem:s24+$0x40];
	v10 =	vmul.f32 v10, v7;
	v15 =	vunpack.i.l.bf16.f32 v12  }
0x1cd: {  	v3 =	vbroadcast v3, $0x0;
	v12 =	vunpack.i.u.bf16.f32 v12;
	[tilespmem:s2+$0xFFFFFFC0] =	vst v5;
	v15 =	vmul.f32 v15, v8;
	v5 =	vld.idx.msk [tilespmem:v13+s22+$0x0], $0xffff  }
0x1ce: {  	v12 =	vmul.f32 v12, v8;
	[tilespmem:s2+$0xFFFFFFD0] =	vst v10;
	v13 =	vunpack.i.l.bf16.f32 v11  }
0x1cf: {  	v10 =	vld [tilespmem:s24+$0xFFFFFF80];
	v11 =	vunpack.i.u.bf16.f32 v11;
	v13 =	vmul.f32 v13, v6;
	[tilespmem:s2+$0x40] =	vst v15  }
0x1d0: {  	v15 =	vld [tilespmem:s24+$0xFFFFFFC0];
	v11 =	vmul.f32 v11, v6;
	[tilespmem:s2+$0x50] =	vst v12;
	v17 =	vunpack.i.u.bf16.f32 v14  }
0x1d1: {  	v18 =	vunpack.i.l.bf16.f32 v16;
	v12 =	vld [tilespmem:s24+$0x0];
	v17 =	vmul.f32 v17, v9;
	[tilespmem:s2+$0xFFFFFF40] =	vst v13  }
0x1d2: {  	s9 =	simm.s32 $0x8;
	v13 =	vunpack.i.l.bf16.f32 v14;
	v14 =	vld [tilespmem:s11+$0xFFFFFFF0];
	[tilespmem:s2+$0xFFFFFF50] =	vst v11;
	v11 =	vunpack.i.u.bf16.f32 v16;
	v16 =	vmul.f32 v18, v5  }
0x1d3: {  	s10 =	simm.s32 $0x9;
	v19 =	vmov s9;
	s6 =	simm.s32 $0x7F00;
	v3 =	vld.idx.msk [tilespmem:v3+s22+$0x0], $0xffff;
	[tilespmem:s2+$0xF0] =	vst v17;
	v11 =	vmul.f32 v11, v5  }
0x1d4: {  	v22 =	vmov s10;
	v9 =	vmul.f32 v13, v9;
	v18 =	vld [tilespmem:s11+$0x30];
	v17 =	vunpack.i.u.bf16.f32 v10;
	[tilespmem:s6+$0x80] =	vst v16  }
0x1d5: {  	v13 =	vand.u32 $0x7C, v19;
	v19 =	vld [tilespmem:s11+$0xFFFFFFB0];
	v17 =	vmul.f32 v17, v1;
	v20 =	vunpack.i.l.bf16.f32 v15;
	[tilespmem:s6+$0x90] =	vst v11  }
0x1d6: {  	v10 =	vunpack.i.l.bf16.f32 v10;
	v15 =	vunpack.i.u.bf16.f32 v15;
	[tilespmem:s2+$0xE0] =	vst v9;
	v20 =	vmul.f32 v20, v4  }
0x1d7: {  	v10 =	vmul.f32 v10, v1;
	v9 =	vunpack.i.l.bf16.f32 v12;
	v11 =	vmul.f32 v15, v4;
	v15 =	vld [tilespmem:s24+$0x50];
	[tilespmem:s6+$0xFFFFFF10] =	vst v17  }
0x1d8: {  	s11 =	simm.s32 $0xA;
	v13 =	vor.u32 v2, v13;
	v16 =	vunpack.i.u.bf16.f32 v12;
	v9 =	vmul.f32 v9, v3;
	[tilespmem:s6+$0xFFFFFF80] =	vst v20  }
0x1d9: {  	v17 =	vmov s11;
	v12 =	vunpack.i.u.bf16.f32 v14;
	v16 =	vmul.f32 v16, v3;
	[tilespmem:s6+$0xFFFFFF90] =	vst v11  }
0x1da: {  	v14 =	vunpack.i.l.bf16.f32 v14;
	v20 =	vunpack.i.u.bf16.f32 v18;
	v11 =	vunpack.i.u.bf16.f32 v19;
	v21 =	vld [tilespmem:s24+$0xFFFFFFD0];
	[tilespmem:s6+$0x0] =	vst v9  }
0x1db: {  	v19 =	vunpack.i.l.bf16.f32 v19;
	v18 =	vunpack.i.l.bf16.f32 v18;
	v14 =	vmul.f32 v14, v7;
	[tilespmem:s6+$0x10] =	vst v16  }
0x1dc: {  	[tilespmem:s6+$0xFFFFFF00] =	vst v10;
	v12 =	vmul.f32 v12, v7;
	v9 =	vmul.f32 v18, v8;
	v16 =	vld [tilespmem:s24+$0x10];
	v10 =	vunpack.i.l.bf16.f32 v15  }
0x1dd: {  	v7 =	vmul.f32 v19, v6;
	[tilespmem:s2+$0xFFFFFFE0] =	vst v14;
	v15 =	vunpack.i.u.bf16.f32 v15;
	v10 =	vmul.f32 v10, v5  }
0x1de: {  	v6 =	vmul.f32 v11, v6;
	v18 =	vld [tilespmem:s24+$0xFFFFFF90];
	v14 =	vand.u32 $0x7D, v22;
	[tilespmem:s2+$0xFFFFFFF0] =	vst v12;
	v11 =	vmul.f32 v15, v5  }
0x1df: {  	v17 =	vand.u32 $0x7E, v17;
	v12 =	vor.u32 v2, v14;
	v15 =	vunpack.i.l.bf16.f32 v21;
	[tilespmem:s6+$0xA0] =	vst v10  }
0x1e0: {  	v19 =	vunpack.i.u.bf16.f32 v21;
	[tilespmem:s6+$0xB0] =	vst v11;
	v10 =	vbroadcast v13, $0x0;
	v15 =	vmul.f32 v15, v4  }
0x1e1: {  	v19 =	vmul.f32 v19, v4;
	v11 =	vunpack.i.l.bf16.f32 v16;
	v13 =	vld [tilespmem:s24+$0x60];
	v14 =	vunpack.i.u.bf16.f32 v16  }
0x1e2: {  	s21 =	simm.s32 $0xB;
	v16 =	vmul.f32 v14, v3;
	v14 =	vor.u32 v2, v17;
	[tilespmem:s6+$0xFFFFFFA0] =	vst v15;
	v15 =	vmul.f32 v11, v3  }
0x1e3: {  	v17 =	vmov s21;
	v11 =	vbroadcast v12, $0x0;
	v12 =	vunpack.i.l.bf16.f32 v18;
	[tilespmem:s6+$0xFFFFFFB0] =	vst v19  }
0x1e4: {  	v19 =	vmul.f32 v12, v1;
	v12 =	vbroadcast v14, $0x0;
	v14 =	vld [tilespmem:s24+$0xFFFFFFE0];
	[tilespmem:s6+$0x20] =	vst v15;
	v15 =	vunpack.i.u.bf16.f32 v18  }
0x1e5: {  	s5 =	simm.s32 $0x7F00;
	v17 =	vand.u32 $0x7F, v17;
	[tilespmem:s6+$0x30] =	vst v16;
	v16 =	vmul.f32 v15, v1  }
0x1e6: {  	s9 =	simm.s32 $0xC;
	s7 =	simm.s32 $0x3D80;
	v8 =	vmul.f32 v20, v8;
	s21 =	sshll.u32 s0, $0x1;
	v17 =	vor.u32 v2, v17;
	[tilespmem:s6+$0xFFFFFF20] =	vst v19;
	v15 =	vld [tilespmem:s24+$0x20];
	v18 =	vunpack.i.l.bf16.f32 v13  }
.LBB2_12:
0x1e7: {  	p1 =	slt.u32 s9, $0x7C;
	v10 =	vld.idx.msk [tilespmem:v10+s22+$0x0], $0xffff;
	v17 =	vbroadcast v17, $0x0;
	[tilespmem:s6+$0xFFFFFF30] =	vst v16;
	v13 =	vunpack.i.u.bf16.f32 v13;
	v16 =	vmul.f32 v18, v5  }
0x1e8: {  	v18 =	vld [tilespmem:s24+$0xFFFFFFA0];
	v13 =	vmul.f32 v13, v5;
	[tilespmem:s2+$0x60] =	vst v9  }
0x1e9: {  	v9 =	vld.idx.msk [tilespmem:v11+s22+$0x0], $0xffff;
	v11 =	vunpack.i.u.bf16.f32 v14;
	v14 =	vunpack.i.l.bf16.f32 v14;
	[tilespmem:s6+$0xC0] =	vst v16  }
0x1ea: {  	v12 =	vld.idx.msk [tilespmem:v12+s22+$0x0], $0xffff;
	v14 =	vmul.f32 v14, v4;
	v11 =	vmul.f32 v11, v4;
	[tilespmem:s6+$0xD0] =	vst v13  }
0x1eb: {  	s24 =	sadd.s32 $0x100, s24;
	v13 =	vunpack.i.u.bf16.f32 v15;
	v15 =	vunpack.i.l.bf16.f32 v15;
	v16 =	vld [tilespmem:s7+$0x70];
	[tilespmem:s2+$0x70] =	vst v8  }
0x1ec: {  	v8 =	vld [tilespmem:s24+$0x40];
	[tilespmem:s6+$0xFFFFFFC0] =	vst v14;
	v14 =	vmul.f32 v15, v3;
	v13 =	vmul.f32 v13, v3  }
0x1ed: {  	v15 =	vld.idx.msk [tilespmem:v17+s22+$0x0], $0xffff;
	v17 =	vunpack.i.u.bf16.f32 v18;
	v18 =	vunpack.i.l.bf16.f32 v18;
	[tilespmem:s6+$0xFFFFFFD0] =	vst v11  }
0x1ee: {  	v11 =	vld [tilespmem:s24+$0xFFFFFF80];
	v18 =	vmul.f32 v18, v1;
	v17 =	vmul.f32 v17, v1;
	[tilespmem:s6+$0x40] =	vst v14  }
0x1ef: {  	v14 =	vld [tilespmem:s24+$0xFFFFFFC0];
	[tilespmem:s6+$0x50] =	vst v13  }
0x1f0: {  	v13 =	vld [tilespmem:s24+$0x0];
	[tilespmem:s6+$0xFFFFFF40] =	vst v18;
	v18 =	vunpack.i.u.bf16.f32 v16;
	v16 =	vunpack.i.l.bf16.f32 v16  }
0x1f1: {  	v19 =	vmov s9;
	[tilespmem:s6+$0xFFFFFF50] =	vst v17;
	v17 =	vld [tilespmem:s7+$0xFFFFFFF0];
	v16 =	vmul.f32 v16, v5;
	v22 =	vmul.f32 v18, v5  }
0x1f2: {  	v18 =	vand.u32 $0x7C, v19;
	v19 =	vunpack.i.l.bf16.f32 v8;
	v20 =	vld [tilespmem:s7+$0x30];
	[tilespmem:s2+$0xFFFFFF60] =	vst v7  }
0x1f3: {  	v8 =	vunpack.i.u.bf16.f32 v8;
	v19 =	vmul.f32 v19, v15;
	v5 =	vmovc v15;
	v7 =	vunpack.i.u.bf16.f32 v11;
	v21 =	vld [tilespmem:s7+$0xFFFFFFB0];
	[tilespmem:s6+$0xF0] =	vst v22;
	s7 =	smov.u32 s24  }
0x1f4: {  	v11 =	vunpack.i.l.bf16.f32 v11;
	v8 =	vmul.f32 v8, v5;
	s6 =	sadd.s32 $0x200, s6;
	v15 =	vunpack.i.u.bf16.f32 v14;
	[tilespmem:s5+$0xE0] =	vst v16  }
0x1f5: {  	v14 =	vunpack.i.l.bf16.f32 v14;
	v16 =	vunpack.i.u.bf16.f32 v13;
	v13 =	vunpack.i.l.bf16.f32 v13;
	[tilespmem:s6+$0x80] =	vst v19  }
0x1f6: {  	v14 =	vmul.f32 v14, v9;
	v15 =	vmul.f32 v15, v9;
	[tilespmem:s6+$0x90] =	vst v8;
	v8 =	vunpack.i.u.bf16.f32 v17  }
0x1f7: {  	v13 =	vmul.f32 v13, v12;
	v16 =	vmul.f32 v16, v12;
	v17 =	vunpack.i.l.bf16.f32 v17;
	v19 =	vld [tilespmem:s24+$0x50];
	[tilespmem:s2+$0xFFFFFF70] =	vst v6;
	s2 =	smov.u32 s5;
	s5 =	smov.u32 s6  }
0x1f8: {  	v6 =	vmul.f32 v11, v10;
	v11 =	vmul.f32 v7, v10;
	v7 =	vunpack.i.u.bf16.f32 v20;
	[tilespmem:s6+$0xFFFFFF80] =	vst v14  }
0x1f9: {  	s10 =	sadd.s32 $0x1, s9;
	v20 =	vunpack.i.l.bf16.f32 v20;
	v14 =	vunpack.i.u.bf16.f32 v21;
	[tilespmem:s6+$0xFFFFFF90] =	vst v15;
	v15 =	vunpack.i.l.bf16.f32 v21  }
0x1fa: {  	v21 =	vmov s10;
	s10 =	sadd.s32 $0x2, s9;
	v22 =	vld [tilespmem:s24+$0xFFFFFFD0];
	[tilespmem:s6+$0x0] =	vst v13;
	v13 =	vmul.f32 v17, v4;
	v17 =	vmul.f32 v8, v4;
	v4 =	vmovc v9  }
0x1fb: {  	v23 =	vmov s10;
	v9 =	vmul.f32 v20, v3;
	v8 =	vmul.f32 v7, v3;
	v3 =	vmovc v12;
	[tilespmem:s6+$0x10] =	vst v16  }
0x1fc: {  	v7 =	vmul.f32 v15, v1;
	[tilespmem:s6+$0xFFFFFF00] =	vst v6;
	v12 =	vld [tilespmem:s24+$0x10];
	v16 =	vunpack.i.l.bf16.f32 v19;
	v6 =	vmul.f32 v14, v1;
	v1 =	vmovc v10  }
0x1fd: {  	v10 =	vor.u32 v2, v18;
	[tilespmem:s6+$0xFFFFFF10] =	vst v11;
	v11 =	vunpack.i.u.bf16.f32 v19;
	v14 =	vmul.f32 v16, v5  }
0x1fe: {  	v15 =	vand.u32 $0x7D, v21;
	v16 =	vand.u32 $0x7E, v23;
	v18 =	vld [tilespmem:s24+$0xFFFFFF90];
	v11 =	vmul.f32 v11, v5;
	[tilespmem:s2+$0xFFFFFFE0] =	vst v13  }
0x1ff: {  	v10 =	vbroadcast v10, $0x0;
	v13 =	vunpack.i.u.bf16.f32 v22;
	v19 =	vunpack.i.l.bf16.f32 v22;
	[tilespmem:s6+$0xA0] =	vst v14  }
0x200: {  	v14 =	vor.u32 v2, v15;
	v15 =	vmul.f32 v19, v4;
	v19 =	vmul.f32 v13, v4;
	[tilespmem:s6+$0xB0] =	vst v11  }
0x201: {  	v11 =	vbroadcast v14, $0x0;
	v14 =	vunpack.i.u.bf16.f32 v12;
	v12 =	vunpack.i.l.bf16.f32 v12;
	v13 =	vld [tilespmem:s24+$0x60];
	[tilespmem:s2+$0xFFFFFFF0] =	vst v17  }
.Ltmp7:
0x202: {  	v16 =	vor.u32 v2, v16;
	[tilespmem:s6+$0xFFFFFFA0] =	vst v15;
	v15 =	vmul.f32 v12, v3;
	v17 =	vmul.f32 v14, v3;
	(pc) =	sbr.rel @p1 .LBB2_12-.Ltmp7, $4  }
0x203: {  	s10 =	sadd.s32 $0x3, s9;
	v12 =	vbroadcast v16, $0x0;
	v14 =	vunpack.i.u.bf16.f32 v18;
	v16 =	vunpack.i.l.bf16.f32 v18;
	[tilespmem:s6+$0xFFFFFFB0] =	vst v19  }
0x204: {  	v18 =	vmov s10;
	v19 =	vmul.f32 v16, v1;
	v16 =	vmul.f32 v14, v1;
	v14 =	vld [tilespmem:s24+$0xFFFFFFE0];
	[tilespmem:s6+$0x20] =	vst v15  }
0x205: {  	v15 =	vand.u32 $0x7F, v18;
	[tilespmem:s6+$0x30] =	vst v17  }
0x206: {  	s9 =	sadd.s32 $0x4, s9;
	v17 =	vor.u32 v2, v15;
	[tilespmem:s6+$0xFFFFFF20] =	vst v19;
	v15 =	vld [tilespmem:s24+$0x20];
	v18 =	vunpack.i.l.bf16.f32 v13  }
0x207: {  	[tilespmem:s6+$0xFFFFFF30] =	vst v16;
	v2 =	vunpack.i.u.bf16.f32 v13;
	v13 =	vmul.f32 v18, v5  }
0x208: {  	v16 =	vbroadcast v17, $0x0;
	[tilespmem:s2+$0x60] =	vst v9;
	v17 =	vld [tilespmem:s24+$0xFFFFFFA0];
	v2 =	vmul.f32 v2, v5  }
0x209: {  	v9 =	vunpack.i.l.bf16.f32 v14;
	[tilespmem:s6+$0xC0] =	vst v13  }
0x20a: {  	v13 =	vunpack.i.u.bf16.f32 v14;
	v9 =	vmul.f32 v9, v4;
	[tilespmem:s6+$0xD0] =	vst v2  }
0x20b: {  	[tilespmem:s2+$0x70] =	vst v8;
	v2 =	vmul.f32 v13, v4;
	v13 =	vunpack.i.l.bf16.f32 v15;
	v14 =	vld [tilespmem:s7+$0x70]  }
0x20c: {  	s9 =	sadd.s32 $0x100, s24;
	v8 =	vunpack.i.u.bf16.f32 v15;
	[tilespmem:s6+$0xFFFFFFC0] =	vst v9;
	v9 =	vmul.f32 v13, v3  }
0x20d: {  	v13 =	vld [tilespmem:s9+$0x40];
	v8 =	vmul.f32 v8, v3;
	[tilespmem:s6+$0xFFFFFFD0] =	vst v2;
	v15 =	vunpack.i.l.bf16.f32 v17  }
0x20e: {  	v16 =	vld.idx.msk [tilespmem:v16+s22+$0x0], $0xffff;
	v2 =	vunpack.i.u.bf16.f32 v17;
	v15 =	vmul.f32 v15, v1;
	[tilespmem:s6+$0x40] =	vst v9  }
0x20f: {  	v9 =	vmul.f32 v2, v1;
	[tilespmem:s6+$0x50] =	vst v8  }
0x210: {  	v8 =	vld [tilespmem:s9+$0xFFFFFFC0];
	[tilespmem:s6+$0xFFFFFF40] =	vst v15;
	v15 =	vunpack.i.u.bf16.f32 v14  }
0x211: {  	v2 =	vld.idx.msk [tilespmem:v11+s22+$0x0], $0xffff;
	v11 =	vunpack.i.l.bf16.f32 v14;
	[tilespmem:s6+$0xFFFFFF50] =	vst v9;
	v9 =	vmul.f32 v15, v5  }
0x212: {  	[tilespmem:s2+$0xFFFFFF60] =	vst v7;
	v14 =	vld [tilespmem:s9+$0x0];
	v5 =	vmul.f32 v11, v5;
	v11 =	vunpack.i.l.bf16.f32 v13  }
0x213: {  	v7 =	vld.idx.msk [tilespmem:v12+s22+$0x0], $0xffff;
	v12 =	vunpack.i.u.bf16.f32 v13;
	v11 =	vmul.f32 v11, v16;
	[tilespmem:s6+$0xF0] =	vst v9  }
0x214: {  	s24 =	sadd.s32 $0x200, s6;
	v12 =	vmul.f32 v12, v16;
	v9 =	vld [tilespmem:s9+$0xFFFFFF80];
	[tilespmem:s5+$0xE0] =	vst v5  }
0x215: {  	v5 =	vld.idx.msk [tilespmem:v10+s22+$0x0], $0xffff;
	v10 =	vunpack.i.l.bf16.f32 v8;
	[tilespmem:s24+$0x80] =	vst v11  }
0x216: {  	v11 =	vld [tilespmem:s7+$0xFFFFFFF0];
	v8 =	vunpack.i.u.bf16.f32 v8;
	[tilespmem:s24+$0x90] =	vst v12;
	v10 =	vmul.f32 v10, v2  }
0x217: {  	[tilespmem:s2+$0xFFFFFF70] =	vst v6;
	v12 =	vunpack.i.l.bf16.f32 v14;
	v8 =	vmul.f32 v8, v2;
	v13 =	vld [tilespmem:s9+$0x50]  }
0x218: {  	v6 =	vunpack.i.u.bf16.f32 v14;
	v12 =	vmul.f32 v12, v7;
	[tilespmem:s24+$0xFFFFFF80] =	vst v10  }
0x219: {  	v6 =	vmul.f32 v6, v7;
	[tilespmem:s24+$0xFFFFFF90] =	vst v8;
	v10 =	vunpack.i.l.bf16.f32 v9  }
0x21a: {  	v8 =	vunpack.i.u.bf16.f32 v9;
	[tilespmem:s24+$0x0] =	vst v12;
	v9 =	vmul.f32 v10, v5;
	v10 =	vld [tilespmem:s9+$0xFFFFFFD0]  }
0x21b: {  	[tilespmem:s24+$0x10] =	vst v6;
	v12 =	vunpack.i.l.bf16.f32 v11;
	v8 =	vmul.f32 v8, v5  }
0x21c: {  	v6 =	vmul.f32 v12, v4;
	v12 =	vunpack.i.l.bf16.f32 v13;
	[tilespmem:s24+$0xFFFFFF00] =	vst v9;
	v9 =	vld [tilespmem:s9+$0x10]  }
0x21d: {  	[tilespmem:s24+$0xFFFFFF10] =	vst v8;
	v8 =	vunpack.i.u.bf16.f32 v13;
	v12 =	vmul.f32 v12, v16  }
0x21e: {  	v11 =	vunpack.i.u.bf16.f32 v11;
	v13 =	vld [tilespmem:s9+$0xFFFFFF90];
	v8 =	vmul.f32 v8, v16;
	[tilespmem:s5+$0xFFFFFFE0] =	vst v6  }
0x21f: {  	v4 =	vmul.f32 v11, v4;
	[tilespmem:s24+$0xA0] =	vst v12;
	v6 =	vunpack.i.l.bf16.f32 v10  }
0x220: {  	v11 =	vld [tilespmem:s7+$0x30];
	v10 =	vunpack.i.u.bf16.f32 v10;
	[tilespmem:s24+$0xB0] =	vst v8;
	v6 =	vmul.f32 v6, v2  }
0x221: {  	[tilespmem:s5+$0xFFFFFFF0] =	vst v4;
	v8 =	vmul.f32 v10, v2;
	v12 =	vld [tilespmem:s9+$0x60];
	v10 =	vunpack.i.l.bf16.f32 v9  }
0x222: {  	v4 =	vunpack.i.u.bf16.f32 v9;
	[tilespmem:s24+$0xFFFFFFA0] =	vst v6;
	v6 =	vmul.f32 v10, v7  }
0x223: {  	v4 =	vmul.f32 v4, v7;
	v9 =	vunpack.i.l.bf16.f32 v13;
	[tilespmem:s24+$0xFFFFFFB0] =	vst v8  }
0x224: {  	v8 =	vunpack.i.u.bf16.f32 v13;
	v9 =	vmul.f32 v9, v5;
	v10 =	vld [tilespmem:s9+$0xFFFFFFE0];
	[tilespmem:s24+$0x20] =	vst v6  }
0x225: {  	v8 =	vmul.f32 v8, v5;
	v6 =	vunpack.i.l.bf16.f32 v11;
	[tilespmem:s24+$0x30] =	vst v4  }
0x226: {  	v4 =	vmul.f32 v6, v3;
	[tilespmem:s24+$0xFFFFFF20] =	vst v9;
	v6 =	vld [tilespmem:s9+$0x20];
	v9 =	vunpack.i.l.bf16.f32 v12  }
0x227: {  	[tilespmem:s24+$0xFFFFFF30] =	vst v8;
	v8 =	vunpack.i.u.bf16.f32 v12;
	v9 =	vmul.f32 v9, v16  }
0x228: {  	v11 =	vunpack.i.u.bf16.f32 v11;
	v12 =	vld [tilespmem:s9+$0xFFFFFFA0];
	v8 =	vmul.f32 v8, v16;
	[tilespmem:s5+$0x60] =	vst v4  }
0x229: {  	v3 =	vmul.f32 v11, v3;
	v4 =	vunpack.i.l.bf16.f32 v10;
	[tilespmem:s24+$0xC0] =	vst v9  }
0x22a: {  	v9 =	vld [tilespmem:s7+$0xFFFFFFB0];
	v10 =	vunpack.i.u.bf16.f32 v10;
	[tilespmem:s24+$0xD0] =	vst v8;
	v4 =	vmul.f32 v4, v2  }
0x22b: {  	[tilespmem:s5+$0x70] =	vst v3;
	v8 =	vmul.f32 v10, v2;
	v11 =	vld [tilespmem:s9+$0x70];
	v10 =	vunpack.i.l.bf16.f32 v6  }
0x22c: {  	v3 =	vunpack.i.u.bf16.f32 v6;
	[tilespmem:s24+$0xFFFFFFC0] =	vst v4;
	v4 =	vmul.f32 v10, v7  }
0x22d: {  	v3 =	vmul.f32 v3, v7;
	v6 =	vunpack.i.l.bf16.f32 v12;
	[tilespmem:s24+$0xFFFFFFD0] =	vst v8  }
0x22e: {  	v8 =	vunpack.i.u.bf16.f32 v12;
	v6 =	vmul.f32 v6, v5;
	[tilespmem:s24+$0x40] =	vst v4;
	v4 =	vld [tilespmem:s9+$0xFFFFFFF0]  }
0x22f: {  	v8 =	vmul.f32 v8, v5;
	v10 =	vunpack.i.l.bf16.f32 v9;
	[tilespmem:s24+$0x50] =	vst v3  }
0x230: {  	v3 =	vmul.f32 v10, v1;
	[tilespmem:s24+$0xFFFFFF40] =	vst v6;
	v6 =	vunpack.i.u.bf16.f32 v11;
	v10 =	vld [tilespmem:s9+$0x30]  }
0x231: {  	v11 =	vunpack.i.l.bf16.f32 v11;
	[tilespmem:s24+$0xFFFFFF50] =	vst v8;
	v6 =	vmul.f32 v6, v16  }
0x232: {  	v8 =	vunpack.i.u.bf16.f32 v9;
	v9 =	vmul.f32 v11, v16;
	[tilespmem:s5+$0xFFFFFF60] =	vst v3;
	v3 =	vld [tilespmem:s9+$0xFFFFFFB0]  }
0x233: {  	v1 =	vmul.f32 v8, v1;
	[tilespmem:s24+$0xF0] =	vst v6;
	v6 =	vunpack.i.l.bf16.f32 v4  }
0x234: {  	[tilespmem:s24+$0xE0] =	vst v9;
	v4 =	vunpack.i.u.bf16.f32 v4;
	v6 =	vmul.f32 v6, v2  }
0x235: {  	[tilespmem:s5+$0xFFFFFF70] =	vst v1;
	v1 =	vunpack.i.l.bf16.f32 v10;
	v2 =	vmul.f32 v4, v2  }
0x236: {  	v4 =	vunpack.i.u.bf16.f32 v10;
	v1 =	vmul.f32 v1, v7;
	[tilespmem:s24+$0xFFFFFFE0] =	vst v6  }
0x237: {  	v4 =	vmul.f32 v4, v7;
	v6 =	vunpack.i.l.bf16.f32 v3;
	[tilespmem:s24+$0xFFFFFFF0] =	vst v2  }
0x238: {  	v2 =	vunpack.i.u.bf16.f32 v3;
	v3 =	vmul.f32 v6, v5;
	[tilespmem:s24+$0x60] =	vst v1  }
0x239: {  	s5 =	sshll.u32 s0, $0xA;
	v1 =	vmul.f32 v2, v5;
	[tilespmem:s24+$0x70] =	vst v4  }
0x23a: {  	s10 =	sor.u32 $0x1, s21;
	s11 =	simm.s32 $0x3;
	s2 =	sshrl.u32 s5, $0x2;
	[tilespmem:s24+$0xFFFFFF60] =	vst v3  }
0x23b: {  	p1 =	seq.s32 s0, $0x13;
	s21 =	sshll.u32 s10, $0x7;
	s9 =	sadd.s32 $0x1400, s2;
	[tilespmem:s24+$0xFFFFFF70] =	vst v1  }
0x23c: {  	v1 =	vmov s11;
	[spmem:s1] =	stream.indirect.scatter.add.f32 [tilespmem:s26], [sflag:$0x3], $0x80, s9, s23, $0xb8;
	[tilespmem:$0x1F480] =	vst v63  }
0x23d: {  	s6 =	simm.s32 @!p1 $0x80;
	v2 =	vmov s21;
	v1 =	vand.u32 $0x7F, v1;
	_ =	swait.ge [sflag:s20], $0x4000  }
0x23e: {  	s7 =	simm.s32 @!p1 $0x3C00;
	s5 =	sshrl.u32 @!p1 s5, $0x2;
	v1 =	vor.u32 v2, v1;
	[sflag:s20] =	ssyncset.done $0x0  }
0x23f: {  	s5 =	sadd.s32 @!p1 $0x100, s5;
	s24 =	simm.s32 $0x1;
	v1 =	vbroadcast v1, $0x0;
	[sflag:s20] =	ssyncadd.s32 $0xFFFFC000  }
0x240: {  	v3 =	vmov s24;
	[tilespmem:s7], [sflag:$0x1] =	stream.indirect.gather @!p1 [hbm4b:s4+s6], $0x40, s5, s6, $0xb8;
	[tilespmem:$0x1F480] =	vst v63  }
0x241: {  	s9 =	simm.s32 $0x2;
	v3 =	vand.u32 $0x7D, v3;
	_ =	swait.ge [sflag:s29], $0x2000  }
0x242: {  	v4 =	vmov s9;
	v3 =	vor.u32 v2, v3;
	[sflag:s29] =	ssyncset.done $0x0  }
0x243: {  	s10 =	simm.s32 $0x0;
	v4 =	vand.u32 $0x7E, v4;
	v3 =	vbroadcast v3, $0x0;
	s5 =	simm.s32 $0x5C80;
	[sflag:s29] =	ssyncadd.s32 $0xFFFFE000  }
0x244: {  	v5 =	vmov s10;
	v4 =	vor.u32 v2, v4;
	v6 =	vld [tilespmem:s5+$0x40]  }
0x245: {  	v5 =	vand.u32 $0x7C, v5;
	v4 =	vbroadcast v4, $0x0;
	v9 =	vld.idx.msk [tilespmem:v1+s22+$0x0], $0xffff  }
0x246: {  	v1 =	vor.u32 v2, v5  }
0x247: {  	v1 =	vbroadcast v1, $0x0  }
0x248: {  	v5 =	vld [tilespmem:s5+$0xFFFFFFC0]  }
0x249: {  	v7 =	vld.idx.msk [tilespmem:v3+s22+$0x0], $0xffff;
	v3 =	vunpack.i.l.bf16.f32 v6  }
0x24a: {  	v10 =	vld [tilespmem:s5+$0x0];
	v6 =	vunpack.i.u.bf16.f32 v6;
	v3 =	vmul.f32 v3, v9  }
0x24b: {  	s24 =	simm.s32 $0x7D00;
	v8 =	vld.idx.msk [tilespmem:v4+s22+$0x0], $0xffff;
	v4 =	vmul.f32 v6, v9  }
0x24c: {  	v11 =	vld [tilespmem:s5+$0xFFFFFF80];
	[tilespmem:s24+$0x80] =	vst v3  }
0x24d: {  	v6 =	vld.idx.msk [tilespmem:v1+s22+$0x0], $0xffff;
	v1 =	vunpack.i.l.bf16.f32 v5;
	[tilespmem:s24+$0x90] =	vst v4  }
0x24e: {  	v3 =	vunpack.i.u.bf16.f32 v5;
	v1 =	vmul.f32 v1, v7;
	v4 =	vld [tilespmem:s5+$0x50]  }
0x24f: {  	v5 =	vunpack.i.l.bf16.f32 v10;
	v3 =	vmul.f32 v3, v7  }
0x250: {  	v10 =	vunpack.i.u.bf16.f32 v10;
	v5 =	vmul.f32 v5, v8;
	[tilespmem:s24+$0xFFFFFF80] =	vst v1  }
0x251: {  	v10 =	vmul.f32 v10, v8;
	v1 =	vunpack.i.l.bf16.f32 v11;
	[tilespmem:s24+$0xFFFFFF90] =	vst v3  }
0x252: {  	v3 =	vunpack.i.u.bf16.f32 v11;
	[tilespmem:s24+$0x0] =	vst v5;
	v1 =	vmul.f32 v1, v6;
	v11 =	vld [tilespmem:s5+$0xFFFFFFD0]  }
0x253: {  	[tilespmem:s24+$0x10] =	vst v10;
	v3 =	vmul.f32 v3, v6;
	v5 =	vunpack.i.l.bf16.f32 v4  }
0x254: {  	s11 =	simm.s32 $0x4;
	[tilespmem:s24+$0xFFFFFF00] =	vst v1;
	v1 =	vld [tilespmem:s5+$0x10];
	v4 =	vunpack.i.u.bf16.f32 v4;
	v5 =	vmul.f32 v5, v9  }
0x255: {  	s7 =	simm.s32 $0x5;
	v10 =	vmov s11;
	[tilespmem:s24+$0xFFFFFF10] =	vst v3;
	v3 =	vmul.f32 v4, v9  }
0x256: {  	v4 =	vand.u32 $0x7C, v10;
	v10 =	vmov s7;
	v12 =	vld [tilespmem:s5+$0xFFFFFF90];
	[tilespmem:s24+$0xA0] =	vst v5  }
0x257: {  	v4 =	vor.u32 v2, v4;
	v5 =	vand.u32 $0x7D, v10;
	v10 =	vunpack.i.l.bf16.f32 v11;
	[tilespmem:s24+$0xB0] =	vst v3  }
0x258: {  	v3 =	vbroadcast v4, $0x0;
	v4 =	vunpack.i.u.bf16.f32 v11;
	v10 =	vmul.f32 v10, v7;
	v11 =	vld [tilespmem:s5+$0x60]  }
0x259: {  	v5 =	vor.u32 v2, v5;
	v4 =	vmul.f32 v4, v7;
	v13 =	vunpack.i.l.bf16.f32 v1  }
0x25a: {  	s9 =	simm.s32 $0x7;
	v5 =	vbroadcast v5, $0x0;
	v1 =	vunpack.i.u.bf16.f32 v1;
	[tilespmem:s24+$0xFFFFFFA0] =	vst v10;
	v10 =	vmul.f32 v13, v8  }
0x25b: {  	v1 =	vmul.f32 v1, v8;
	v13 =	vunpack.i.l.bf16.f32 v12;
	[tilespmem:s24+$0xFFFFFFB0] =	vst v4;
	v4 =	vmov s9  }
0x25c: {  	v12 =	vunpack.i.u.bf16.f32 v12;
	v13 =	vmul.f32 v13, v6;
	v14 =	vld [tilespmem:s5+$0xFFFFFFE0];
	v4 =	vand.u32 $0x7F, v4;
	[tilespmem:s24+$0x20] =	vst v10  }
0x25d: {  	v10 =	vmul.f32 v12, v6;
	[tilespmem:s24+$0x30] =	vst v1;
	v1 =	vor.u32 v2, v4;
	v4 =	vunpack.i.l.bf16.f32 v11  }
0x25e: {  	[tilespmem:s24+$0xFFFFFF20] =	vst v13;
	v12 =	vld [tilespmem:s5+$0x20];
	v13 =	vbroadcast v1, $0x0;
	v11 =	vunpack.i.u.bf16.f32 v11;
	v4 =	vmul.f32 v4, v9  }
0x25f: {  	s10 =	simm.s32 $0x6;
	v1 =	vld.idx.msk [tilespmem:v3+s22+$0x0], $0xffff;
	[tilespmem:s24+$0xFFFFFF30] =	vst v10;
	v3 =	vmul.f32 v11, v9  }
0x260: {  	v10 =	vmov s10;
	v11 =	vld [tilespmem:s5+$0xFFFFFFA0];
	[tilespmem:s24+$0xC0] =	vst v4  }
0x261: {  	v10 =	vand.u32 $0x7E, v10;
	v4 =	vld.idx.msk [tilespmem:v5+s22+$0x0], $0xffff;
	v5 =	vunpack.i.l.bf16.f32 v14;
	[tilespmem:s24+$0xD0] =	vst v3  }
0x262: {  	s6 =	simm.s32 $0x5D80;
	v3 =	vor.u32 v2, v10;
	v10 =	vunpack.i.u.bf16.f32 v14;
	v5 =	vmul.f32 v5, v7;
	v14 =	vld [tilespmem:s5+$0x70]  }
0x263: {  	v16 =	vld [tilespmem:s6+$0x40];
	v10 =	vmul.f32 v10, v7;
	v15 =	vunpack.i.l.bf16.f32 v12  }
0x264: {  	v3 =	vbroadcast v3, $0x0;
	v12 =	vunpack.i.u.bf16.f32 v12;
	[tilespmem:s24+$0xFFFFFFC0] =	vst v5;
	v15 =	vmul.f32 v15, v8;
	v5 =	vld.idx.msk [tilespmem:v13+s22+$0x0], $0xffff  }
0x265: {  	v12 =	vmul.f32 v12, v8;
	[tilespmem:s24+$0xFFFFFFD0] =	vst v10;
	v13 =	vunpack.i.l.bf16.f32 v11  }
0x266: {  	v10 =	vld [tilespmem:s6+$0xFFFFFF80];
	v11 =	vunpack.i.u.bf16.f32 v11;
	v13 =	vmul.f32 v13, v6;
	[tilespmem:s24+$0x40] =	vst v15  }
0x267: {  	v15 =	vld [tilespmem:s6+$0xFFFFFFC0];
	v11 =	vmul.f32 v11, v6;
	[tilespmem:s24+$0x50] =	vst v12;
	v17 =	vunpack.i.u.bf16.f32 v14  }
0x268: {  	v18 =	vunpack.i.l.bf16.f32 v16;
	v12 =	vld [tilespmem:s6+$0x0];
	[tilespmem:s24+$0xFFFFFF40] =	vst v13;
	v17 =	vmul.f32 v17, v9  }
0x269: {  	s11 =	simm.s32 $0x8;
	v13 =	vunpack.i.l.bf16.f32 v14;
	v14 =	vld [tilespmem:s5+$0xFFFFFFF0];
	[tilespmem:s24+$0xFFFFFF50] =	vst v11;
	v11 =	vunpack.i.u.bf16.f32 v16;
	v16 =	vmul.f32 v18, v5  }
0x26a: {  	v19 =	vmov s11;
	s7 =	simm.s32 $0x7F00;
	s9 =	simm.s32 $0x9;
	v3 =	vld.idx.msk [tilespmem:v3+s22+$0x0], $0xffff;
	v11 =	vmul.f32 v11, v5;
	[tilespmem:s24+$0xF0] =	vst v17  }
0x26b: {  	v22 =	vmov s9;
	v9 =	vmul.f32 v13, v9;
	v18 =	vld [tilespmem:s5+$0x30];
	v17 =	vunpack.i.u.bf16.f32 v10;
	[tilespmem:s7+$0x80] =	vst v16  }
0x26c: {  	v13 =	vand.u32 $0x7C, v19;
	v19 =	vld [tilespmem:s5+$0xFFFFFFB0];
	v20 =	vunpack.i.l.bf16.f32 v15;
	[tilespmem:s7+$0x90] =	vst v11;
	v17 =	vmul.f32 v17, v1  }
0x26d: {  	v10 =	vunpack.i.l.bf16.f32 v10;
	v15 =	vunpack.i.u.bf16.f32 v15;
	[tilespmem:s24+$0xE0] =	vst v9;
	v20 =	vmul.f32 v20, v4  }
0x26e: {  	v13 =	vor.u32 v2, v13;
	v9 =	vunpack.i.l.bf16.f32 v12;
	v11 =	vmul.f32 v15, v4;
	v15 =	vld [tilespmem:s6+$0x50];
	[tilespmem:s7+$0xFFFFFF10] =	vst v17  }
0x26f: {  	v16 =	vunpack.i.u.bf16.f32 v12;
	v10 =	vmul.f32 v10, v1;
	v9 =	vmul.f32 v9, v3;
	[tilespmem:s7+$0xFFFFFF80] =	vst v20  }
0x270: {  	s10 =	simm.s32 $0xA;
	v12 =	vunpack.i.u.bf16.f32 v14;
	v16 =	vmul.f32 v16, v3;
	v14 =	vunpack.i.l.bf16.f32 v14;
	[tilespmem:s7+$0xFFFFFF90] =	vst v11  }
0x271: {  	v17 =	vmov s10;
	v20 =	vunpack.i.u.bf16.f32 v18;
	v11 =	vunpack.i.u.bf16.f32 v19;
	v21 =	vld [tilespmem:s6+$0xFFFFFFD0];
	[tilespmem:s7+$0x0] =	vst v9  }
0x272: {  	v19 =	vunpack.i.l.bf16.f32 v19;
	v18 =	vunpack.i.l.bf16.f32 v18;
	v14 =	vmul.f32 v14, v7;
	[tilespmem:s7+$0x10] =	vst v16  }
0x273: {  	[tilespmem:s7+$0xFFFFFF00] =	vst v10;
	v12 =	vmul.f32 v12, v7;
	v9 =	vmul.f32 v18, v8;
	v16 =	vld [tilespmem:s6+$0x10];
	v10 =	vunpack.i.l.bf16.f32 v15  }
0x274: {  	v7 =	vmul.f32 v19, v6;
	[tilespmem:s24+$0xFFFFFFE0] =	vst v14;
	v15 =	vunpack.i.u.bf16.f32 v15;
	v10 =	vmul.f32 v10, v5  }
0x275: {  	v6 =	vmul.f32 v11, v6;
	v18 =	vld [tilespmem:s6+$0xFFFFFF90];
	v14 =	vand.u32 $0x7D, v22;
	[tilespmem:s24+$0xFFFFFFF0] =	vst v12;
	v11 =	vmul.f32 v15, v5  }
0x276: {  	v17 =	vand.u32 $0x7E, v17;
	v12 =	vor.u32 v2, v14;
	v15 =	vunpack.i.l.bf16.f32 v21;
	[tilespmem:s7+$0xA0] =	vst v10  }
0x277: {  	v19 =	vunpack.i.u.bf16.f32 v21;
	[tilespmem:s7+$0xB0] =	vst v11;
	v10 =	vbroadcast v13, $0x0;
	v15 =	vmul.f32 v15, v4  }
0x278: {  	v19 =	vmul.f32 v19, v4;
	v11 =	vunpack.i.l.bf16.f32 v16;
	v13 =	vld [tilespmem:s6+$0x60];
	v14 =	vunpack.i.u.bf16.f32 v16  }
0x279: {  	s11 =	simm.s32 $0xB;
	v16 =	vmul.f32 v14, v3;
	v14 =	vor.u32 v2, v17;
	[tilespmem:s7+$0xFFFFFFA0] =	vst v15;
	v15 =	vmul.f32 v11, v3  }
0x27a: {  	v17 =	vmov s11;
	v11 =	vbroadcast v12, $0x0;
	v12 =	vunpack.i.l.bf16.f32 v18;
	[tilespmem:s7+$0xFFFFFFB0] =	vst v19  }
0x27b: {  	v19 =	vmul.f32 v12, v1;
	v12 =	vbroadcast v14, $0x0;
	v14 =	vld [tilespmem:s6+$0xFFFFFFE0];
	[tilespmem:s7+$0x20] =	vst v15;
	v15 =	vunpack.i.u.bf16.f32 v18  }
0x27c: {  	v17 =	vand.u32 $0x7F, v17;
	[tilespmem:s7+$0x30] =	vst v16;
	v16 =	vmul.f32 v15, v1  }
0x27d: {  	s9 =	simm.s32 $0x5D80;
	s5 =	simm.s32 $0x7F00;
	s10 =	simm.s32 $0xC;
	v8 =	vmul.f32 v20, v8;
	v17 =	vor.u32 v2, v17;
	[tilespmem:s7+$0xFFFFFF20] =	vst v19;
	v15 =	vld [tilespmem:s6+$0x20];
	v18 =	vunpack.i.l.bf16.f32 v13  }
.LBB2_14:
0x27e: {  	p2 =	slt.u32 s10, $0x7C;
	v10 =	vld.idx.msk [tilespmem:v10+s22+$0x0], $0xffff;
	v17 =	vbroadcast v17, $0x0;
	[tilespmem:s7+$0xFFFFFF30] =	vst v16;
	v13 =	vunpack.i.u.bf16.f32 v13;
	v16 =	vmul.f32 v18, v5  }
0x27f: {  	v18 =	vld [tilespmem:s6+$0xFFFFFFA0];
	v13 =	vmul.f32 v13, v5;
	[tilespmem:s24+$0x60] =	vst v9  }
0x280: {  	v9 =	vld.idx.msk [tilespmem:v11+s22+$0x0], $0xffff;
	v11 =	vunpack.i.u.bf16.f32 v14;
	v14 =	vunpack.i.l.bf16.f32 v14;
	[tilespmem:s7+$0xC0] =	vst v16  }
0x281: {  	v12 =	vld.idx.msk [tilespmem:v12+s22+$0x0], $0xffff;
	v14 =	vmul.f32 v14, v4;
	v11 =	vmul.f32 v11, v4;
	[tilespmem:s7+$0xD0] =	vst v13  }
0x282: {  	s6 =	sadd.s32 $0x100, s6;
	v13 =	vunpack.i.u.bf16.f32 v15;
	v15 =	vunpack.i.l.bf16.f32 v15;
	v16 =	vld [tilespmem:s9+$0x70];
	[tilespmem:s24+$0x70] =	vst v8  }
0x283: {  	v8 =	vld [tilespmem:s6+$0x40];
	[tilespmem:s7+$0xFFFFFFC0] =	vst v14;
	v14 =	vmul.f32 v15, v3;
	v13 =	vmul.f32 v13, v3  }
0x284: {  	v15 =	vld.idx.msk [tilespmem:v17+s22+$0x0], $0xffff;
	v17 =	vunpack.i.u.bf16.f32 v18;
	v18 =	vunpack.i.l.bf16.f32 v18;
	[tilespmem:s7+$0xFFFFFFD0] =	vst v11  }
0x285: {  	v11 =	vld [tilespmem:s6+$0xFFFFFF80];
	v18 =	vmul.f32 v18, v1;
	v17 =	vmul.f32 v17, v1;
	[tilespmem:s7+$0x40] =	vst v14  }
0x286: {  	v14 =	vld [tilespmem:s6+$0xFFFFFFC0];
	[tilespmem:s7+$0x50] =	vst v13  }
0x287: {  	v13 =	vld [tilespmem:s6+$0x0];
	[tilespmem:s7+$0xFFFFFF40] =	vst v18;
	v18 =	vunpack.i.u.bf16.f32 v16;
	v16 =	vunpack.i.l.bf16.f32 v16  }
0x288: {  	v19 =	vmov s10;
	[tilespmem:s7+$0xFFFFFF50] =	vst v17;
	v17 =	vld [tilespmem:s9+$0xFFFFFFF0];
	v16 =	vmul.f32 v16, v5;
	v22 =	vmul.f32 v18, v5  }
0x289: {  	v18 =	vand.u32 $0x7C, v19;
	v19 =	vunpack.i.l.bf16.f32 v8;
	v20 =	vld [tilespmem:s9+$0x30];
	[tilespmem:s24+$0xFFFFFF60] =	vst v7  }
0x28a: {  	v8 =	vunpack.i.u.bf16.f32 v8;
	v19 =	vmul.f32 v19, v15;
	v5 =	vmovc v15;
	v7 =	vunpack.i.u.bf16.f32 v11;
	v21 =	vld [tilespmem:s9+$0xFFFFFFB0];
	[tilespmem:s7+$0xF0] =	vst v22;
	s9 =	smov.u32 s6  }
0x28b: {  	v11 =	vunpack.i.l.bf16.f32 v11;
	v8 =	vmul.f32 v8, v5;
	s7 =	sadd.s32 $0x200, s7;
	v15 =	vunpack.i.u.bf16.f32 v14;
	[tilespmem:s5+$0xE0] =	vst v16  }
0x28c: {  	v14 =	vunpack.i.l.bf16.f32 v14;
	v16 =	vunpack.i.u.bf16.f32 v13;
	v13 =	vunpack.i.l.bf16.f32 v13;
	[tilespmem:s7+$0x80] =	vst v19  }
0x28d: {  	v14 =	vmul.f32 v14, v9;
	v15 =	vmul.f32 v15, v9;
	[tilespmem:s7+$0x90] =	vst v8;
	v8 =	vunpack.i.u.bf16.f32 v17  }
0x28e: {  	v13 =	vmul.f32 v13, v12;
	v16 =	vmul.f32 v16, v12;
	v17 =	vunpack.i.l.bf16.f32 v17;
	v19 =	vld [tilespmem:s6+$0x50];
	[tilespmem:s24+$0xFFFFFF70] =	vst v6;
	s24 =	smov.u32 s5;
	s5 =	smov.u32 s7  }
0x28f: {  	v6 =	vmul.f32 v11, v10;
	v11 =	vmul.f32 v7, v10;
	v7 =	vunpack.i.u.bf16.f32 v20;
	[tilespmem:s7+$0xFFFFFF80] =	vst v14  }
0x290: {  	s11 =	sadd.s32 $0x1, s10;
	v20 =	vunpack.i.l.bf16.f32 v20;
	v14 =	vunpack.i.u.bf16.f32 v21;
	[tilespmem:s7+$0xFFFFFF90] =	vst v15;
	v15 =	vunpack.i.l.bf16.f32 v21  }
0x291: {  	v21 =	vmov s11;
	s11 =	sadd.s32 $0x2, s10;
	v22 =	vld [tilespmem:s6+$0xFFFFFFD0];
	[tilespmem:s7+$0x0] =	vst v13;
	v13 =	vmul.f32 v17, v4;
	v17 =	vmul.f32 v8, v4;
	v4 =	vmovc v9  }
0x292: {  	v23 =	vmov s11;
	v9 =	vmul.f32 v20, v3;
	v8 =	vmul.f32 v7, v3;
	v3 =	vmovc v12;
	[tilespmem:s7+$0x10] =	vst v16  }
0x293: {  	v7 =	vmul.f32 v15, v1;
	[tilespmem:s7+$0xFFFFFF00] =	vst v6;
	v12 =	vld [tilespmem:s6+$0x10];
	v16 =	vunpack.i.l.bf16.f32 v19;
	v6 =	vmul.f32 v14, v1;
	v1 =	vmovc v10  }
0x294: {  	v10 =	vor.u32 v2, v18;
	[tilespmem:s7+$0xFFFFFF10] =	vst v11;
	v11 =	vunpack.i.u.bf16.f32 v19;
	v14 =	vmul.f32 v16, v5  }
0x295: {  	v15 =	vand.u32 $0x7D, v21;
	v16 =	vand.u32 $0x7E, v23;
	v18 =	vld [tilespmem:s6+$0xFFFFFF90];
	v11 =	vmul.f32 v11, v5;
	[tilespmem:s24+$0xFFFFFFE0] =	vst v13  }
0x296: {  	v10 =	vbroadcast v10, $0x0;
	v13 =	vunpack.i.u.bf16.f32 v22;
	v19 =	vunpack.i.l.bf16.f32 v22;
	[tilespmem:s7+$0xA0] =	vst v14  }
0x297: {  	v14 =	vor.u32 v2, v15;
	v15 =	vmul.f32 v19, v4;
	v19 =	vmul.f32 v13, v4;
	[tilespmem:s7+$0xB0] =	vst v11  }
0x298: {  	v11 =	vbroadcast v14, $0x0;
	v14 =	vunpack.i.u.bf16.f32 v12;
	v12 =	vunpack.i.l.bf16.f32 v12;
	v13 =	vld [tilespmem:s6+$0x60];
	[tilespmem:s24+$0xFFFFFFF0] =	vst v17  }
.Ltmp8:
0x299: {  	v16 =	vor.u32 v2, v16;
	[tilespmem:s7+$0xFFFFFFA0] =	vst v15;
	v15 =	vmul.f32 v12, v3;
	v17 =	vmul.f32 v14, v3;
	(pc) =	sbr.rel @p2 .LBB2_14-.Ltmp8, $4  }
0x29a: {  	s11 =	sadd.s32 $0x3, s10;
	v12 =	vbroadcast v16, $0x0;
	v14 =	vunpack.i.u.bf16.f32 v18;
	v16 =	vunpack.i.l.bf16.f32 v18;
	[tilespmem:s7+$0xFFFFFFB0] =	vst v19  }
0x29b: {  	v18 =	vmov s11;
	v19 =	vmul.f32 v16, v1;
	v16 =	vmul.f32 v14, v1;
	v14 =	vld [tilespmem:s6+$0xFFFFFFE0];
	[tilespmem:s7+$0x20] =	vst v15  }
0x29c: {  	v15 =	vand.u32 $0x7F, v18;
	[tilespmem:s7+$0x30] =	vst v17  }
0x29d: {  	s10 =	sadd.s32 $0x4, s10;
	v17 =	vor.u32 v2, v15;
	[tilespmem:s7+$0xFFFFFF20] =	vst v19;
	v15 =	vld [tilespmem:s6+$0x20];
	v18 =	vunpack.i.l.bf16.f32 v13  }
0x29e: {  	[tilespmem:s7+$0xFFFFFF30] =	vst v16  }
0x29f: {  	[tilespmem:s24+$0x60] =	vst v9  }
0x2a0: {  	v2 =	vunpack.i.u.bf16.f32 v13;
	v43 =	vmul.f32 v18, v5;
	v44 =	vbroadcast v17, $0x0;
	[tilespmem:s24+$0x70] =	vst v8  }
0x2a1: {  	[tilespmem:s24+$0xFFFFFF60] =	vst v7;
	v45 =	vld [tilespmem:s6+$0xFFFFFFA0];
	v2 =	vmul.f32 v2, v5  }
0x2a2: {  	s10 =	sadd.s32 $0x100, s6;
	v7 =	vld.idx.msk [tilespmem:v12+s22+$0x0], $0xffff;
	v46 =	vunpack.i.l.bf16.f32 v14;
	[tilespmem:s7+$0xC0] =	vst v43  }
0x2a3: {  	v59 =	vld [tilespmem:s10+$0x0];
	v47 =	vunpack.i.u.bf16.f32 v14;
	v9 =	vmul.f32 v46, v4;
	[tilespmem:s7+$0xD0] =	vst v2  }
0x2a4: {  	[tilespmem:s24+$0xFFFFFF70] =	vst v6;
	v2 =	vmul.f32 v47, v4;
	v48 =	vunpack.i.l.bf16.f32 v15;
	v49 =	vld [tilespmem:s9+$0x70]  }
0x2a5: {  	v52 =	vld [tilespmem:s10+$0x40];
	v50 =	vunpack.i.u.bf16.f32 v15;
	[tilespmem:s7+$0xFFFFFFC0] =	vst v9;
	v51 =	vmul.f32 v48, v3  }
0x2a6: {  	v8 =	vmul.f32 v50, v3;
	[tilespmem:s7+$0xFFFFFFD0] =	vst v2;
	v53 =	vunpack.i.l.bf16.f32 v45;
	v16 =	vld.idx.msk [tilespmem:v44+s22+$0x0], $0xffff  }
0x2a7: {  	v55 =	vld [tilespmem:s10+$0xFFFFFFC0];
	v2 =	vunpack.i.u.bf16.f32 v45;
	v15 =	vmul.f32 v53, v1;
	[tilespmem:s7+$0x40] =	vst v51  }
0x2a8: {  	v20 =	vunpack.i.u.bf16.f32 v59;
	v54 =	vmul.f32 v2, v1;
	[tilespmem:s7+$0x50] =	vst v8;
	v2 =	vld.idx.msk [tilespmem:v11+s22+$0x0], $0xffff  }
0x2a9: {  	v6 =	vmul.f32 v20, v7;
	[tilespmem:s7+$0xFFFFFF40] =	vst v15;
	v56 =	vunpack.i.u.bf16.f32 v49  }
0x2aa: {  	s11 =	sadd.s32 $0x200, s7;
	v61 =	vunpack.i.l.bf16.f32 v52;
	[tilespmem:s7+$0xFFFFFF50] =	vst v54;
	v58 =	vmul.f32 v56, v5  }
0x2ab: {  	v63 =	vld [tilespmem:s10+$0xFFFFFF80];
	v62 =	vunpack.i.u.bf16.f32 v52;
	v57 =	vunpack.i.l.bf16.f32 v49;
	[tilespmem:s11+$0x10] =	vst v6;
	v11 =	vmul.f32 v61, v16  }
0x2ac: {  	v15 =	vunpack.i.l.bf16.f32 v55;
	v60 =	vmul.f32 v57, v5;
	v5 =	vld.idx.msk [tilespmem:v10+s22+$0x0], $0xffff;
	v12 =	vmul.f32 v62, v16;
	[tilespmem:s7+$0xF0] =	vst v58  }
0x2ad: {  	v17 =	vld [tilespmem:s9+$0xFFFFFFF0];
	v8 =	vunpack.i.u.bf16.f32 v55;
	v10 =	vmul.f32 v15, v2;
	[tilespmem:s11+$0x80] =	vst v11  }
0x2ae: {  	v8 =	vmul.f32 v8, v2;
	[tilespmem:s11+$0x90] =	vst v12  }
0x2af: {  	v18 =	vunpack.i.l.bf16.f32 v59;
	v19 =	vld [tilespmem:s10+$0x50];
	[tilespmem:s11+$0xFFFFFF80] =	vst v10  }
0x2b0: {  	v21 =	vunpack.i.l.bf16.f32 v63;
	v12 =	vmul.f32 v18, v7;
	[tilespmem:s11+$0xFFFFFF90] =	vst v8  }
0x2b1: {  	v22 =	vunpack.i.u.bf16.f32 v63;
	[tilespmem:s5+$0xE0] =	vst v60;
	v23 =	vmul.f32 v21, v5;
	v24 =	vld [tilespmem:s10+$0xFFFFFFD0]  }
0x2b2: {  	v25 =	vunpack.i.l.bf16.f32 v17;
	[tilespmem:s11+$0x0] =	vst v12;
	v8 =	vmul.f32 v22, v5  }
0x2b3: {  	v26 =	vmul.f32 v25, v4;
	v11 =	vunpack.i.u.bf16.f32 v17;
	v27 =	vld [tilespmem:s10+$0x10];
	[tilespmem:s11+$0xFFFFFF00] =	vst v23  }
0x2b4: {  	v31 =	vmul.f32 v11, v4;
	[tilespmem:s11+$0xFFFFFF10] =	vst v8;
	v28 =	vunpack.i.l.bf16.f32 v19  }
0x2b5: {  	[tilespmem:s5+$0xFFFFFFE0] =	vst v26;
	v30 =	vld [tilespmem:s10+$0xFFFFFF90];
	v29 =	vunpack.i.u.bf16.f32 v19;
	v12 =	vmul.f32 v28, v16  }
0x2b6: {  	[tilespmem:s5+$0xFFFFFFF0] =	vst v31;
	v8 =	vmul.f32 v29, v16;
	v32 =	vunpack.i.l.bf16.f32 v24  }
0x2b7: {  	v33 =	vld [tilespmem:s9+$0x30];
	v10 =	vunpack.i.u.bf16.f32 v24;
	v6 =	vmul.f32 v32, v2;
	[tilespmem:s11+$0xA0] =	vst v12  }
0x2b8: {  	v34 =	vmul.f32 v10, v2;
	v35 =	vunpack.i.l.bf16.f32 v27;
	[tilespmem:s11+$0xB0] =	vst v8  }
0x2b9: {  	v36 =	vunpack.i.u.bf16.f32 v27;
	v37 =	vmul.f32 v35, v7;
	v12 =	vld [tilespmem:s10+$0x60];
	[tilespmem:s11+$0xFFFFFFA0] =	vst v6  }
0x2ba: {  	v4 =	vmul.f32 v36, v7;
	v38 =	vunpack.i.l.bf16.f32 v30;
	[tilespmem:s11+$0xFFFFFFB0] =	vst v34  }
0x2bb: {  	v39 =	vunpack.i.u.bf16.f32 v30;
	v9 =	vmul.f32 v38, v5;
	v40 =	vld [tilespmem:s10+$0xFFFFFFE0];
	[tilespmem:s11+$0x20] =	vst v37  }
0x2bc: {  	v41 =	vunpack.i.l.bf16.f32 v33;
	v8 =	vmul.f32 v39, v5;
	[tilespmem:s11+$0x30] =	vst v4  }
0x2bd: {  	v42 =	vmul.f32 v41, v3;
	v11 =	vunpack.i.u.bf16.f32 v33;
	v43 =	vld [tilespmem:s10+$0x20];
	[tilespmem:s11+$0xFFFFFF20] =	vst v9  }
0x2be: {  	v3 =	vmul.f32 v11, v3;
	[tilespmem:s11+$0xFFFFFF30] =	vst v8;
	v44 =	vunpack.i.l.bf16.f32 v12  }
0x2bf: {  	[tilespmem:s5+$0x60] =	vst v42;
	v46 =	vld [tilespmem:s10+$0xFFFFFFA0];
	v45 =	vunpack.i.u.bf16.f32 v12;
	v9 =	vmul.f32 v44, v16  }
0x2c0: {  	[tilespmem:s5+$0x70] =	vst v3;
	v8 =	vmul.f32 v45, v16;
	v47 =	vunpack.i.l.bf16.f32 v40  }
0x2c1: {  	v48 =	vld [tilespmem:s9+$0xFFFFFFB0];
	v10 =	vunpack.i.u.bf16.f32 v40;
	v4 =	vmul.f32 v47, v2;
	[tilespmem:s11+$0xC0] =	vst v9  }
0x2c2: {  	v49 =	vmul.f32 v10, v2;
	v50 =	vunpack.i.l.bf16.f32 v43;
	[tilespmem:s11+$0xD0] =	vst v8  }
0x2c3: {  	v3 =	vunpack.i.u.bf16.f32 v43;
	v52 =	vmul.f32 v50, v7;
	v51 =	vld [tilespmem:s10+$0x70];
	[tilespmem:s11+$0xFFFFFFC0] =	vst v4  }
0x2c4: {  	v3 =	vmul.f32 v3, v7;
	v53 =	vunpack.i.l.bf16.f32 v46;
	[tilespmem:s11+$0xFFFFFFD0] =	vst v49  }
0x2c5: {  	v54 =	vunpack.i.u.bf16.f32 v46;
	v6 =	vmul.f32 v53, v5;
	[tilespmem:s11+$0x40] =	vst v52;
	v55 =	vld [tilespmem:s10+$0xFFFFFFF0]  }
0x2c6: {  	v56 =	vunpack.i.l.bf16.f32 v48;
	v8 =	vmul.f32 v54, v5;
	[tilespmem:s11+$0x50] =	vst v3  }
0x2c7: {  	v59 =	vunpack.i.u.bf16.f32 v48;
	v3 =	vmul.f32 v56, v1;
	v58 =	vld [tilespmem:s10+$0x30];
	[tilespmem:s11+$0xFFFFFF40] =	vst v6  }
0x2c8: {  	v1 =	vmul.f32 v59, v1;
	[tilespmem:s11+$0xFFFFFF50] =	vst v8;
	v57 =	vunpack.i.u.bf16.f32 v51  }
0x2c9: {  	[tilespmem:s5+$0xFFFFFF60] =	vst v3;
	v3 =	vld [tilespmem:s10+$0xFFFFFFB0];
	v11 =	vunpack.i.l.bf16.f32 v51;
	v6 =	vmul.f32 v57, v16  }
0x2ca: {  	[tilespmem:s5+$0xFFFFFF70] =	vst v1;
	v60 =	vmul.f32 v11, v16;
	v61 =	vunpack.i.l.bf16.f32 v55  }
0x2cb: {  	v4 =	vunpack.i.u.bf16.f32 v55;
	[tilespmem:s11+$0xF0] =	vst v6;
	v6 =	vmul.f32 v61, v2  }
0x2cc: {  	v1 =	vunpack.i.l.bf16.f32 v58;
	[tilespmem:s11+$0xE0] =	vst v60;
	v2 =	vmul.f32 v4, v2  }
0x2cd: {  	v62 =	vunpack.i.u.bf16.f32 v58;
	v1 =	vmul.f32 v1, v7;
	[tilespmem:s11+$0xFFFFFFE0] =	vst v6  }
0x2ce: {  	v4 =	vmul.f32 v62, v7;
	v63 =	vunpack.i.l.bf16.f32 v3;
	[tilespmem:s11+$0xFFFFFFF0] =	vst v2  }
0x2cf: {  	v2 =	vunpack.i.u.bf16.f32 v3;
	v3 =	vmul.f32 v63, v5;
	[tilespmem:s11+$0x60] =	vst v1  }
0x2d0: {  	[tilespmem:s11+$0x70] =	vst v4;
	v1 =	vmul.f32 v2, v5  }
0x2d1: {  	s24 =	sand.u32 $0x3FFFFF80, s21;
	[tilespmem:s11+$0xFFFFFF60] =	vst v3  }
.Ltmp9:
0x2d2: {  	s5 =	sadd.s32 $0x1400, s24;
	[tilespmem:s11+$0xFFFFFF70] =	vst v1;
	(pc) =	sbr.rel @p1 .LBB2_17-.Ltmp9, $4  }
0x2d3: {  	[spmem:s1] =	stream.indirect.scatter.add.f32 [tilespmem:s26], [sflag:$0x3], $0x80, s5, s23, $0xb8;
	[tilespmem:$0x1F480] =	vst v63  }
0x2d4: {  	_ =	swait.ge [sflag:s20], $0x4000  }
0x2d5: {  	[sflag:s20] =	ssyncset.done $0x0  }
0x2d6: {  	[sflag:s20] =	ssyncadd.s32 $0xFFFFC000  }
.Ltmp10:
0x2d7: {  	(pc) =	sbr.rel .LBB2_11-.Ltmp10, $3  }
0x2d8: {  	_ =	sdelay $0x1  }
0x2d9: {  	s2 =	sadd.s32 $0x180, s2;
	s0 =	sadd.s32 $0x1, s0  }
0x2da: {  	[tilespmem:s25], [sflag:$0x2] =	stream.indirect.gather [hbm4b:s4+s23], $0x40, s2, s23, $0xb8;
	[tilespmem:$0x1F480] =	vst v63  }
.LBB2_18:
0x2db: {  	_ =	sfence.sel $0x180000  }
0x2dc: {  	[bflag:$0x0] =	sbarrier.arrive $0xFFFF  }
0x2dd: {  	_ =	strace $0x90000047  }
0x2de: {  	s0 =	stileid.u32;
	[bflag:$0x2] =	sbarrier.arrive $0xFFFF  }
0x2df: {  	p0 =	sne.s32 s0, $0x0;
	s0 =	rddreg [dreg:$0x2]  }
0x2e0: {  	s0 =	sadd.s32 @!p0 $0x100000, s0  }
0x2e1: {  	[sflag:s0] =	ssyncadd.tile.s32 @!p0 $0x1;
	_ =	shalt  }
.Lfunc_end2:
_tile_overlayer_lowered:
.L_overlay_start_2:
0x2e2: {  	(tag) =	ssettag $0x2  }
0x2e3: {  	s0 =	rddreg [dreg:$0x0];
	s2 =	stileid.u32  }
0x2e4: {  	s1 =	rddreg [dreg:$0x1];
	p0 =	sne.s32 s2, $0x0  }
0x2e5: {  	s3 =	rddreg [dreg:$0x2];
	[bflag:$0x3] =	sbarrier.arrive $0xFFFF;
	s2 =	simm.s32 @!p0 $0x1C03  }
0x2e6: {  	[timem:s3], [sflag:s2] =	dma.local @!p0 [hbm:s0], s1  }
0x2e7: {  	s0 =	simm.s32 @!p0 $0x3  }
0x2e8: {  	_ =	swait.ge @!p0 [sflag:s0], s1  }
0x2e9: {  	s1 =	ssub.s32 @!p0 $0x0, s1;
	[sflag:s0] =	ssyncset.done @!p0 $0x0  }
0x2ea: {  	[sflag:s0] =	ssyncadd.s32 @!p0 s1  }
0x2eb: {  	[bflag:$0x3] =	sbarrier.arrive $0xFFFF  }
0x2ec: {  	_ =	shalt  }

</sc_bundles>
